<compile_context>
chip_gen: v7x
topology: tpu7x:2x2x1
jax: 0.10.2.dev20260603
libtpu: 0.0.44.dev20260713+nightly
codegen_flags: <defaults>
</compile_context>

<pallas_src>
import functools

import jax
import jax.numpy as jnp
import numpy as np
from jax import lax
from jax.experimental import pallas as pl
from jax.experimental.pallas import tpu as pltpu
from jax.experimental.pallas import tpu_sc as plsc

BATCH = 16384
D_NUM = 13
N_CAT = 26
VOCAB = 100000
D_MODEL = 16
N_TOK = D_NUM + N_CAT

CHUNK_B = 64
CHUNK_IDX = CHUNK_B * N_CAT
IDX_ROWS = CHUNK_IDX // 128
CHUNK_OUT = CHUNK_B * N_TOK * D_MODEL


def _pe_const():
    pos = np.arange(N_TOK, dtype=np.float32)[:, None]
    i2 = np.arange(0, D_MODEL, 2, dtype=np.float32)
    pe = np.zeros((N_TOK, D_MODEL), dtype=np.float32)
    pe[:, ::2] = np.sin(pos / 10000.0 ** (i2 / D_MODEL))
    pe[:, 1::2] = np.cos(pos / 10000.0 ** (i2 / D_MODEL))
    return pe


def kernel(x_num, x_cat, weight, bias, emb_table):
    info = plsc.get_sparse_core_info()
    nc, ns = info.num_cores, info.num_subcores
    nw = nc * ns
    b_per_w = BATCH // nw
    n_chunks = b_per_w // CHUNK_B
    idx_rows_w = b_per_w * N_CAT // 128

    xcat2d = x_cat.astype(jnp.int32).reshape(BATCH * N_CAT // 128, 128)
    xnum_flat = jnp.pad(x_num, ((0, 0), (0, 16 - D_NUM))).reshape(-1)
    pe = jnp.asarray(_pe_const())
    off2d = jnp.asarray(
        (np.arange(CHUNK_IDX, dtype=np.int32) % N_CAT) * VOCAB
    ).reshape(IDX_ROWS, 128)

    mesh = plsc.VectorSubcoreMesh(core_axis_name="c", subcore_axis_name="s")

    @functools.partial(
        pl.kernel,
        out_type=jax.ShapeDtypeStruct((BATCH * N_TOK * D_MODEL,),
                                      jnp.float32),
        mesh=mesh,
        scratch_types=[
            pltpu.VMEM((104, 128), jnp.int32),
            pltpu.VMEM((IDX_ROWS, 128), jnp.int32),
            pltpu.VMEM((CHUNK_IDX, D_MODEL), jnp.float32),
            pltpu.VMEM((CHUNK_OUT,), jnp.float32),
            pltpu.VMEM((CHUNK_B * 16,), jnp.float32),
            pltpu.VMEM((D_NUM, D_MODEL), jnp.float32),
            pltpu.VMEM((N_TOK, D_MODEL), jnp.float32),
            pltpu.VMEM((N_TOK, D_MODEL), jnp.float32),
            pltpu.SemaphoreType.DMA,
        ],
        compiler_params=pltpu.CompilerParams(use_tc_tiling_on_sc=False),
    )
    def sc_embed(xcat_hbm, xnum_hbm, w_hbm, bias_hbm, pe_hbm, off_hbm,
                 table_hbm, out_hbm,
                 idx_v, off_v, rows_v, out_v, xnum_v, w_v, av_v, pe_v, sem):
        wid = lax.axis_index("s") * nc + lax.axis_index("c")

        pltpu.sync_copy(w_hbm, w_v)
        pltpu.sync_copy(bias_hbm, av_v)
        pltpu.sync_copy(pe_hbm, pe_v)
        pltpu.sync_copy(off_hbm, off_v)
        for i in range(N_TOK):
            av_v[i, :] = av_v[i, :] + pe_v[i, :]

        pltpu.sync_copy(xcat_hbm.at[pl.ds(wid * idx_rows_w, idx_rows_w)], idx_v)

        def off_body(g, carry):
            for r in range(IDX_ROWS):
                for k in range(128 // 16):
                    sl = pl.ds(k * 16, 16)
                    idx_v[g * IDX_ROWS + r, sl] = (
                        idx_v[g * IDX_ROWS + r, sl] + off_v[r, sl]
                    )
            return carry

        lax.fori_loop(0, n_chunks, off_body, 0)

        def chunk_body(t, carry):
            b0 = wid * b_per_w + t * CHUNK_B

            pltpu.sync_copy(xnum_hbm.at[pl.ds(b0 * 16, CHUNK_B * 16)], xnum_v)

            cps = []
            for r in range(IDX_ROWS):
                cps.append(
                    pltpu.async_copy(
                        table_hbm.at[idx_v.at[t * IDX_ROWS + r]],
                        rows_v.at[pl.ds(r * 128, 128)],
                        sem,
                    )
                )
            for cp in cps:
                cp.wait()

            def b_body(b, c2):
                xv = xnum_v[pl.ds(b * 16, 16)]
                q = b * N_TOK
                for j in range(D_NUM):
                    out_v[pl.ds((q + j) * D_MODEL, D_MODEL)] = (
                        xv[j] * w_v[j, :] + av_v[j, :]
                    )
                for c in range(N_CAT):
                    out_v[pl.ds((q + D_NUM + c) * D_MODEL, D_MODEL)] = (
                        rows_v[b * N_CAT + c, :] + av_v[D_NUM + c, :]
                    )
                return c2

            lax.fori_loop(0, CHUNK_B, b_body, 0)

            pltpu.sync_copy(
                out_v, out_hbm.at[pl.ds((wid * n_chunks + t) * CHUNK_OUT,
                                        CHUNK_OUT)]
            )
            return carry

        lax.fori_loop(0, n_chunks, chunk_body, 0)

    flat = sc_embed(xcat2d, xnum_flat, weight, bias, pe, off2d, emb_table)
    return flat.reshape(BATCH, N_TOK, D_MODEL)

# --- scband reference (transcript-rebuilt; emitter-appended) ---
"""Pipeline reference for scband-input-embedding-57836029608433 (READ-ONLY COPY).

The authoritative reference and input builder live on the scoring server;
editing this copy changes nothing except your own understanding.
"""

import jax, jax.numpy as jnp
import numpy as np

BATCH = 16384
D_NUM = 13
N_CAT = 26
VOCAB = 100000
D_MODEL = 16
MAX_LEN = 5000


def _make_pe(max_len, d_model):
    pos = np.arange(max_len, dtype=np.float32)[:, None]
    i2 = np.arange(0, d_model, 2, dtype=np.float32)
    pe = np.zeros((max_len, d_model), dtype=np.float32)
    pe[:, ::2] = np.sin(pos / 10000.0 ** (i2 / d_model))
    pe[:, 1::2] = np.cos(pos / 10000.0 ** (i2 / d_model))
    return jnp.asarray(pe)


def setup_inputs(seed: int = 0) -> dict:
    key = jax.random.key(seed)
    k1, k2, k3, k4, k5 = jax.random.split(key, 5)
    x_num = jax.random.normal(k1, (BATCH, D_NUM), dtype=jnp.float32)
    x_cat = jax.random.randint(k2, (BATCH, N_CAT), 0, VOCAB)
    bound = 1.0 / np.sqrt(D_MODEL)
    weight = jax.random.uniform(k3, (D_NUM, D_MODEL), minval=-bound, maxval=bound, dtype=jnp.float32)
    bias = jax.random.uniform(k4, (D_NUM + N_CAT, D_MODEL), minval=-bound, maxval=bound, dtype=jnp.float32)
    emb_table = jax.random.uniform(k5, (N_CAT * VOCAB, D_MODEL), minval=-bound, maxval=bound, dtype=jnp.float32)
    return {"x_num": x_num, "x_cat": x_cat, "weight": weight, "bias": bias, "emb_table": emb_table}


def reference(x_num, x_cat, weight, bias, emb_table):
    # Tokenizer
    category_offsets = jnp.cumsum(jnp.array([0] + [VOCAB] * (N_CAT - 1), dtype=jnp.int32))
    x = weight[None] * x_num[:, :, None]  # [B, D_NUM, D_MODEL]
    cat_emb = jnp.take(emb_table, x_cat + category_offsets[None], axis=0)  # [B, N_CAT, D_MODEL]
    x = jnp.concatenate([x, cat_emb], axis=1)  # [B, D_NUM+N_CAT, D_MODEL]
    x = x + bias[None]
    # PositionalEmbedding
    pe = _make_pe(MAX_LEN, D_MODEL)[: x.shape[1]]
    # dropout p=0.0 -> identity
    return x + pe[None]

if __name__ == "__main__":
    import jax
    _d = setup_inputs()
    print(jax.jit(kernel)(*tuple(_d.values())))

</pallas_src>

<mosaic_0001>
#map = affine_map<(d0, d1) -> (0, 0)>
#map1 = affine_map<(d0, d1) -> (0)>
module attributes {stable_mosaic.version = 14 : i64} {
  func.func @sc_embed(%arg0: i32, %arg1: i32, %arg2: memref<3328x128xi32, #tpu.memory_space<hbm>>, %arg3: memref<262144xf32, #tpu.memory_space<hbm>>, %arg4: memref<13x16xf32, #tpu.memory_space<hbm>>, %arg5: memref<39x16xf32, #tpu.memory_space<hbm>>, %arg6: memref<39x16xf32, #tpu.memory_space<hbm>>, %arg7: memref<13x128xi32, #tpu.memory_space<hbm>>, %arg8: memref<2600000x16xf32, #tpu.memory_space<hbm>>, %arg9: memref<10223616xf32, #tpu.memory_space<hbm>>, %arg10: memref<104x128xi32, #tpu.memory_space<vmem>>, %arg11: memref<13x128xi32, #tpu.memory_space<vmem>>, %arg12: memref<1664x16xf32, #tpu.memory_space<vmem>>, %arg13: memref<39936xf32, #tpu.memory_space<vmem>>, %arg14: memref<1024xf32, #tpu.memory_space<vmem>>, %arg15: memref<13x16xf32, #tpu.memory_space<vmem>>, %arg16: memref<39x16xf32, #tpu.memory_space<vmem>>, %arg17: memref<39x16xf32, #tpu.memory_space<vmem>>, %arg18: memref<!tpu.dma_semaphore, #tpu.memory_space<semaphore_mem>>) attributes {dimension_semantics = [#tpu.dimension_semantics<core_parallel>, #tpu.dimension_semantics<subcore_parallel>], iteration_bounds = array<i64: 2, 16>, scalar_prefetch = 0 : i64, scratch_operands = 9 : i64, tpu.core_type = #tpu.core_type<sc_vector_subcore>, window_params = [{transform_indices = #map}, {transform_indices = #map1}, {transform_indices = #map}, {transform_indices = #map}, {transform_indices = #map}, {transform_indices = #map}, {transform_indices = #map}, {transform_indices = #map1}]} {
    %mul3A = arith.constant 2 : i32
    %mul3A_0 = arith.muli %arg1, %mul3A : i32
    %add3A = arith.addi %mul3A_0, %arg0 : i32
    "tpu.region"() ({
      %run_scoped3A = tpu.sem_alloc : memref<!tpu.dma_semaphore, #tpu.memory_space<semaphore_mem>>
      tpu.enqueue_dma source(%arg4 : memref<13x16xf32, #tpu.memory_space<hbm>>) target(%arg15 : memref<13x16xf32, #tpu.memory_space<vmem>>) target_semaphore(%run_scoped3A : memref<!tpu.dma_semaphore, #tpu.memory_space<semaphore_mem>>)
      tpu.wait_dma2 semaphore(%run_scoped3A : memref<!tpu.dma_semaphore, #tpu.memory_space<semaphore_mem>>) src(%arg4 : memref<13x16xf32, #tpu.memory_space<hbm>>) dst(%arg15 : memref<13x16xf32, #tpu.memory_space<vmem>>)
      tpu.yield
    }) : () -> ()
    "tpu.region"() ({
      %run_scoped3A = tpu.sem_alloc : memref<!tpu.dma_semaphore, #tpu.memory_space<semaphore_mem>>
      tpu.enqueue_dma source(%arg5 : memref<39x16xf32, #tpu.memory_space<hbm>>) target(%arg16 : memref<39x16xf32, #tpu.memory_space<vmem>>) target_semaphore(%run_scoped3A : memref<!tpu.dma_semaphore, #tpu.memory_space<semaphore_mem>>)
      tpu.wait_dma2 semaphore(%run_scoped3A : memref<!tpu.dma_semaphore, #tpu.memory_space<semaphore_mem>>) src(%arg5 : memref<39x16xf32, #tpu.memory_space<hbm>>) dst(%arg16 : memref<39x16xf32, #tpu.memory_space<vmem>>)
      tpu.yield
    }) : () -> ()
    "tpu.region"() ({
      %run_scoped3A = tpu.sem_alloc : memref<!tpu.dma_semaphore, #tpu.memory_space<semaphore_mem>>
      tpu.enqueue_dma source(%arg6 : memref<39x16xf32, #tpu.memory_space<hbm>>) target(%arg17 : memref<39x16xf32, #tpu.memory_space<vmem>>) target_semaphore(%run_scoped3A : memref<!tpu.dma_semaphore, #tpu.memory_space<semaphore_mem>>)
      tpu.wait_dma2 semaphore(%run_scoped3A : memref<!tpu.dma_semaphore, #tpu.memory_space<semaphore_mem>>) src(%arg6 : memref<39x16xf32, #tpu.memory_space<hbm>>) dst(%arg17 : memref<39x16xf32, #tpu.memory_space<vmem>>)
      tpu.yield
    }) : () -> ()
    "tpu.region"() ({
      %run_scoped3A = tpu.sem_alloc : memref<!tpu.dma_semaphore, #tpu.memory_space<semaphore_mem>>
      tpu.enqueue_dma source(%arg7 : memref<13x128xi32, #tpu.memory_space<hbm>>) target(%arg11 : memref<13x128xi32, #tpu.memory_space<vmem>>) target_semaphore(%run_scoped3A : memref<!tpu.dma_semaphore, #tpu.memory_space<semaphore_mem>>)
      tpu.wait_dma2 semaphore(%run_scoped3A : memref<!tpu.dma_semaphore, #tpu.memory_space<semaphore_mem>>) src(%arg7 : memref<13x128xi32, #tpu.memory_space<hbm>>) dst(%arg11 : memref<13x128xi32, #tpu.memory_space<vmem>>)
      tpu.yield
    }) : () -> ()
    %get3A = arith.constant 0 : i32
    %get3A_1 = arith.index_cast %get3A : i32 to index
    %get3A_2 = arith.constant 0 : index
    %get3A_3 = tpu.vector_load %arg16[%get3A_1, %get3A_2] {strides = array<i32>} : memref<39x16xf32, #tpu.memory_space<vmem>>, vector<1x16xf32>,
    %get3A_4 = vector.shape_cast %get3A_3 : vector<1x16xf32> to vector<16xf32>
    %get3A_5 = arith.constant 0 : i32
    %get3A_6 = arith.index_cast %get3A_5 : i32 to index
    %get3A_7 = arith.constant 0 : index
    %get3A_8 = tpu.vector_load %arg17[%get3A_6, %get3A_7] {strides = array<i32>} : memref<39x16xf32, #tpu.memory_space<vmem>>, vector<1x16xf32>,
    %get3A_9 = vector.shape_cast %get3A_8 : vector<1x16xf32> to vector<16xf32>
    %add3A_10 = arith.addf %get3A_4, %get3A_9 : vector<16xf32>
    %swap3A = arith.constant 0 : i32
    %swap3A_11 = arith.index_cast %swap3A : i32 to index
    %swap3A_12 = arith.constant 0 : index
    %swap3A_13 = tpu.vector_load %arg16[%swap3A_11, %swap3A_12] {strides = array<i32>} : memref<39x16xf32, #tpu.memory_space<vmem>>, vector<1x16xf32>,
    %swap3A_14 = vector.shape_cast %swap3A_13 : vector<1x16xf32> to vector<16xf32>
    %swap3A_15 = vector.shape_cast %add3A_10 : vector<16xf32> to vector<1x16xf32>
    tpu.vector_store %arg16[%swap3A_11, %swap3A_12], %swap3A_15 {strides = array<i32>} : memref<39x16xf32, #tpu.memory_space<vmem>>, vector<1x16xf32>,
    %get3A_16 = arith.constant 1 : i32
    %get3A_17 = arith.index_cast %get3A_16 : i32 to index
    %get3A_18 = arith.constant 0 : index
    %get3A_19 = tpu.vector_load %arg16[%get3A_17, %get3A_18] {strides = array<i32>} : memref<39x16xf32, #tpu.memory_space<vmem>>, vector<1x16xf32>,
    %get3A_20 = vector.shape_cast %get3A_19 : vector<1x16xf32> to vector<16xf32>
    %get3A_21 = arith.constant 1 : i32
    %get3A_22 = arith.index_cast %get3A_21 : i32 to index
    %get3A_23 = arith.constant 0 : index
    %get3A_24 = tpu.vector_load %arg17[%get3A_22, %get3A_23] {strides = array<i32>} : memref<39x16xf32, #tpu.memory_space<vmem>>, vector<1x16xf32>,
    %get3A_25 = vector.shape_cast %get3A_24 : vector<1x16xf32> to vector<16xf32>
    %add3A_26 = arith.addf %get3A_20, %get3A_25 : vector<16xf32>
    %swap3A_27 = arith.constant 1 : i32
    %swap3A_28 = arith.index_cast %swap3A_27 : i32 to index
    %swap3A_29 = arith.constant 0 : index
    %swap3A_30 = tpu.vector_load %arg16[%swap3A_28, %swap3A_29] {strides = array<i32>} : memref<39x16xf32, #tpu.memory_space<vmem>>, vector<1x16xf32>,
    %swap3A_31 = vector.shape_cast %swap3A_30 : vector<1x16xf32> to vector<16xf32>
    %swap3A_32 = vector.shape_cast %add3A_26 : vector<16xf32> to vector<1x16xf32>
    tpu.vector_store %arg16[%swap3A_28, %swap3A_29], %swap3A_32 {strides = array<i32>} : memref<39x16xf32, #tpu.memory_space<vmem>>, vector<1x16xf32>,
    %get3A_33 = arith.constant 2 : i32
    %get3A_34 = arith.index_cast %get3A_33 : i32 to index
    %get3A_35 = arith.constant 0 : index
    %get3A_36 = tpu.vector_load %arg16[%get3A_34, %get3A_35] {strides = array<i32>} : memref<39x16xf32, #tpu.memory_space<vmem>>, vector<1x16xf32>,
    %get3A_37 = vector.shape_cast %get3A_36 : vector<1x16xf32> to vector<16xf32>
    %get3A_38 = arith.constant 2 : i32
    %get3A_39 = arith.index_cast %get3A_38 : i32 to index
    %get3A_40 = arith.constant 0 : index
    %get3A_41 = tpu.vector_load %arg17[%get3A_39, %get3A_40] {strides = array<i32>} : memref<39x16xf32, #tpu.memory_space<vmem>>, vector<1x16xf32>,
    %get3A_42 = vector.shape_cast %get3A_41 : vector<1x16xf32> to vector<16xf32>
    %add3A_43 = arith.addf %get3A_37, %get3A_42 : vector<16xf32>
    %swap3A_44 = arith.constant 2 : i32
    %swap3A_45 = arith.index_cast %swap3A_44 : i32 to index
    %swap3A_46 = arith.constant 0 : index
    %swap3A_47 = tpu.vector_load %arg16[%swap3A_45, %swap3A_46] {strides = array<i32>} : memref<39x16xf32, #tpu.memory_space<vmem>>, vector<1x16xf32>,
    %swap3A_48 = vector.shape_cast %swap3A_47 : vector<1x16xf32> to vector<16xf32>
    %swap3A_49 = vector.shape_cast %add3A_43 : vector<16xf32> to vector<1x16xf32>
    tpu.vector_store %arg16[%swap3A_45, %swap3A_46], %swap3A_49 {strides = array<i32>} : memref<39x16xf32, #tpu.memory_space<vmem>>, vector<1x16xf32>,
    %get3A_50 = arith.constant 3 : i32
    %get3A_51 = arith.index_cast %get3A_50 : i32 to index
    %get3A_52 = arith.constant 0 : index
    %get3A_53 = tpu.vector_load %arg16[%get3A_51, %get3A_52] {strides = array<i32>} : memref<39x16xf32, #tpu.memory_space<vmem>>, vector<1x16xf32>,
    %get3A_54 = vector.shape_cast %get3A_53 : vector<1x16xf32> to vector<16xf32>
    %get3A_55 = arith.constant 3 : i32
    %get3A_56 = arith.index_cast %get3A_55 : i32 to index
    %get3A_57 = arith.constant 0 : index
    %get3A_58 = tpu.vector_load %arg17[%get3A_56, %get3A_57] {strides = array<i32>} : memref<39x16xf32, #tpu.memory_space<vmem>>, vector<1x16xf32>,
    %get3A_59 = vector.shape_cast %get3A_58 : vector<1x16xf32> to vector<16xf32>
    %add3A_60 = arith.addf %get3A_54, %get3A_59 : vector<16xf32>
    %swap3A_61 = arith.constant 3 : i32
    %swap3A_62 = arith.index_cast %swap3A_61 : i32 to index
    %swap3A_63 = arith.constant 0 : index
    %swap3A_64 = tpu.vector_load %arg16[%swap3A_62, %swap3A_63] {strides = array<i32>} : memref<39x16xf32, #tpu.memory_space<vmem>>, vector<1x16xf32>,
    %swap3A_65 = vector.shape_cast %swap3A_64 : vector<1x16xf32> to vector<16xf32>
    %swap3A_66 = vector.shape_cast %add3A_60 : vector<16xf32> to vector<1x16xf32>
    tpu.vector_store %arg16[%swap3A_62, %swap3A_63], %swap3A_66 {strides = array<i32>} : memref<39x16xf32, #tpu.memory_space<vmem>>, vector<1x16xf32>,
    %get3A_67 = arith.constant 4 : i32
    %get3A_68 = arith.index_cast %get3A_67 : i32 to index
    %get3A_69 = arith.constant 0 : index
    %get3A_70 = tpu.vector_load %arg16[%get3A_68, %get3A_69] {strides = array<i32>} : memref<39x16xf32, #tpu.memory_space<vmem>>, vector<1x16xf32>,
    %get3A_71 = vector.shape_cast %get3A_70 : vector<1x16xf32> to vector<16xf32>
    %get3A_72 = arith.constant 4 : i32
    %get3A_73 = arith.index_cast %get3A_72 : i32 to index
    %get3A_74 = arith.constant 0 : index
    %get3A_75 = tpu.vector_load %arg17[%get3A_73, %get3A_74] {strides = array<i32>} : memref<39x16xf32, #tpu.memory_space<vmem>>, vector<1x16xf32>,
    %get3A_76 = vector.shape_cast %get3A_75 : vector<1x16xf32> to vector<16xf32>
    %add3A_77 = arith.addf %get3A_71, %get3A_76 : vector<16xf32>
    %swap3A_78 = arith.constant 4 : i32
    %swap3A_79 = arith.index_cast %swap3A_78 : i32 to index
    %swap3A_80 = arith.constant 0 : index
    %swap3A_81 = tpu.vector_load %arg16[%swap3A_79, %swap3A_80] {strides = array<i32>} : memref<39x16xf32, #tpu.memory_space<vmem>>, vector<1x16xf32>,
    %swap3A_82 = vector.shape_cast %swap3A_81 : vector<1x16xf32> to vector<16xf32>
    %swap3A_83 = vector.shape_cast %add3A_77 : vector<16xf32> to vector<1x16xf32>
    tpu.vector_store %arg16[%swap3A_79, %swap3A_80], %swap3A_83 {strides = array<i32>} : memref<39x16xf32, #tpu.memory_space<vmem>>, vector<1x16xf32>,
    %get3A_84 = arith.constant 5 : i32
    %get3A_85 = arith.index_cast %get3A_84 : i32 to index
    %get3A_86 = arith.constant 0 : index
    %get3A_87 = tpu.vector_load %arg16[%get3A_85, %get3A_86] {strides = array<i32>} : memref<39x16xf32, #tpu.memory_space<vmem>>, vector<1x16xf32>,
    %get3A_88 = vector.shape_cast %get3A_87 : vector<1x16xf32> to vector<16xf32>
    %get3A_89 = arith.constant 5 : i32
    %get3A_90 = arith.index_cast %get3A_89 : i32 to index
    %get3A_91 = arith.constant 0 : index
    %get3A_92 = tpu.vector_load %arg17[%get3A_90, %get3A_91] {strides = array<i32>} : memref<39x16xf32, #tpu.memory_space<vmem>>, vector<1x16xf32>,
    %get3A_93 = vector.shape_cast %get3A_92 : vector<1x16xf32> to vector<16xf32>
    %add3A_94 = arith.addf %get3A_88, %get3A_93 : vector<16xf32>
    %swap3A_95 = arith.constant 5 : i32
    %swap3A_96 = arith.index_cast %swap3A_95 : i32 to index
    %swap3A_97 = arith.constant 0 : index
    %swap3A_98 = tpu.vector_load %arg16[%swap3A_96, %swap3A_97] {strides = array<i32>} : memref<39x16xf32, #tpu.memory_space<vmem>>, vector<1x16xf32>,
    %swap3A_99 = vector.shape_cast %swap3A_98 : vector<1x16xf32> to vector<16xf32>
    %swap3A_100 = vector.shape_cast %add3A_94 : vector<16xf32> to vector<1x16xf32>
    tpu.vector_store %arg16[%swap3A_96, %swap3A_97], %swap3A_100 {strides = array<i32>} : memref<39x16xf32, #tpu.memory_space<vmem>>, vector<1x16xf32>,
    %get3A_101 = arith.constant 6 : i32
    %get3A_102 = arith.index_cast %get3A_101 : i32 to index
    %get3A_103 = arith.constant 0 : index
    %get3A_104 = tpu.vector_load %arg16[%get3A_102, %get3A_103] {strides = array<i32>} : memref<39x16xf32, #tpu.memory_space<vmem>>, vector<1x16xf32>,
    %get3A_105 = vector.shape_cast %get3A_104 : vector<1x16xf32> to vector<16xf32>
    %get3A_106 = arith.constant 6 : i32
    %get3A_107 = arith.index_cast %get3A_106 : i32 to index
    %get3A_108 = arith.constant 0 : index
    %get3A_109 = tpu.vector_load %arg17[%get3A_107, %get3A_108] {strides = array<i32>} : memref<39x16xf32, #tpu.memory_space<vmem>>, vector<1x16xf32>,
    %get3A_110 = vector.shape_cast %get3A_109 : vector<1x16xf32> to vector<16xf32>
    %add3A_111 = arith.addf %get3A_105, %get3A_110 : vector<16xf32>
    %swap3A_112 = arith.constant 6 : i32
    %swap3A_113 = arith.index_cast %swap3A_112 : i32 to index
    %swap3A_114 = arith.constant 0 : index
    %swap3A_115 = tpu.vector_load %arg16[%swap3A_113, %swap3A_114] {strides = array<i32>} : memref<39x16xf32, #tpu.memory_space<vmem>>, vector<1x16xf32>,
    %swap3A_116 = vector.shape_cast %swap3A_115 : vector<1x16xf32> to vector<16xf32>
    %swap3A_117 = vector.shape_cast %add3A_111 : vector<16xf32> to vector<1x16xf32>
    tpu.vector_store %arg16[%swap3A_113, %swap3A_114], %swap3A_117 {strides = array<i32>} : memref<39x16xf32, #tpu.memory_space<vmem>>, vector<1x16xf32>,
    %get3A_118 = arith.constant 7 : i32
    %get3A_119 = arith.index_cast %get3A_118 : i32 to index
    %get3A_120 = arith.constant 0 : index
    %get3A_121 = tpu.vector_load %arg16[%get3A_119, %get3A_120] {strides = array<i32>} : memref<39x16xf32, #tpu.memory_space<vmem>>, vector<1x16xf32>,
    %get3A_122 = vector.shape_cast %get3A_121 : vector<1x16xf32> to vector<16xf32>
    %get3A_123 = arith.constant 7 : i32
    %get3A_124 = arith.index_cast %get3A_123 : i32 to index
    %get3A_125 = arith.constant 0 : index
    %get3A_126 = tpu.vector_load %arg17[%get3A_124, %get3A_125] {strides = array<i32>} : memref<39x16xf32, #tpu.memory_space<vmem>>, vector<1x16xf32>,
    %get3A_127 = vector.shape_cast %get3A_126 : vector<1x16xf32> to vector<16xf32>
    %add3A_128 = arith.addf %get3A_122, %get3A_127 : vector<16xf32>
    %swap3A_129 = arith.constant 7 : i32
    %swap3A_130 = arith.index_cast %swap3A_129 : i32 to index
    %swap3A_131 = arith.constant 0 : index
    %swap3A_132 = tpu.vector_load %arg16[%swap3A_130, %swap3A_131] {strides = array<i32>} : memref<39x16xf32, #tpu.memory_space<vmem>>, vector<1x16xf32>,
    %swap3A_133 = vector.shape_cast %swap3A_132 : vector<1x16xf32> to vector<16xf32>
    %swap3A_134 = vector.shape_cast %add3A_128 : vector<16xf32> to vector<1x16xf32>
    tpu.vector_store %arg16[%swap3A_130, %swap3A_131], %swap3A_134 {strides = array<i32>} : memref<39x16xf32, #tpu.memory_space<vmem>>, vector<1x16xf32>,
    %get3A_135 = arith.constant 8 : i32
    %get3A_136 = arith.index_cast %get3A_135 : i32 to index
    %get3A_137 = arith.constant 0 : index
    %get3A_138 = tpu.vector_load %arg16[%get3A_136, %get3A_137] {strides = array<i32>} : memref<39x16xf32, #tpu.memory_space<vmem>>, vector<1x16xf32>,
    %get3A_139 = vector.shape_cast %get3A_138 : vector<1x16xf32> to vector<16xf32>
    %get3A_140 = arith.constant 8 : i32
    %get3A_141 = arith.index_cast %get3A_140 : i32 to index
    %get3A_142 = arith.constant 0 : index
    %get3A_143 = tpu.vector_load %arg17[%get3A_141, %get3A_142] {strides = array<i32>} : memref<39x16xf32, #tpu.memory_space<vmem>>, vector<1x16xf32>,
    %get3A_144 = vector.shape_cast %get3A_143 : vector<1x16xf32> to vector<16xf32>
    %add3A_145 = arith.addf %get3A_139, %get3A_144 : vector<16xf32>
    %swap3A_146 = arith.constant 8 : i32
    %swap3A_147 = arith.index_cast %swap3A_146 : i32 to index
    %swap3A_148 = arith.constant 0 : index
    %swap3A_149 = tpu.vector_load %arg16[%swap3A_147, %swap3A_148] {strides = array<i32>} : memref<39x16xf32, #tpu.memory_space<vmem>>, vector<1x16xf32>,
    %swap3A_150 = vector.shape_cast %swap3A_149 : vector<1x16xf32> to vector<16xf32>
    %swap3A_151 = vector.shape_cast %add3A_145 : vector<16xf32> to vector<1x16xf32>
    tpu.vector_store %arg16[%swap3A_147, %swap3A_148], %swap3A_151 {strides = array<i32>} : memref<39x16xf32, #tpu.memory_space<vmem>>, vector<1x16xf32>,
    %get3A_152 = arith.constant 9 : i32
    %get3A_153 = arith.index_cast %get3A_152 : i32 to index
    %get3A_154 = arith.constant 0 : index
    %get3A_155 = tpu.vector_load %arg16[%get3A_153, %get3A_154] {strides = array<i32>} : memref<39x16xf32, #tpu.memory_space<vmem>>, vector<1x16xf32>,
    %get3A_156 = vector.shape_cast %get3A_155 : vector<1x16xf32> to vector<16xf32>
    %get3A_157 = arith.constant 9 : i32
    %get3A_158 = arith.index_cast %get3A_157 : i32 to index
    %get3A_159 = arith.constant 0 : index
    %get3A_160 = tpu.vector_load %arg17[%get3A_158, %get3A_159] {strides = array<i32>} : memref<39x16xf32, #tpu.memory_space<vmem>>, vector<1x16xf32>,
    %get3A_161 = vector.shape_cast %get3A_160 : vector<1x16xf32> to vector<16xf32>
    %add3A_162 = arith.addf %get3A_156, %get3A_161 : vector<16xf32>
    %swap3A_163 = arith.constant 9 : i32
    %swap3A_164 = arith.index_cast %swap3A_163 : i32 to index
    %swap3A_165 = arith.constant 0 : index
    %swap3A_166 = tpu.vector_load %arg16[%swap3A_164, %swap3A_165] {strides = array<i32>} : memref<39x16xf32, #tpu.memory_space<vmem>>, vector<1x16xf32>,
    %swap3A_167 = vector.shape_cast %swap3A_166 : vector<1x16xf32> to vector<16xf32>
    %swap3A_168 = vector.shape_cast %add3A_162 : vector<16xf32> to vector<1x16xf32>
    tpu.vector_store %arg16[%swap3A_164, %swap3A_165], %swap3A_168 {strides = array<i32>} : memref<39x16xf32, #tpu.memory_space<vmem>>, vector<1x16xf32>,
    %get3A_169 = arith.constant 10 : i32
    %get3A_170 = arith.index_cast %get3A_169 : i32 to index
    %get3A_171 = arith.constant 0 : index
    %get3A_172 = tpu.vector_load %arg16[%get3A_170, %get3A_171] {strides = array<i32>} : memref<39x16xf32, #tpu.memory_space<vmem>>, vector<1x16xf32>,
    %get3A_173 = vector.shape_cast %get3A_172 : vector<1x16xf32> to vector<16xf32>
    %get3A_174 = arith.constant 10 : i32
    %get3A_175 = arith.index_cast %get3A_174 : i32 to index
    %get3A_176 = arith.constant 0 : index
    %get3A_177 = tpu.vector_load %arg17[%get3A_175, %get3A_176] {strides = array<i32>} : memref<39x16xf32, #tpu.memory_space<vmem>>, vector<1x16xf32>,
    %get3A_178 = vector.shape_cast %get3A_177 : vector<1x16xf32> to vector<16xf32>
    %add3A_179 = arith.addf %get3A_173, %get3A_178 : vector<16xf32>
    %swap3A_180 = arith.constant 10 : i32
    %swap3A_181 = arith.index_cast %swap3A_180 : i32 to index
    %swap3A_182 = arith.constant 0 : index
    %swap3A_183 = tpu.vector_load %arg16[%swap3A_181, %swap3A_182] {strides = array<i32>} : memref<39x16xf32, #tpu.memory_space<vmem>>, vector<1x16xf32>,
    %swap3A_184 = vector.shape_cast %swap3A_183 : vector<1x16xf32> to vector<16xf32>
    %swap3A_185 = vector.shape_cast %add3A_179 : vector<16xf32> to vector<1x16xf32>
    tpu.vector_store %arg16[%swap3A_181, %swap3A_182], %swap3A_185 {strides = array<i32>} : memref<39x16xf32, #tpu.memory_space<vmem>>, vector<1x16xf32>,
    %get3A_186 = arith.constant 11 : i32
    %get3A_187 = arith.index_cast %get3A_186 : i32 to index
    %get3A_188 = arith.constant 0 : index
    %get3A_189 = tpu.vector_load %arg16[%get3A_187, %get3A_188] {strides = array<i32>} : memref<39x16xf32, #tpu.memory_space<vmem>>, vector<1x16xf32>,
    %get3A_190 = vector.shape_cast %get3A_189 : vector<1x16xf32> to vector<16xf32>
    %get3A_191 = arith.constant 11 : i32
    %get3A_192 = arith.index_cast %get3A_191 : i32 to index
    %get3A_193 = arith.constant 0 : index
    %get3A_194 = tpu.vector_load %arg17[%get3A_192, %get3A_193] {strides = array<i32>} : memref<39x16xf32, #tpu.memory_space<vmem>>, vector<1x16xf32>,
    %get3A_195 = vector.shape_cast %get3A_194 : vector<1x16xf32> to vector<16xf32>
    %add3A_196 = arith.addf %get3A_190, %get3A_195 : vector<16xf32>
    %swap3A_197 = arith.constant 11 : i32
    %swap3A_198 = arith.index_cast %swap3A_197 : i32 to index
    %swap3A_199 = arith.constant 0 : index
    %swap3A_200 = tpu.vector_load %arg16[%swap3A_198, %swap3A_199] {strides = array<i32>} : memref<39x16xf32, #tpu.memory_space<vmem>>, vector<1x16xf32>,
    %swap3A_201 = vector.shape_cast %swap3A_200 : vector<1x16xf32> to vector<16xf32>
    %swap3A_202 = vector.shape_cast %add3A_196 : vector<16xf32> to vector<1x16xf32>
    tpu.vector_store %arg16[%swap3A_198, %swap3A_199], %swap3A_202 {strides = array<i32>} : memref<39x16xf32, #tpu.memory_space<vmem>>, vector<1x16xf32>,
    %get3A_203 = arith.constant 12 : i32
    %get3A_204 = arith.index_cast %get3A_203 : i32 to index
    %get3A_205 = arith.constant 0 : index
    %get3A_206 = tpu.vector_load %arg16[%get3A_204, %get3A_205] {strides = array<i32>} : memref<39x16xf32, #tpu.memory_space<vmem>>, vector<1x16xf32>,
    %get3A_207 = vector.shape_cast %get3A_206 : vector<1x16xf32> to vector<16xf32>
    %get3A_208 = arith.constant 12 : i32
    %get3A_209 = arith.index_cast %get3A_208 : i32 to index
    %get3A_210 = arith.constant 0 : index
    %get3A_211 = tpu.vector_load %arg17[%get3A_209, %get3A_210] {strides = array<i32>} : memref<39x16xf32, #tpu.memory_space<vmem>>, vector<1x16xf32>,
    %get3A_212 = vector.shape_cast %get3A_211 : vector<1x16xf32> to vector<16xf32>
    %add3A_213 = arith.addf %get3A_207, %get3A_212 : vector<16xf32>
    %swap3A_214 = arith.constant 12 : i32
    %swap3A_215 = arith.index_cast %swap3A_214 : i32 to index
    %swap3A_216 = arith.constant 0 : index
    %swap3A_217 = tpu.vector_load %arg16[%swap3A_215, %swap3A_216] {strides = array<i32>} : memref<39x16xf32, #tpu.memory_space<vmem>>, vector<1x16xf32>,
    %swap3A_218 = vector.shape_cast %swap3A_217 : vector<1x16xf32> to vector<16xf32>
    %swap3A_219 = vector.shape_cast %add3A_213 : vector<16xf32> to vector<1x16xf32>
    tpu.vector_store %arg16[%swap3A_215, %swap3A_216], %swap3A_219 {strides = array<i32>} : memref<39x16xf32, #tpu.memory_space<vmem>>, vector<1x16xf32>,
    %get3A_220 = arith.constant 13 : i32
    %get3A_221 = arith.index_cast %get3A_220 : i32 to index
    %get3A_222 = arith.constant 0 : index
    %get3A_223 = tpu.vector_load %arg16[%get3A_221, %get3A_222] {strides = array<i32>} : memref<39x16xf32, #tpu.memory_space<vmem>>, vector<1x16xf32>,
    %get3A_224 = vector.shape_cast %get3A_223 : vector<1x16xf32> to vector<16xf32>
    %get3A_225 = arith.constant 13 : i32
    %get3A_226 = arith.index_cast %get3A_225 : i32 to index
    %get3A_227 = arith.constant 0 : index
    %get3A_228 = tpu.vector_load %arg17[%get3A_226, %get3A_227] {strides = array<i32>} : memref<39x16xf32, #tpu.memory_space<vmem>>, vector<1x16xf32>,
    %get3A_229 = vector.shape_cast %get3A_228 : vector<1x16xf32> to vector<16xf32>
    %add3A_230 = arith.addf %get3A_224, %get3A_229 : vector<16xf32>
    %swap3A_231 = arith.constant 13 : i32
    %swap3A_232 = arith.index_cast %swap3A_231 : i32 to index
    %swap3A_233 = arith.constant 0 : index
    %swap3A_234 = tpu.vector_load %arg16[%swap3A_232, %swap3A_233] {strides = array<i32>} : memref<39x16xf32, #tpu.memory_space<vmem>>, vector<1x16xf32>,
    %swap3A_235 = vector.shape_cast %swap3A_234 : vector<1x16xf32> to vector<16xf32>
    %swap3A_236 = vector.shape_cast %add3A_230 : vector<16xf32> to vector<1x16xf32>
    tpu.vector_store %arg16[%swap3A_232, %swap3A_233], %swap3A_236 {strides = array<i32>} : memref<39x16xf32, #tpu.memory_space<vmem>>, vector<1x16xf32>,
    %get3A_237 = arith.constant 14 : i32
    %get3A_238 = arith.index_cast %get3A_237 : i32 to index
    %get3A_239 = arith.constant 0 : index
    %get3A_240 = tpu.vector_load %arg16[%get3A_238, %get3A_239] {strides = array<i32>} : memref<39x16xf32, #tpu.memory_space<vmem>>, vector<1x16xf32>,
    %get3A_241 = vector.shape_cast %get3A_240 : vector<1x16xf32> to vector<16xf32>
    %get3A_242 = arith.constant 14 : i32
    %get3A_243 = arith.index_cast %get3A_242 : i32 to index
    %get3A_244 = arith.constant 0 : index
    %get3A_245 = tpu.vector_load %arg17[%get3A_243, %get3A_244] {strides = array<i32>} : memref<39x16xf32, #tpu.memory_space<vmem>>, vector<1x16xf32>,
    %get3A_246 = vector.shape_cast %get3A_245 : vector<1x16xf32> to vector<16xf32>
    %add3A_247 = arith.addf %get3A_241, %get3A_246 : vector<16xf32>
    %swap3A_248 = arith.constant 14 : i32
    %swap3A_249 = arith.index_cast %swap3A_248 : i32 to index
    %swap3A_250 = arith.constant 0 : index
    %swap3A_251 = tpu.vector_load %arg16[%swap3A_249, %swap3A_250] {strides = array<i32>} : memref<39x16xf32, #tpu.memory_space<vmem>>, vector<1x16xf32>,
    %swap3A_252 = vector.shape_cast %swap3A_251 : vector<1x16xf32> to vector<16xf32>
    %swap3A_253 = vector.shape_cast %add3A_247 : vector<16xf32> to vector<1x16xf32>
    tpu.vector_store %arg16[%swap3A_249, %swap3A_250], %swap3A_253 {strides = array<i32>} : memref<39x16xf32, #tpu.memory_space<vmem>>, vector<1x16xf32>,
    %get3A_254 = arith.constant 15 : i32
    %get3A_255 = arith.index_cast %get3A_254 : i32 to index
    %get3A_256 = arith.constant 0 : index
    %get3A_257 = tpu.vector_load %arg16[%get3A_255, %get3A_256] {strides = array<i32>} : memref<39x16xf32, #tpu.memory_space<vmem>>, vector<1x16xf32>,
    %get3A_258 = vector.shape_cast %get3A_257 : vector<1x16xf32> to vector<16xf32>
    %get3A_259 = arith.constant 15 : i32
    %get3A_260 = arith.index_cast %get3A_259 : i32 to index
    %get3A_261 = arith.constant 0 : index
    %get3A_262 = tpu.vector_load %arg17[%get3A_260, %get3A_261] {strides = array<i32>} : memref<39x16xf32, #tpu.memory_space<vmem>>, vector<1x16xf32>,
    %get3A_263 = vector.shape_cast %get3A_262 : vector<1x16xf32> to vector<16xf32>
    %add3A_264 = arith.addf %get3A_258, %get3A_263 : vector<16xf32>
    %swap3A_265 = arith.constant 15 : i32
    %swap3A_266 = arith.index_cast %swap3A_265 : i32 to index
    %swap3A_267 = arith.constant 0 : index
    %swap3A_268 = tpu.vector_load %arg16[%swap3A_266, %swap3A_267] {strides = array<i32>} : memref<39x16xf32, #tpu.memory_space<vmem>>, vector<1x16xf32>,
    %swap3A_269 = vector.shape_cast %swap3A_268 : vector<1x16xf32> to vector<16xf32>
    %swap3A_270 = vector.shape_cast %add3A_264 : vector<16xf32> to vector<1x16xf32>
    tpu.vector_store %arg16[%swap3A_266, %swap3A_267], %swap3A_270 {strides = array<i32>} : memref<39x16xf32, #tpu.memory_space<vmem>>, vector<1x16xf32>,
    %get3A_271 = arith.constant 16 : i32
    %get3A_272 = arith.index_cast %get3A_271 : i32 to index
    %get3A_273 = arith.constant 0 : index
    %get3A_274 = tpu.vector_load %arg16[%get3A_272, %get3A_273] {strides = array<i32>} : memref<39x16xf32, #tpu.memory_space<vmem>>, vector<1x16xf32>,
    %get3A_275 = vector.shape_cast %get3A_274 : vector<1x16xf32> to vector<16xf32>
    %get3A_276 = arith.constant 16 : i32
    %get3A_277 = arith.index_cast %get3A_276 : i32 to index
    %get3A_278 = arith.constant 0 : index
    %get3A_279 = tpu.vector_load %arg17[%get3A_277, %get3A_278] {strides = array<i32>} : memref<39x16xf32, #tpu.memory_space<vmem>>, vector<1x16xf32>,
    %get3A_280 = vector.shape_cast %get3A_279 : vector<1x16xf32> to vector<16xf32>
    %add3A_281 = arith.addf %get3A_275, %get3A_280 : vector<16xf32>
    %swap3A_282 = arith.constant 16 : i32
    %swap3A_283 = arith.index_cast %swap3A_282 : i32 to index
    %swap3A_284 = arith.constant 0 : index
    %swap3A_285 = tpu.vector_load %arg16[%swap3A_283, %swap3A_284] {strides = array<i32>} : memref<39x16xf32, #tpu.memory_space<vmem>>, vector<1x16xf32>,
    %swap3A_286 = vector.shape_cast %swap3A_285 : vector<1x16xf32> to vector<16xf32>
    %swap3A_287 = vector.shape_cast %add3A_281 : vector<16xf32> to vector<1x16xf32>
    tpu.vector_store %arg16[%swap3A_283, %swap3A_284], %swap3A_287 {strides = array<i32>} : memref<39x16xf32, #tpu.memory_space<vmem>>, vector<1x16xf32>,
    %get3A_288 = arith.constant 17 : i32
    %get3A_289 = arith.index_cast %get3A_288 : i32 to index
    %get3A_290 = arith.constant 0 : index
    %get3A_291 = tpu.vector_load %arg16[%get3A_289, %get3A_290] {strides = array<i32>} : memref<39x16xf32, #tpu.memory_space<vmem>>, vector<1x16xf32>,
    %get3A_292 = vector.shape_cast %get3A_291 : vector<1x16xf32> to vector<16xf32>
    %get3A_293 = arith.constant 17 : i32
    %get3A_294 = arith.index_cast %get3A_293 : i32 to index
    %get3A_295 = arith.constant 0 : index
    %get3A_296 = tpu.vector_load %arg17[%get3A_294, %get3A_295] {strides = array<i32>} : memref<39x16xf32, #tpu.memory_space<vmem>>, vector<1x16xf32>,
    %get3A_297 = vector.shape_cast %get3A_296 : vector<1x16xf32> to vector<16xf32>
    %add3A_298 = arith.addf %get3A_292, %get3A_297 : vector<16xf32>
    %swap3A_299 = arith.constant 17 : i32
    %swap3A_300 = arith.index_cast %swap3A_299 : i32 to index
    %swap3A_301 = arith.constant 0 : index
    %swap3A_302 = tpu.vector_load %arg16[%swap3A_300, %swap3A_301] {strides = array<i32>} : memref<39x16xf32, #tpu.memory_space<vmem>>, vector<1x16xf32>,
    %swap3A_303 = vector.shape_cast %swap3A_302 : vector<1x16xf32> to vector<16xf32>
    %swap3A_304 = vector.shape_cast %add3A_298 : vector<16xf32> to vector<1x16xf32>
    tpu.vector_store %arg16[%swap3A_300, %swap3A_301], %swap3A_304 {strides = array<i32>} : memref<39x16xf32, #tpu.memory_space<vmem>>, vector<1x16xf32>,
    %get3A_305 = arith.constant 18 : i32
    %get3A_306 = arith.index_cast %get3A_305 : i32 to index
    %get3A_307 = arith.constant 0 : index
    %get3A_308 = tpu.vector_load %arg16[%get3A_306, %get3A_307] {strides = array<i32>} : memref<39x16xf32, #tpu.memory_space<vmem>>, vector<1x16xf32>,
    %get3A_309 = vector.shape_cast %get3A_308 : vector<1x16xf32> to vector<16xf32>
    %get3A_310 = arith.constant 18 : i32
    %get3A_311 = arith.index_cast %get3A_310 : i32 to index
    %get3A_312 = arith.constant 0 : index
    %get3A_313 = tpu.vector_load %arg17[%get3A_311, %get3A_312] {strides = array<i32>} : memref<39x16xf32, #tpu.memory_space<vmem>>, vector<1x16xf32>,
    %get3A_314 = vector.shape_cast %get3A_313 : vector<1x16xf32> to vector<16xf32>
    %add3A_315 = arith.addf %get3A_309, %get3A_314 : vector<16xf32>
    %swap3A_316 = arith.constant 18 : i32
    %swap3A_317 = arith.index_cast %swap3A_316 : i32 to index
    %swap3A_318 = arith.constant 0 : index
    %swap3A_319 = tpu.vector_load %arg16[%swap3A_317, %swap3A_318] {strides = array<i32>} : memref<39x16xf32, #tpu.memory_space<vmem>>, vector<1x16xf32>,
    %swap3A_320 = vector.shape_cast %swap3A_319 : vector<1x16xf32> to vector<16xf32>
    %swap3A_321 = vector.shape_cast %add3A_315 : vector<16xf32> to vector<1x16xf32>
    tpu.vector_store %arg16[%swap3A_317, %swap3A_318], %swap3A_321 {strides = array<i32>} : memref<39x16xf32, #tpu.memory_space<vmem>>, vector<1x16xf32>,
    %get3A_322 = arith.constant 19 : i32
    %get3A_323 = arith.index_cast %get3A_322 : i32 to index
    %get3A_324 = arith.constant 0 : index
    %get3A_325 = tpu.vector_load %arg16[%get3A_323, %get3A_324] {strides = array<i32>} : memref<39x16xf32, #tpu.memory_space<vmem>>, vector<1x16xf32>,
    %get3A_326 = vector.shape_cast %get3A_325 : vector<1x16xf32> to vector<16xf32>
    %get3A_327 = arith.constant 19 : i32
    %get3A_328 = arith.index_cast %get3A_327 : i32 to index
    %get3A_329 = arith.constant 0 : index
    %get3A_330 = tpu.vector_load %arg17[%get3A_328, %get3A_329] {strides = array<i32>} : memref<39x16xf32, #tpu.memory_space<vmem>>, vector<1x16xf32>,
    %get3A_331 = vector.shape_cast %get3A_330 : vector<1x16xf32> to vector<16xf32>
    %add3A_332 = arith.addf %get3A_326, %get3A_331 : vector<16xf32>
    %swap3A_333 = arith.constant 19 : i32
    %swap3A_334 = arith.index_cast %swap3A_333 : i32 to index
    %swap3A_335 = arith.constant 0 : index
    %swap3A_336 = tpu.vector_load %arg16[%swap3A_334, %swap3A_335] {strides = array<i32>} : memref<39x16xf32, #tpu.memory_space<vmem>>, vector<1x16xf32>,
    %swap3A_337 = vector.shape_cast %swap3A_336 : vector<1x16xf32> to vector<16xf32>
    %swap3A_338 = vector.shape_cast %add3A_332 : vector<16xf32> to vector<1x16xf32>
    tpu.vector_store %arg16[%swap3A_334, %swap3A_335], %swap3A_338 {strides = array<i32>} : memref<39x16xf32, #tpu.memory_space<vmem>>, vector<1x16xf32>,
    %get3A_339 = arith.constant 20 : i32
    %get3A_340 = arith.index_cast %get3A_339 : i32 to index
    %get3A_341 = arith.constant 0 : index
    %get3A_342 = tpu.vector_load %arg16[%get3A_340, %get3A_341] {strides = array<i32>} : memref<39x16xf32, #tpu.memory_space<vmem>>, vector<1x16xf32>,
    %get3A_343 = vector.shape_cast %get3A_342 : vector<1x16xf32> to vector<16xf32>
    %get3A_344 = arith.constant 20 : i32
    %get3A_345 = arith.index_cast %get3A_344 : i32 to index
    %get3A_346 = arith.constant 0 : index
    %get3A_347 = tpu.vector_load %arg17[%get3A_345, %get3A_346] {strides = array<i32>} : memref<39x16xf32, #tpu.memory_space<vmem>>, vector<1x16xf32>,
    %get3A_348 = vector.shape_cast %get3A_347 : vector<1x16xf32> to vector<16xf32>
    %add3A_349 = arith.addf %get3A_343, %get3A_348 : vector<16xf32>
    %swap3A_350 = arith.constant 20 : i32
    %swap3A_351 = arith.index_cast %swap3A_350 : i32 to index
    %swap3A_352 = arith.constant 0 : index
    %swap3A_353 = tpu.vector_load %arg16[%swap3A_351, %swap3A_352] {strides = array<i32>} : memref<39x16xf32, #tpu.memory_space<vmem>>, vector<1x16xf32>,
    %swap3A_354 = vector.shape_cast %swap3A_353 : vector<1x16xf32> to vector<16xf32>
    %swap3A_355 = vector.shape_cast %add3A_349 : vector<16xf32> to vector<1x16xf32>
    tpu.vector_store %arg16[%swap3A_351, %swap3A_352], %swap3A_355 {strides = array<i32>} : memref<39x16xf32, #tpu.memory_space<vmem>>, vector<1x16xf32>,
    %get3A_356 = arith.constant 21 : i32
    %get3A_357 = arith.index_cast %get3A_356 : i32 to index
    %get3A_358 = arith.constant 0 : index
    %get3A_359 = tpu.vector_load %arg16[%get3A_357, %get3A_358] {strides = array<i32>} : memref<39x16xf32, #tpu.memory_space<vmem>>, vector<1x16xf32>,
    %get3A_360 = vector.shape_cast %get3A_359 : vector<1x16xf32> to vector<16xf32>
    %get3A_361 = arith.constant 21 : i32
    %get3A_362 = arith.index_cast %get3A_361 : i32 to index
    %get3A_363 = arith.constant 0 : index
    %get3A_364 = tpu.vector_load %arg17[%get3A_362, %get3A_363] {strides = array<i32>} : memref<39x16xf32, #tpu.memory_space<vmem>>, vector<1x16xf32>,
    %get3A_365 = vector.shape_cast %get3A_364 : vector<1x16xf32> to vector<16xf32>
    %add3A_366 = arith.addf %get3A_360, %get3A_365 : vector<16xf32>
    %swap3A_367 = arith.constant 21 : i32
    %swap3A_368 = arith.index_cast %swap3A_367 : i32 to index
    %swap3A_369 = arith.constant 0 : index
    %swap3A_370 = tpu.vector_load %arg16[%swap3A_368, %swap3A_369] {strides = array<i32>} : memref<39x16xf32, #tpu.memory_space<vmem>>, vector<1x16xf32>,
    %swap3A_371 = vector.shape_cast %swap3A_370 : vector<1x16xf32> to vector<16xf32>
    %swap3A_372 = vector.shape_cast %add3A_366 : vector<16xf32> to vector<1x16xf32>
    tpu.vector_store %arg16[%swap3A_368, %swap3A_369], %swap3A_372 {strides = array<i32>} : memref<39x16xf32, #tpu.memory_space<vmem>>, vector<1x16xf32>,
    %get3A_373 = arith.constant 22 : i32
    %get3A_374 = arith.index_cast %get3A_373 : i32 to index
    %get3A_375 = arith.constant 0 : index
    %get3A_376 = tpu.vector_load %arg16[%get3A_374, %get3A_375] {strides = array<i32>} : memref<39x16xf32, #tpu.memory_space<vmem>>, vector<1x16xf32>,
    %get3A_377 = vector.shape_cast %get3A_376 : vector<1x16xf32> to vector<16xf32>
    %get3A_378 = arith.constant 22 : i32
    %get3A_379 = arith.index_cast %get3A_378 : i32 to index
    %get3A_380 = arith.constant 0 : index
    %get3A_381 = tpu.vector_load %arg17[%get3A_379, %get3A_380] {strides = array<i32>} : memref<39x16xf32, #tpu.memory_space<vmem>>, vector<1x16xf32>,
    %get3A_382 = vector.shape_cast %get3A_381 : vector<1x16xf32> to vector<16xf32>
    %add3A_383 = arith.addf %get3A_377, %get3A_382 : vector<16xf32>
    %swap3A_384 = arith.constant 22 : i32
    %swap3A_385 = arith.index_cast %swap3A_384 : i32 to index
    %swap3A_386 = arith.constant 0 : index
    %swap3A_387 = tpu.vector_load %arg16[%swap3A_385, %swap3A_386] {strides = array<i32>} : memref<39x16xf32, #tpu.memory_space<vmem>>, vector<1x16xf32>,
    %swap3A_388 = vector.shape_cast %swap3A_387 : vector<1x16xf32> to vector<16xf32>
    %swap3A_389 = vector.shape_cast %add3A_383 : vector<16xf32> to vector<1x16xf32>
    tpu.vector_store %arg16[%swap3A_385, %swap3A_386], %swap3A_389 {strides = array<i32>} : memref<39x16xf32, #tpu.memory_space<vmem>>, vector<1x16xf32>,
    %get3A_390 = arith.constant 23 : i32
    %get3A_391 = arith.index_cast %get3A_390 : i32 to index
    %get3A_392 = arith.constant 0 : index
    %get3A_393 = tpu.vector_load %arg16[%get3A_391, %get3A_392] {strides = array<i32>} : memref<39x16xf32, #tpu.memory_space<vmem>>, vector<1x16xf32>,
    %get3A_394 = vector.shape_cast %get3A_393 : vector<1x16xf32> to vector<16xf32>
    %get3A_395 = arith.constant 23 : i32
    %get3A_396 = arith.index_cast %get3A_395 : i32 to index
    %get3A_397 = arith.constant 0 : index
    %get3A_398 = tpu.vector_load %arg17[%get3A_396, %get3A_397] {strides = array<i32>} : memref<39x16xf32, #tpu.memory_space<vmem>>, vector<1x16xf32>,
    %get3A_399 = vector.shape_cast %get3A_398 : vector<1x16xf32> to vector<16xf32>
    %add3A_400 = arith.addf %get3A_394, %get3A_399 : vector<16xf32>
    %swap3A_401 = arith.constant 23 : i32
    %swap3A_402 = arith.index_cast %swap3A_401 : i32 to index
    %swap3A_403 = arith.constant 0 : index
    %swap3A_404 = tpu.vector_load %arg16[%swap3A_402, %swap3A_403] {strides = array<i32>} : memref<39x16xf32, #tpu.memory_space<vmem>>, vector<1x16xf32>,
    %swap3A_405 = vector.shape_cast %swap3A_404 : vector<1x16xf32> to vector<16xf32>
    %swap3A_406 = vector.shape_cast %add3A_400 : vector<16xf32> to vector<1x16xf32>
    tpu.vector_store %arg16[%swap3A_402, %swap3A_403], %swap3A_406 {strides = array<i32>} : memref<39x16xf32, #tpu.memory_space<vmem>>, vector<1x16xf32>,
    %get3A_407 = arith.constant 24 : i32
    %get3A_408 = arith.index_cast %get3A_407 : i32 to index
    %get3A_409 = arith.constant 0 : index
    %get3A_410 = tpu.vector_load %arg16[%get3A_408, %get3A_409] {strides = array<i32>} : memref<39x16xf32, #tpu.memory_space<vmem>>, vector<1x16xf32>,
    %get3A_411 = vector.shape_cast %get3A_410 : vector<1x16xf32> to vector<16xf32>
    %get3A_412 = arith.constant 24 : i32
    %get3A_413 = arith.index_cast %get3A_412 : i32 to index
    %get3A_414 = arith.constant 0 : index
    %get3A_415 = tpu.vector_load %arg17[%get3A_413, %get3A_414] {strides = array<i32>} : memref<39x16xf32, #tpu.memory_space<vmem>>, vector<1x16xf32>,
    %get3A_416 = vector.shape_cast %get3A_415 : vector<1x16xf32> to vector<16xf32>
    %add3A_417 = arith.addf %get3A_411, %get3A_416 : vector<16xf32>
    %swap3A_418 = arith.constant 24 : i32
    %swap3A_419 = arith.index_cast %swap3A_418 : i32 to index
    %swap3A_420 = arith.constant 0 : index
    %swap3A_421 = tpu.vector_load %arg16[%swap3A_419, %swap3A_420] {strides = array<i32>} : memref<39x16xf32, #tpu.memory_space<vmem>>, vector<1x16xf32>,
    %swap3A_422 = vector.shape_cast %swap3A_421 : vector<1x16xf32> to vector<16xf32>
    %swap3A_423 = vector.shape_cast %add3A_417 : vector<16xf32> to vector<1x16xf32>
    tpu.vector_store %arg16[%swap3A_419, %swap3A_420], %swap3A_423 {strides = array<i32>} : memref<39x16xf32, #tpu.memory_space<vmem>>, vector<1x16xf32>,
    %get3A_424 = arith.constant 25 : i32
    %get3A_425 = arith.index_cast %get3A_424 : i32 to index
    %get3A_426 = arith.constant 0 : index
    %get3A_427 = tpu.vector_load %arg16[%get3A_425, %get3A_426] {strides = array<i32>} : memref<39x16xf32, #tpu.memory_space<vmem>>, vector<1x16xf32>,
    %get3A_428 = vector.shape_cast %get3A_427 : vector<1x16xf32> to vector<16xf32>
    %get3A_429 = arith.constant 25 : i32
    %get3A_430 = arith.index_cast %get3A_429 : i32 to index
    %get3A_431 = arith.constant 0 : index
    %get3A_432 = tpu.vector_load %arg17[%get3A_430, %get3A_431] {strides = array<i32>} : memref<39x16xf32, #tpu.memory_space<vmem>>, vector<1x16xf32>,
    %get3A_433 = vector.shape_cast %get3A_432 : vector<1x16xf32> to vector<16xf32>
    %add3A_434 = arith.addf %get3A_428, %get3A_433 : vector<16xf32>
    %swap3A_435 = arith.constant 25 : i32
    %swap3A_436 = arith.index_cast %swap3A_435 : i32 to index
    %swap3A_437 = arith.constant 0 : index
    %swap3A_438 = tpu.vector_load %arg16[%swap3A_436, %swap3A_437] {strides = array<i32>} : memref<39x16xf32, #tpu.memory_space<vmem>>, vector<1x16xf32>,
    %swap3A_439 = vector.shape_cast %swap3A_438 : vector<1x16xf32> to vector<16xf32>
    %swap3A_440 = vector.shape_cast %add3A_434 : vector<16xf32> to vector<1x16xf32>
    tpu.vector_store %arg16[%swap3A_436, %swap3A_437], %swap3A_440 {strides = array<i32>} : memref<39x16xf32, #tpu.memory_space<vmem>>, vector<1x16xf32>,
    %get3A_441 = arith.constant 26 : i32
    %get3A_442 = arith.index_cast %get3A_441 : i32 to index
    %get3A_443 = arith.constant 0 : index
    %get3A_444 = tpu.vector_load %arg16[%get3A_442, %get3A_443] {strides = array<i32>} : memref<39x16xf32, #tpu.memory_space<vmem>>, vector<1x16xf32>,
    %get3A_445 = vector.shape_cast %get3A_444 : vector<1x16xf32> to vector<16xf32>
    %get3A_446 = arith.constant 26 : i32
    %get3A_447 = arith.index_cast %get3A_446 : i32 to index
    %get3A_448 = arith.constant 0 : index
    %get3A_449 = tpu.vector_load %arg17[%get3A_447, %get3A_448] {strides = array<i32>} : memref<39x16xf32, #tpu.memory_space<vmem>>, vector<1x16xf32>,
    %get3A_450 = vector.shape_cast %get3A_449 : vector<1x16xf32> to vector<16xf32>
    %add3A_451 = arith.addf %get3A_445, %get3A_450 : vector<16xf32>
    %swap3A_452 = arith.constant 26 : i32
    %swap3A_453 = arith.index_cast %swap3A_452 : i32 to index
    %swap3A_454 = arith.constant 0 : index
    %swap3A_455 = tpu.vector_load %arg16[%swap3A_453, %swap3A_454] {strides = array<i32>} : memref<39x16xf32, #tpu.memory_space<vmem>>, vector<1x16xf32>,
    %swap3A_456 = vector.shape_cast %swap3A_455 : vector<1x16xf32> to vector<16xf32>
    %swap3A_457 = vector.shape_cast %add3A_451 : vector<16xf32> to vector<1x16xf32>
    tpu.vector_store %arg16[%swap3A_453, %swap3A_454], %swap3A_457 {strides = array<i32>} : memref<39x16xf32, #tpu.memory_space<vmem>>, vector<1x16xf32>,
    %get3A_458 = arith.constant 27 : i32
    %get3A_459 = arith.index_cast %get3A_458 : i32 to index
    %get3A_460 = arith.constant 0 : index
    %get3A_461 = tpu.vector_load %arg16[%get3A_459, %get3A_460] {strides = array<i32>} : memref<39x16xf32, #tpu.memory_space<vmem>>, vector<1x16xf32>,
    %get3A_462 = vector.shape_cast %get3A_461 : vector<1x16xf32> to vector<16xf32>
    %get3A_463 = arith.constant 27 : i32
    %get3A_464 = arith.index_cast %get3A_463 : i32 to index
    %get3A_465 = arith.constant 0 : index
    %get3A_466 = tpu.vector_load %arg17[%get3A_464, %get3A_465] {strides = array<i32>} : memref<39x16xf32, #tpu.memory_space<vmem>>, vector<1x16xf32>,
    %get3A_467 = vector.shape_cast %get3A_466 : vector<1x16xf32> to vector<16xf32>
    %add3A_468 = arith.addf %get3A_462, %get3A_467 : vector<16xf32>
    %swap3A_469 = arith.constant 27 : i32
    %swap3A_470 = arith.index_cast %swap3A_469 : i32 to index
    %swap3A_471 = arith.constant 0 : index
    %swap3A_472 = tpu.vector_load %arg16[%swap3A_470, %swap3A_471] {strides = array<i32>} : memref<39x16xf32, #tpu.memory_space<vmem>>, vector<1x16xf32>,
    %swap3A_473 = vector.shape_cast %swap3A_472 : vector<1x16xf32> to vector<16xf32>
    %swap3A_474 = vector.shape_cast %add3A_468 : vector<16xf32> to vector<1x16xf32>
    tpu.vector_store %arg16[%swap3A_470, %swap3A_471], %swap3A_474 {strides = array<i32>} : memref<39x16xf32, #tpu.memory_space<vmem>>, vector<1x16xf32>,
    %get3A_475 = arith.constant 28 : i32
    %get3A_476 = arith.index_cast %get3A_475 : i32 to index
    %get3A_477 = arith.constant 0 : index
    %get3A_478 = tpu.vector_load %arg16[%get3A_476, %get3A_477] {strides = array<i32>} : memref<39x16xf32, #tpu.memory_space<vmem>>, vector<1x16xf32>,
    %get3A_479 = vector.shape_cast %get3A_478 : vector<1x16xf32> to vector<16xf32>
    %get3A_480 = arith.constant 28 : i32
    %get3A_481 = arith.index_cast %get3A_480 : i32 to index
    %get3A_482 = arith.constant 0 : index
    %get3A_483 = tpu.vector_load %arg17[%get3A_481, %get3A_482] {strides = array<i32>} : memref<39x16xf32, #tpu.memory_space<vmem>>, vector<1x16xf32>,
    %get3A_484 = vector.shape_cast %get3A_483 : vector<1x16xf32> to vector<16xf32>
    %add3A_485 = arith.addf %get3A_479, %get3A_484 : vector<16xf32>
    %swap3A_486 = arith.constant 28 : i32
    %swap3A_487 = arith.index_cast %swap3A_486 : i32 to index
    %swap3A_488 = arith.constant 0 : index
    %swap3A_489 = tpu.vector_load %arg16[%swap3A_487, %swap3A_488] {strides = array<i32>} : memref<39x16xf32, #tpu.memory_space<vmem>>, vector<1x16xf32>,
    %swap3A_490 = vector.shape_cast %swap3A_489 : vector<1x16xf32> to vector<16xf32>
    %swap3A_491 = vector.shape_cast %add3A_485 : vector<16xf32> to vector<1x16xf32>
    tpu.vector_store %arg16[%swap3A_487, %swap3A_488], %swap3A_491 {strides = array<i32>} : memref<39x16xf32, #tpu.memory_space<vmem>>, vector<1x16xf32>,
    %get3A_492 = arith.constant 29 : i32
    %get3A_493 = arith.index_cast %get3A_492 : i32 to index
    %get3A_494 = arith.constant 0 : index
    %get3A_495 = tpu.vector_load %arg16[%get3A_493, %get3A_494] {strides = array<i32>} : memref<39x16xf32, #tpu.memory_space<vmem>>, vector<1x16xf32>,
    %get3A_496 = vector.shape_cast %get3A_495 : vector<1x16xf32> to vector<16xf32>
    %get3A_497 = arith.constant 29 : i32
    %get3A_498 = arith.index_cast %get3A_497 : i32 to index
    %get3A_499 = arith.constant 0 : index
    %get3A_500 = tpu.vector_load %arg17[%get3A_498, %get3A_499] {strides = array<i32>} : memref<39x16xf32, #tpu.memory_space<vmem>>, vector<1x16xf32>,
    %get3A_501 = vector.shape_cast %get3A_500 : vector<1x16xf32> to vector<16xf32>
    %add3A_502 = arith.addf %get3A_496, %get3A_501 : vector<16xf32>
    %swap3A_503 = arith.constant 29 : i32
    %swap3A_504 = arith.index_cast %swap3A_503 : i32 to index
    %swap3A_505 = arith.constant 0 : index
    %swap3A_506 = tpu.vector_load %arg16[%swap3A_504, %swap3A_505] {strides = array<i32>} : memref<39x16xf32, #tpu.memory_space<vmem>>, vector<1x16xf32>,
    %swap3A_507 = vector.shape_cast %swap3A_506 : vector<1x16xf32> to vector<16xf32>
    %swap3A_508 = vector.shape_cast %add3A_502 : vector<16xf32> to vector<1x16xf32>
    tpu.vector_store %arg16[%swap3A_504, %swap3A_505], %swap3A_508 {strides = array<i32>} : memref<39x16xf32, #tpu.memory_space<vmem>>, vector<1x16xf32>,
    %get3A_509 = arith.constant 30 : i32
    %get3A_510 = arith.index_cast %get3A_509 : i32 to index
    %get3A_511 = arith.constant 0 : index
    %get3A_512 = tpu.vector_load %arg16[%get3A_510, %get3A_511] {strides = array<i32>} : memref<39x16xf32, #tpu.memory_space<vmem>>, vector<1x16xf32>,
    %get3A_513 = vector.shape_cast %get3A_512 : vector<1x16xf32> to vector<16xf32>
    %get3A_514 = arith.constant 30 : i32
    %get3A_515 = arith.index_cast %get3A_514 : i32 to index
    %get3A_516 = arith.constant 0 : index
    %get3A_517 = tpu.vector_load %arg17[%get3A_515, %get3A_516] {strides = array<i32>} : memref<39x16xf32, #tpu.memory_space<vmem>>, vector<1x16xf32>,
    %get3A_518 = vector.shape_cast %get3A_517 : vector<1x16xf32> to vector<16xf32>
    %add3A_519 = arith.addf %get3A_513, %get3A_518 : vector<16xf32>
    %swap3A_520 = arith.constant 30 : i32
    %swap3A_521 = arith.index_cast %swap3A_520 : i32 to index
    %swap3A_522 = arith.constant 0 : index
    %swap3A_523 = tpu.vector_load %arg16[%swap3A_521, %swap3A_522] {strides = array<i32>} : memref<39x16xf32, #tpu.memory_space<vmem>>, vector<1x16xf32>,
    %swap3A_524 = vector.shape_cast %swap3A_523 : vector<1x16xf32> to vector<16xf32>
    %swap3A_525 = vector.shape_cast %add3A_519 : vector<16xf32> to vector<1x16xf32>
    tpu.vector_store %arg16[%swap3A_521, %swap3A_522], %swap3A_525 {strides = array<i32>} : memref<39x16xf32, #tpu.memory_space<vmem>>, vector<1x16xf32>,
    %get3A_526 = arith.constant 31 : i32
    %get3A_527 = arith.index_cast %get3A_526 : i32 to index
    %get3A_528 = arith.constant 0 : index
    %get3A_529 = tpu.vector_load %arg16[%get3A_527, %get3A_528] {strides = array<i32>} : memref<39x16xf32, #tpu.memory_space<vmem>>, vector<1x16xf32>,
    %get3A_530 = vector.shape_cast %get3A_529 : vector<1x16xf32> to vector<16xf32>
    %get3A_531 = arith.constant 31 : i32
    %get3A_532 = arith.index_cast %get3A_531 : i32 to index
    %get3A_533 = arith.constant 0 : index
    %get3A_534 = tpu.vector_load %arg17[%get3A_532, %get3A_533] {strides = array<i32>} : memref<39x16xf32, #tpu.memory_space<vmem>>, vector<1x16xf32>,
    %get3A_535 = vector.shape_cast %get3A_534 : vector<1x16xf32> to vector<16xf32>
    %add3A_536 = arith.addf %get3A_530, %get3A_535 : vector<16xf32>
    %swap3A_537 = arith.constant 31 : i32
    %swap3A_538 = arith.index_cast %swap3A_537 : i32 to index
    %swap3A_539 = arith.constant 0 : index
    %swap3A_540 = tpu.vector_load %arg16[%swap3A_538, %swap3A_539] {strides = array<i32>} : memref<39x16xf32, #tpu.memory_space<vmem>>, vector<1x16xf32>,
    %swap3A_541 = vector.shape_cast %swap3A_540 : vector<1x16xf32> to vector<16xf32>
    %swap3A_542 = vector.shape_cast %add3A_536 : vector<16xf32> to vector<1x16xf32>
    tpu.vector_store %arg16[%swap3A_538, %swap3A_539], %swap3A_542 {strides = array<i32>} : memref<39x16xf32, #tpu.memory_space<vmem>>, vector<1x16xf32>,
    %get3A_543 = arith.constant 32 : i32
    %get3A_544 = arith.index_cast %get3A_543 : i32 to index
    %get3A_545 = arith.constant 0 : index
    %get3A_546 = tpu.vector_load %arg16[%get3A_544, %get3A_545] {strides = array<i32>} : memref<39x16xf32, #tpu.memory_space<vmem>>, vector<1x16xf32>,
    %get3A_547 = vector.shape_cast %get3A_546 : vector<1x16xf32> to vector<16xf32>
    %get3A_548 = arith.constant 32 : i32
    %get3A_549 = arith.index_cast %get3A_548 : i32 to index
    %get3A_550 = arith.constant 0 : index
    %get3A_551 = tpu.vector_load %arg17[%get3A_549, %get3A_550] {strides = array<i32>} : memref<39x16xf32, #tpu.memory_space<vmem>>, vector<1x16xf32>,
    %get3A_552 = vector.shape_cast %get3A_551 : vector<1x16xf32> to vector<16xf32>
    %add3A_553 = arith.addf %get3A_547, %get3A_552 : vector<16xf32>
    %swap3A_554 = arith.constant 32 : i32
    %swap3A_555 = arith.index_cast %swap3A_554 : i32 to index
    %swap3A_556 = arith.constant 0 : index
    %swap3A_557 = tpu.vector_load %arg16[%swap3A_555, %swap3A_556] {strides = array<i32>} : memref<39x16xf32, #tpu.memory_space<vmem>>, vector<1x16xf32>,
    %swap3A_558 = vector.shape_cast %swap3A_557 : vector<1x16xf32> to vector<16xf32>
    %swap3A_559 = vector.shape_cast %add3A_553 : vector<16xf32> to vector<1x16xf32>
    tpu.vector_store %arg16[%swap3A_555, %swap3A_556], %swap3A_559 {strides = array<i32>} : memref<39x16xf32, #tpu.memory_space<vmem>>, vector<1x16xf32>,
    %get3A_560 = arith.constant 33 : i32
    %get3A_561 = arith.index_cast %get3A_560 : i32 to index
    %get3A_562 = arith.constant 0 : index
    %get3A_563 = tpu.vector_load %arg16[%get3A_561, %get3A_562] {strides = array<i32>} : memref<39x16xf32, #tpu.memory_space<vmem>>, vector<1x16xf32>,
    %get3A_564 = vector.shape_cast %get3A_563 : vector<1x16xf32> to vector<16xf32>
    %get3A_565 = arith.constant 33 : i32
    %get3A_566 = arith.index_cast %get3A_565 : i32 to index
    %get3A_567 = arith.constant 0 : index
    %get3A_568 = tpu.vector_load %arg17[%get3A_566, %get3A_567] {strides = array<i32>} : memref<39x16xf32, #tpu.memory_space<vmem>>, vector<1x16xf32>,
    %get3A_569 = vector.shape_cast %get3A_568 : vector<1x16xf32> to vector<16xf32>
    %add3A_570 = arith.addf %get3A_564, %get3A_569 : vector<16xf32>
    %swap3A_571 = arith.constant 33 : i32
    %swap3A_572 = arith.index_cast %swap3A_571 : i32 to index
    %swap3A_573 = arith.constant 0 : index
    %swap3A_574 = tpu.vector_load %arg16[%swap3A_572, %swap3A_573] {strides = array<i32>} : memref<39x16xf32, #tpu.memory_space<vmem>>, vector<1x16xf32>,
    %swap3A_575 = vector.shape_cast %swap3A_574 : vector<1x16xf32> to vector<16xf32>
    %swap3A_576 = vector.shape_cast %add3A_570 : vector<16xf32> to vector<1x16xf32>
    tpu.vector_store %arg16[%swap3A_572, %swap3A_573], %swap3A_576 {strides = array<i32>} : memref<39x16xf32, #tpu.memory_space<vmem>>, vector<1x16xf32>,
    %get3A_577 = arith.constant 34 : i32
    %get3A_578 = arith.index_cast %get3A_577 : i32 to index
    %get3A_579 = arith.constant 0 : index
    %get3A_580 = tpu.vector_load %arg16[%get3A_578, %get3A_579] {strides = array<i32>} : memref<39x16xf32, #tpu.memory_space<vmem>>, vector<1x16xf32>,
    %get3A_581 = vector.shape_cast %get3A_580 : vector<1x16xf32> to vector<16xf32>
    %get3A_582 = arith.constant 34 : i32
    %get3A_583 = arith.index_cast %get3A_582 : i32 to index
    %get3A_584 = arith.constant 0 : index
    %get3A_585 = tpu.vector_load %arg17[%get3A_583, %get3A_584] {strides = array<i32>} : memref<39x16xf32, #tpu.memory_space<vmem>>, vector<1x16xf32>,
    %get3A_586 = vector.shape_cast %get3A_585 : vector<1x16xf32> to vector<16xf32>
    %add3A_587 = arith.addf %get3A_581, %get3A_586 : vector<16xf32>
    %swap3A_588 = arith.constant 34 : i32
    %swap3A_589 = arith.index_cast %swap3A_588 : i32 to index
    %swap3A_590 = arith.constant 0 : index
    %swap3A_591 = tpu.vector_load %arg16[%swap3A_589, %swap3A_590] {strides = array<i32>} : memref<39x16xf32, #tpu.memory_space<vmem>>, vector<1x16xf32>,
    %swap3A_592 = vector.shape_cast %swap3A_591 : vector<1x16xf32> to vector<16xf32>
    %swap3A_593 = vector.shape_cast %add3A_587 : vector<16xf32> to vector<1x16xf32>
    tpu.vector_store %arg16[%swap3A_589, %swap3A_590], %swap3A_593 {strides = array<i32>} : memref<39x16xf32, #tpu.memory_space<vmem>>, vector<1x16xf32>,
    %get3A_594 = arith.constant 35 : i32
    %get3A_595 = arith.index_cast %get3A_594 : i32 to index
    %get3A_596 = arith.constant 0 : index
    %get3A_597 = tpu.vector_load %arg16[%get3A_595, %get3A_596] {strides = array<i32>} : memref<39x16xf32, #tpu.memory_space<vmem>>, vector<1x16xf32>,
    %get3A_598 = vector.shape_cast %get3A_597 : vector<1x16xf32> to vector<16xf32>
    %get3A_599 = arith.constant 35 : i32
    %get3A_600 = arith.index_cast %get3A_599 : i32 to index
    %get3A_601 = arith.constant 0 : index
    %get3A_602 = tpu.vector_load %arg17[%get3A_600, %get3A_601] {strides = array<i32>} : memref<39x16xf32, #tpu.memory_space<vmem>>, vector<1x16xf32>,
    %get3A_603 = vector.shape_cast %get3A_602 : vector<1x16xf32> to vector<16xf32>
    %add3A_604 = arith.addf %get3A_598, %get3A_603 : vector<16xf32>
    %swap3A_605 = arith.constant 35 : i32
    %swap3A_606 = arith.index_cast %swap3A_605 : i32 to index
    %swap3A_607 = arith.constant 0 : index
    %swap3A_608 = tpu.vector_load %arg16[%swap3A_606, %swap3A_607] {strides = array<i32>} : memref<39x16xf32, #tpu.memory_space<vmem>>, vector<1x16xf32>,
    %swap3A_609 = vector.shape_cast %swap3A_608 : vector<1x16xf32> to vector<16xf32>
    %swap3A_610 = vector.shape_cast %add3A_604 : vector<16xf32> to vector<1x16xf32>
    tpu.vector_store %arg16[%swap3A_606, %swap3A_607], %swap3A_610 {strides = array<i32>} : memref<39x16xf32, #tpu.memory_space<vmem>>, vector<1x16xf32>,
    %get3A_611 = arith.constant 36 : i32
    %get3A_612 = arith.index_cast %get3A_611 : i32 to index
    %get3A_613 = arith.constant 0 : index
    %get3A_614 = tpu.vector_load %arg16[%get3A_612, %get3A_613] {strides = array<i32>} : memref<39x16xf32, #tpu.memory_space<vmem>>, vector<1x16xf32>,
    %get3A_615 = vector.shape_cast %get3A_614 : vector<1x16xf32> to vector<16xf32>
    %get3A_616 = arith.constant 36 : i32
    %get3A_617 = arith.index_cast %get3A_616 : i32 to index
    %get3A_618 = arith.constant 0 : index
    %get3A_619 = tpu.vector_load %arg17[%get3A_617, %get3A_618] {strides = array<i32>} : memref<39x16xf32, #tpu.memory_space<vmem>>, vector<1x16xf32>,
    %get3A_620 = vector.shape_cast %get3A_619 : vector<1x16xf32> to vector<16xf32>
    %add3A_621 = arith.addf %get3A_615, %get3A_620 : vector<16xf32>
    %swap3A_622 = arith.constant 36 : i32
    %swap3A_623 = arith.index_cast %swap3A_622 : i32 to index
    %swap3A_624 = arith.constant 0 : index
    %swap3A_625 = tpu.vector_load %arg16[%swap3A_623, %swap3A_624] {strides = array<i32>} : memref<39x16xf32, #tpu.memory_space<vmem>>, vector<1x16xf32>,
    %swap3A_626 = vector.shape_cast %swap3A_625 : vector<1x16xf32> to vector<16xf32>
    %swap3A_627 = vector.shape_cast %add3A_621 : vector<16xf32> to vector<1x16xf32>
    tpu.vector_store %arg16[%swap3A_623, %swap3A_624], %swap3A_627 {strides = array<i32>} : memref<39x16xf32, #tpu.memory_space<vmem>>, vector<1x16xf32>,
    %get3A_628 = arith.constant 37 : i32
    %get3A_629 = arith.index_cast %get3A_628 : i32 to index
    %get3A_630 = arith.constant 0 : index
    %get3A_631 = tpu.vector_load %arg16[%get3A_629, %get3A_630] {strides = array<i32>} : memref<39x16xf32, #tpu.memory_space<vmem>>, vector<1x16xf32>,
    %get3A_632 = vector.shape_cast %get3A_631 : vector<1x16xf32> to vector<16xf32>
    %get3A_633 = arith.constant 37 : i32
    %get3A_634 = arith.index_cast %get3A_633 : i32 to index
    %get3A_635 = arith.constant 0 : index
    %get3A_636 = tpu.vector_load %arg17[%get3A_634, %get3A_635] {strides = array<i32>} : memref<39x16xf32, #tpu.memory_space<vmem>>, vector<1x16xf32>,
    %get3A_637 = vector.shape_cast %get3A_636 : vector<1x16xf32> to vector<16xf32>
    %add3A_638 = arith.addf %get3A_632, %get3A_637 : vector<16xf32>
    %swap3A_639 = arith.constant 37 : i32
    %swap3A_640 = arith.index_cast %swap3A_639 : i32 to index
    %swap3A_641 = arith.constant 0 : index
    %swap3A_642 = tpu.vector_load %arg16[%swap3A_640, %swap3A_641] {strides = array<i32>} : memref<39x16xf32, #tpu.memory_space<vmem>>, vector<1x16xf32>,
    %swap3A_643 = vector.shape_cast %swap3A_642 : vector<1x16xf32> to vector<16xf32>
    %swap3A_644 = vector.shape_cast %add3A_638 : vector<16xf32> to vector<1x16xf32>
    tpu.vector_store %arg16[%swap3A_640, %swap3A_641], %swap3A_644 {strides = array<i32>} : memref<39x16xf32, #tpu.memory_space<vmem>>, vector<1x16xf32>,
    %get3A_645 = arith.constant 38 : i32
    %get3A_646 = arith.index_cast %get3A_645 : i32 to index
    %get3A_647 = arith.constant 0 : index
    %get3A_648 = tpu.vector_load %arg16[%get3A_646, %get3A_647] {strides = array<i32>} : memref<39x16xf32, #tpu.memory_space<vmem>>, vector<1x16xf32>,
    %get3A_649 = vector.shape_cast %get3A_648 : vector<1x16xf32> to vector<16xf32>
    %get3A_650 = arith.constant 38 : i32
    %get3A_651 = arith.index_cast %get3A_650 : i32 to index
    %get3A_652 = arith.constant 0 : index
    %get3A_653 = tpu.vector_load %arg17[%get3A_651, %get3A_652] {strides = array<i32>} : memref<39x16xf32, #tpu.memory_space<vmem>>, vector<1x16xf32>,
    %get3A_654 = vector.shape_cast %get3A_653 : vector<1x16xf32> to vector<16xf32>
    %add3A_655 = arith.addf %get3A_649, %get3A_654 : vector<16xf32>
    %swap3A_656 = arith.constant 38 : i32
    %swap3A_657 = arith.index_cast %swap3A_656 : i32 to index
    %swap3A_658 = arith.constant 0 : index
    %swap3A_659 = tpu.vector_load %arg16[%swap3A_657, %swap3A_658] {strides = array<i32>} : memref<39x16xf32, #tpu.memory_space<vmem>>, vector<1x16xf32>,
    %swap3A_660 = vector.shape_cast %swap3A_659 : vector<1x16xf32> to vector<16xf32>
    %swap3A_661 = vector.shape_cast %add3A_655 : vector<16xf32> to vector<1x16xf32>
    tpu.vector_store %arg16[%swap3A_657, %swap3A_658], %swap3A_661 {strides = array<i32>} : memref<39x16xf32, #tpu.memory_space<vmem>>, vector<1x16xf32>,
    %mul3A_662 = arith.constant 104 : i32
    %mul3A_663 = arith.muli %add3A, %mul3A_662 : i32
    "tpu.region"() ({
      %run_scoped3A = tpu.sem_alloc : memref<!tpu.dma_semaphore, #tpu.memory_space<semaphore_mem>>
      %dma_start3A = arith.constant 0 : i32
      %dma_start3A_675 = tpu.memref_slice %arg2[%mul3A_663, %dma_start3A] : memref<3328x128xi32, #tpu.memory_space<hbm>> -> memref<104x128xi32, #tpu.memory_space<hbm>>
      %dma_start3A_676 = arith.constant 0 : i32
      %dma_start3A_677 = tpu.memref_slice %arg2[%mul3A_663, %dma_start3A_676] : memref<3328x128xi32, #tpu.memory_space<hbm>> -> memref<104x128xi32, #tpu.memory_space<hbm>>
      tpu.enqueue_dma source(%dma_start3A_677 : memref<104x128xi32, #tpu.memory_space<hbm>>) target(%arg10 : memref<104x128xi32, #tpu.memory_space<vmem>>) target_semaphore(%run_scoped3A : memref<!tpu.dma_semaphore, #tpu.memory_space<semaphore_mem>>)
      %dma_wait3A = arith.constant 0 : i32
      %dma_wait3A_678 = tpu.memref_slice %arg2[%mul3A_663, %dma_wait3A] : memref<3328x128xi32, #tpu.memory_space<hbm>> -> memref<104x128xi32, #tpu.memory_space<hbm>>
      %dma_wait3A_679 = arith.constant 0 : i32
      %dma_wait3A_680 = tpu.memref_slice %arg2[%mul3A_663, %dma_wait3A_679] : memref<3328x128xi32, #tpu.memory_space<hbm>> -> memref<104x128xi32, #tpu.memory_space<hbm>>
      tpu.wait_dma2 semaphore(%run_scoped3A : memref<!tpu.dma_semaphore, #tpu.memory_space<semaphore_mem>>) src(%dma_wait3A_680 : memref<104x128xi32, #tpu.memory_space<hbm>>) dst(%arg10 : memref<104x128xi32, #tpu.memory_space<vmem>>)
      tpu.yield
    }) : () -> ()
    %scan3A = arith.constant 0 : i32
    %scan3A_664 = arith.constant 0 : i32
    %scan3A_665 = arith.constant 8 : i32
    %scan3A_666 = arith.addi %scan3A_664, %scan3A_665 : i32
    %scan3A_667 = arith.constant 1 : i32
    scf.for %scan3A_675 = %scan3A_664 to %scan3A_666 step %scan3A_667  : i32 {
      %mul3A_676 = arith.constant 13 : i32
      %mul3A_677 = arith.muli %scan3A_675, %mul3A_676 : i32
      %add3A_678 = arith.constant 0 : i32
      %add3A_679 = arith.addi %mul3A_677, %add3A_678 : i32
      %get3A_680 = arith.index_cast %add3A_679 : i32 to index
      %get3A_681 = arith.constant 0 : index
      %get3A_682 = tpu.vector_load %arg10[%get3A_680, %get3A_681] {strides = array<i32>} : memref<104x128xi32, #tpu.memory_space<vmem>>, vector<1x16xi32>,
      %get3A_683 = vector.shape_cast %get3A_682 : vector<1x16xi32> to vector<16xi32>
      %get3A_684 = arith.constant 0 : i32
      %get3A_685 = arith.index_cast %get3A_684 : i32 to index
      %get3A_686 = arith.constant 0 : index
      %get3A_687 = tpu.vector_load %arg11[%get3A_685, %get3A_686] {strides = array<i32>} : memref<13x128xi32, #tpu.memory_space<vmem>>, vector<1x16xi32>,
      %get3A_688 = vector.shape_cast %get3A_687 : vector<1x16xi32> to vector<16xi32>
      %add3A_689 = arith.addi %get3A_683, %get3A_688 : vector<16xi32>
      %mul3A_690 = arith.constant 13 : i32
      %mul3A_691 = arith.muli %scan3A_675, %mul3A_690 : i32
      %add3A_692 = arith.constant 0 : i32
      %add3A_693 = arith.addi %mul3A_691, %add3A_692 : i32
      %swap3A_694 = arith.index_cast %add3A_693 : i32 to index
      %swap3A_695 = arith.constant 0 : index
      %swap3A_696 = tpu.vector_load %arg10[%swap3A_694, %swap3A_695] {strides = array<i32>} : memref<104x128xi32, #tpu.memory_space<vmem>>, vector<1x16xi32>,
      %swap3A_697 = vector.shape_cast %swap3A_696 : vector<1x16xi32> to vector<16xi32>
      %swap3A_698 = vector.shape_cast %add3A_689 : vector<16xi32> to vector<1x16xi32>
      tpu.vector_store %arg10[%swap3A_694, %swap3A_695], %swap3A_698 {strides = array<i32>} : memref<104x128xi32, #tpu.memory_space<vmem>>, vector<1x16xi32>,
      %mul3A_699 = arith.constant 13 : i32
      %mul3A_700 = arith.muli %scan3A_675, %mul3A_699 : i32
      %add3A_701 = arith.constant 0 : i32
      %add3A_702 = arith.addi %mul3A_700, %add3A_701 : i32
      %get3A_703 = arith.index_cast %add3A_702 : i32 to index
      %get3A_704 = arith.constant 16 : index
      %get3A_705 = tpu.vector_load %arg10[%get3A_703, %get3A_704] {strides = array<i32>} : memref<104x128xi32, #tpu.memory_space<vmem>>, vector<1x16xi32>,
      %get3A_706 = vector.shape_cast %get3A_705 : vector<1x16xi32> to vector<16xi32>
      %get3A_707 = arith.constant 0 : i32
      %get3A_708 = arith.index_cast %get3A_707 : i32 to index
      %get3A_709 = arith.constant 16 : index
      %get3A_710 = tpu.vector_load %arg11[%get3A_708, %get3A_709] {strides = array<i32>} : memref<13x128xi32, #tpu.memory_space<vmem>>, vector<1x16xi32>,
      %get3A_711 = vector.shape_cast %get3A_710 : vector<1x16xi32> to vector<16xi32>
      %add3A_712 = arith.addi %get3A_706, %get3A_711 : vector<16xi32>
      %mul3A_713 = arith.constant 13 : i32
      %mul3A_714 = arith.muli %scan3A_675, %mul3A_713 : i32
      %add3A_715 = arith.constant 0 : i32
      %add3A_716 = arith.addi %mul3A_714, %add3A_715 : i32
      %swap3A_717 = arith.index_cast %add3A_716 : i32 to index
      %swap3A_718 = arith.constant 16 : index
      %swap3A_719 = tpu.vector_load %arg10[%swap3A_717, %swap3A_718] {strides = array<i32>} : memref<104x128xi32, #tpu.memory_space<vmem>>, vector<1x16xi32>,
      %swap3A_720 = vector.shape_cast %swap3A_719 : vector<1x16xi32> to vector<16xi32>
      %swap3A_721 = vector.shape_cast %add3A_712 : vector<16xi32> to vector<1x16xi32>
      tpu.vector_store %arg10[%swap3A_717, %swap3A_718], %swap3A_721 {strides = array<i32>} : memref<104x128xi32, #tpu.memory_space<vmem>>, vector<1x16xi32>,
      %mul3A_722 = arith.constant 13 : i32
      %mul3A_723 = arith.muli %scan3A_675, %mul3A_722 : i32
      %add3A_724 = arith.constant 0 : i32
      %add3A_725 = arith.addi %mul3A_723, %add3A_724 : i32
      %get3A_726 = arith.index_cast %add3A_725 : i32 to index
      %get3A_727 = arith.constant 32 : index
      %get3A_728 = tpu.vector_load %arg10[%get3A_726, %get3A_727] {strides = array<i32>} : memref<104x128xi32, #tpu.memory_space<vmem>>, vector<1x16xi32>,
      %get3A_729 = vector.shape_cast %get3A_728 : vector<1x16xi32> to vector<16xi32>
      %get3A_730 = arith.constant 0 : i32
      %get3A_731 = arith.index_cast %get3A_730 : i32 to index
      %get3A_732 = arith.constant 32 : index
      %get3A_733 = tpu.vector_load %arg11[%get3A_731, %get3A_732] {strides = array<i32>} : memref<13x128xi32, #tpu.memory_space<vmem>>, vector<1x16xi32>,
      %get3A_734 = vector.shape_cast %get3A_733 : vector<1x16xi32> to vector<16xi32>
      %add3A_735 = arith.addi %get3A_729, %get3A_734 : vector<16xi32>
      %mul3A_736 = arith.constant 13 : i32
      %mul3A_737 = arith.muli %scan3A_675, %mul3A_736 : i32
      %add3A_738 = arith.constant 0 : i32
      %add3A_739 = arith.addi %mul3A_737, %add3A_738 : i32
      %swap3A_740 = arith.index_cast %add3A_739 : i32 to index
      %swap3A_741 = arith.constant 32 : index
      %swap3A_742 = tpu.vector_load %arg10[%swap3A_740, %swap3A_741] {strides = array<i32>} : memref<104x128xi32, #tpu.memory_space<vmem>>, vector<1x16xi32>,
      %swap3A_743 = vector.shape_cast %swap3A_742 : vector<1x16xi32> to vector<16xi32>
      %swap3A_744 = vector.shape_cast %add3A_735 : vector<16xi32> to vector<1x16xi32>
      tpu.vector_store %arg10[%swap3A_740, %swap3A_741], %swap3A_744 {strides = array<i32>} : memref<104x128xi32, #tpu.memory_space<vmem>>, vector<1x16xi32>,
      %mul3A_745 = arith.constant 13 : i32
      %mul3A_746 = arith.muli %scan3A_675, %mul3A_745 : i32
      %add3A_747 = arith.constant 0 : i32
      %add3A_748 = arith.addi %mul3A_746, %add3A_747 : i32
      %get3A_749 = arith.index_cast %add3A_748 : i32 to index
      %get3A_750 = arith.constant 48 : index
      %get3A_751 = tpu.vector_load %arg10[%get3A_749, %get3A_750] {strides = array<i32>} : memref<104x128xi32, #tpu.memory_space<vmem>>, vector<1x16xi32>,
      %get3A_752 = vector.shape_cast %get3A_751 : vector<1x16xi32> to vector<16xi32>
      %get3A_753 = arith.constant 0 : i32
      %get3A_754 = arith.index_cast %get3A_753 : i32 to index
      %get3A_755 = arith.constant 48 : index
      %get3A_756 = tpu.vector_load %arg11[%get3A_754, %get3A_755] {strides = array<i32>} : memref<13x128xi32, #tpu.memory_space<vmem>>, vector<1x16xi32>,
      %get3A_757 = vector.shape_cast %get3A_756 : vector<1x16xi32> to vector<16xi32>
      %add3A_758 = arith.addi %get3A_752, %get3A_757 : vector<16xi32>
      %mul3A_759 = arith.constant 13 : i32
      %mul3A_760 = arith.muli %scan3A_675, %mul3A_759 : i32
      %add3A_761 = arith.constant 0 : i32
      %add3A_762 = arith.addi %mul3A_760, %add3A_761 : i32
      %swap3A_763 = arith.index_cast %add3A_762 : i32 to index
      %swap3A_764 = arith.constant 48 : index
      %swap3A_765 = tpu.vector_load %arg10[%swap3A_763, %swap3A_764] {strides = array<i32>} : memref<104x128xi32, #tpu.memory_space<vmem>>, vector<1x16xi32>,
      %swap3A_766 = vector.shape_cast %swap3A_765 : vector<1x16xi32> to vector<16xi32>
      %swap3A_767 = vector.shape_cast %add3A_758 : vector<16xi32> to vector<1x16xi32>
      tpu.vector_store %arg10[%swap3A_763, %swap3A_764], %swap3A_767 {strides = array<i32>} : memref<104x128xi32, #tpu.memory_space<vmem>>, vector<1x16xi32>,
      %mul3A_768 = arith.constant 13 : i32
      %mul3A_769 = arith.muli %scan3A_675, %mul3A_768 : i32
      %add3A_770 = arith.constant 0 : i32
      %add3A_771 = arith.addi %mul3A_769, %add3A_770 : i32
      %get3A_772 = arith.index_cast %add3A_771 : i32 to index
      %get3A_773 = arith.constant 64 : index
      %get3A_774 = tpu.vector_load %arg10[%get3A_772, %get3A_773] {strides = array<i32>} : memref<104x128xi32, #tpu.memory_space<vmem>>, vector<1x16xi32>,
      %get3A_775 = vector.shape_cast %get3A_774 : vector<1x16xi32> to vector<16xi32>
      %get3A_776 = arith.constant 0 : i32
      %get3A_777 = arith.index_cast %get3A_776 : i32 to index
      %get3A_778 = arith.constant 64 : index
      %get3A_779 = tpu.vector_load %arg11[%get3A_777, %get3A_778] {strides = array<i32>} : memref<13x128xi32, #tpu.memory_space<vmem>>, vector<1x16xi32>,
      %get3A_780 = vector.shape_cast %get3A_779 : vector<1x16xi32> to vector<16xi32>
      %add3A_781 = arith.addi %get3A_775, %get3A_780 : vector<16xi32>
      %mul3A_782 = arith.constant 13 : i32
      %mul3A_783 = arith.muli %scan3A_675, %mul3A_782 : i32
      %add3A_784 = arith.constant 0 : i32
      %add3A_785 = arith.addi %mul3A_783, %add3A_784 : i32
      %swap3A_786 = arith.index_cast %add3A_785 : i32 to index
      %swap3A_787 = arith.constant 64 : index
      %swap3A_788 = tpu.vector_load %arg10[%swap3A_786, %swap3A_787] {strides = array<i32>} : memref<104x128xi32, #tpu.memory_space<vmem>>, vector<1x16xi32>,
      %swap3A_789 = vector.shape_cast %swap3A_788 : vector<1x16xi32> to vector<16xi32>
      %swap3A_790 = vector.shape_cast %add3A_781 : vector<16xi32> to vector<1x16xi32>
      tpu.vector_store %arg10[%swap3A_786, %swap3A_787], %swap3A_790 {strides = array<i32>} : memref<104x128xi32, #tpu.memory_space<vmem>>, vector<1x16xi32>,
      %mul3A_791 = arith.constant 13 : i32
      %mul3A_792 = arith.muli %scan3A_675, %mul3A_791 : i32
      %add3A_793 = arith.constant 0 : i32
      %add3A_794 = arith.addi %mul3A_792, %add3A_793 : i32
      %get3A_795 = arith.index_cast %add3A_794 : i32 to index
      %get3A_796 = arith.constant 80 : index
      %get3A_797 = tpu.vector_load %arg10[%get3A_795, %get3A_796] {strides = array<i32>} : memref<104x128xi32, #tpu.memory_space<vmem>>, vector<1x16xi32>,
      %get3A_798 = vector.shape_cast %get3A_797 : vector<1x16xi32> to vector<16xi32>
      %get3A_799 = arith.constant 0 : i32
      %get3A_800 = arith.index_cast %get3A_799 : i32 to index
      %get3A_801 = arith.constant 80 : index
      %get3A_802 = tpu.vector_load %arg11[%get3A_800, %get3A_801] {strides = array<i32>} : memref<13x128xi32, #tpu.memory_space<vmem>>, vector<1x16xi32>,
      %get3A_803 = vector.shape_cast %get3A_802 : vector<1x16xi32> to vector<16xi32>
      %add3A_804 = arith.addi %get3A_798, %get3A_803 : vector<16xi32>
      %mul3A_805 = arith.constant 13 : i32
      %mul3A_806 = arith.muli %scan3A_675, %mul3A_805 : i32
      %add3A_807 = arith.constant 0 : i32
      %add3A_808 = arith.addi %mul3A_806, %add3A_807 : i32
      %swap3A_809 = arith.index_cast %add3A_808 : i32 to index
      %swap3A_810 = arith.constant 80 : index
      %swap3A_811 = tpu.vector_load %arg10[%swap3A_809, %swap3A_810] {strides = array<i32>} : memref<104x128xi32, #tpu.memory_space<vmem>>, vector<1x16xi32>,
      %swap3A_812 = vector.shape_cast %swap3A_811 : vector<1x16xi32> to vector<16xi32>
      %swap3A_813 = vector.shape_cast %add3A_804 : vector<16xi32> to vector<1x16xi32>
      tpu.vector_store %arg10[%swap3A_809, %swap3A_810], %swap3A_813 {strides = array<i32>} : memref<104x128xi32, #tpu.memory_space<vmem>>, vector<1x16xi32>,
      %mul3A_814 = arith.constant 13 : i32
      %mul3A_815 = arith.muli %scan3A_675, %mul3A_814 : i32
      %add3A_816 = arith.constant 0 : i32
      %add3A_817 = arith.addi %mul3A_815, %add3A_816 : i32
      %get3A_818 = arith.index_cast %add3A_817 : i32 to index
      %get3A_819 = arith.constant 96 : index
      %get3A_820 = tpu.vector_load %arg10[%get3A_818, %get3A_819] {strides = array<i32>} : memref<104x128xi32, #tpu.memory_space<vmem>>, vector<1x16xi32>,
      %get3A_821 = vector.shape_cast %get3A_820 : vector<1x16xi32> to vector<16xi32>
      %get3A_822 = arith.constant 0 : i32
      %get3A_823 = arith.index_cast %get3A_822 : i32 to index
      %get3A_824 = arith.constant 96 : index
      %get3A_825 = tpu.vector_load %arg11[%get3A_823, %get3A_824] {strides = array<i32>} : memref<13x128xi32, #tpu.memory_space<vmem>>, vector<1x16xi32>,
      %get3A_826 = vector.shape_cast %get3A_825 : vector<1x16xi32> to vector<16xi32>
      %add3A_827 = arith.addi %get3A_821, %get3A_826 : vector<16xi32>
      %mul3A_828 = arith.constant 13 : i32
      %mul3A_829 = arith.muli %scan3A_675, %mul3A_828 : i32
      %add3A_830 = arith.constant 0 : i32
      %add3A_831 = arith.addi %mul3A_829, %add3A_830 : i32
      %swap3A_832 = arith.index_cast %add3A_831 : i32 to index
      %swap3A_833 = arith.constant 96 : index
      %swap3A_834 = tpu.vector_load %arg10[%swap3A_832, %swap3A_833] {strides = array<i32>} : memref<104x128xi32, #tpu.memory_space<vmem>>, vector<1x16xi32>,
      %swap3A_835 = vector.shape_cast %swap3A_834 : vector<1x16xi32> to vector<16xi32>
      %swap3A_836 = vector.shape_cast %add3A_827 : vector<16xi32> to vector<1x16xi32>
      tpu.vector_store %arg10[%swap3A_832, %swap3A_833], %swap3A_836 {strides = array<i32>} : memref<104x128xi32, #tpu.memory_space<vmem>>, vector<1x16xi32>,
      %mul3A_837 = arith.constant 13 : i32
      %mul3A_838 = arith.muli %scan3A_675, %mul3A_837 : i32
      %add3A_839 = arith.constant 0 : i32
      %add3A_840 = arith.addi %mul3A_838, %add3A_839 : i32
      %get3A_841 = arith.index_cast %add3A_840 : i32 to index
      %get3A_842 = arith.constant 112 : index
      %get3A_843 = tpu.vector_load %arg10[%get3A_841, %get3A_842] {strides = array<i32>} : memref<104x128xi32, #tpu.memory_space<vmem>>, vector<1x16xi32>,
      %get3A_844 = vector.shape_cast %get3A_843 : vector<1x16xi32> to vector<16xi32>
      %get3A_845 = arith.constant 0 : i32
      %get3A_846 = arith.index_cast %get3A_845 : i32 to index
      %get3A_847 = arith.constant 112 : index
      %get3A_848 = tpu.vector_load %arg11[%get3A_846, %get3A_847] {strides = array<i32>} : memref<13x128xi32, #tpu.memory_space<vmem>>, vector<1x16xi32>,
      %get3A_849 = vector.shape_cast %get3A_848 : vector<1x16xi32> to vector<16xi32>
      %add3A_850 = arith.addi %get3A_844, %get3A_849 : vector<16xi32>
      %mul3A_851 = arith.constant 13 : i32
      %mul3A_852 = arith.muli %scan3A_675, %mul3A_851 : i32
      %add3A_853 = arith.constant 0 : i32
      %add3A_854 = arith.addi %mul3A_852, %add3A_853 : i32
      %swap3A_855 = arith.index_cast %add3A_854 : i32 to index
      %swap3A_856 = arith.constant 112 : index
      %swap3A_857 = tpu.vector_load %arg10[%swap3A_855, %swap3A_856] {strides = array<i32>} : memref<104x128xi32, #tpu.memory_space<vmem>>, vector<1x16xi32>,
      %swap3A_858 = vector.shape_cast %swap3A_857 : vector<1x16xi32> to vector<16xi32>
      %swap3A_859 = vector.shape_cast %add3A_850 : vector<16xi32> to vector<1x16xi32>
      tpu.vector_store %arg10[%swap3A_855, %swap3A_856], %swap3A_859 {strides = array<i32>} : memref<104x128xi32, #tpu.memory_space<vmem>>, vector<1x16xi32>,
      %mul3A_860 = arith.constant 13 : i32
      %mul3A_861 = arith.muli %scan3A_675, %mul3A_860 : i32
      %add3A_862 = arith.constant 1 : i32
      %add3A_863 = arith.addi %mul3A_861, %add3A_862 : i32
      %get3A_864 = arith.index_cast %add3A_863 : i32 to index
      %get3A_865 = arith.constant 0 : index
      %get3A_866 = tpu.vector_load %arg10[%get3A_864, %get3A_865] {strides = array<i32>} : memref<104x128xi32, #tpu.memory_space<vmem>>, vector<1x16xi32>,
      %get3A_867 = vector.shape_cast %get3A_866 : vector<1x16xi32> to vector<16xi32>
      %get3A_868 = arith.constant 1 : i32
      %get3A_869 = arith.index_cast %get3A_868 : i32 to index
      %get3A_870 = arith.constant 0 : index
      %get3A_871 = tpu.vector_load %arg11[%get3A_869, %get3A_870] {strides = array<i32>} : memref<13x128xi32, #tpu.memory_space<vmem>>, vector<1x16xi32>,
      %get3A_872 = vector.shape_cast %get3A_871 : vector<1x16xi32> to vector<16xi32>
      %add3A_873 = arith.addi %get3A_867, %get3A_872 : vector<16xi32>
      %mul3A_874 = arith.constant 13 : i32
      %mul3A_875 = arith.muli %scan3A_675, %mul3A_874 : i32
      %add3A_876 = arith.constant 1 : i32
      %add3A_877 = arith.addi %mul3A_875, %add3A_876 : i32
      %swap3A_878 = arith.index_cast %add3A_877 : i32 to index
      %swap3A_879 = arith.constant 0 : index
      %swap3A_880 = tpu.vector_load %arg10[%swap3A_878, %swap3A_879] {strides = array<i32>} : memref<104x128xi32, #tpu.memory_space<vmem>>, vector<1x16xi32>,
      %swap3A_881 = vector.shape_cast %swap3A_880 : vector<1x16xi32> to vector<16xi32>
      %swap3A_882 = vector.shape_cast %add3A_873 : vector<16xi32> to vector<1x16xi32>
      tpu.vector_store %arg10[%swap3A_878, %swap3A_879], %swap3A_882 {strides = array<i32>} : memref<104x128xi32, #tpu.memory_space<vmem>>, vector<1x16xi32>,
      %mul3A_883 = arith.constant 13 : i32
      %mul3A_884 = arith.muli %scan3A_675, %mul3A_883 : i32
      %add3A_885 = arith.constant 1 : i32
      %add3A_886 = arith.addi %mul3A_884, %add3A_885 : i32
      %get3A_887 = arith.index_cast %add3A_886 : i32 to index
      %get3A_888 = arith.constant 16 : index
      %get3A_889 = tpu.vector_load %arg10[%get3A_887, %get3A_888] {strides = array<i32>} : memref<104x128xi32, #tpu.memory_space<vmem>>, vector<1x16xi32>,
      %get3A_890 = vector.shape_cast %get3A_889 : vector<1x16xi32> to vector<16xi32>
      %get3A_891 = arith.constant 1 : i32
      %get3A_892 = arith.index_cast %get3A_891 : i32 to index
      %get3A_893 = arith.constant 16 : index
      %get3A_894 = tpu.vector_load %arg11[%get3A_892, %get3A_893] {strides = array<i32>} : memref<13x128xi32, #tpu.memory_space<vmem>>, vector<1x16xi32>,
      %get3A_895 = vector.shape_cast %get3A_894 : vector<1x16xi32> to vector<16xi32>
      %add3A_896 = arith.addi %get3A_890, %get3A_895 : vector<16xi32>
      %mul3A_897 = arith.constant 13 : i32
      %mul3A_898 = arith.muli %scan3A_675, %mul3A_897 : i32
      %add3A_899 = arith.constant 1 : i32
      %add3A_900 = arith.addi %mul3A_898, %add3A_899 : i32
      %swap3A_901 = arith.index_cast %add3A_900 : i32 to index
      %swap3A_902 = arith.constant 16 : index
      %swap3A_903 = tpu.vector_load %arg10[%swap3A_901, %swap3A_902] {strides = array<i32>} : memref<104x128xi32, #tpu.memory_space<vmem>>, vector<1x16xi32>,
      %swap3A_904 = vector.shape_cast %swap3A_903 : vector<1x16xi32> to vector<16xi32>
      %swap3A_905 = vector.shape_cast %add3A_896 : vector<16xi32> to vector<1x16xi32>
      tpu.vector_store %arg10[%swap3A_901, %swap3A_902], %swap3A_905 {strides = array<i32>} : memref<104x128xi32, #tpu.memory_space<vmem>>, vector<1x16xi32>,
      %mul3A_906 = arith.constant 13 : i32
      %mul3A_907 = arith.muli %scan3A_675, %mul3A_906 : i32
      %add3A_908 = arith.constant 1 : i32
      %add3A_909 = arith.addi %mul3A_907, %add3A_908 : i32
      %get3A_910 = arith.index_cast %add3A_909 : i32 to index
      %get3A_911 = arith.constant 32 : index
      %get3A_912 = tpu.vector_load %arg10[%get3A_910, %get3A_911] {strides = array<i32>} : memref<104x128xi32, #tpu.memory_space<vmem>>, vector<1x16xi32>,
      %get3A_913 = vector.shape_cast %get3A_912 : vector<1x16xi32> to vector<16xi32>
      %get3A_914 = arith.constant 1 : i32
      %get3A_915 = arith.index_cast %get3A_914 : i32 to index
      %get3A_916 = arith.constant 32 : index
      %get3A_917 = tpu.vector_load %arg11[%get3A_915, %get3A_916] {strides = array<i32>} : memref<13x128xi32, #tpu.memory_space<vmem>>, vector<1x16xi32>,
      %get3A_918 = vector.shape_cast %get3A_917 : vector<1x16xi32> to vector<16xi32>
      %add3A_919 = arith.addi %get3A_913, %get3A_918 : vector<16xi32>
      %mul3A_920 = arith.constant 13 : i32
      %mul3A_921 = arith.muli %scan3A_675, %mul3A_920 : i32
      %add3A_922 = arith.constant 1 : i32
      %add3A_923 = arith.addi %mul3A_921, %add3A_922 : i32
      %swap3A_924 = arith.index_cast %add3A_923 : i32 to index
      %swap3A_925 = arith.constant 32 : index
      %swap3A_926 = tpu.vector_load %arg10[%swap3A_924, %swap3A_925] {strides = array<i32>} : memref<104x128xi32, #tpu.memory_space<vmem>>, vector<1x16xi32>,
      %swap3A_927 = vector.shape_cast %swap3A_926 : vector<1x16xi32> to vector<16xi32>
      %swap3A_928 = vector.shape_cast %add3A_919 : vector<16xi32> to vector<1x16xi32>
      tpu.vector_store %arg10[%swap3A_924, %swap3A_925], %swap3A_928 {strides = array<i32>} : memref<104x128xi32, #tpu.memory_space<vmem>>, vector<1x16xi32>,
      %mul3A_929 = arith.constant 13 : i32
      %mul3A_930 = arith.muli %scan3A_675, %mul3A_929 : i32
      %add3A_931 = arith.constant 1 : i32
      %add3A_932 = arith.addi %mul3A_930, %add3A_931 : i32
      %get3A_933 = arith.index_cast %add3A_932 : i32 to index
      %get3A_934 = arith.constant 48 : index
      %get3A_935 = tpu.vector_load %arg10[%get3A_933, %get3A_934] {strides = array<i32>} : memref<104x128xi32, #tpu.memory_space<vmem>>, vector<1x16xi32>,
      %get3A_936 = vector.shape_cast %get3A_935 : vector<1x16xi32> to vector<16xi32>
      %get3A_937 = arith.constant 1 : i32
      %get3A_938 = arith.index_cast %get3A_937 : i32 to index
      %get3A_939 = arith.constant 48 : index
      %get3A_940 = tpu.vector_load %arg11[%get3A_938, %get3A_939] {strides = array<i32>} : memref<13x128xi32, #tpu.memory_space<vmem>>, vector<1x16xi32>,
      %get3A_941 = vector.shape_cast %get3A_940 : vector<1x16xi32> to vector<16xi32>
      %add3A_942 = arith.addi %get3A_936, %get3A_941 : vector<16xi32>
      %mul3A_943 = arith.constant 13 : i32
      %mul3A_944 = arith.muli %scan3A_675, %mul3A_943 : i32
      %add3A_945 = arith.constant 1 : i32
      %add3A_946 = arith.addi %mul3A_944, %add3A_945 : i32
      %swap3A_947 = arith.index_cast %add3A_946 : i32 to index
      %swap3A_948 = arith.constant 48 : index
      %swap3A_949 = tpu.vector_load %arg10[%swap3A_947, %swap3A_948] {strides = array<i32>} : memref<104x128xi32, #tpu.memory_space<vmem>>, vector<1x16xi32>,
      %swap3A_950 = vector.shape_cast %swap3A_949 : vector<1x16xi32> to vector<16xi32>
      %swap3A_951 = vector.shape_cast %add3A_942 : vector<16xi32> to vector<1x16xi32>
      tpu.vector_store %arg10[%swap3A_947, %swap3A_948], %swap3A_951 {strides = array<i32>} : memref<104x128xi32, #tpu.memory_space<vmem>>, vector<1x16xi32>,
      %mul3A_952 = arith.constant 13 : i32
      %mul3A_953 = arith.muli %scan3A_675, %mul3A_952 : i32
      %add3A_954 = arith.constant 1 : i32
      %add3A_955 = arith.addi %mul3A_953, %add3A_954 : i32
      %get3A_956 = arith.index_cast %add3A_955 : i32 to index
      %get3A_957 = arith.constant 64 : index
      %get3A_958 = tpu.vector_load %arg10[%get3A_956, %get3A_957] {strides = array<i32>} : memref<104x128xi32, #tpu.memory_space<vmem>>, vector<1x16xi32>,
      %get3A_959 = vector.shape_cast %get3A_958 : vector<1x16xi32> to vector<16xi32>
      %get3A_960 = arith.constant 1 : i32
      %get3A_961 = arith.index_cast %get3A_960 : i32 to index
      %get3A_962 = arith.constant 64 : index
      %get3A_963 = tpu.vector_load %arg11[%get3A_961, %get3A_962] {strides = array<i32>} : memref<13x128xi32, #tpu.memory_space<vmem>>, vector<1x16xi32>,
      %get3A_964 = vector.shape_cast %get3A_963 : vector<1x16xi32> to vector<16xi32>
      %add3A_965 = arith.addi %get3A_959, %get3A_964 : vector<16xi32>
      %mul3A_966 = arith.constant 13 : i32
      %mul3A_967 = arith.muli %scan3A_675, %mul3A_966 : i32
      %add3A_968 = arith.constant 1 : i32
      %add3A_969 = arith.addi %mul3A_967, %add3A_968 : i32
      %swap3A_970 = arith.index_cast %add3A_969 : i32 to index
      %swap3A_971 = arith.constant 64 : index
      %swap3A_972 = tpu.vector_load %arg10[%swap3A_970, %swap3A_971] {strides = array<i32>} : memref<104x128xi32, #tpu.memory_space<vmem>>, vector<1x16xi32>,
      %swap3A_973 = vector.shape_cast %swap3A_972 : vector<1x16xi32> to vector<16xi32>
      %swap3A_974 = vector.shape_cast %add3A_965 : vector<16xi32> to vector<1x16xi32>
      tpu.vector_store %arg10[%swap3A_970, %swap3A_971], %swap3A_974 {strides = array<i32>} : memref<104x128xi32, #tpu.memory_space<vmem>>, vector<1x16xi32>,
      %mul3A_975 = arith.constant 13 : i32
      %mul3A_976 = arith.muli %scan3A_675, %mul3A_975 : i32
      %add3A_977 = arith.constant 1 : i32
      %add3A_978 = arith.addi %mul3A_976, %add3A_977 : i32
      %get3A_979 = arith.index_cast %add3A_978 : i32 to index
      %get3A_980 = arith.constant 80 : index
      %get3A_981 = tpu.vector_load %arg10[%get3A_979, %get3A_980] {strides = array<i32>} : memref<104x128xi32, #tpu.memory_space<vmem>>, vector<1x16xi32>,
      %get3A_982 = vector.shape_cast %get3A_981 : vector<1x16xi32> to vector<16xi32>
      %get3A_983 = arith.constant 1 : i32
      %get3A_984 = arith.index_cast %get3A_983 : i32 to index
      %get3A_985 = arith.constant 80 : index
      %get3A_986 = tpu.vector_load %arg11[%get3A_984, %get3A_985] {strides = array<i32>} : memref<13x128xi32, #tpu.memory_space<vmem>>, vector<1x16xi32>,
      %get3A_987 = vector.shape_cast %get3A_986 : vector<1x16xi32> to vector<16xi32>
      %add3A_988 = arith.addi %get3A_982, %get3A_987 : vector<16xi32>
      %mul3A_989 = arith.constant 13 : i32
      %mul3A_990 = arith.muli %scan3A_675, %mul3A_989 : i32
      %add3A_991 = arith.constant 1 : i32
      %add3A_992 = arith.addi %mul3A_990, %add3A_991 : i32
      %swap3A_993 = arith.index_cast %add3A_992 : i32 to index
      %swap3A_994 = arith.constant 80 : index
      %swap3A_995 = tpu.vector_load %arg10[%swap3A_993, %swap3A_994] {strides = array<i32>} : memref<104x128xi32, #tpu.memory_space<vmem>>, vector<1x16xi32>,
      %swap3A_996 = vector.shape_cast %swap3A_995 : vector<1x16xi32> to vector<16xi32>
      %swap3A_997 = vector.shape_cast %add3A_988 : vector<16xi32> to vector<1x16xi32>
      tpu.vector_store %arg10[%swap3A_993, %swap3A_994], %swap3A_997 {strides = array<i32>} : memref<104x128xi32, #tpu.memory_space<vmem>>, vector<1x16xi32>,
      %mul3A_998 = arith.constant 13 : i32
      %mul3A_999 = arith.muli %scan3A_675, %mul3A_998 : i32
      %add3A_1000 = arith.constant 1 : i32
      %add3A_1001 = arith.addi %mul3A_999, %add3A_1000 : i32
      %get3A_1002 = arith.index_cast %add3A_1001 : i32 to index
      %get3A_1003 = arith.constant 96 : index
      %get3A_1004 = tpu.vector_load %arg10[%get3A_1002, %get3A_1003] {strides = array<i32>} : memref<104x128xi32, #tpu.memory_space<vmem>>, vector<1x16xi32>,
      %get3A_1005 = vector.shape_cast %get3A_1004 : vector<1x16xi32> to vector<16xi32>
      %get3A_1006 = arith.constant 1 : i32
      %get3A_1007 = arith.index_cast %get3A_1006 : i32 to index
      %get3A_1008 = arith.constant 96 : index
      %get3A_1009 = tpu.vector_load %arg11[%get3A_1007, %get3A_1008] {strides = array<i32>} : memref<13x128xi32, #tpu.memory_space<vmem>>, vector<1x16xi32>,
      %get3A_1010 = vector.shape_cast %get3A_1009 : vector<1x16xi32> to vector<16xi32>
      %add3A_1011 = arith.addi %get3A_1005, %get3A_1010 : vector<16xi32>
      %mul3A_1012 = arith.constant 13 : i32
      %mul3A_1013 = arith.muli %scan3A_675, %mul3A_1012 : i32
      %add3A_1014 = arith.constant 1 : i32
      %add3A_1015 = arith.addi %mul3A_1013, %add3A_1014 : i32
      %swap3A_1016 = arith.index_cast %add3A_1015 : i32 to index
      %swap3A_1017 = arith.constant 96 : index
      %swap3A_1018 = tpu.vector_load %arg10[%swap3A_1016, %swap3A_1017] {strides = array<i32>} : memref<104x128xi32, #tpu.memory_space<vmem>>, vector<1x16xi32>,
      %swap3A_1019 = vector.shape_cast %swap3A_1018 : vector<1x16xi32> to vector<16xi32>
      %swap3A_1020 = vector.shape_cast %add3A_1011 : vector<16xi32> to vector<1x16xi32>
      tpu.vector_store %arg10[%swap3A_1016, %swap3A_1017], %swap3A_1020 {strides = array<i32>} : memref<104x128xi32, #tpu.memory_space<vmem>>, vector<1x16xi32>,
      %mul3A_1021 = arith.constant 13 : i32
      %mul3A_1022 = arith.muli %scan3A_675, %mul3A_1021 : i32
      %add3A_1023 = arith.constant 1 : i32
      %add3A_1024 = arith.addi %mul3A_1022, %add3A_1023 : i32
      %get3A_1025 = arith.index_cast %add3A_1024 : i32 to index
      %get3A_1026 = arith.constant 112 : index
      %get3A_1027 = tpu.vector_load %arg10[%get3A_1025, %get3A_1026] {strides = array<i32>} : memref<104x128xi32, #tpu.memory_space<vmem>>, vector<1x16xi32>,
      %get3A_1028 = vector.shape_cast %get3A_1027 : vector<1x16xi32> to vector<16xi32>
      %get3A_1029 = arith.constant 1 : i32
      %get3A_1030 = arith.index_cast %get3A_1029 : i32 to index
      %get3A_1031 = arith.constant 112 : index
      %get3A_1032 = tpu.vector_load %arg11[%get3A_1030, %get3A_1031] {strides = array<i32>} : memref<13x128xi32, #tpu.memory_space<vmem>>, vector<1x16xi32>,
      %get3A_1033 = vector.shape_cast %get3A_1032 : vector<1x16xi32> to vector<16xi32>
      %add3A_1034 = arith.addi %get3A_1028, %get3A_1033 : vector<16xi32>
      %mul3A_1035 = arith.constant 13 : i32
      %mul3A_1036 = arith.muli %scan3A_675, %mul3A_1035 : i32
      %add3A_1037 = arith.constant 1 : i32
      %add3A_1038 = arith.addi %mul3A_1036, %add3A_1037 : i32
      %swap3A_1039 = arith.index_cast %add3A_1038 : i32 to index
      %swap3A_1040 = arith.constant 112 : index
      %swap3A_1041 = tpu.vector_load %arg10[%swap3A_1039, %swap3A_1040] {strides = array<i32>} : memref<104x128xi32, #tpu.memory_space<vmem>>, vector<1x16xi32>,
      %swap3A_1042 = vector.shape_cast %swap3A_1041 : vector<1x16xi32> to vector<16xi32>
      %swap3A_1043 = vector.shape_cast %add3A_1034 : vector<16xi32> to vector<1x16xi32>
      tpu.vector_store %arg10[%swap3A_1039, %swap3A_1040], %swap3A_1043 {strides = array<i32>} : memref<104x128xi32, #tpu.memory_space<vmem>>, vector<1x16xi32>,
      %mul3A_1044 = arith.constant 13 : i32
      %mul3A_1045 = arith.muli %scan3A_675, %mul3A_1044 : i32
      %add3A_1046 = arith.constant 2 : i32
      %add3A_1047 = arith.addi %mul3A_1045, %add3A_1046 : i32
      %get3A_1048 = arith.index_cast %add3A_1047 : i32 to index
      %get3A_1049 = arith.constant 0 : index
      %get3A_1050 = tpu.vector_load %arg10[%get3A_1048, %get3A_1049] {strides = array<i32>} : memref<104x128xi32, #tpu.memory_space<vmem>>, vector<1x16xi32>,
      %get3A_1051 = vector.shape_cast %get3A_1050 : vector<1x16xi32> to vector<16xi32>
      %get3A_1052 = arith.constant 2 : i32
      %get3A_1053 = arith.index_cast %get3A_1052 : i32 to index
      %get3A_1054 = arith.constant 0 : index
      %get3A_1055 = tpu.vector_load %arg11[%get3A_1053, %get3A_1054] {strides = array<i32>} : memref<13x128xi32, #tpu.memory_space<vmem>>, vector<1x16xi32>,
      %get3A_1056 = vector.shape_cast %get3A_1055 : vector<1x16xi32> to vector<16xi32>
      %add3A_1057 = arith.addi %get3A_1051, %get3A_1056 : vector<16xi32>
      %mul3A_1058 = arith.constant 13 : i32
      %mul3A_1059 = arith.muli %scan3A_675, %mul3A_1058 : i32
      %add3A_1060 = arith.constant 2 : i32
      %add3A_1061 = arith.addi %mul3A_1059, %add3A_1060 : i32
      %swap3A_1062 = arith.index_cast %add3A_1061 : i32 to index
      %swap3A_1063 = arith.constant 0 : index
      %swap3A_1064 = tpu.vector_load %arg10[%swap3A_1062, %swap3A_1063] {strides = array<i32>} : memref<104x128xi32, #tpu.memory_space<vmem>>, vector<1x16xi32>,
      %swap3A_1065 = vector.shape_cast %swap3A_1064 : vector<1x16xi32> to vector<16xi32>
      %swap3A_1066 = vector.shape_cast %add3A_1057 : vector<16xi32> to vector<1x16xi32>
      tpu.vector_store %arg10[%swap3A_1062, %swap3A_1063], %swap3A_1066 {strides = array<i32>} : memref<104x128xi32, #tpu.memory_space<vmem>>, vector<1x16xi32>,
      %mul3A_1067 = arith.constant 13 : i32
      %mul3A_1068 = arith.muli %scan3A_675, %mul3A_1067 : i32
      %add3A_1069 = arith.constant 2 : i32
      %add3A_1070 = arith.addi %mul3A_1068, %add3A_1069 : i32
      %get3A_1071 = arith.index_cast %add3A_1070 : i32 to index
      %get3A_1072 = arith.constant 16 : index
      %get3A_1073 = tpu.vector_load %arg10[%get3A_1071, %get3A_1072] {strides = array<i32>} : memref<104x128xi32, #tpu.memory_space<vmem>>, vector<1x16xi32>,
      %get3A_1074 = vector.shape_cast %get3A_1073 : vector<1x16xi32> to vector<16xi32>
      %get3A_1075 = arith.constant 2 : i32
      %get3A_1076 = arith.index_cast %get3A_1075 : i32 to index
      %get3A_1077 = arith.constant 16 : index
      %get3A_1078 = tpu.vector_load %arg11[%get3A_1076, %get3A_1077] {strides = array<i32>} : memref<13x128xi32, #tpu.memory_space<vmem>>, vector<1x16xi32>,
      %get3A_1079 = vector.shape_cast %get3A_1078 : vector<1x16xi32> to vector<16xi32>
      %add3A_1080 = arith.addi %get3A_1074, %get3A_1079 : vector<16xi32>
      %mul3A_1081 = arith.constant 13 : i32
      %mul3A_1082 = arith.muli %scan3A_675, %mul3A_1081 : i32
      %add3A_1083 = arith.constant 2 : i32
      %add3A_1084 = arith.addi %mul3A_1082, %add3A_1083 : i32
      %swap3A_1085 = arith.index_cast %add3A_1084 : i32 to index
      %swap3A_1086 = arith.constant 16 : index
      %swap3A_1087 = tpu.vector_load %arg10[%swap3A_1085, %swap3A_1086] {strides = array<i32>} : memref<104x128xi32, #tpu.memory_space<vmem>>, vector<1x16xi32>,
      %swap3A_1088 = vector.shape_cast %swap3A_1087 : vector<1x16xi32> to vector<16xi32>
      %swap3A_1089 = vector.shape_cast %add3A_1080 : vector<16xi32> to vector<1x16xi32>
      tpu.vector_store %arg10[%swap3A_1085, %swap3A_1086], %swap3A_1089 {strides = array<i32>} : memref<104x128xi32, #tpu.memory_space<vmem>>, vector<1x16xi32>,
      %mul3A_1090 = arith.constant 13 : i32
      %mul3A_1091 = arith.muli %scan3A_675, %mul3A_1090 : i32
      %add3A_1092 = arith.constant 2 : i32
      %add3A_1093 = arith.addi %mul3A_1091, %add3A_1092 : i32
      %get3A_1094 = arith.index_cast %add3A_1093 : i32 to index
      %get3A_1095 = arith.constant 32 : index
      %get3A_1096 = tpu.vector_load %arg10[%get3A_1094, %get3A_1095] {strides = array<i32>} : memref<104x128xi32, #tpu.memory_space<vmem>>, vector<1x16xi32>,
      %get3A_1097 = vector.shape_cast %get3A_1096 : vector<1x16xi32> to vector<16xi32>
      %get3A_1098 = arith.constant 2 : i32
      %get3A_1099 = arith.index_cast %get3A_1098 : i32 to index
      %get3A_1100 = arith.constant 32 : index
      %get3A_1101 = tpu.vector_load %arg11[%get3A_1099, %get3A_1100] {strides = array<i32>} : memref<13x128xi32, #tpu.memory_space<vmem>>, vector<1x16xi32>,
      %get3A_1102 = vector.shape_cast %get3A_1101 : vector<1x16xi32> to vector<16xi32>
      %add3A_1103 = arith.addi %get3A_1097, %get3A_1102 : vector<16xi32>
      %mul3A_1104 = arith.constant 13 : i32
      %mul3A_1105 = arith.muli %scan3A_675, %mul3A_1104 : i32
      %add3A_1106 = arith.constant 2 : i32
      %add3A_1107 = arith.addi %mul3A_1105, %add3A_1106 : i32
      %swap3A_1108 = arith.index_cast %add3A_1107 : i32 to index
      %swap3A_1109 = arith.constant 32 : index
      %swap3A_1110 = tpu.vector_load %arg10[%swap3A_1108, %swap3A_1109] {strides = array<i32>} : memref<104x128xi32, #tpu.memory_space<vmem>>, vector<1x16xi32>,
      %swap3A_1111 = vector.shape_cast %swap3A_1110 : vector<1x16xi32> to vector<16xi32>
      %swap3A_1112 = vector.shape_cast %add3A_1103 : vector<16xi32> to vector<1x16xi32>
      tpu.vector_store %arg10[%swap3A_1108, %swap3A_1109], %swap3A_1112 {strides = array<i32>} : memref<104x128xi32, #tpu.memory_space<vmem>>, vector<1x16xi32>,
      %mul3A_1113 = arith.constant 13 : i32
      %mul3A_1114 = arith.muli %scan3A_675, %mul3A_1113 : i32
      %add3A_1115 = arith.constant 2 : i32
      %add3A_1116 = arith.addi %mul3A_1114, %add3A_1115 : i32
      %get3A_1117 = arith.index_cast %add3A_1116 : i32 to index
      %get3A_1118 = arith.constant 48 : index
      %get3A_1119 = tpu.vector_load %arg10[%get3A_1117, %get3A_1118] {strides = array<i32>} : memref<104x128xi32, #tpu.memory_space<vmem>>, vector<1x16xi32>,
      %get3A_1120 = vector.shape_cast %get3A_1119 : vector<1x16xi32> to vector<16xi32>
      %get3A_1121 = arith.constant 2 : i32
      %get3A_1122 = arith.index_cast %get3A_1121 : i32 to index
      %get3A_1123 = arith.constant 48 : index
      %get3A_1124 = tpu.vector_load %arg11[%get3A_1122, %get3A_1123] {strides = array<i32>} : memref<13x128xi32, #tpu.memory_space<vmem>>, vector<1x16xi32>,
      %get3A_1125 = vector.shape_cast %get3A_1124 : vector<1x16xi32> to vector<16xi32>
      %add3A_1126 = arith.addi %get3A_1120, %get3A_1125 : vector<16xi32>
      %mul3A_1127 = arith.constant 13 : i32
      %mul3A_1128 = arith.muli %scan3A_675, %mul3A_1127 : i32
      %add3A_1129 = arith.constant 2 : i32
      %add3A_1130 = arith.addi %mul3A_1128, %add3A_1129 : i32
      %swap3A_1131 = arith.index_cast %add3A_1130 : i32 to index
      %swap3A_1132 = arith.constant 48 : index
      %swap3A_1133 = tpu.vector_load %arg10[%swap3A_1131, %swap3A_1132] {strides = array<i32>} : memref<104x128xi32, #tpu.memory_space<vmem>>, vector<1x16xi32>,
      %swap3A_1134 = vector.shape_cast %swap3A_1133 : vector<1x16xi32> to vector<16xi32>
      %swap3A_1135 = vector.shape_cast %add3A_1126 : vector<16xi32> to vector<1x16xi32>
      tpu.vector_store %arg10[%swap3A_1131, %swap3A_1132], %swap3A_1135 {strides = array<i32>} : memref<104x128xi32, #tpu.memory_space<vmem>>, vector<1x16xi32>,
      %mul3A_1136 = arith.constant 13 : i32
      %mul3A_1137 = arith.muli %scan3A_675, %mul3A_1136 : i32
      %add3A_1138 = arith.constant 2 : i32
      %add3A_1139 = arith.addi %mul3A_1137, %add3A_1138 : i32
      %get3A_1140 = arith.index_cast %add3A_1139 : i32 to index
      %get3A_1141 = arith.constant 64 : index
      %get3A_1142 = tpu.vector_load %arg10[%get3A_1140, %get3A_1141] {strides = array<i32>} : memref<104x128xi32, #tpu.memory_space<vmem>>, vector<1x16xi32>,
      %get3A_1143 = vector.shape_cast %get3A_1142 : vector<1x16xi32> to vector<16xi32>
      %get3A_1144 = arith.constant 2 : i32
      %get3A_1145 = arith.index_cast %get3A_1144 : i32 to index
      %get3A_1146 = arith.constant 64 : index
      %get3A_1147 = tpu.vector_load %arg11[%get3A_1145, %get3A_1146] {strides = array<i32>} : memref<13x128xi32, #tpu.memory_space<vmem>>, vector<1x16xi32>,
      %get3A_1148 = vector.shape_cast %get3A_1147 : vector<1x16xi32> to vector<16xi32>
      %add3A_1149 = arith.addi %get3A_1143, %get3A_1148 : vector<16xi32>
      %mul3A_1150 = arith.constant 13 : i32
      %mul3A_1151 = arith.muli %scan3A_675, %mul3A_1150 : i32
      %add3A_1152 = arith.constant 2 : i32
      %add3A_1153 = arith.addi %mul3A_1151, %add3A_1152 : i32
      %swap3A_1154 = arith.index_cast %add3A_1153 : i32 to index
      %swap3A_1155 = arith.constant 64 : index
      %swap3A_1156 = tpu.vector_load %arg10[%swap3A_1154, %swap3A_1155] {strides = array<i32>} : memref<104x128xi32, #tpu.memory_space<vmem>>, vector<1x16xi32>,
      %swap3A_1157 = vector.shape_cast %swap3A_1156 : vector<1x16xi32> to vector<16xi32>
      %swap3A_1158 = vector.shape_cast %add3A_1149 : vector<16xi32> to vector<1x16xi32>
      tpu.vector_store %arg10[%swap3A_1154, %swap3A_1155], %swap3A_1158 {strides = array<i32>} : memref<104x128xi32, #tpu.memory_space<vmem>>, vector<1x16xi32>,
      %mul3A_1159 = arith.constant 13 : i32
      %mul3A_1160 = arith.muli %scan3A_675, %mul3A_1159 : i32
      %add3A_1161 = arith.constant 2 : i32
      %add3A_1162 = arith.addi %mul3A_1160, %add3A_1161 : i32
      %get3A_1163 = arith.index_cast %add3A_1162 : i32 to index
      %get3A_1164 = arith.constant 80 : index
      %get3A_1165 = tpu.vector_load %arg10[%get3A_1163, %get3A_1164] {strides = array<i32>} : memref<104x128xi32, #tpu.memory_space<vmem>>, vector<1x16xi32>,
      %get3A_1166 = vector.shape_cast %get3A_1165 : vector<1x16xi32> to vector<16xi32>
      %get3A_1167 = arith.constant 2 : i32
      %get3A_1168 = arith.index_cast %get3A_1167 : i32 to index
      %get3A_1169 = arith.constant 80 : index
      %get3A_1170 = tpu.vector_load %arg11[%get3A_1168, %get3A_1169] {strides = array<i32>} : memref<13x128xi32, #tpu.memory_space<vmem>>, vector<1x16xi32>,
      %get3A_1171 = vector.shape_cast %get3A_1170 : vector<1x16xi32> to vector<16xi32>
      %add3A_1172 = arith.addi %get3A_1166, %get3A_1171 : vector<16xi32>
      %mul3A_1173 = arith.constant 13 : i32
      %mul3A_1174 = arith.muli %scan3A_675, %mul3A_1173 : i32
      %add3A_1175 = arith.constant 2 : i32
      %add3A_1176 = arith.addi %mul3A_1174, %add3A_1175 : i32
      %swap3A_1177 = arith.index_cast %add3A_1176 : i32 to index
      %swap3A_1178 = arith.constant 80 : index
      %swap3A_1179 = tpu.vector_load %arg10[%swap3A_1177, %swap3A_1178] {strides = array<i32>} : memref<104x128xi32, #tpu.memory_space<vmem>>, vector<1x16xi32>,
      %swap3A_1180 = vector.shape_cast %swap3A_1179 : vector<1x16xi32> to vector<16xi32>
      %swap3A_1181 = vector.shape_cast %add3A_1172 : vector<16xi32> to vector<1x16xi32>
      tpu.vector_store %arg10[%swap3A_1177, %swap3A_1178], %swap3A_1181 {strides = array<i32>} : memref<104x128xi32, #tpu.memory_space<vmem>>, vector<1x16xi32>,
      %mul3A_1182 = arith.constant 13 : i32
      %mul3A_1183 = arith.muli %scan3A_675, %mul3A_1182 : i32
      %add3A_1184 = arith.constant 2 : i32
      %add3A_1185 = arith.addi %mul3A_1183, %add3A_1184 : i32
      %get3A_1186 = arith.index_cast %add3A_1185 : i32 to index
      %get3A_1187 = arith.constant 96 : index
      %get3A_1188 = tpu.vector_load %arg10[%get3A_1186, %get3A_1187] {strides = array<i32>} : memref<104x128xi32, #tpu.memory_space<vmem>>, vector<1x16xi32>,
      %get3A_1189 = vector.shape_cast %get3A_1188 : vector<1x16xi32> to vector<16xi32>
      %get3A_1190 = arith.constant 2 : i32
      %get3A_1191 = arith.index_cast %get3A_1190 : i32 to index
      %get3A_1192 = arith.constant 96 : index
      %get3A_1193 = tpu.vector_load %arg11[%get3A_1191, %get3A_1192] {strides = array<i32>} : memref<13x128xi32, #tpu.memory_space<vmem>>, vector<1x16xi32>,
      %get3A_1194 = vector.shape_cast %get3A_1193 : vector<1x16xi32> to vector<16xi32>
      %add3A_1195 = arith.addi %get3A_1189, %get3A_1194 : vector<16xi32>
      %mul3A_1196 = arith.constant 13 : i32
      %mul3A_1197 = arith.muli %scan3A_675, %mul3A_1196 : i32
      %add3A_1198 = arith.constant 2 : i32
      %add3A_1199 = arith.addi %mul3A_1197, %add3A_1198 : i32
      %swap3A_1200 = arith.index_cast %add3A_1199 : i32 to index
      %swap3A_1201 = arith.constant 96 : index
      %swap3A_1202 = tpu.vector_load %arg10[%swap3A_1200, %swap3A_1201] {strides = array<i32>} : memref<104x128xi32, #tpu.memory_space<vmem>>, vector<1x16xi32>,
      %swap3A_1203 = vector.shape_cast %swap3A_1202 : vector<1x16xi32> to vector<16xi32>
      %swap3A_1204 = vector.shape_cast %add3A_1195 : vector<16xi32> to vector<1x16xi32>
      tpu.vector_store %arg10[%swap3A_1200, %swap3A_1201], %swap3A_1204 {strides = array<i32>} : memref<104x128xi32, #tpu.memory_space<vmem>>, vector<1x16xi32>,
      %mul3A_1205 = arith.constant 13 : i32
      %mul3A_1206 = arith.muli %scan3A_675, %mul3A_1205 : i32
      %add3A_1207 = arith.constant 2 : i32
      %add3A_1208 = arith.addi %mul3A_1206, %add3A_1207 : i32
      %get3A_1209 = arith.index_cast %add3A_1208 : i32 to index
      %get3A_1210 = arith.constant 112 : index
      %get3A_1211 = tpu.vector_load %arg10[%get3A_1209, %get3A_1210] {strides = array<i32>} : memref<104x128xi32, #tpu.memory_space<vmem>>, vector<1x16xi32>,
      %get3A_1212 = vector.shape_cast %get3A_1211 : vector<1x16xi32> to vector<16xi32>
      %get3A_1213 = arith.constant 2 : i32
      %get3A_1214 = arith.index_cast %get3A_1213 : i32 to index
      %get3A_1215 = arith.constant 112 : index
      %get3A_1216 = tpu.vector_load %arg11[%get3A_1214, %get3A_1215] {strides = array<i32>} : memref<13x128xi32, #tpu.memory_space<vmem>>, vector<1x16xi32>,
      %get3A_1217 = vector.shape_cast %get3A_1216 : vector<1x16xi32> to vector<16xi32>
      %add3A_1218 = arith.addi %get3A_1212, %get3A_1217 : vector<16xi32>
      %mul3A_1219 = arith.constant 13 : i32
      %mul3A_1220 = arith.muli %scan3A_675, %mul3A_1219 : i32
      %add3A_1221 = arith.constant 2 : i32
      %add3A_1222 = arith.addi %mul3A_1220, %add3A_1221 : i32
      %swap3A_1223 = arith.index_cast %add3A_1222 : i32 to index
      %swap3A_1224 = arith.constant 112 : index
      %swap3A_1225 = tpu.vector_load %arg10[%swap3A_1223, %swap3A_1224] {strides = array<i32>} : memref<104x128xi32, #tpu.memory_space<vmem>>, vector<1x16xi32>,
      %swap3A_1226 = vector.shape_cast %swap3A_1225 : vector<1x16xi32> to vector<16xi32>
      %swap3A_1227 = vector.shape_cast %add3A_1218 : vector<16xi32> to vector<1x16xi32>
      tpu.vector_store %arg10[%swap3A_1223, %swap3A_1224], %swap3A_1227 {strides = array<i32>} : memref<104x128xi32, #tpu.memory_space<vmem>>, vector<1x16xi32>,
      %mul3A_1228 = arith.constant 13 : i32
      %mul3A_1229 = arith.muli %scan3A_675, %mul3A_1228 : i32
      %add3A_1230 = arith.constant 3 : i32
      %add3A_1231 = arith.addi %mul3A_1229, %add3A_1230 : i32
      %get3A_1232 = arith.index_cast %add3A_1231 : i32 to index
      %get3A_1233 = arith.constant 0 : index
      %get3A_1234 = tpu.vector_load %arg10[%get3A_1232, %get3A_1233] {strides = array<i32>} : memref<104x128xi32, #tpu.memory_space<vmem>>, vector<1x16xi32>,
      %get3A_1235 = vector.shape_cast %get3A_1234 : vector<1x16xi32> to vector<16xi32>
      %get3A_1236 = arith.constant 3 : i32
      %get3A_1237 = arith.index_cast %get3A_1236 : i32 to index
      %get3A_1238 = arith.constant 0 : index
      %get3A_1239 = tpu.vector_load %arg11[%get3A_1237, %get3A_1238] {strides = array<i32>} : memref<13x128xi32, #tpu.memory_space<vmem>>, vector<1x16xi32>,
      %get3A_1240 = vector.shape_cast %get3A_1239 : vector<1x16xi32> to vector<16xi32>
      %add3A_1241 = arith.addi %get3A_1235, %get3A_1240 : vector<16xi32>
      %mul3A_1242 = arith.constant 13 : i32
      %mul3A_1243 = arith.muli %scan3A_675, %mul3A_1242 : i32
      %add3A_1244 = arith.constant 3 : i32
      %add3A_1245 = arith.addi %mul3A_1243, %add3A_1244 : i32
      %swap3A_1246 = arith.index_cast %add3A_1245 : i32 to index
      %swap3A_1247 = arith.constant 0 : index
      %swap3A_1248 = tpu.vector_load %arg10[%swap3A_1246, %swap3A_1247] {strides = array<i32>} : memref<104x128xi32, #tpu.memory_space<vmem>>, vector<1x16xi32>,
      %swap3A_1249 = vector.shape_cast %swap3A_1248 : vector<1x16xi32> to vector<16xi32>
      %swap3A_1250 = vector.shape_cast %add3A_1241 : vector<16xi32> to vector<1x16xi32>
      tpu.vector_store %arg10[%swap3A_1246, %swap3A_1247], %swap3A_1250 {strides = array<i32>} : memref<104x128xi32, #tpu.memory_space<vmem>>, vector<1x16xi32>,
      %mul3A_1251 = arith.constant 13 : i32
      %mul3A_1252 = arith.muli %scan3A_675, %mul3A_1251 : i32
      %add3A_1253 = arith.constant 3 : i32
      %add3A_1254 = arith.addi %mul3A_1252, %add3A_1253 : i32
      %get3A_1255 = arith.index_cast %add3A_1254 : i32 to index
      %get3A_1256 = arith.constant 16 : index
      %get3A_1257 = tpu.vector_load %arg10[%get3A_1255, %get3A_1256] {strides = array<i32>} : memref<104x128xi32, #tpu.memory_space<vmem>>, vector<1x16xi32>,
      %get3A_1258 = vector.shape_cast %get3A_1257 : vector<1x16xi32> to vector<16xi32>
      %get3A_1259 = arith.constant 3 : i32
      %get3A_1260 = arith.index_cast %get3A_1259 : i32 to index
      %get3A_1261 = arith.constant 16 : index
      %get3A_1262 = tpu.vector_load %arg11[%get3A_1260, %get3A_1261] {strides = array<i32>} : memref<13x128xi32, #tpu.memory_space<vmem>>, vector<1x16xi32>,
      %get3A_1263 = vector.shape_cast %get3A_1262 : vector<1x16xi32> to vector<16xi32>
      %add3A_1264 = arith.addi %get3A_1258, %get3A_1263 : vector<16xi32>
      %mul3A_1265 = arith.constant 13 : i32
      %mul3A_1266 = arith.muli %scan3A_675, %mul3A_1265 : i32
      %add3A_1267 = arith.constant 3 : i32
      %add3A_1268 = arith.addi %mul3A_1266, %add3A_1267 : i32
      %swap3A_1269 = arith.index_cast %add3A_1268 : i32 to index
      %swap3A_1270 = arith.constant 16 : index
      %swap3A_1271 = tpu.vector_load %arg10[%swap3A_1269, %swap3A_1270] {strides = array<i32>} : memref<104x128xi32, #tpu.memory_space<vmem>>, vector<1x16xi32>,
      %swap3A_1272 = vector.shape_cast %swap3A_1271 : vector<1x16xi32> to vector<16xi32>
      %swap3A_1273 = vector.shape_cast %add3A_1264 : vector<16xi32> to vector<1x16xi32>
      tpu.vector_store %arg10[%swap3A_1269, %swap3A_1270], %swap3A_1273 {strides = array<i32>} : memref<104x128xi32, #tpu.memory_space<vmem>>, vector<1x16xi32>,
      %mul3A_1274 = arith.constant 13 : i32
      %mul3A_1275 = arith.muli %scan3A_675, %mul3A_1274 : i32
      %add3A_1276 = arith.constant 3 : i32
      %add3A_1277 = arith.addi %mul3A_1275, %add3A_1276 : i32
      %get3A_1278 = arith.index_cast %add3A_1277 : i32 to index
      %get3A_1279 = arith.constant 32 : index
      %get3A_1280 = tpu.vector_load %arg10[%get3A_1278, %get3A_1279] {strides = array<i32>} : memref<104x128xi32, #tpu.memory_space<vmem>>, vector<1x16xi32>,
      %get3A_1281 = vector.shape_cast %get3A_1280 : vector<1x16xi32> to vector<16xi32>
      %get3A_1282 = arith.constant 3 : i32
      %get3A_1283 = arith.index_cast %get3A_1282 : i32 to index
      %get3A_1284 = arith.constant 32 : index
      %get3A_1285 = tpu.vector_load %arg11[%get3A_1283, %get3A_1284] {strides = array<i32>} : memref<13x128xi32, #tpu.memory_space<vmem>>, vector<1x16xi32>,
      %get3A_1286 = vector.shape_cast %get3A_1285 : vector<1x16xi32> to vector<16xi32>
      %add3A_1287 = arith.addi %get3A_1281, %get3A_1286 : vector<16xi32>
      %mul3A_1288 = arith.constant 13 : i32
      %mul3A_1289 = arith.muli %scan3A_675, %mul3A_1288 : i32
      %add3A_1290 = arith.constant 3 : i32
      %add3A_1291 = arith.addi %mul3A_1289, %add3A_1290 : i32
      %swap3A_1292 = arith.index_cast %add3A_1291 : i32 to index
      %swap3A_1293 = arith.constant 32 : index
      %swap3A_1294 = tpu.vector_load %arg10[%swap3A_1292, %swap3A_1293] {strides = array<i32>} : memref<104x128xi32, #tpu.memory_space<vmem>>, vector<1x16xi32>,
      %swap3A_1295 = vector.shape_cast %swap3A_1294 : vector<1x16xi32> to vector<16xi32>
      %swap3A_1296 = vector.shape_cast %add3A_1287 : vector<16xi32> to vector<1x16xi32>
      tpu.vector_store %arg10[%swap3A_1292, %swap3A_1293], %swap3A_1296 {strides = array<i32>} : memref<104x128xi32, #tpu.memory_space<vmem>>, vector<1x16xi32>,
      %mul3A_1297 = arith.constant 13 : i32
      %mul3A_1298 = arith.muli %scan3A_675, %mul3A_1297 : i32
      %add3A_1299 = arith.constant 3 : i32
      %add3A_1300 = arith.addi %mul3A_1298, %add3A_1299 : i32
      %get3A_1301 = arith.index_cast %add3A_1300 : i32 to index
      %get3A_1302 = arith.constant 48 : index
      %get3A_1303 = tpu.vector_load %arg10[%get3A_1301, %get3A_1302] {strides = array<i32>} : memref<104x128xi32, #tpu.memory_space<vmem>>, vector<1x16xi32>,
      %get3A_1304 = vector.shape_cast %get3A_1303 : vector<1x16xi32> to vector<16xi32>
      %get3A_1305 = arith.constant 3 : i32
      %get3A_1306 = arith.index_cast %get3A_1305 : i32 to index
      %get3A_1307 = arith.constant 48 : index
      %get3A_1308 = tpu.vector_load %arg11[%get3A_1306, %get3A_1307] {strides = array<i32>} : memref<13x128xi32, #tpu.memory_space<vmem>>, vector<1x16xi32>,
      %get3A_1309 = vector.shape_cast %get3A_1308 : vector<1x16xi32> to vector<16xi32>
      %add3A_1310 = arith.addi %get3A_1304, %get3A_1309 : vector<16xi32>
      %mul3A_1311 = arith.constant 13 : i32
      %mul3A_1312 = arith.muli %scan3A_675, %mul3A_1311 : i32
      %add3A_1313 = arith.constant 3 : i32
      %add3A_1314 = arith.addi %mul3A_1312, %add3A_1313 : i32
      %swap3A_1315 = arith.index_cast %add3A_1314 : i32 to index
      %swap3A_1316 = arith.constant 48 : index
      %swap3A_1317 = tpu.vector_load %arg10[%swap3A_1315, %swap3A_1316] {strides = array<i32>} : memref<104x128xi32, #tpu.memory_space<vmem>>, vector<1x16xi32>,
      %swap3A_1318 = vector.shape_cast %swap3A_1317 : vector<1x16xi32> to vector<16xi32>
      %swap3A_1319 = vector.shape_cast %add3A_1310 : vector<16xi32> to vector<1x16xi32>
      tpu.vector_store %arg10[%swap3A_1315, %swap3A_1316], %swap3A_1319 {strides = array<i32>} : memref<104x128xi32, #tpu.memory_space<vmem>>, vector<1x16xi32>,
      %mul3A_1320 = arith.constant 13 : i32
      %mul3A_1321 = arith.muli %scan3A_675, %mul3A_1320 : i32
      %add3A_1322 = arith.constant 3 : i32
      %add3A_1323 = arith.addi %mul3A_1321, %add3A_1322 : i32
      %get3A_1324 = arith.index_cast %add3A_1323 : i32 to index
      %get3A_1325 = arith.constant 64 : index
      %get3A_1326 = tpu.vector_load %arg10[%get3A_1324, %get3A_1325] {strides = array<i32>} : memref<104x128xi32, #tpu.memory_space<vmem>>, vector<1x16xi32>,
      %get3A_1327 = vector.shape_cast %get3A_1326 : vector<1x16xi32> to vector<16xi32>
      %get3A_1328 = arith.constant 3 : i32
      %get3A_1329 = arith.index_cast %get3A_1328 : i32 to index
      %get3A_1330 = arith.constant 64 : index
      %get3A_1331 = tpu.vector_load %arg11[%get3A_1329, %get3A_1330] {strides = array<i32>} : memref<13x128xi32, #tpu.memory_space<vmem>>, vector<1x16xi32>,
      %get3A_1332 = vector.shape_cast %get3A_1331 : vector<1x16xi32> to vector<16xi32>
      %add3A_1333 = arith.addi %get3A_1327, %get3A_1332 : vector<16xi32>
      %mul3A_1334 = arith.constant 13 : i32
      %mul3A_1335 = arith.muli %scan3A_675, %mul3A_1334 : i32
      %add3A_1336 = arith.constant 3 : i32
      %add3A_1337 = arith.addi %mul3A_1335, %add3A_1336 : i32
      %swap3A_1338 = arith.index_cast %add3A_1337 : i32 to index
      %swap3A_1339 = arith.constant 64 : index
      %swap3A_1340 = tpu.vector_load %arg10[%swap3A_1338, %swap3A_1339] {strides = array<i32>} : memref<104x128xi32, #tpu.memory_space<vmem>>, vector<1x16xi32>,
      %swap3A_1341 = vector.shape_cast %swap3A_1340 : vector<1x16xi32> to vector<16xi32>
      %swap3A_1342 = vector.shape_cast %add3A_1333 : vector<16xi32> to vector<1x16xi32>
      tpu.vector_store %arg10[%swap3A_1338, %swap3A_1339], %swap3A_1342 {strides = array<i32>} : memref<104x128xi32, #tpu.memory_space<vmem>>, vector<1x16xi32>,
      %mul3A_1343 = arith.constant 13 : i32
      %mul3A_1344 = arith.muli %scan3A_675, %mul3A_1343 : i32
      %add3A_1345 = arith.constant 3 : i32
      %add3A_1346 = arith.addi %mul3A_1344, %add3A_1345 : i32
      %get3A_1347 = arith.index_cast %add3A_1346 : i32 to index
      %get3A_1348 = arith.constant 80 : index
      %get3A_1349 = tpu.vector_load %arg10[%get3A_1347, %get3A_1348] {strides = array<i32>} : memref<104x128xi32, #tpu.memory_space<vmem>>, vector<1x16xi32>,
      %get3A_1350 = vector.shape_cast %get3A_1349 : vector<1x16xi32> to vector<16xi32>
      %get3A_1351 = arith.constant 3 : i32
      %get3A_1352 = arith.index_cast %get3A_1351 : i32 to index
      %get3A_1353 = arith.constant 80 : index
      %get3A_1354 = tpu.vector_load %arg11[%get3A_1352, %get3A_1353] {strides = array<i32>} : memref<13x128xi32, #tpu.memory_space<vmem>>, vector<1x16xi32>,
      %get3A_1355 = vector.shape_cast %get3A_1354 : vector<1x16xi32> to vector<16xi32>
      %add3A_1356 = arith.addi %get3A_1350, %get3A_1355 : vector<16xi32>
      %mul3A_1357 = arith.constant 13 : i32
      %mul3A_1358 = arith.muli %scan3A_675, %mul3A_1357 : i32
      %add3A_1359 = arith.constant 3 : i32
      %add3A_1360 = arith.addi %mul3A_1358, %add3A_1359 : i32
      %swap3A_1361 = arith.index_cast %add3A_1360 : i32 to index
      %swap3A_1362 = arith.constant 80 : index
      %swap3A_1363 = tpu.vector_load %arg10[%swap3A_1361, %swap3A_1362] {strides = array<i32>} : memref<104x128xi32, #tpu.memory_space<vmem>>, vector<1x16xi32>,
      %swap3A_1364 = vector.shape_cast %swap3A_1363 : vector<1x16xi32> to vector<16xi32>
      %swap3A_1365 = vector.shape_cast %add3A_1356 : vector<16xi32> to vector<1x16xi32>
      tpu.vector_store %arg10[%swap3A_1361, %swap3A_1362], %swap3A_1365 {strides = array<i32>} : memref<104x128xi32, #tpu.memory_space<vmem>>, vector<1x16xi32>,
      %mul3A_1366 = arith.constant 13 : i32
      %mul3A_1367 = arith.muli %scan3A_675, %mul3A_1366 : i32
      %add3A_1368 = arith.constant 3 : i32
      %add3A_1369 = arith.addi %mul3A_1367, %add3A_1368 : i32
      %get3A_1370 = arith.index_cast %add3A_1369 : i32 to index
      %get3A_1371 = arith.constant 96 : index
      %get3A_1372 = tpu.vector_load %arg10[%get3A_1370, %get3A_1371] {strides = array<i32>} : memref<104x128xi32, #tpu.memory_space<vmem>>, vector<1x16xi32>,
      %get3A_1373 = vector.shape_cast %get3A_1372 : vector<1x16xi32> to vector<16xi32>
      %get3A_1374 = arith.constant 3 : i32
      %get3A_1375 = arith.index_cast %get3A_1374 : i32 to index
      %get3A_1376 = arith.constant 96 : index
      %get3A_1377 = tpu.vector_load %arg11[%get3A_1375, %get3A_1376] {strides = array<i32>} : memref<13x128xi32, #tpu.memory_space<vmem>>, vector<1x16xi32>,
      %get3A_1378 = vector.shape_cast %get3A_1377 : vector<1x16xi32> to vector<16xi32>
      %add3A_1379 = arith.addi %get3A_1373, %get3A_1378 : vector<16xi32>
      %mul3A_1380 = arith.constant 13 : i32
      %mul3A_1381 = arith.muli %scan3A_675, %mul3A_1380 : i32
      %add3A_1382 = arith.constant 3 : i32
      %add3A_1383 = arith.addi %mul3A_1381, %add3A_1382 : i32
      %swap3A_1384 = arith.index_cast %add3A_1383 : i32 to index
      %swap3A_1385 = arith.constant 96 : index
      %swap3A_1386 = tpu.vector_load %arg10[%swap3A_1384, %swap3A_1385] {strides = array<i32>} : memref<104x128xi32, #tpu.memory_space<vmem>>, vector<1x16xi32>,
      %swap3A_1387 = vector.shape_cast %swap3A_1386 : vector<1x16xi32> to vector<16xi32>
      %swap3A_1388 = vector.shape_cast %add3A_1379 : vector<16xi32> to vector<1x16xi32>
      tpu.vector_store %arg10[%swap3A_1384, %swap3A_1385], %swap3A_1388 {strides = array<i32>} : memref<104x128xi32, #tpu.memory_space<vmem>>, vector<1x16xi32>,
      %mul3A_1389 = arith.constant 13 : i32
      %mul3A_1390 = arith.muli %scan3A_675, %mul3A_1389 : i32
      %add3A_1391 = arith.constant 3 : i32
      %add3A_1392 = arith.addi %mul3A_1390, %add3A_1391 : i32
      %get3A_1393 = arith.index_cast %add3A_1392 : i32 to index
      %get3A_1394 = arith.constant 112 : index
      %get3A_1395 = tpu.vector_load %arg10[%get3A_1393, %get3A_1394] {strides = array<i32>} : memref<104x128xi32, #tpu.memory_space<vmem>>, vector<1x16xi32>,
      %get3A_1396 = vector.shape_cast %get3A_1395 : vector<1x16xi32> to vector<16xi32>
      %get3A_1397 = arith.constant 3 : i32
      %get3A_1398 = arith.index_cast %get3A_1397 : i32 to index
      %get3A_1399 = arith.constant 112 : index
      %get3A_1400 = tpu.vector_load %arg11[%get3A_1398, %get3A_1399] {strides = array<i32>} : memref<13x128xi32, #tpu.memory_space<vmem>>, vector<1x16xi32>,
      %get3A_1401 = vector.shape_cast %get3A_1400 : vector<1x16xi32> to vector<16xi32>
      %add3A_1402 = arith.addi %get3A_1396, %get3A_1401 : vector<16xi32>
      %mul3A_1403 = arith.constant 13 : i32
      %mul3A_1404 = arith.muli %scan3A_675, %mul3A_1403 : i32
      %add3A_1405 = arith.constant 3 : i32
      %add3A_1406 = arith.addi %mul3A_1404, %add3A_1405 : i32
      %swap3A_1407 = arith.index_cast %add3A_1406 : i32 to index
      %swap3A_1408 = arith.constant 112 : index
      %swap3A_1409 = tpu.vector_load %arg10[%swap3A_1407, %swap3A_1408] {strides = array<i32>} : memref<104x128xi32, #tpu.memory_space<vmem>>, vector<1x16xi32>,
      %swap3A_1410 = vector.shape_cast %swap3A_1409 : vector<1x16xi32> to vector<16xi32>
      %swap3A_1411 = vector.shape_cast %add3A_1402 : vector<16xi32> to vector<1x16xi32>
      tpu.vector_store %arg10[%swap3A_1407, %swap3A_1408], %swap3A_1411 {strides = array<i32>} : memref<104x128xi32, #tpu.memory_space<vmem>>, vector<1x16xi32>,
      %mul3A_1412 = arith.constant 13 : i32
      %mul3A_1413 = arith.muli %scan3A_675, %mul3A_1412 : i32
      %add3A_1414 = arith.constant 4 : i32
      %add3A_1415 = arith.addi %mul3A_1413, %add3A_1414 : i32
      %get3A_1416 = arith.index_cast %add3A_1415 : i32 to index
      %get3A_1417 = arith.constant 0 : index
      %get3A_1418 = tpu.vector_load %arg10[%get3A_1416, %get3A_1417] {strides = array<i32>} : memref<104x128xi32, #tpu.memory_space<vmem>>, vector<1x16xi32>,
      %get3A_1419 = vector.shape_cast %get3A_1418 : vector<1x16xi32> to vector<16xi32>
      %get3A_1420 = arith.constant 4 : i32
      %get3A_1421 = arith.index_cast %get3A_1420 : i32 to index
      %get3A_1422 = arith.constant 0 : index
      %get3A_1423 = tpu.vector_load %arg11[%get3A_1421, %get3A_1422] {strides = array<i32>} : memref<13x128xi32, #tpu.memory_space<vmem>>, vector<1x16xi32>,
      %get3A_1424 = vector.shape_cast %get3A_1423 : vector<1x16xi32> to vector<16xi32>
      %add3A_1425 = arith.addi %get3A_1419, %get3A_1424 : vector<16xi32>
      %mul3A_1426 = arith.constant 13 : i32
      %mul3A_1427 = arith.muli %scan3A_675, %mul3A_1426 : i32
      %add3A_1428 = arith.constant 4 : i32
      %add3A_1429 = arith.addi %mul3A_1427, %add3A_1428 : i32
      %swap3A_1430 = arith.index_cast %add3A_1429 : i32 to index
      %swap3A_1431 = arith.constant 0 : index
      %swap3A_1432 = tpu.vector_load %arg10[%swap3A_1430, %swap3A_1431] {strides = array<i32>} : memref<104x128xi32, #tpu.memory_space<vmem>>, vector<1x16xi32>,
      %swap3A_1433 = vector.shape_cast %swap3A_1432 : vector<1x16xi32> to vector<16xi32>
      %swap3A_1434 = vector.shape_cast %add3A_1425 : vector<16xi32> to vector<1x16xi32>
      tpu.vector_store %arg10[%swap3A_1430, %swap3A_1431], %swap3A_1434 {strides = array<i32>} : memref<104x128xi32, #tpu.memory_space<vmem>>, vector<1x16xi32>,
      %mul3A_1435 = arith.constant 13 : i32
      %mul3A_1436 = arith.muli %scan3A_675, %mul3A_1435 : i32
      %add3A_1437 = arith.constant 4 : i32
      %add3A_1438 = arith.addi %mul3A_1436, %add3A_1437 : i32
      %get3A_1439 = arith.index_cast %add3A_1438 : i32 to index
      %get3A_1440 = arith.constant 16 : index
      %get3A_1441 = tpu.vector_load %arg10[%get3A_1439, %get3A_1440] {strides = array<i32>} : memref<104x128xi32, #tpu.memory_space<vmem>>, vector<1x16xi32>,
      %get3A_1442 = vector.shape_cast %get3A_1441 : vector<1x16xi32> to vector<16xi32>
      %get3A_1443 = arith.constant 4 : i32
      %get3A_1444 = arith.index_cast %get3A_1443 : i32 to index
      %get3A_1445 = arith.constant 16 : index
      %get3A_1446 = tpu.vector_load %arg11[%get3A_1444, %get3A_1445] {strides = array<i32>} : memref<13x128xi32, #tpu.memory_space<vmem>>, vector<1x16xi32>,
      %get3A_1447 = vector.shape_cast %get3A_1446 : vector<1x16xi32> to vector<16xi32>
      %add3A_1448 = arith.addi %get3A_1442, %get3A_1447 : vector<16xi32>
      %mul3A_1449 = arith.constant 13 : i32
      %mul3A_1450 = arith.muli %scan3A_675, %mul3A_1449 : i32
      %add3A_1451 = arith.constant 4 : i32
      %add3A_1452 = arith.addi %mul3A_1450, %add3A_1451 : i32
      %swap3A_1453 = arith.index_cast %add3A_1452 : i32 to index
      %swap3A_1454 = arith.constant 16 : index
      %swap3A_1455 = tpu.vector_load %arg10[%swap3A_1453, %swap3A_1454] {strides = array<i32>} : memref<104x128xi32, #tpu.memory_space<vmem>>, vector<1x16xi32>,
      %swap3A_1456 = vector.shape_cast %swap3A_1455 : vector<1x16xi32> to vector<16xi32>
      %swap3A_1457 = vector.shape_cast %add3A_1448 : vector<16xi32> to vector<1x16xi32>
      tpu.vector_store %arg10[%swap3A_1453, %swap3A_1454], %swap3A_1457 {strides = array<i32>} : memref<104x128xi32, #tpu.memory_space<vmem>>, vector<1x16xi32>,
      %mul3A_1458 = arith.constant 13 : i32
      %mul3A_1459 = arith.muli %scan3A_675, %mul3A_1458 : i32
      %add3A_1460 = arith.constant 4 : i32
      %add3A_1461 = arith.addi %mul3A_1459, %add3A_1460 : i32
      %get3A_1462 = arith.index_cast %add3A_1461 : i32 to index
      %get3A_1463 = arith.constant 32 : index
      %get3A_1464 = tpu.vector_load %arg10[%get3A_1462, %get3A_1463] {strides = array<i32>} : memref<104x128xi32, #tpu.memory_space<vmem>>, vector<1x16xi32>,
      %get3A_1465 = vector.shape_cast %get3A_1464 : vector<1x16xi32> to vector<16xi32>
      %get3A_1466 = arith.constant 4 : i32
      %get3A_1467 = arith.index_cast %get3A_1466 : i32 to index
      %get3A_1468 = arith.constant 32 : index
      %get3A_1469 = tpu.vector_load %arg11[%get3A_1467, %get3A_1468] {strides = array<i32>} : memref<13x128xi32, #tpu.memory_space<vmem>>, vector<1x16xi32>,
      %get3A_1470 = vector.shape_cast %get3A_1469 : vector<1x16xi32> to vector<16xi32>
      %add3A_1471 = arith.addi %get3A_1465, %get3A_1470 : vector<16xi32>
      %mul3A_1472 = arith.constant 13 : i32
      %mul3A_1473 = arith.muli %scan3A_675, %mul3A_1472 : i32
      %add3A_1474 = arith.constant 4 : i32
      %add3A_1475 = arith.addi %mul3A_1473, %add3A_1474 : i32
      %swap3A_1476 = arith.index_cast %add3A_1475 : i32 to index
      %swap3A_1477 = arith.constant 32 : index
      %swap3A_1478 = tpu.vector_load %arg10[%swap3A_1476, %swap3A_1477] {strides = array<i32>} : memref<104x128xi32, #tpu.memory_space<vmem>>, vector<1x16xi32>,
      %swap3A_1479 = vector.shape_cast %swap3A_1478 : vector<1x16xi32> to vector<16xi32>
      %swap3A_1480 = vector.shape_cast %add3A_1471 : vector<16xi32> to vector<1x16xi32>
      tpu.vector_store %arg10[%swap3A_1476, %swap3A_1477], %swap3A_1480 {strides = array<i32>} : memref<104x128xi32, #tpu.memory_space<vmem>>, vector<1x16xi32>,
      %mul3A_1481 = arith.constant 13 : i32
      %mul3A_1482 = arith.muli %scan3A_675, %mul3A_1481 : i32
      %add3A_1483 = arith.constant 4 : i32
      %add3A_1484 = arith.addi %mul3A_1482, %add3A_1483 : i32
      %get3A_1485 = arith.index_cast %add3A_1484 : i32 to index
      %get3A_1486 = arith.constant 48 : index
      %get3A_1487 = tpu.vector_load %arg10[%get3A_1485, %get3A_1486] {strides = array<i32>} : memref<104x128xi32, #tpu.memory_space<vmem>>, vector<1x16xi32>,
      %get3A_1488 = vector.shape_cast %get3A_1487 : vector<1x16xi32> to vector<16xi32>
      %get3A_1489 = arith.constant 4 : i32
      %get3A_1490 = arith.index_cast %get3A_1489 : i32 to index
      %get3A_1491 = arith.constant 48 : index
      %get3A_1492 = tpu.vector_load %arg11[%get3A_1490, %get3A_1491] {strides = array<i32>} : memref<13x128xi32, #tpu.memory_space<vmem>>, vector<1x16xi32>,
      %get3A_1493 = vector.shape_cast %get3A_1492 : vector<1x16xi32> to vector<16xi32>
      %add3A_1494 = arith.addi %get3A_1488, %get3A_1493 : vector<16xi32>
      %mul3A_1495 = arith.constant 13 : i32
      %mul3A_1496 = arith.muli %scan3A_675, %mul3A_1495 : i32
      %add3A_1497 = arith.constant 4 : i32
      %add3A_1498 = arith.addi %mul3A_1496, %add3A_1497 : i32
      %swap3A_1499 = arith.index_cast %add3A_1498 : i32 to index
      %swap3A_1500 = arith.constant 48 : index
      %swap3A_1501 = tpu.vector_load %arg10[%swap3A_1499, %swap3A_1500] {strides = array<i32>} : memref<104x128xi32, #tpu.memory_space<vmem>>, vector<1x16xi32>,
      %swap3A_1502 = vector.shape_cast %swap3A_1501 : vector<1x16xi32> to vector<16xi32>
      %swap3A_1503 = vector.shape_cast %add3A_1494 : vector<16xi32> to vector<1x16xi32>
      tpu.vector_store %arg10[%swap3A_1499, %swap3A_1500], %swap3A_1503 {strides = array<i32>} : memref<104x128xi32, #tpu.memory_space<vmem>>, vector<1x16xi32>,
      %mul3A_1504 = arith.constant 13 : i32
      %mul3A_1505 = arith.muli %scan3A_675, %mul3A_1504 : i32
      %add3A_1506 = arith.constant 4 : i32
      %add3A_1507 = arith.addi %mul3A_1505, %add3A_1506 : i32
      %get3A_1508 = arith.index_cast %add3A_1507 : i32 to index
      %get3A_1509 = arith.constant 64 : index
      %get3A_1510 = tpu.vector_load %arg10[%get3A_1508, %get3A_1509] {strides = array<i32>} : memref<104x128xi32, #tpu.memory_space<vmem>>, vector<1x16xi32>,
      %get3A_1511 = vector.shape_cast %get3A_1510 : vector<1x16xi32> to vector<16xi32>
      %get3A_1512 = arith.constant 4 : i32
      %get3A_1513 = arith.index_cast %get3A_1512 : i32 to index
      %get3A_1514 = arith.constant 64 : index
      %get3A_1515 = tpu.vector_load %arg11[%get3A_1513, %get3A_1514] {strides = array<i32>} : memref<13x128xi32, #tpu.memory_space<vmem>>, vector<1x16xi32>,
      %get3A_1516 = vector.shape_cast %get3A_1515 : vector<1x16xi32> to vector<16xi32>
      %add3A_1517 = arith.addi %get3A_1511, %get3A_1516 : vector<16xi32>
      %mul3A_1518 = arith.constant 13 : i32
      %mul3A_1519 = arith.muli %scan3A_675, %mul3A_1518 : i32
      %add3A_1520 = arith.constant 4 : i32
      %add3A_1521 = arith.addi %mul3A_1519, %add3A_1520 : i32
      %swap3A_1522 = arith.index_cast %add3A_1521 : i32 to index
      %swap3A_1523 = arith.constant 64 : index
      %swap3A_1524 = tpu.vector_load %arg10[%swap3A_1522, %swap3A_1523] {strides = array<i32>} : memref<104x128xi32, #tpu.memory_space<vmem>>, vector<1x16xi32>,
      %swap3A_1525 = vector.shape_cast %swap3A_1524 : vector<1x16xi32> to vector<16xi32>
      %swap3A_1526 = vector.shape_cast %add3A_1517 : vector<16xi32> to vector<1x16xi32>
      tpu.vector_store %arg10[%swap3A_1522, %swap3A_1523], %swap3A_1526 {strides = array<i32>} : memref<104x128xi32, #tpu.memory_space<vmem>>, vector<1x16xi32>,
      %mul3A_1527 = arith.constant 13 : i32
      %mul3A_1528 = arith.muli %scan3A_675, %mul3A_1527 : i32
      %add3A_1529 = arith.constant 4 : i32
      %add3A_1530 = arith.addi %mul3A_1528, %add3A_1529 : i32
      %get3A_1531 = arith.index_cast %add3A_1530 : i32 to index
      %get3A_1532 = arith.constant 80 : index
      %get3A_1533 = tpu.vector_load %arg10[%get3A_1531, %get3A_1532] {strides = array<i32>} : memref<104x128xi32, #tpu.memory_space<vmem>>, vector<1x16xi32>,
      %get3A_1534 = vector.shape_cast %get3A_1533 : vector<1x16xi32> to vector<16xi32>
      %get3A_1535 = arith.constant 4 : i32
      %get3A_1536 = arith.index_cast %get3A_1535 : i32 to index
      %get3A_1537 = arith.constant 80 : index
      %get3A_1538 = tpu.vector_load %arg11[%get3A_1536, %get3A_1537] {strides = array<i32>} : memref<13x128xi32, #tpu.memory_space<vmem>>, vector<1x16xi32>,
      %get3A_1539 = vector.shape_cast %get3A_1538 : vector<1x16xi32> to vector<16xi32>
      %add3A_1540 = arith.addi %get3A_1534, %get3A_1539 : vector<16xi32>
      %mul3A_1541 = arith.constant 13 : i32
      %mul3A_1542 = arith.muli %scan3A_675, %mul3A_1541 : i32
      %add3A_1543 = arith.constant 4 : i32
      %add3A_1544 = arith.addi %mul3A_1542, %add3A_1543 : i32
      %swap3A_1545 = arith.index_cast %add3A_1544 : i32 to index
      %swap3A_1546 = arith.constant 80 : index
      %swap3A_1547 = tpu.vector_load %arg10[%swap3A_1545, %swap3A_1546] {strides = array<i32>} : memref<104x128xi32, #tpu.memory_space<vmem>>, vector<1x16xi32>,
      %swap3A_1548 = vector.shape_cast %swap3A_1547 : vector<1x16xi32> to vector<16xi32>
      %swap3A_1549 = vector.shape_cast %add3A_1540 : vector<16xi32> to vector<1x16xi32>
      tpu.vector_store %arg10[%swap3A_1545, %swap3A_1546], %swap3A_1549 {strides = array<i32>} : memref<104x128xi32, #tpu.memory_space<vmem>>, vector<1x16xi32>,
      %mul3A_1550 = arith.constant 13 : i32
      %mul3A_1551 = arith.muli %scan3A_675, %mul3A_1550 : i32
      %add3A_1552 = arith.constant 4 : i32
      %add3A_1553 = arith.addi %mul3A_1551, %add3A_1552 : i32
      %get3A_1554 = arith.index_cast %add3A_1553 : i32 to index
      %get3A_1555 = arith.constant 96 : index
      %get3A_1556 = tpu.vector_load %arg10[%get3A_1554, %get3A_1555] {strides = array<i32>} : memref<104x128xi32, #tpu.memory_space<vmem>>, vector<1x16xi32>,
      %get3A_1557 = vector.shape_cast %get3A_1556 : vector<1x16xi32> to vector<16xi32>
      %get3A_1558 = arith.constant 4 : i32
      %get3A_1559 = arith.index_cast %get3A_1558 : i32 to index
      %get3A_1560 = arith.constant 96 : index
      %get3A_1561 = tpu.vector_load %arg11[%get3A_1559, %get3A_1560] {strides = array<i32>} : memref<13x128xi32, #tpu.memory_space<vmem>>, vector<1x16xi32>,
      %get3A_1562 = vector.shape_cast %get3A_1561 : vector<1x16xi32> to vector<16xi32>
      %add3A_1563 = arith.addi %get3A_1557, %get3A_1562 : vector<16xi32>
      %mul3A_1564 = arith.constant 13 : i32
      %mul3A_1565 = arith.muli %scan3A_675, %mul3A_1564 : i32
      %add3A_1566 = arith.constant 4 : i32
      %add3A_1567 = arith.addi %mul3A_1565, %add3A_1566 : i32
      %swap3A_1568 = arith.index_cast %add3A_1567 : i32 to index
      %swap3A_1569 = arith.constant 96 : index
      %swap3A_1570 = tpu.vector_load %arg10[%swap3A_1568, %swap3A_1569] {strides = array<i32>} : memref<104x128xi32, #tpu.memory_space<vmem>>, vector<1x16xi32>,
      %swap3A_1571 = vector.shape_cast %swap3A_1570 : vector<1x16xi32> to vector<16xi32>
      %swap3A_1572 = vector.shape_cast %add3A_1563 : vector<16xi32> to vector<1x16xi32>
      tpu.vector_store %arg10[%swap3A_1568, %swap3A_1569], %swap3A_1572 {strides = array<i32>} : memref<104x128xi32, #tpu.memory_space<vmem>>, vector<1x16xi32>,
      %mul3A_1573 = arith.constant 13 : i32
      %mul3A_1574 = arith.muli %scan3A_675, %mul3A_1573 : i32
      %add3A_1575 = arith.constant 4 : i32
      %add3A_1576 = arith.addi %mul3A_1574, %add3A_1575 : i32
      %get3A_1577 = arith.index_cast %add3A_1576 : i32 to index
      %get3A_1578 = arith.constant 112 : index
      %get3A_1579 = tpu.vector_load %arg10[%get3A_1577, %get3A_1578] {strides = array<i32>} : memref<104x128xi32, #tpu.memory_space<vmem>>, vector<1x16xi32>,
      %get3A_1580 = vector.shape_cast %get3A_1579 : vector<1x16xi32> to vector<16xi32>
      %get3A_1581 = arith.constant 4 : i32
      %get3A_1582 = arith.index_cast %get3A_1581 : i32 to index
      %get3A_1583 = arith.constant 112 : index
      %get3A_1584 = tpu.vector_load %arg11[%get3A_1582, %get3A_1583] {strides = array<i32>} : memref<13x128xi32, #tpu.memory_space<vmem>>, vector<1x16xi32>,
      %get3A_1585 = vector.shape_cast %get3A_1584 : vector<1x16xi32> to vector<16xi32>
      %add3A_1586 = arith.addi %get3A_1580, %get3A_1585 : vector<16xi32>
      %mul3A_1587 = arith.constant 13 : i32
      %mul3A_1588 = arith.muli %scan3A_675, %mul3A_1587 : i32
      %add3A_1589 = arith.constant 4 : i32
      %add3A_1590 = arith.addi %mul3A_1588, %add3A_1589 : i32
      %swap3A_1591 = arith.index_cast %add3A_1590 : i32 to index
      %swap3A_1592 = arith.constant 112 : index
      %swap3A_1593 = tpu.vector_load %arg10[%swap3A_1591, %swap3A_1592] {strides = array<i32>} : memref<104x128xi32, #tpu.memory_space<vmem>>, vector<1x16xi32>,
      %swap3A_1594 = vector.shape_cast %swap3A_1593 : vector<1x16xi32> to vector<16xi32>
      %swap3A_1595 = vector.shape_cast %add3A_1586 : vector<16xi32> to vector<1x16xi32>
      tpu.vector_store %arg10[%swap3A_1591, %swap3A_1592], %swap3A_1595 {strides = array<i32>} : memref<104x128xi32, #tpu.memory_space<vmem>>, vector<1x16xi32>,
      %mul3A_1596 = arith.constant 13 : i32
      %mul3A_1597 = arith.muli %scan3A_675, %mul3A_1596 : i32
      %add3A_1598 = arith.constant 5 : i32
      %add3A_1599 = arith.addi %mul3A_1597, %add3A_1598 : i32
      %get3A_1600 = arith.index_cast %add3A_1599 : i32 to index
      %get3A_1601 = arith.constant 0 : index
      %get3A_1602 = tpu.vector_load %arg10[%get3A_1600, %get3A_1601] {strides = array<i32>} : memref<104x128xi32, #tpu.memory_space<vmem>>, vector<1x16xi32>,
      %get3A_1603 = vector.shape_cast %get3A_1602 : vector<1x16xi32> to vector<16xi32>
      %get3A_1604 = arith.constant 5 : i32
      %get3A_1605 = arith.index_cast %get3A_1604 : i32 to index
      %get3A_1606 = arith.constant 0 : index
      %get3A_1607 = tpu.vector_load %arg11[%get3A_1605, %get3A_1606] {strides = array<i32>} : memref<13x128xi32, #tpu.memory_space<vmem>>, vector<1x16xi32>,
      %get3A_1608 = vector.shape_cast %get3A_1607 : vector<1x16xi32> to vector<16xi32>
      %add3A_1609 = arith.addi %get3A_1603, %get3A_1608 : vector<16xi32>
      %mul3A_1610 = arith.constant 13 : i32
      %mul3A_1611 = arith.muli %scan3A_675, %mul3A_1610 : i32
      %add3A_1612 = arith.constant 5 : i32
      %add3A_1613 = arith.addi %mul3A_1611, %add3A_1612 : i32
      %swap3A_1614 = arith.index_cast %add3A_1613 : i32 to index
      %swap3A_1615 = arith.constant 0 : index
      %swap3A_1616 = tpu.vector_load %arg10[%swap3A_1614, %swap3A_1615] {strides = array<i32>} : memref<104x128xi32, #tpu.memory_space<vmem>>, vector<1x16xi32>,
      %swap3A_1617 = vector.shape_cast %swap3A_1616 : vector<1x16xi32> to vector<16xi32>
      %swap3A_1618 = vector.shape_cast %add3A_1609 : vector<16xi32> to vector<1x16xi32>
      tpu.vector_store %arg10[%swap3A_1614, %swap3A_1615], %swap3A_1618 {strides = array<i32>} : memref<104x128xi32, #tpu.memory_space<vmem>>, vector<1x16xi32>,
      %mul3A_1619 = arith.constant 13 : i32
      %mul3A_1620 = arith.muli %scan3A_675, %mul3A_1619 : i32
      %add3A_1621 = arith.constant 5 : i32
      %add3A_1622 = arith.addi %mul3A_1620, %add3A_1621 : i32
      %get3A_1623 = arith.index_cast %add3A_1622 : i32 to index
      %get3A_1624 = arith.constant 16 : index
      %get3A_1625 = tpu.vector_load %arg10[%get3A_1623, %get3A_1624] {strides = array<i32>} : memref<104x128xi32, #tpu.memory_space<vmem>>, vector<1x16xi32>,
      %get3A_1626 = vector.shape_cast %get3A_1625 : vector<1x16xi32> to vector<16xi32>
      %get3A_1627 = arith.constant 5 : i32
      %get3A_1628 = arith.index_cast %get3A_1627 : i32 to index
      %get3A_1629 = arith.constant 16 : index
      %get3A_1630 = tpu.vector_load %arg11[%get3A_1628, %get3A_1629] {strides = array<i32>} : memref<13x128xi32, #tpu.memory_space<vmem>>, vector<1x16xi32>,
      %get3A_1631 = vector.shape_cast %get3A_1630 : vector<1x16xi32> to vector<16xi32>
      %add3A_1632 = arith.addi %get3A_1626, %get3A_1631 : vector<16xi32>
      %mul3A_1633 = arith.constant 13 : i32
      %mul3A_1634 = arith.muli %scan3A_675, %mul3A_1633 : i32
      %add3A_1635 = arith.constant 5 : i32
      %add3A_1636 = arith.addi %mul3A_1634, %add3A_1635 : i32
      %swap3A_1637 = arith.index_cast %add3A_1636 : i32 to index
      %swap3A_1638 = arith.constant 16 : index
      %swap3A_1639 = tpu.vector_load %arg10[%swap3A_1637, %swap3A_1638] {strides = array<i32>} : memref<104x128xi32, #tpu.memory_space<vmem>>, vector<1x16xi32>,
      %swap3A_1640 = vector.shape_cast %swap3A_1639 : vector<1x16xi32> to vector<16xi32>
      %swap3A_1641 = vector.shape_cast %add3A_1632 : vector<16xi32> to vector<1x16xi32>
      tpu.vector_store %arg10[%swap3A_1637, %swap3A_1638], %swap3A_1641 {strides = array<i32>} : memref<104x128xi32, #tpu.memory_space<vmem>>, vector<1x16xi32>,
      %mul3A_1642 = arith.constant 13 : i32
      %mul3A_1643 = arith.muli %scan3A_675, %mul3A_1642 : i32
      %add3A_1644 = arith.constant 5 : i32
      %add3A_1645 = arith.addi %mul3A_1643, %add3A_1644 : i32
      %get3A_1646 = arith.index_cast %add3A_1645 : i32 to index
      %get3A_1647 = arith.constant 32 : index
      %get3A_1648 = tpu.vector_load %arg10[%get3A_1646, %get3A_1647] {strides = array<i32>} : memref<104x128xi32, #tpu.memory_space<vmem>>, vector<1x16xi32>,
      %get3A_1649 = vector.shape_cast %get3A_1648 : vector<1x16xi32> to vector<16xi32>
      %get3A_1650 = arith.constant 5 : i32
      %get3A_1651 = arith.index_cast %get3A_1650 : i32 to index
      %get3A_1652 = arith.constant 32 : index
      %get3A_1653 = tpu.vector_load %arg11[%get3A_1651, %get3A_1652] {strides = array<i32>} : memref<13x128xi32, #tpu.memory_space<vmem>>, vector<1x16xi32>,
      %get3A_1654 = vector.shape_cast %get3A_1653 : vector<1x16xi32> to vector<16xi32>
      %add3A_1655 = arith.addi %get3A_1649, %get3A_1654 : vector<16xi32>
      %mul3A_1656 = arith.constant 13 : i32
      %mul3A_1657 = arith.muli %scan3A_675, %mul3A_1656 : i32
      %add3A_1658 = arith.constant 5 : i32
      %add3A_1659 = arith.addi %mul3A_1657, %add3A_1658 : i32
      %swap3A_1660 = arith.index_cast %add3A_1659 : i32 to index
      %swap3A_1661 = arith.constant 32 : index
      %swap3A_1662 = tpu.vector_load %arg10[%swap3A_1660, %swap3A_1661] {strides = array<i32>} : memref<104x128xi32, #tpu.memory_space<vmem>>, vector<1x16xi32>,
      %swap3A_1663 = vector.shape_cast %swap3A_1662 : vector<1x16xi32> to vector<16xi32>
      %swap3A_1664 = vector.shape_cast %add3A_1655 : vector<16xi32> to vector<1x16xi32>
      tpu.vector_store %arg10[%swap3A_1660, %swap3A_1661], %swap3A_1664 {strides = array<i32>} : memref<104x128xi32, #tpu.memory_space<vmem>>, vector<1x16xi32>,
      %mul3A_1665 = arith.constant 13 : i32
      %mul3A_1666 = arith.muli %scan3A_675, %mul3A_1665 : i32
      %add3A_1667 = arith.constant 5 : i32
      %add3A_1668 = arith.addi %mul3A_1666, %add3A_1667 : i32
      %get3A_1669 = arith.index_cast %add3A_1668 : i32 to index
      %get3A_1670 = arith.constant 48 : index
      %get3A_1671 = tpu.vector_load %arg10[%get3A_1669, %get3A_1670] {strides = array<i32>} : memref<104x128xi32, #tpu.memory_space<vmem>>, vector<1x16xi32>,
      %get3A_1672 = vector.shape_cast %get3A_1671 : vector<1x16xi32> to vector<16xi32>
      %get3A_1673 = arith.constant 5 : i32
      %get3A_1674 = arith.index_cast %get3A_1673 : i32 to index
      %get3A_1675 = arith.constant 48 : index
      %get3A_1676 = tpu.vector_load %arg11[%get3A_1674, %get3A_1675] {strides = array<i32>} : memref<13x128xi32, #tpu.memory_space<vmem>>, vector<1x16xi32>,
      %get3A_1677 = vector.shape_cast %get3A_1676 : vector<1x16xi32> to vector<16xi32>
      %add3A_1678 = arith.addi %get3A_1672, %get3A_1677 : vector<16xi32>
      %mul3A_1679 = arith.constant 13 : i32
      %mul3A_1680 = arith.muli %scan3A_675, %mul3A_1679 : i32
      %add3A_1681 = arith.constant 5 : i32
      %add3A_1682 = arith.addi %mul3A_1680, %add3A_1681 : i32
      %swap3A_1683 = arith.index_cast %add3A_1682 : i32 to index
      %swap3A_1684 = arith.constant 48 : index
      %swap3A_1685 = tpu.vector_load %arg10[%swap3A_1683, %swap3A_1684] {strides = array<i32>} : memref<104x128xi32, #tpu.memory_space<vmem>>, vector<1x16xi32>,
      %swap3A_1686 = vector.shape_cast %swap3A_1685 : vector<1x16xi32> to vector<16xi32>
      %swap3A_1687 = vector.shape_cast %add3A_1678 : vector<16xi32> to vector<1x16xi32>
      tpu.vector_store %arg10[%swap3A_1683, %swap3A_1684], %swap3A_1687 {strides = array<i32>} : memref<104x128xi32, #tpu.memory_space<vmem>>, vector<1x16xi32>,
      %mul3A_1688 = arith.constant 13 : i32
      %mul3A_1689 = arith.muli %scan3A_675, %mul3A_1688 : i32
      %add3A_1690 = arith.constant 5 : i32
      %add3A_1691 = arith.addi %mul3A_1689, %add3A_1690 : i32
      %get3A_1692 = arith.index_cast %add3A_1691 : i32 to index
      %get3A_1693 = arith.constant 64 : index
      %get3A_1694 = tpu.vector_load %arg10[%get3A_1692, %get3A_1693] {strides = array<i32>} : memref<104x128xi32, #tpu.memory_space<vmem>>, vector<1x16xi32>,
      %get3A_1695 = vector.shape_cast %get3A_1694 : vector<1x16xi32> to vector<16xi32>
      %get3A_1696 = arith.constant 5 : i32
      %get3A_1697 = arith.index_cast %get3A_1696 : i32 to index
      %get3A_1698 = arith.constant 64 : index
      %get3A_1699 = tpu.vector_load %arg11[%get3A_1697, %get3A_1698] {strides = array<i32>} : memref<13x128xi32, #tpu.memory_space<vmem>>, vector<1x16xi32>,
      %get3A_1700 = vector.shape_cast %get3A_1699 : vector<1x16xi32> to vector<16xi32>
      %add3A_1701 = arith.addi %get3A_1695, %get3A_1700 : vector<16xi32>
      %mul3A_1702 = arith.constant 13 : i32
      %mul3A_1703 = arith.muli %scan3A_675, %mul3A_1702 : i32
      %add3A_1704 = arith.constant 5 : i32
      %add3A_1705 = arith.addi %mul3A_1703, %add3A_1704 : i32
      %swap3A_1706 = arith.index_cast %add3A_1705 : i32 to index
      %swap3A_1707 = arith.constant 64 : index
      %swap3A_1708 = tpu.vector_load %arg10[%swap3A_1706, %swap3A_1707] {strides = array<i32>} : memref<104x128xi32, #tpu.memory_space<vmem>>, vector<1x16xi32>,
      %swap3A_1709 = vector.shape_cast %swap3A_1708 : vector<1x16xi32> to vector<16xi32>
      %swap3A_1710 = vector.shape_cast %add3A_1701 : vector<16xi32> to vector<1x16xi32>
      tpu.vector_store %arg10[%swap3A_1706, %swap3A_1707], %swap3A_1710 {strides = array<i32>} : memref<104x128xi32, #tpu.memory_space<vmem>>, vector<1x16xi32>,
      %mul3A_1711 = arith.constant 13 : i32
      %mul3A_1712 = arith.muli %scan3A_675, %mul3A_1711 : i32
      %add3A_1713 = arith.constant 5 : i32
      %add3A_1714 = arith.addi %mul3A_1712, %add3A_1713 : i32
      %get3A_1715 = arith.index_cast %add3A_1714 : i32 to index
      %get3A_1716 = arith.constant 80 : index
      %get3A_1717 = tpu.vector_load %arg10[%get3A_1715, %get3A_1716] {strides = array<i32>} : memref<104x128xi32, #tpu.memory_space<vmem>>, vector<1x16xi32>,
      %get3A_1718 = vector.shape_cast %get3A_1717 : vector<1x16xi32> to vector<16xi32>
      %get3A_1719 = arith.constant 5 : i32
      %get3A_1720 = arith.index_cast %get3A_1719 : i32 to index
      %get3A_1721 = arith.constant 80 : index
      %get3A_1722 = tpu.vector_load %arg11[%get3A_1720, %get3A_1721] {strides = array<i32>} : memref<13x128xi32, #tpu.memory_space<vmem>>, vector<1x16xi32>,
      %get3A_1723 = vector.shape_cast %get3A_1722 : vector<1x16xi32> to vector<16xi32>
      %add3A_1724 = arith.addi %get3A_1718, %get3A_1723 : vector<16xi32>
      %mul3A_1725 = arith.constant 13 : i32
      %mul3A_1726 = arith.muli %scan3A_675, %mul3A_1725 : i32
      %add3A_1727 = arith.constant 5 : i32
      %add3A_1728 = arith.addi %mul3A_1726, %add3A_1727 : i32
      %swap3A_1729 = arith.index_cast %add3A_1728 : i32 to index
      %swap3A_1730 = arith.constant 80 : index
      %swap3A_1731 = tpu.vector_load %arg10[%swap3A_1729, %swap3A_1730] {strides = array<i32>} : memref<104x128xi32, #tpu.memory_space<vmem>>, vector<1x16xi32>,
      %swap3A_1732 = vector.shape_cast %swap3A_1731 : vector<1x16xi32> to vector<16xi32>
      %swap3A_1733 = vector.shape_cast %add3A_1724 : vector<16xi32> to vector<1x16xi32>
      tpu.vector_store %arg10[%swap3A_1729, %swap3A_1730], %swap3A_1733 {strides = array<i32>} : memref<104x128xi32, #tpu.memory_space<vmem>>, vector<1x16xi32>,
      %mul3A_1734 = arith.constant 13 : i32
      %mul3A_1735 = arith.muli %scan3A_675, %mul3A_1734 : i32
      %add3A_1736 = arith.constant 5 : i32
      %add3A_1737 = arith.addi %mul3A_1735, %add3A_1736 : i32
      %get3A_1738 = arith.index_cast %add3A_1737 : i32 to index
      %get3A_1739 = arith.constant 96 : index
      %get3A_1740 = tpu.vector_load %arg10[%get3A_1738, %get3A_1739] {strides = array<i32>} : memref<104x128xi32, #tpu.memory_space<vmem>>, vector<1x16xi32>,
      %get3A_1741 = vector.shape_cast %get3A_1740 : vector<1x16xi32> to vector<16xi32>
      %get3A_1742 = arith.constant 5 : i32
      %get3A_1743 = arith.index_cast %get3A_1742 : i32 to index
      %get3A_1744 = arith.constant 96 : index
      %get3A_1745 = tpu.vector_load %arg11[%get3A_1743, %get3A_1744] {strides = array<i32>} : memref<13x128xi32, #tpu.memory_space<vmem>>, vector<1x16xi32>,
      %get3A_1746 = vector.shape_cast %get3A_1745 : vector<1x16xi32> to vector<16xi32>
      %add3A_1747 = arith.addi %get3A_1741, %get3A_1746 : vector<16xi32>
      %mul3A_1748 = arith.constant 13 : i32
      %mul3A_1749 = arith.muli %scan3A_675, %mul3A_1748 : i32
      %add3A_1750 = arith.constant 5 : i32
      %add3A_1751 = arith.addi %mul3A_1749, %add3A_1750 : i32
      %swap3A_1752 = arith.index_cast %add3A_1751 : i32 to index
      %swap3A_1753 = arith.constant 96 : index
      %swap3A_1754 = tpu.vector_load %arg10[%swap3A_1752, %swap3A_1753] {strides = array<i32>} : memref<104x128xi32, #tpu.memory_space<vmem>>, vector<1x16xi32>,
      %swap3A_1755 = vector.shape_cast %swap3A_1754 : vector<1x16xi32> to vector<16xi32>
      %swap3A_1756 = vector.shape_cast %add3A_1747 : vector<16xi32> to vector<1x16xi32>
      tpu.vector_store %arg10[%swap3A_1752, %swap3A_1753], %swap3A_1756 {strides = array<i32>} : memref<104x128xi32, #tpu.memory_space<vmem>>, vector<1x16xi32>,
      %mul3A_1757 = arith.constant 13 : i32
      %mul3A_1758 = arith.muli %scan3A_675, %mul3A_1757 : i32
      %add3A_1759 = arith.constant 5 : i32
      %add3A_1760 = arith.addi %mul3A_1758, %add3A_1759 : i32
      %get3A_1761 = arith.index_cast %add3A_1760 : i32 to index
      %get3A_1762 = arith.constant 112 : index
      %get3A_1763 = tpu.vector_load %arg10[%get3A_1761, %get3A_1762] {strides = array<i32>} : memref<104x128xi32, #tpu.memory_space<vmem>>, vector<1x16xi32>,
      %get3A_1764 = vector.shape_cast %get3A_1763 : vector<1x16xi32> to vector<16xi32>
      %get3A_1765 = arith.constant 5 : i32
      %get3A_1766 = arith.index_cast %get3A_1765 : i32 to index
      %get3A_1767 = arith.constant 112 : index
      %get3A_1768 = tpu.vector_load %arg11[%get3A_1766, %get3A_1767] {strides = array<i32>} : memref<13x128xi32, #tpu.memory_space<vmem>>, vector<1x16xi32>,
      %get3A_1769 = vector.shape_cast %get3A_1768 : vector<1x16xi32> to vector<16xi32>
      %add3A_1770 = arith.addi %get3A_1764, %get3A_1769 : vector<16xi32>
      %mul3A_1771 = arith.constant 13 : i32
      %mul3A_1772 = arith.muli %scan3A_675, %mul3A_1771 : i32
      %add3A_1773 = arith.constant 5 : i32
      %add3A_1774 = arith.addi %mul3A_1772, %add3A_1773 : i32
      %swap3A_1775 = arith.index_cast %add3A_1774 : i32 to index
      %swap3A_1776 = arith.constant 112 : index
      %swap3A_1777 = tpu.vector_load %arg10[%swap3A_1775, %swap3A_1776] {strides = array<i32>} : memref<104x128xi32, #tpu.memory_space<vmem>>, vector<1x16xi32>,
      %swap3A_1778 = vector.shape_cast %swap3A_1777 : vector<1x16xi32> to vector<16xi32>
      %swap3A_1779 = vector.shape_cast %add3A_1770 : vector<16xi32> to vector<1x16xi32>
      tpu.vector_store %arg10[%swap3A_1775, %swap3A_1776], %swap3A_1779 {strides = array<i32>} : memref<104x128xi32, #tpu.memory_space<vmem>>, vector<1x16xi32>,
      %mul3A_1780 = arith.constant 13 : i32
      %mul3A_1781 = arith.muli %scan3A_675, %mul3A_1780 : i32
      %add3A_1782 = arith.constant 6 : i32
      %add3A_1783 = arith.addi %mul3A_1781, %add3A_1782 : i32
      %get3A_1784 = arith.index_cast %add3A_1783 : i32 to index
      %get3A_1785 = arith.constant 0 : index
      %get3A_1786 = tpu.vector_load %arg10[%get3A_1784, %get3A_1785] {strides = array<i32>} : memref<104x128xi32, #tpu.memory_space<vmem>>, vector<1x16xi32>,
      %get3A_1787 = vector.shape_cast %get3A_1786 : vector<1x16xi32> to vector<16xi32>
      %get3A_1788 = arith.constant 6 : i32
      %get3A_1789 = arith.index_cast %get3A_1788 : i32 to index
      %get3A_1790 = arith.constant 0 : index
      %get3A_1791 = tpu.vector_load %arg11[%get3A_1789, %get3A_1790] {strides = array<i32>} : memref<13x128xi32, #tpu.memory_space<vmem>>, vector<1x16xi32>,
      %get3A_1792 = vector.shape_cast %get3A_1791 : vector<1x16xi32> to vector<16xi32>
      %add3A_1793 = arith.addi %get3A_1787, %get3A_1792 : vector<16xi32>
      %mul3A_1794 = arith.constant 13 : i32
      %mul3A_1795 = arith.muli %scan3A_675, %mul3A_1794 : i32
      %add3A_1796 = arith.constant 6 : i32
      %add3A_1797 = arith.addi %mul3A_1795, %add3A_1796 : i32
      %swap3A_1798 = arith.index_cast %add3A_1797 : i32 to index
      %swap3A_1799 = arith.constant 0 : index
      %swap3A_1800 = tpu.vector_load %arg10[%swap3A_1798, %swap3A_1799] {strides = array<i32>} : memref<104x128xi32, #tpu.memory_space<vmem>>, vector<1x16xi32>,
      %swap3A_1801 = vector.shape_cast %swap3A_1800 : vector<1x16xi32> to vector<16xi32>
      %swap3A_1802 = vector.shape_cast %add3A_1793 : vector<16xi32> to vector<1x16xi32>
      tpu.vector_store %arg10[%swap3A_1798, %swap3A_1799], %swap3A_1802 {strides = array<i32>} : memref<104x128xi32, #tpu.memory_space<vmem>>, vector<1x16xi32>,
      %mul3A_1803 = arith.constant 13 : i32
      %mul3A_1804 = arith.muli %scan3A_675, %mul3A_1803 : i32
      %add3A_1805 = arith.constant 6 : i32
      %add3A_1806 = arith.addi %mul3A_1804, %add3A_1805 : i32
      %get3A_1807 = arith.index_cast %add3A_1806 : i32 to index
      %get3A_1808 = arith.constant 16 : index
      %get3A_1809 = tpu.vector_load %arg10[%get3A_1807, %get3A_1808] {strides = array<i32>} : memref<104x128xi32, #tpu.memory_space<vmem>>, vector<1x16xi32>,
      %get3A_1810 = vector.shape_cast %get3A_1809 : vector<1x16xi32> to vector<16xi32>
      %get3A_1811 = arith.constant 6 : i32
      %get3A_1812 = arith.index_cast %get3A_1811 : i32 to index
      %get3A_1813 = arith.constant 16 : index
      %get3A_1814 = tpu.vector_load %arg11[%get3A_1812, %get3A_1813] {strides = array<i32>} : memref<13x128xi32, #tpu.memory_space<vmem>>, vector<1x16xi32>,
      %get3A_1815 = vector.shape_cast %get3A_1814 : vector<1x16xi32> to vector<16xi32>
      %add3A_1816 = arith.addi %get3A_1810, %get3A_1815 : vector<16xi32>
      %mul3A_1817 = arith.constant 13 : i32
      %mul3A_1818 = arith.muli %scan3A_675, %mul3A_1817 : i32
      %add3A_1819 = arith.constant 6 : i32
      %add3A_1820 = arith.addi %mul3A_1818, %add3A_1819 : i32
      %swap3A_1821 = arith.index_cast %add3A_1820 : i32 to index
      %swap3A_1822 = arith.constant 16 : index
      %swap3A_1823 = tpu.vector_load %arg10[%swap3A_1821, %swap3A_1822] {strides = array<i32>} : memref<104x128xi32, #tpu.memory_space<vmem>>, vector<1x16xi32>,
      %swap3A_1824 = vector.shape_cast %swap3A_1823 : vector<1x16xi32> to vector<16xi32>
      %swap3A_1825 = vector.shape_cast %add3A_1816 : vector<16xi32> to vector<1x16xi32>
      tpu.vector_store %arg10[%swap3A_1821, %swap3A_1822], %swap3A_1825 {strides = array<i32>} : memref<104x128xi32, #tpu.memory_space<vmem>>, vector<1x16xi32>,
      %mul3A_1826 = arith.constant 13 : i32
      %mul3A_1827 = arith.muli %scan3A_675, %mul3A_1826 : i32
      %add3A_1828 = arith.constant 6 : i32
      %add3A_1829 = arith.addi %mul3A_1827, %add3A_1828 : i32
      %get3A_1830 = arith.index_cast %add3A_1829 : i32 to index
      %get3A_1831 = arith.constant 32 : index
      %get3A_1832 = tpu.vector_load %arg10[%get3A_1830, %get3A_1831] {strides = array<i32>} : memref<104x128xi32, #tpu.memory_space<vmem>>, vector<1x16xi32>,
      %get3A_1833 = vector.shape_cast %get3A_1832 : vector<1x16xi32> to vector<16xi32>
      %get3A_1834 = arith.constant 6 : i32
      %get3A_1835 = arith.index_cast %get3A_1834 : i32 to index
      %get3A_1836 = arith.constant 32 : index
      %get3A_1837 = tpu.vector_load %arg11[%get3A_1835, %get3A_1836] {strides = array<i32>} : memref<13x128xi32, #tpu.memory_space<vmem>>, vector<1x16xi32>,
      %get3A_1838 = vector.shape_cast %get3A_1837 : vector<1x16xi32> to vector<16xi32>
      %add3A_1839 = arith.addi %get3A_1833, %get3A_1838 : vector<16xi32>
      %mul3A_1840 = arith.constant 13 : i32
      %mul3A_1841 = arith.muli %scan3A_675, %mul3A_1840 : i32
      %add3A_1842 = arith.constant 6 : i32
      %add3A_1843 = arith.addi %mul3A_1841, %add3A_1842 : i32
      %swap3A_1844 = arith.index_cast %add3A_1843 : i32 to index
      %swap3A_1845 = arith.constant 32 : index
      %swap3A_1846 = tpu.vector_load %arg10[%swap3A_1844, %swap3A_1845] {strides = array<i32>} : memref<104x128xi32, #tpu.memory_space<vmem>>, vector<1x16xi32>,
      %swap3A_1847 = vector.shape_cast %swap3A_1846 : vector<1x16xi32> to vector<16xi32>
      %swap3A_1848 = vector.shape_cast %add3A_1839 : vector<16xi32> to vector<1x16xi32>
      tpu.vector_store %arg10[%swap3A_1844, %swap3A_1845], %swap3A_1848 {strides = array<i32>} : memref<104x128xi32, #tpu.memory_space<vmem>>, vector<1x16xi32>,
      %mul3A_1849 = arith.constant 13 : i32
      %mul3A_1850 = arith.muli %scan3A_675, %mul3A_1849 : i32
      %add3A_1851 = arith.constant 6 : i32
      %add3A_1852 = arith.addi %mul3A_1850, %add3A_1851 : i32
      %get3A_1853 = arith.index_cast %add3A_1852 : i32 to index
      %get3A_1854 = arith.constant 48 : index
      %get3A_1855 = tpu.vector_load %arg10[%get3A_1853, %get3A_1854] {strides = array<i32>} : memref<104x128xi32, #tpu.memory_space<vmem>>, vector<1x16xi32>,
      %get3A_1856 = vector.shape_cast %get3A_1855 : vector<1x16xi32> to vector<16xi32>
      %get3A_1857 = arith.constant 6 : i32
      %get3A_1858 = arith.index_cast %get3A_1857 : i32 to index
      %get3A_1859 = arith.constant 48 : index
      %get3A_1860 = tpu.vector_load %arg11[%get3A_1858, %get3A_1859] {strides = array<i32>} : memref<13x128xi32, #tpu.memory_space<vmem>>, vector<1x16xi32>,
      %get3A_1861 = vector.shape_cast %get3A_1860 : vector<1x16xi32> to vector<16xi32>
      %add3A_1862 = arith.addi %get3A_1856, %get3A_1861 : vector<16xi32>
      %mul3A_1863 = arith.constant 13 : i32
      %mul3A_1864 = arith.muli %scan3A_675, %mul3A_1863 : i32
      %add3A_1865 = arith.constant 6 : i32
      %add3A_1866 = arith.addi %mul3A_1864, %add3A_1865 : i32
      %swap3A_1867 = arith.index_cast %add3A_1866 : i32 to index
      %swap3A_1868 = arith.constant 48 : index
      %swap3A_1869 = tpu.vector_load %arg10[%swap3A_1867, %swap3A_1868] {strides = array<i32>} : memref<104x128xi32, #tpu.memory_space<vmem>>, vector<1x16xi32>,
      %swap3A_1870 = vector.shape_cast %swap3A_1869 : vector<1x16xi32> to vector<16xi32>
      %swap3A_1871 = vector.shape_cast %add3A_1862 : vector<16xi32> to vector<1x16xi32>
      tpu.vector_store %arg10[%swap3A_1867, %swap3A_1868], %swap3A_1871 {strides = array<i32>} : memref<104x128xi32, #tpu.memory_space<vmem>>, vector<1x16xi32>,
      %mul3A_1872 = arith.constant 13 : i32
      %mul3A_1873 = arith.muli %scan3A_675, %mul3A_1872 : i32
      %add3A_1874 = arith.constant 6 : i32
      %add3A_1875 = arith.addi %mul3A_1873, %add3A_1874 : i32
      %get3A_1876 = arith.index_cast %add3A_1875 : i32 to index
      %get3A_1877 = arith.constant 64 : index
      %get3A_1878 = tpu.vector_load %arg10[%get3A_1876, %get3A_1877] {strides = array<i32>} : memref<104x128xi32, #tpu.memory_space<vmem>>, vector<1x16xi32>,
      %get3A_1879 = vector.shape_cast %get3A_1878 : vector<1x16xi32> to vector<16xi32>
      %get3A_1880 = arith.constant 6 : i32
      %get3A_1881 = arith.index_cast %get3A_1880 : i32 to index
      %get3A_1882 = arith.constant 64 : index
      %get3A_1883 = tpu.vector_load %arg11[%get3A_1881, %get3A_1882] {strides = array<i32>} : memref<13x128xi32, #tpu.memory_space<vmem>>, vector<1x16xi32>,
      %get3A_1884 = vector.shape_cast %get3A_1883 : vector<1x16xi32> to vector<16xi32>
      %add3A_1885 = arith.addi %get3A_1879, %get3A_1884 : vector<16xi32>
      %mul3A_1886 = arith.constant 13 : i32
      %mul3A_1887 = arith.muli %scan3A_675, %mul3A_1886 : i32
      %add3A_1888 = arith.constant 6 : i32
      %add3A_1889 = arith.addi %mul3A_1887, %add3A_1888 : i32
      %swap3A_1890 = arith.index_cast %add3A_1889 : i32 to index
      %swap3A_1891 = arith.constant 64 : index
      %swap3A_1892 = tpu.vector_load %arg10[%swap3A_1890, %swap3A_1891] {strides = array<i32>} : memref<104x128xi32, #tpu.memory_space<vmem>>, vector<1x16xi32>,
      %swap3A_1893 = vector.shape_cast %swap3A_1892 : vector<1x16xi32> to vector<16xi32>
      %swap3A_1894 = vector.shape_cast %add3A_1885 : vector<16xi32> to vector<1x16xi32>
      tpu.vector_store %arg10[%swap3A_1890, %swap3A_1891], %swap3A_1894 {strides = array<i32>} : memref<104x128xi32, #tpu.memory_space<vmem>>, vector<1x16xi32>,
      %mul3A_1895 = arith.constant 13 : i32
      %mul3A_1896 = arith.muli %scan3A_675, %mul3A_1895 : i32
      %add3A_1897 = arith.constant 6 : i32
      %add3A_1898 = arith.addi %mul3A_1896, %add3A_1897 : i32
      %get3A_1899 = arith.index_cast %add3A_1898 : i32 to index
      %get3A_1900 = arith.constant 80 : index
      %get3A_1901 = tpu.vector_load %arg10[%get3A_1899, %get3A_1900] {strides = array<i32>} : memref<104x128xi32, #tpu.memory_space<vmem>>, vector<1x16xi32>,
      %get3A_1902 = vector.shape_cast %get3A_1901 : vector<1x16xi32> to vector<16xi32>
      %get3A_1903 = arith.constant 6 : i32
      %get3A_1904 = arith.index_cast %get3A_1903 : i32 to index
      %get3A_1905 = arith.constant 80 : index
      %get3A_1906 = tpu.vector_load %arg11[%get3A_1904, %get3A_1905] {strides = array<i32>} : memref<13x128xi32, #tpu.memory_space<vmem>>, vector<1x16xi32>,
      %get3A_1907 = vector.shape_cast %get3A_1906 : vector<1x16xi32> to vector<16xi32>
      %add3A_1908 = arith.addi %get3A_1902, %get3A_1907 : vector<16xi32>
      %mul3A_1909 = arith.constant 13 : i32
      %mul3A_1910 = arith.muli %scan3A_675, %mul3A_1909 : i32
      %add3A_1911 = arith.constant 6 : i32
      %add3A_1912 = arith.addi %mul3A_1910, %add3A_1911 : i32
      %swap3A_1913 = arith.index_cast %add3A_1912 : i32 to index
      %swap3A_1914 = arith.constant 80 : index
      %swap3A_1915 = tpu.vector_load %arg10[%swap3A_1913, %swap3A_1914] {strides = array<i32>} : memref<104x128xi32, #tpu.memory_space<vmem>>, vector<1x16xi32>,
      %swap3A_1916 = vector.shape_cast %swap3A_1915 : vector<1x16xi32> to vector<16xi32>
      %swap3A_1917 = vector.shape_cast %add3A_1908 : vector<16xi32> to vector<1x16xi32>
      tpu.vector_store %arg10[%swap3A_1913, %swap3A_1914], %swap3A_1917 {strides = array<i32>} : memref<104x128xi32, #tpu.memory_space<vmem>>, vector<1x16xi32>,
      %mul3A_1918 = arith.constant 13 : i32
      %mul3A_1919 = arith.muli %scan3A_675, %mul3A_1918 : i32
      %add3A_1920 = arith.constant 6 : i32
      %add3A_1921 = arith.addi %mul3A_1919, %add3A_1920 : i32
      %get3A_1922 = arith.index_cast %add3A_1921 : i32 to index
      %get3A_1923 = arith.constant 96 : index
      %get3A_1924 = tpu.vector_load %arg10[%get3A_1922, %get3A_1923] {strides = array<i32>} : memref<104x128xi32, #tpu.memory_space<vmem>>, vector<1x16xi32>,
      %get3A_1925 = vector.shape_cast %get3A_1924 : vector<1x16xi32> to vector<16xi32>
      %get3A_1926 = arith.constant 6 : i32
      %get3A_1927 = arith.index_cast %get3A_1926 : i32 to index
      %get3A_1928 = arith.constant 96 : index
      %get3A_1929 = tpu.vector_load %arg11[%get3A_1927, %get3A_1928] {strides = array<i32>} : memref<13x128xi32, #tpu.memory_space<vmem>>, vector<1x16xi32>,
      %get3A_1930 = vector.shape_cast %get3A_1929 : vector<1x16xi32> to vector<16xi32>
      %add3A_1931 = arith.addi %get3A_1925, %get3A_1930 : vector<16xi32>
      %mul3A_1932 = arith.constant 13 : i32
      %mul3A_1933 = arith.muli %scan3A_675, %mul3A_1932 : i32
      %add3A_1934 = arith.constant 6 : i32
      %add3A_1935 = arith.addi %mul3A_1933, %add3A_1934 : i32
      %swap3A_1936 = arith.index_cast %add3A_1935 : i32 to index
      %swap3A_1937 = arith.constant 96 : index
      %swap3A_1938 = tpu.vector_load %arg10[%swap3A_1936, %swap3A_1937] {strides = array<i32>} : memref<104x128xi32, #tpu.memory_space<vmem>>, vector<1x16xi32>,
      %swap3A_1939 = vector.shape_cast %swap3A_1938 : vector<1x16xi32> to vector<16xi32>
      %swap3A_1940 = vector.shape_cast %add3A_1931 : vector<16xi32> to vector<1x16xi32>
      tpu.vector_store %arg10[%swap3A_1936, %swap3A_1937], %swap3A_1940 {strides = array<i32>} : memref<104x128xi32, #tpu.memory_space<vmem>>, vector<1x16xi32>,
      %mul3A_1941 = arith.constant 13 : i32
      %mul3A_1942 = arith.muli %scan3A_675, %mul3A_1941 : i32
      %add3A_1943 = arith.constant 6 : i32
      %add3A_1944 = arith.addi %mul3A_1942, %add3A_1943 : i32
      %get3A_1945 = arith.index_cast %add3A_1944 : i32 to index
      %get3A_1946 = arith.constant 112 : index
      %get3A_1947 = tpu.vector_load %arg10[%get3A_1945, %get3A_1946] {strides = array<i32>} : memref<104x128xi32, #tpu.memory_space<vmem>>, vector<1x16xi32>,
      %get3A_1948 = vector.shape_cast %get3A_1947 : vector<1x16xi32> to vector<16xi32>
      %get3A_1949 = arith.constant 6 : i32
      %get3A_1950 = arith.index_cast %get3A_1949 : i32 to index
      %get3A_1951 = arith.constant 112 : index
      %get3A_1952 = tpu.vector_load %arg11[%get3A_1950, %get3A_1951] {strides = array<i32>} : memref<13x128xi32, #tpu.memory_space<vmem>>, vector<1x16xi32>,
      %get3A_1953 = vector.shape_cast %get3A_1952 : vector<1x16xi32> to vector<16xi32>
      %add3A_1954 = arith.addi %get3A_1948, %get3A_1953 : vector<16xi32>
      %mul3A_1955 = arith.constant 13 : i32
      %mul3A_1956 = arith.muli %scan3A_675, %mul3A_1955 : i32
      %add3A_1957 = arith.constant 6 : i32
      %add3A_1958 = arith.addi %mul3A_1956, %add3A_1957 : i32
      %swap3A_1959 = arith.index_cast %add3A_1958 : i32 to index
      %swap3A_1960 = arith.constant 112 : index
      %swap3A_1961 = tpu.vector_load %arg10[%swap3A_1959, %swap3A_1960] {strides = array<i32>} : memref<104x128xi32, #tpu.memory_space<vmem>>, vector<1x16xi32>,
      %swap3A_1962 = vector.shape_cast %swap3A_1961 : vector<1x16xi32> to vector<16xi32>
      %swap3A_1963 = vector.shape_cast %add3A_1954 : vector<16xi32> to vector<1x16xi32>
      tpu.vector_store %arg10[%swap3A_1959, %swap3A_1960], %swap3A_1963 {strides = array<i32>} : memref<104x128xi32, #tpu.memory_space<vmem>>, vector<1x16xi32>,
      %mul3A_1964 = arith.constant 13 : i32
      %mul3A_1965 = arith.muli %scan3A_675, %mul3A_1964 : i32
      %add3A_1966 = arith.constant 7 : i32
      %add3A_1967 = arith.addi %mul3A_1965, %add3A_1966 : i32
      %get3A_1968 = arith.index_cast %add3A_1967 : i32 to index
      %get3A_1969 = arith.constant 0 : index
      %get3A_1970 = tpu.vector_load %arg10[%get3A_1968, %get3A_1969] {strides = array<i32>} : memref<104x128xi32, #tpu.memory_space<vmem>>, vector<1x16xi32>,
      %get3A_1971 = vector.shape_cast %get3A_1970 : vector<1x16xi32> to vector<16xi32>
      %get3A_1972 = arith.constant 7 : i32
      %get3A_1973 = arith.index_cast %get3A_1972 : i32 to index
      %get3A_1974 = arith.constant 0 : index
      %get3A_1975 = tpu.vector_load %arg11[%get3A_1973, %get3A_1974] {strides = array<i32>} : memref<13x128xi32, #tpu.memory_space<vmem>>, vector<1x16xi32>,
      %get3A_1976 = vector.shape_cast %get3A_1975 : vector<1x16xi32> to vector<16xi32>
      %add3A_1977 = arith.addi %get3A_1971, %get3A_1976 : vector<16xi32>
      %mul3A_1978 = arith.constant 13 : i32
      %mul3A_1979 = arith.muli %scan3A_675, %mul3A_1978 : i32
      %add3A_1980 = arith.constant 7 : i32
      %add3A_1981 = arith.addi %mul3A_1979, %add3A_1980 : i32
      %swap3A_1982 = arith.index_cast %add3A_1981 : i32 to index
      %swap3A_1983 = arith.constant 0 : index
      %swap3A_1984 = tpu.vector_load %arg10[%swap3A_1982, %swap3A_1983] {strides = array<i32>} : memref<104x128xi32, #tpu.memory_space<vmem>>, vector<1x16xi32>,
      %swap3A_1985 = vector.shape_cast %swap3A_1984 : vector<1x16xi32> to vector<16xi32>
      %swap3A_1986 = vector.shape_cast %add3A_1977 : vector<16xi32> to vector<1x16xi32>
      tpu.vector_store %arg10[%swap3A_1982, %swap3A_1983], %swap3A_1986 {strides = array<i32>} : memref<104x128xi32, #tpu.memory_space<vmem>>, vector<1x16xi32>,
      %mul3A_1987 = arith.constant 13 : i32
      %mul3A_1988 = arith.muli %scan3A_675, %mul3A_1987 : i32
      %add3A_1989 = arith.constant 7 : i32
      %add3A_1990 = arith.addi %mul3A_1988, %add3A_1989 : i32
      %get3A_1991 = arith.index_cast %add3A_1990 : i32 to index
      %get3A_1992 = arith.constant 16 : index
      %get3A_1993 = tpu.vector_load %arg10[%get3A_1991, %get3A_1992] {strides = array<i32>} : memref<104x128xi32, #tpu.memory_space<vmem>>, vector<1x16xi32>,
      %get3A_1994 = vector.shape_cast %get3A_1993 : vector<1x16xi32> to vector<16xi32>
      %get3A_1995 = arith.constant 7 : i32
      %get3A_1996 = arith.index_cast %get3A_1995 : i32 to index
      %get3A_1997 = arith.constant 16 : index
      %get3A_1998 = tpu.vector_load %arg11[%get3A_1996, %get3A_1997] {strides = array<i32>} : memref<13x128xi32, #tpu.memory_space<vmem>>, vector<1x16xi32>,
      %get3A_1999 = vector.shape_cast %get3A_1998 : vector<1x16xi32> to vector<16xi32>
      %add3A_2000 = arith.addi %get3A_1994, %get3A_1999 : vector<16xi32>
      %mul3A_2001 = arith.constant 13 : i32
      %mul3A_2002 = arith.muli %scan3A_675, %mul3A_2001 : i32
      %add3A_2003 = arith.constant 7 : i32
      %add3A_2004 = arith.addi %mul3A_2002, %add3A_2003 : i32
      %swap3A_2005 = arith.index_cast %add3A_2004 : i32 to index
      %swap3A_2006 = arith.constant 16 : index
      %swap3A_2007 = tpu.vector_load %arg10[%swap3A_2005, %swap3A_2006] {strides = array<i32>} : memref<104x128xi32, #tpu.memory_space<vmem>>, vector<1x16xi32>,
      %swap3A_2008 = vector.shape_cast %swap3A_2007 : vector<1x16xi32> to vector<16xi32>
      %swap3A_2009 = vector.shape_cast %add3A_2000 : vector<16xi32> to vector<1x16xi32>
      tpu.vector_store %arg10[%swap3A_2005, %swap3A_2006], %swap3A_2009 {strides = array<i32>} : memref<104x128xi32, #tpu.memory_space<vmem>>, vector<1x16xi32>,
      %mul3A_2010 = arith.constant 13 : i32
      %mul3A_2011 = arith.muli %scan3A_675, %mul3A_2010 : i32
      %add3A_2012 = arith.constant 7 : i32
      %add3A_2013 = arith.addi %mul3A_2011, %add3A_2012 : i32
      %get3A_2014 = arith.index_cast %add3A_2013 : i32 to index
      %get3A_2015 = arith.constant 32 : index
      %get3A_2016 = tpu.vector_load %arg10[%get3A_2014, %get3A_2015] {strides = array<i32>} : memref<104x128xi32, #tpu.memory_space<vmem>>, vector<1x16xi32>,
      %get3A_2017 = vector.shape_cast %get3A_2016 : vector<1x16xi32> to vector<16xi32>
      %get3A_2018 = arith.constant 7 : i32
      %get3A_2019 = arith.index_cast %get3A_2018 : i32 to index
      %get3A_2020 = arith.constant 32 : index
      %get3A_2021 = tpu.vector_load %arg11[%get3A_2019, %get3A_2020] {strides = array<i32>} : memref<13x128xi32, #tpu.memory_space<vmem>>, vector<1x16xi32>,
      %get3A_2022 = vector.shape_cast %get3A_2021 : vector<1x16xi32> to vector<16xi32>
      %add3A_2023 = arith.addi %get3A_2017, %get3A_2022 : vector<16xi32>
      %mul3A_2024 = arith.constant 13 : i32
      %mul3A_2025 = arith.muli %scan3A_675, %mul3A_2024 : i32
      %add3A_2026 = arith.constant 7 : i32
      %add3A_2027 = arith.addi %mul3A_2025, %add3A_2026 : i32
      %swap3A_2028 = arith.index_cast %add3A_2027 : i32 to index
      %swap3A_2029 = arith.constant 32 : index
      %swap3A_2030 = tpu.vector_load %arg10[%swap3A_2028, %swap3A_2029] {strides = array<i32>} : memref<104x128xi32, #tpu.memory_space<vmem>>, vector<1x16xi32>,
      %swap3A_2031 = vector.shape_cast %swap3A_2030 : vector<1x16xi32> to vector<16xi32>
      %swap3A_2032 = vector.shape_cast %add3A_2023 : vector<16xi32> to vector<1x16xi32>
      tpu.vector_store %arg10[%swap3A_2028, %swap3A_2029], %swap3A_2032 {strides = array<i32>} : memref<104x128xi32, #tpu.memory_space<vmem>>, vector<1x16xi32>,
      %mul3A_2033 = arith.constant 13 : i32
      %mul3A_2034 = arith.muli %scan3A_675, %mul3A_2033 : i32
      %add3A_2035 = arith.constant 7 : i32
      %add3A_2036 = arith.addi %mul3A_2034, %add3A_2035 : i32
      %get3A_2037 = arith.index_cast %add3A_2036 : i32 to index
      %get3A_2038 = arith.constant 48 : index
      %get3A_2039 = tpu.vector_load %arg10[%get3A_2037, %get3A_2038] {strides = array<i32>} : memref<104x128xi32, #tpu.memory_space<vmem>>, vector<1x16xi32>,
      %get3A_2040 = vector.shape_cast %get3A_2039 : vector<1x16xi32> to vector<16xi32>
      %get3A_2041 = arith.constant 7 : i32
      %get3A_2042 = arith.index_cast %get3A_2041 : i32 to index
      %get3A_2043 = arith.constant 48 : index
      %get3A_2044 = tpu.vector_load %arg11[%get3A_2042, %get3A_2043] {strides = array<i32>} : memref<13x128xi32, #tpu.memory_space<vmem>>, vector<1x16xi32>,
      %get3A_2045 = vector.shape_cast %get3A_2044 : vector<1x16xi32> to vector<16xi32>
      %add3A_2046 = arith.addi %get3A_2040, %get3A_2045 : vector<16xi32>
      %mul3A_2047 = arith.constant 13 : i32
      %mul3A_2048 = arith.muli %scan3A_675, %mul3A_2047 : i32
      %add3A_2049 = arith.constant 7 : i32
      %add3A_2050 = arith.addi %mul3A_2048, %add3A_2049 : i32
      %swap3A_2051 = arith.index_cast %add3A_2050 : i32 to index
      %swap3A_2052 = arith.constant 48 : index
      %swap3A_2053 = tpu.vector_load %arg10[%swap3A_2051, %swap3A_2052] {strides = array<i32>} : memref<104x128xi32, #tpu.memory_space<vmem>>, vector<1x16xi32>,
      %swap3A_2054 = vector.shape_cast %swap3A_2053 : vector<1x16xi32> to vector<16xi32>
      %swap3A_2055 = vector.shape_cast %add3A_2046 : vector<16xi32> to vector<1x16xi32>
      tpu.vector_store %arg10[%swap3A_2051, %swap3A_2052], %swap3A_2055 {strides = array<i32>} : memref<104x128xi32, #tpu.memory_space<vmem>>, vector<1x16xi32>,
      %mul3A_2056 = arith.constant 13 : i32
      %mul3A_2057 = arith.muli %scan3A_675, %mul3A_2056 : i32
      %add3A_2058 = arith.constant 7 : i32
      %add3A_2059 = arith.addi %mul3A_2057, %add3A_2058 : i32
      %get3A_2060 = arith.index_cast %add3A_2059 : i32 to index
      %get3A_2061 = arith.constant 64 : index
      %get3A_2062 = tpu.vector_load %arg10[%get3A_2060, %get3A_2061] {strides = array<i32>} : memref<104x128xi32, #tpu.memory_space<vmem>>, vector<1x16xi32>,
      %get3A_2063 = vector.shape_cast %get3A_2062 : vector<1x16xi32> to vector<16xi32>
      %get3A_2064 = arith.constant 7 : i32
      %get3A_2065 = arith.index_cast %get3A_2064 : i32 to index
      %get3A_2066 = arith.constant 64 : index
      %get3A_2067 = tpu.vector_load %arg11[%get3A_2065, %get3A_2066] {strides = array<i32>} : memref<13x128xi32, #tpu.memory_space<vmem>>, vector<1x16xi32>,
      %get3A_2068 = vector.shape_cast %get3A_2067 : vector<1x16xi32> to vector<16xi32>
      %add3A_2069 = arith.addi %get3A_2063, %get3A_2068 : vector<16xi32>
      %mul3A_2070 = arith.constant 13 : i32
      %mul3A_2071 = arith.muli %scan3A_675, %mul3A_2070 : i32
      %add3A_2072 = arith.constant 7 : i32
      %add3A_2073 = arith.addi %mul3A_2071, %add3A_2072 : i32
      %swap3A_2074 = arith.index_cast %add3A_2073 : i32 to index
      %swap3A_2075 = arith.constant 64 : index
      %swap3A_2076 = tpu.vector_load %arg10[%swap3A_2074, %swap3A_2075] {strides = array<i32>} : memref<104x128xi32, #tpu.memory_space<vmem>>, vector<1x16xi32>,
      %swap3A_2077 = vector.shape_cast %swap3A_2076 : vector<1x16xi32> to vector<16xi32>
      %swap3A_2078 = vector.shape_cast %add3A_2069 : vector<16xi32> to vector<1x16xi32>
      tpu.vector_store %arg10[%swap3A_2074, %swap3A_2075], %swap3A_2078 {strides = array<i32>} : memref<104x128xi32, #tpu.memory_space<vmem>>, vector<1x16xi32>,
      %mul3A_2079 = arith.constant 13 : i32
      %mul3A_2080 = arith.muli %scan3A_675, %mul3A_2079 : i32
      %add3A_2081 = arith.constant 7 : i32
      %add3A_2082 = arith.addi %mul3A_2080, %add3A_2081 : i32
      %get3A_2083 = arith.index_cast %add3A_2082 : i32 to index
      %get3A_2084 = arith.constant 80 : index
      %get3A_2085 = tpu.vector_load %arg10[%get3A_2083, %get3A_2084] {strides = array<i32>} : memref<104x128xi32, #tpu.memory_space<vmem>>, vector<1x16xi32>,
      %get3A_2086 = vector.shape_cast %get3A_2085 : vector<1x16xi32> to vector<16xi32>
      %get3A_2087 = arith.constant 7 : i32
      %get3A_2088 = arith.index_cast %get3A_2087 : i32 to index
      %get3A_2089 = arith.constant 80 : index
      %get3A_2090 = tpu.vector_load %arg11[%get3A_2088, %get3A_2089] {strides = array<i32>} : memref<13x128xi32, #tpu.memory_space<vmem>>, vector<1x16xi32>,
      %get3A_2091 = vector.shape_cast %get3A_2090 : vector<1x16xi32> to vector<16xi32>
      %add3A_2092 = arith.addi %get3A_2086, %get3A_2091 : vector<16xi32>
      %mul3A_2093 = arith.constant 13 : i32
      %mul3A_2094 = arith.muli %scan3A_675, %mul3A_2093 : i32
      %add3A_2095 = arith.constant 7 : i32
      %add3A_2096 = arith.addi %mul3A_2094, %add3A_2095 : i32
      %swap3A_2097 = arith.index_cast %add3A_2096 : i32 to index
      %swap3A_2098 = arith.constant 80 : index
      %swap3A_2099 = tpu.vector_load %arg10[%swap3A_2097, %swap3A_2098] {strides = array<i32>} : memref<104x128xi32, #tpu.memory_space<vmem>>, vector<1x16xi32>,
      %swap3A_2100 = vector.shape_cast %swap3A_2099 : vector<1x16xi32> to vector<16xi32>
      %swap3A_2101 = vector.shape_cast %add3A_2092 : vector<16xi32> to vector<1x16xi32>
      tpu.vector_store %arg10[%swap3A_2097, %swap3A_2098], %swap3A_2101 {strides = array<i32>} : memref<104x128xi32, #tpu.memory_space<vmem>>, vector<1x16xi32>,
      %mul3A_2102 = arith.constant 13 : i32
      %mul3A_2103 = arith.muli %scan3A_675, %mul3A_2102 : i32
      %add3A_2104 = arith.constant 7 : i32
      %add3A_2105 = arith.addi %mul3A_2103, %add3A_2104 : i32
      %get3A_2106 = arith.index_cast %add3A_2105 : i32 to index
      %get3A_2107 = arith.constant 96 : index
      %get3A_2108 = tpu.vector_load %arg10[%get3A_2106, %get3A_2107] {strides = array<i32>} : memref<104x128xi32, #tpu.memory_space<vmem>>, vector<1x16xi32>,
      %get3A_2109 = vector.shape_cast %get3A_2108 : vector<1x16xi32> to vector<16xi32>
      %get3A_2110 = arith.constant 7 : i32
      %get3A_2111 = arith.index_cast %get3A_2110 : i32 to index
      %get3A_2112 = arith.constant 96 : index
      %get3A_2113 = tpu.vector_load %arg11[%get3A_2111, %get3A_2112] {strides = array<i32>} : memref<13x128xi32, #tpu.memory_space<vmem>>, vector<1x16xi32>,
      %get3A_2114 = vector.shape_cast %get3A_2113 : vector<1x16xi32> to vector<16xi32>
      %add3A_2115 = arith.addi %get3A_2109, %get3A_2114 : vector<16xi32>
      %mul3A_2116 = arith.constant 13 : i32
      %mul3A_2117 = arith.muli %scan3A_675, %mul3A_2116 : i32
      %add3A_2118 = arith.constant 7 : i32
      %add3A_2119 = arith.addi %mul3A_2117, %add3A_2118 : i32
      %swap3A_2120 = arith.index_cast %add3A_2119 : i32 to index
      %swap3A_2121 = arith.constant 96 : index
      %swap3A_2122 = tpu.vector_load %arg10[%swap3A_2120, %swap3A_2121] {strides = array<i32>} : memref<104x128xi32, #tpu.memory_space<vmem>>, vector<1x16xi32>,
      %swap3A_2123 = vector.shape_cast %swap3A_2122 : vector<1x16xi32> to vector<16xi32>
      %swap3A_2124 = vector.shape_cast %add3A_2115 : vector<16xi32> to vector<1x16xi32>
      tpu.vector_store %arg10[%swap3A_2120, %swap3A_2121], %swap3A_2124 {strides = array<i32>} : memref<104x128xi32, #tpu.memory_space<vmem>>, vector<1x16xi32>,
      %mul3A_2125 = arith.constant 13 : i32
      %mul3A_2126 = arith.muli %scan3A_675, %mul3A_2125 : i32
      %add3A_2127 = arith.constant 7 : i32
      %add3A_2128 = arith.addi %mul3A_2126, %add3A_2127 : i32
      %get3A_2129 = arith.index_cast %add3A_2128 : i32 to index
      %get3A_2130 = arith.constant 112 : index
      %get3A_2131 = tpu.vector_load %arg10[%get3A_2129, %get3A_2130] {strides = array<i32>} : memref<104x128xi32, #tpu.memory_space<vmem>>, vector<1x16xi32>,
      %get3A_2132 = vector.shape_cast %get3A_2131 : vector<1x16xi32> to vector<16xi32>
      %get3A_2133 = arith.constant 7 : i32
      %get3A_2134 = arith.index_cast %get3A_2133 : i32 to index
      %get3A_2135 = arith.constant 112 : index
      %get3A_2136 = tpu.vector_load %arg11[%get3A_2134, %get3A_2135] {strides = array<i32>} : memref<13x128xi32, #tpu.memory_space<vmem>>, vector<1x16xi32>,
      %get3A_2137 = vector.shape_cast %get3A_2136 : vector<1x16xi32> to vector<16xi32>
      %add3A_2138 = arith.addi %get3A_2132, %get3A_2137 : vector<16xi32>
      %mul3A_2139 = arith.constant 13 : i32
      %mul3A_2140 = arith.muli %scan3A_675, %mul3A_2139 : i32
      %add3A_2141 = arith.constant 7 : i32
      %add3A_2142 = arith.addi %mul3A_2140, %add3A_2141 : i32
      %swap3A_2143 = arith.index_cast %add3A_2142 : i32 to index
      %swap3A_2144 = arith.constant 112 : index
      %swap3A_2145 = tpu.vector_load %arg10[%swap3A_2143, %swap3A_2144] {strides = array<i32>} : memref<104x128xi32, #tpu.memory_space<vmem>>, vector<1x16xi32>,
      %swap3A_2146 = vector.shape_cast %swap3A_2145 : vector<1x16xi32> to vector<16xi32>
      %swap3A_2147 = vector.shape_cast %add3A_2138 : vector<16xi32> to vector<1x16xi32>
      tpu.vector_store %arg10[%swap3A_2143, %swap3A_2144], %swap3A_2147 {strides = array<i32>} : memref<104x128xi32, #tpu.memory_space<vmem>>, vector<1x16xi32>,
      %mul3A_2148 = arith.constant 13 : i32
      %mul3A_2149 = arith.muli %scan3A_675, %mul3A_2148 : i32
      %add3A_2150 = arith.constant 8 : i32
      %add3A_2151 = arith.addi %mul3A_2149, %add3A_2150 : i32
      %get3A_2152 = arith.index_cast %add3A_2151 : i32 to index
      %get3A_2153 = arith.constant 0 : index
      %get3A_2154 = tpu.vector_load %arg10[%get3A_2152, %get3A_2153] {strides = array<i32>} : memref<104x128xi32, #tpu.memory_space<vmem>>, vector<1x16xi32>,
      %get3A_2155 = vector.shape_cast %get3A_2154 : vector<1x16xi32> to vector<16xi32>
      %get3A_2156 = arith.constant 8 : i32
      %get3A_2157 = arith.index_cast %get3A_2156 : i32 to index
      %get3A_2158 = arith.constant 0 : index
      %get3A_2159 = tpu.vector_load %arg11[%get3A_2157, %get3A_2158] {strides = array<i32>} : memref<13x128xi32, #tpu.memory_space<vmem>>, vector<1x16xi32>,
      %get3A_2160 = vector.shape_cast %get3A_2159 : vector<1x16xi32> to vector<16xi32>
      %add3A_2161 = arith.addi %get3A_2155, %get3A_2160 : vector<16xi32>
      %mul3A_2162 = arith.constant 13 : i32
      %mul3A_2163 = arith.muli %scan3A_675, %mul3A_2162 : i32
      %add3A_2164 = arith.constant 8 : i32
      %add3A_2165 = arith.addi %mul3A_2163, %add3A_2164 : i32
      %swap3A_2166 = arith.index_cast %add3A_2165 : i32 to index
      %swap3A_2167 = arith.constant 0 : index
      %swap3A_2168 = tpu.vector_load %arg10[%swap3A_2166, %swap3A_2167] {strides = array<i32>} : memref<104x128xi32, #tpu.memory_space<vmem>>, vector<1x16xi32>,
      %swap3A_2169 = vector.shape_cast %swap3A_2168 : vector<1x16xi32> to vector<16xi32>
      %swap3A_2170 = vector.shape_cast %add3A_2161 : vector<16xi32> to vector<1x16xi32>
      tpu.vector_store %arg10[%swap3A_2166, %swap3A_2167], %swap3A_2170 {strides = array<i32>} : memref<104x128xi32, #tpu.memory_space<vmem>>, vector<1x16xi32>,
      %mul3A_2171 = arith.constant 13 : i32
      %mul3A_2172 = arith.muli %scan3A_675, %mul3A_2171 : i32
      %add3A_2173 = arith.constant 8 : i32
      %add3A_2174 = arith.addi %mul3A_2172, %add3A_2173 : i32
      %get3A_2175 = arith.index_cast %add3A_2174 : i32 to index
      %get3A_2176 = arith.constant 16 : index
      %get3A_2177 = tpu.vector_load %arg10[%get3A_2175, %get3A_2176] {strides = array<i32>} : memref<104x128xi32, #tpu.memory_space<vmem>>, vector<1x16xi32>,
      %get3A_2178 = vector.shape_cast %get3A_2177 : vector<1x16xi32> to vector<16xi32>
      %get3A_2179 = arith.constant 8 : i32
      %get3A_2180 = arith.index_cast %get3A_2179 : i32 to index
      %get3A_2181 = arith.constant 16 : index
      %get3A_2182 = tpu.vector_load %arg11[%get3A_2180, %get3A_2181] {strides = array<i32>} : memref<13x128xi32, #tpu.memory_space<vmem>>, vector<1x16xi32>,
      %get3A_2183 = vector.shape_cast %get3A_2182 : vector<1x16xi32> to vector<16xi32>
      %add3A_2184 = arith.addi %get3A_2178, %get3A_2183 : vector<16xi32>
      %mul3A_2185 = arith.constant 13 : i32
      %mul3A_2186 = arith.muli %scan3A_675, %mul3A_2185 : i32
      %add3A_2187 = arith.constant 8 : i32
      %add3A_2188 = arith.addi %mul3A_2186, %add3A_2187 : i32
      %swap3A_2189 = arith.index_cast %add3A_2188 : i32 to index
      %swap3A_2190 = arith.constant 16 : index
      %swap3A_2191 = tpu.vector_load %arg10[%swap3A_2189, %swap3A_2190] {strides = array<i32>} : memref<104x128xi32, #tpu.memory_space<vmem>>, vector<1x16xi32>,
      %swap3A_2192 = vector.shape_cast %swap3A_2191 : vector<1x16xi32> to vector<16xi32>
      %swap3A_2193 = vector.shape_cast %add3A_2184 : vector<16xi32> to vector<1x16xi32>
      tpu.vector_store %arg10[%swap3A_2189, %swap3A_2190], %swap3A_2193 {strides = array<i32>} : memref<104x128xi32, #tpu.memory_space<vmem>>, vector<1x16xi32>,
      %mul3A_2194 = arith.constant 13 : i32
      %mul3A_2195 = arith.muli %scan3A_675, %mul3A_2194 : i32
      %add3A_2196 = arith.constant 8 : i32
      %add3A_2197 = arith.addi %mul3A_2195, %add3A_2196 : i32
      %get3A_2198 = arith.index_cast %add3A_2197 : i32 to index
      %get3A_2199 = arith.constant 32 : index
      %get3A_2200 = tpu.vector_load %arg10[%get3A_2198, %get3A_2199] {strides = array<i32>} : memref<104x128xi32, #tpu.memory_space<vmem>>, vector<1x16xi32>,
      %get3A_2201 = vector.shape_cast %get3A_2200 : vector<1x16xi32> to vector<16xi32>
      %get3A_2202 = arith.constant 8 : i32
      %get3A_2203 = arith.index_cast %get3A_2202 : i32 to index
      %get3A_2204 = arith.constant 32 : index
      %get3A_2205 = tpu.vector_load %arg11[%get3A_2203, %get3A_2204] {strides = array<i32>} : memref<13x128xi32, #tpu.memory_space<vmem>>, vector<1x16xi32>,
      %get3A_2206 = vector.shape_cast %get3A_2205 : vector<1x16xi32> to vector<16xi32>
      %add3A_2207 = arith.addi %get3A_2201, %get3A_2206 : vector<16xi32>
      %mul3A_2208 = arith.constant 13 : i32
      %mul3A_2209 = arith.muli %scan3A_675, %mul3A_2208 : i32
      %add3A_2210 = arith.constant 8 : i32
      %add3A_2211 = arith.addi %mul3A_2209, %add3A_2210 : i32
      %swap3A_2212 = arith.index_cast %add3A_2211 : i32 to index
      %swap3A_2213 = arith.constant 32 : index
      %swap3A_2214 = tpu.vector_load %arg10[%swap3A_2212, %swap3A_2213] {strides = array<i32>} : memref<104x128xi32, #tpu.memory_space<vmem>>, vector<1x16xi32>,
      %swap3A_2215 = vector.shape_cast %swap3A_2214 : vector<1x16xi32> to vector<16xi32>
      %swap3A_2216 = vector.shape_cast %add3A_2207 : vector<16xi32> to vector<1x16xi32>
      tpu.vector_store %arg10[%swap3A_2212, %swap3A_2213], %swap3A_2216 {strides = array<i32>} : memref<104x128xi32, #tpu.memory_space<vmem>>, vector<1x16xi32>,
      %mul3A_2217 = arith.constant 13 : i32
      %mul3A_2218 = arith.muli %scan3A_675, %mul3A_2217 : i32
      %add3A_2219 = arith.constant 8 : i32
      %add3A_2220 = arith.addi %mul3A_2218, %add3A_2219 : i32
      %get3A_2221 = arith.index_cast %add3A_2220 : i32 to index
      %get3A_2222 = arith.constant 48 : index
      %get3A_2223 = tpu.vector_load %arg10[%get3A_2221, %get3A_2222] {strides = array<i32>} : memref<104x128xi32, #tpu.memory_space<vmem>>, vector<1x16xi32>,
      %get3A_2224 = vector.shape_cast %get3A_2223 : vector<1x16xi32> to vector<16xi32>
      %get3A_2225 = arith.constant 8 : i32
      %get3A_2226 = arith.index_cast %get3A_2225 : i32 to index
      %get3A_2227 = arith.constant 48 : index
      %get3A_2228 = tpu.vector_load %arg11[%get3A_2226, %get3A_2227] {strides = array<i32>} : memref<13x128xi32, #tpu.memory_space<vmem>>, vector<1x16xi32>,
      %get3A_2229 = vector.shape_cast %get3A_2228 : vector<1x16xi32> to vector<16xi32>
      %add3A_2230 = arith.addi %get3A_2224, %get3A_2229 : vector<16xi32>
      %mul3A_2231 = arith.constant 13 : i32
      %mul3A_2232 = arith.muli %scan3A_675, %mul3A_2231 : i32
      %add3A_2233 = arith.constant 8 : i32
      %add3A_2234 = arith.addi %mul3A_2232, %add3A_2233 : i32
      %swap3A_2235 = arith.index_cast %add3A_2234 : i32 to index
      %swap3A_2236 = arith.constant 48 : index
      %swap3A_2237 = tpu.vector_load %arg10[%swap3A_2235, %swap3A_2236] {strides = array<i32>} : memref<104x128xi32, #tpu.memory_space<vmem>>, vector<1x16xi32>,
      %swap3A_2238 = vector.shape_cast %swap3A_2237 : vector<1x16xi32> to vector<16xi32>
      %swap3A_2239 = vector.shape_cast %add3A_2230 : vector<16xi32> to vector<1x16xi32>
      tpu.vector_store %arg10[%swap3A_2235, %swap3A_2236], %swap3A_2239 {strides = array<i32>} : memref<104x128xi32, #tpu.memory_space<vmem>>, vector<1x16xi32>,
      %mul3A_2240 = arith.constant 13 : i32
      %mul3A_2241 = arith.muli %scan3A_675, %mul3A_2240 : i32
      %add3A_2242 = arith.constant 8 : i32
      %add3A_2243 = arith.addi %mul3A_2241, %add3A_2242 : i32
      %get3A_2244 = arith.index_cast %add3A_2243 : i32 to index
      %get3A_2245 = arith.constant 64 : index
      %get3A_2246 = tpu.vector_load %arg10[%get3A_2244, %get3A_2245] {strides = array<i32>} : memref<104x128xi32, #tpu.memory_space<vmem>>, vector<1x16xi32>,
      %get3A_2247 = vector.shape_cast %get3A_2246 : vector<1x16xi32> to vector<16xi32>
      %get3A_2248 = arith.constant 8 : i32
      %get3A_2249 = arith.index_cast %get3A_2248 : i32 to index
      %get3A_2250 = arith.constant 64 : index
      %get3A_2251 = tpu.vector_load %arg11[%get3A_2249, %get3A_2250] {strides = array<i32>} : memref<13x128xi32, #tpu.memory_space<vmem>>, vector<1x16xi32>,
      %get3A_2252 = vector.shape_cast %get3A_2251 : vector<1x16xi32> to vector<16xi32>
      %add3A_2253 = arith.addi %get3A_2247, %get3A_2252 : vector<16xi32>
      %mul3A_2254 = arith.constant 13 : i32
      %mul3A_2255 = arith.muli %scan3A_675, %mul3A_2254 : i32
      %add3A_2256 = arith.constant 8 : i32
      %add3A_2257 = arith.addi %mul3A_2255, %add3A_2256 : i32
      %swap3A_2258 = arith.index_cast %add3A_2257 : i32 to index
      %swap3A_2259 = arith.constant 64 : index
      %swap3A_2260 = tpu.vector_load %arg10[%swap3A_2258, %swap3A_2259] {strides = array<i32>} : memref<104x128xi32, #tpu.memory_space<vmem>>, vector<1x16xi32>,
      %swap3A_2261 = vector.shape_cast %swap3A_2260 : vector<1x16xi32> to vector<16xi32>
      %swap3A_2262 = vector.shape_cast %add3A_2253 : vector<16xi32> to vector<1x16xi32>
      tpu.vector_store %arg10[%swap3A_2258, %swap3A_2259], %swap3A_2262 {strides = array<i32>} : memref<104x128xi32, #tpu.memory_space<vmem>>, vector<1x16xi32>,
      %mul3A_2263 = arith.constant 13 : i32
      %mul3A_2264 = arith.muli %scan3A_675, %mul3A_2263 : i32
      %add3A_2265 = arith.constant 8 : i32
      %add3A_2266 = arith.addi %mul3A_2264, %add3A_2265 : i32
      %get3A_2267 = arith.index_cast %add3A_2266 : i32 to index
      %get3A_2268 = arith.constant 80 : index
      %get3A_2269 = tpu.vector_load %arg10[%get3A_2267, %get3A_2268] {strides = array<i32>} : memref<104x128xi32, #tpu.memory_space<vmem>>, vector<1x16xi32>,
      %get3A_2270 = vector.shape_cast %get3A_2269 : vector<1x16xi32> to vector<16xi32>
      %get3A_2271 = arith.constant 8 : i32
      %get3A_2272 = arith.index_cast %get3A_2271 : i32 to index
      %get3A_2273 = arith.constant 80 : index
      %get3A_2274 = tpu.vector_load %arg11[%get3A_2272, %get3A_2273] {strides = array<i32>} : memref<13x128xi32, #tpu.memory_space<vmem>>, vector<1x16xi32>,
      %get3A_2275 = vector.shape_cast %get3A_2274 : vector<1x16xi32> to vector<16xi32>
      %add3A_2276 = arith.addi %get3A_2270, %get3A_2275 : vector<16xi32>
      %mul3A_2277 = arith.constant 13 : i32
      %mul3A_2278 = arith.muli %scan3A_675, %mul3A_2277 : i32
      %add3A_2279 = arith.constant 8 : i32
      %add3A_2280 = arith.addi %mul3A_2278, %add3A_2279 : i32
      %swap3A_2281 = arith.index_cast %add3A_2280 : i32 to index
      %swap3A_2282 = arith.constant 80 : index
      %swap3A_2283 = tpu.vector_load %arg10[%swap3A_2281, %swap3A_2282] {strides = array<i32>} : memref<104x128xi32, #tpu.memory_space<vmem>>, vector<1x16xi32>,
      %swap3A_2284 = vector.shape_cast %swap3A_2283 : vector<1x16xi32> to vector<16xi32>
      %swap3A_2285 = vector.shape_cast %add3A_2276 : vector<16xi32> to vector<1x16xi32>
      tpu.vector_store %arg10[%swap3A_2281, %swap3A_2282], %swap3A_2285 {strides = array<i32>} : memref<104x128xi32, #tpu.memory_space<vmem>>, vector<1x16xi32>,
      %mul3A_2286 = arith.constant 13 : i32
      %mul3A_2287 = arith.muli %scan3A_675, %mul3A_2286 : i32
      %add3A_2288 = arith.constant 8 : i32
      %add3A_2289 = arith.addi %mul3A_2287, %add3A_2288 : i32
      %get3A_2290 = arith.index_cast %add3A_2289 : i32 to index
      %get3A_2291 = arith.constant 96 : index
      %get3A_2292 = tpu.vector_load %arg10[%get3A_2290, %get3A_2291] {strides = array<i32>} : memref<104x128xi32, #tpu.memory_space<vmem>>, vector<1x16xi32>,
      %get3A_2293 = vector.shape_cast %get3A_2292 : vector<1x16xi32> to vector<16xi32>
      %get3A_2294 = arith.constant 8 : i32
      %get3A_2295 = arith.index_cast %get3A_2294 : i32 to index
      %get3A_2296 = arith.constant 96 : index
      %get3A_2297 = tpu.vector_load %arg11[%get3A_2295, %get3A_2296] {strides = array<i32>} : memref<13x128xi32, #tpu.memory_space<vmem>>, vector<1x16xi32>,
      %get3A_2298 = vector.shape_cast %get3A_2297 : vector<1x16xi32> to vector<16xi32>
      %add3A_2299 = arith.addi %get3A_2293, %get3A_2298 : vector<16xi32>
      %mul3A_2300 = arith.constant 13 : i32
      %mul3A_2301 = arith.muli %scan3A_675, %mul3A_2300 : i32
      %add3A_2302 = arith.constant 8 : i32
      %add3A_2303 = arith.addi %mul3A_2301, %add3A_2302 : i32
      %swap3A_2304 = arith.index_cast %add3A_2303 : i32 to index
      %swap3A_2305 = arith.constant 96 : index
      %swap3A_2306 = tpu.vector_load %arg10[%swap3A_2304, %swap3A_2305] {strides = array<i32>} : memref<104x128xi32, #tpu.memory_space<vmem>>, vector<1x16xi32>,
      %swap3A_2307 = vector.shape_cast %swap3A_2306 : vector<1x16xi32> to vector<16xi32>
      %swap3A_2308 = vector.shape_cast %add3A_2299 : vector<16xi32> to vector<1x16xi32>
      tpu.vector_store %arg10[%swap3A_2304, %swap3A_2305], %swap3A_2308 {strides = array<i32>} : memref<104x128xi32, #tpu.memory_space<vmem>>, vector<1x16xi32>,
      %mul3A_2309 = arith.constant 13 : i32
      %mul3A_2310 = arith.muli %scan3A_675, %mul3A_2309 : i32
      %add3A_2311 = arith.constant 8 : i32
      %add3A_2312 = arith.addi %mul3A_2310, %add3A_2311 : i32
      %get3A_2313 = arith.index_cast %add3A_2312 : i32 to index
      %get3A_2314 = arith.constant 112 : index
      %get3A_2315 = tpu.vector_load %arg10[%get3A_2313, %get3A_2314] {strides = array<i32>} : memref<104x128xi32, #tpu.memory_space<vmem>>, vector<1x16xi32>,
      %get3A_2316 = vector.shape_cast %get3A_2315 : vector<1x16xi32> to vector<16xi32>
      %get3A_2317 = arith.constant 8 : i32
      %get3A_2318 = arith.index_cast %get3A_2317 : i32 to index
      %get3A_2319 = arith.constant 112 : index
      %get3A_2320 = tpu.vector_load %arg11[%get3A_2318, %get3A_2319] {strides = array<i32>} : memref<13x128xi32, #tpu.memory_space<vmem>>, vector<1x16xi32>,
      %get3A_2321 = vector.shape_cast %get3A_2320 : vector<1x16xi32> to vector<16xi32>
      %add3A_2322 = arith.addi %get3A_2316, %get3A_2321 : vector<16xi32>
      %mul3A_2323 = arith.constant 13 : i32
      %mul3A_2324 = arith.muli %scan3A_675, %mul3A_2323 : i32
      %add3A_2325 = arith.constant 8 : i32
      %add3A_2326 = arith.addi %mul3A_2324, %add3A_2325 : i32
      %swap3A_2327 = arith.index_cast %add3A_2326 : i32 to index
      %swap3A_2328 = arith.constant 112 : index
      %swap3A_2329 = tpu.vector_load %arg10[%swap3A_2327, %swap3A_2328] {strides = array<i32>} : memref<104x128xi32, #tpu.memory_space<vmem>>, vector<1x16xi32>,
      %swap3A_2330 = vector.shape_cast %swap3A_2329 : vector<1x16xi32> to vector<16xi32>
      %swap3A_2331 = vector.shape_cast %add3A_2322 : vector<16xi32> to vector<1x16xi32>
      tpu.vector_store %arg10[%swap3A_2327, %swap3A_2328], %swap3A_2331 {strides = array<i32>} : memref<104x128xi32, #tpu.memory_space<vmem>>, vector<1x16xi32>,
      %mul3A_2332 = arith.constant 13 : i32
      %mul3A_2333 = arith.muli %scan3A_675, %mul3A_2332 : i32
      %add3A_2334 = arith.constant 9 : i32
      %add3A_2335 = arith.addi %mul3A_2333, %add3A_2334 : i32
      %get3A_2336 = arith.index_cast %add3A_2335 : i32 to index
      %get3A_2337 = arith.constant 0 : index
      %get3A_2338 = tpu.vector_load %arg10[%get3A_2336, %get3A_2337] {strides = array<i32>} : memref<104x128xi32, #tpu.memory_space<vmem>>, vector<1x16xi32>,
      %get3A_2339 = vector.shape_cast %get3A_2338 : vector<1x16xi32> to vector<16xi32>
      %get3A_2340 = arith.constant 9 : i32
      %get3A_2341 = arith.index_cast %get3A_2340 : i32 to index
      %get3A_2342 = arith.constant 0 : index
      %get3A_2343 = tpu.vector_load %arg11[%get3A_2341, %get3A_2342] {strides = array<i32>} : memref<13x128xi32, #tpu.memory_space<vmem>>, vector<1x16xi32>,
      %get3A_2344 = vector.shape_cast %get3A_2343 : vector<1x16xi32> to vector<16xi32>
      %add3A_2345 = arith.addi %get3A_2339, %get3A_2344 : vector<16xi32>
      %mul3A_2346 = arith.constant 13 : i32
      %mul3A_2347 = arith.muli %scan3A_675, %mul3A_2346 : i32
      %add3A_2348 = arith.constant 9 : i32
      %add3A_2349 = arith.addi %mul3A_2347, %add3A_2348 : i32
      %swap3A_2350 = arith.index_cast %add3A_2349 : i32 to index
      %swap3A_2351 = arith.constant 0 : index
      %swap3A_2352 = tpu.vector_load %arg10[%swap3A_2350, %swap3A_2351] {strides = array<i32>} : memref<104x128xi32, #tpu.memory_space<vmem>>, vector<1x16xi32>,
      %swap3A_2353 = vector.shape_cast %swap3A_2352 : vector<1x16xi32> to vector<16xi32>
      %swap3A_2354 = vector.shape_cast %add3A_2345 : vector<16xi32> to vector<1x16xi32>
      tpu.vector_store %arg10[%swap3A_2350, %swap3A_2351], %swap3A_2354 {strides = array<i32>} : memref<104x128xi32, #tpu.memory_space<vmem>>, vector<1x16xi32>,
      %mul3A_2355 = arith.constant 13 : i32
      %mul3A_2356 = arith.muli %scan3A_675, %mul3A_2355 : i32
      %add3A_2357 = arith.constant 9 : i32
      %add3A_2358 = arith.addi %mul3A_2356, %add3A_2357 : i32
      %get3A_2359 = arith.index_cast %add3A_2358 : i32 to index
      %get3A_2360 = arith.constant 16 : index
      %get3A_2361 = tpu.vector_load %arg10[%get3A_2359, %get3A_2360] {strides = array<i32>} : memref<104x128xi32, #tpu.memory_space<vmem>>, vector<1x16xi32>,
      %get3A_2362 = vector.shape_cast %get3A_2361 : vector<1x16xi32> to vector<16xi32>
      %get3A_2363 = arith.constant 9 : i32
      %get3A_2364 = arith.index_cast %get3A_2363 : i32 to index
      %get3A_2365 = arith.constant 16 : index
      %get3A_2366 = tpu.vector_load %arg11[%get3A_2364, %get3A_2365] {strides = array<i32>} : memref<13x128xi32, #tpu.memory_space<vmem>>, vector<1x16xi32>,
      %get3A_2367 = vector.shape_cast %get3A_2366 : vector<1x16xi32> to vector<16xi32>
      %add3A_2368 = arith.addi %get3A_2362, %get3A_2367 : vector<16xi32>
      %mul3A_2369 = arith.constant 13 : i32
      %mul3A_2370 = arith.muli %scan3A_675, %mul3A_2369 : i32
      %add3A_2371 = arith.constant 9 : i32
      %add3A_2372 = arith.addi %mul3A_2370, %add3A_2371 : i32
      %swap3A_2373 = arith.index_cast %add3A_2372 : i32 to index
      %swap3A_2374 = arith.constant 16 : index
      %swap3A_2375 = tpu.vector_load %arg10[%swap3A_2373, %swap3A_2374] {strides = array<i32>} : memref<104x128xi32, #tpu.memory_space<vmem>>, vector<1x16xi32>,
      %swap3A_2376 = vector.shape_cast %swap3A_2375 : vector<1x16xi32> to vector<16xi32>
      %swap3A_2377 = vector.shape_cast %add3A_2368 : vector<16xi32> to vector<1x16xi32>
      tpu.vector_store %arg10[%swap3A_2373, %swap3A_2374], %swap3A_2377 {strides = array<i32>} : memref<104x128xi32, #tpu.memory_space<vmem>>, vector<1x16xi32>,
      %mul3A_2378 = arith.constant 13 : i32
      %mul3A_2379 = arith.muli %scan3A_675, %mul3A_2378 : i32
      %add3A_2380 = arith.constant 9 : i32
      %add3A_2381 = arith.addi %mul3A_2379, %add3A_2380 : i32
      %get3A_2382 = arith.index_cast %add3A_2381 : i32 to index
      %get3A_2383 = arith.constant 32 : index
      %get3A_2384 = tpu.vector_load %arg10[%get3A_2382, %get3A_2383] {strides = array<i32>} : memref<104x128xi32, #tpu.memory_space<vmem>>, vector<1x16xi32>,
      %get3A_2385 = vector.shape_cast %get3A_2384 : vector<1x16xi32> to vector<16xi32>
      %get3A_2386 = arith.constant 9 : i32
      %get3A_2387 = arith.index_cast %get3A_2386 : i32 to index
      %get3A_2388 = arith.constant 32 : index
      %get3A_2389 = tpu.vector_load %arg11[%get3A_2387, %get3A_2388] {strides = array<i32>} : memref<13x128xi32, #tpu.memory_space<vmem>>, vector<1x16xi32>,
      %get3A_2390 = vector.shape_cast %get3A_2389 : vector<1x16xi32> to vector<16xi32>
      %add3A_2391 = arith.addi %get3A_2385, %get3A_2390 : vector<16xi32>
      %mul3A_2392 = arith.constant 13 : i32
      %mul3A_2393 = arith.muli %scan3A_675, %mul3A_2392 : i32
      %add3A_2394 = arith.constant 9 : i32
      %add3A_2395 = arith.addi %mul3A_2393, %add3A_2394 : i32
      %swap3A_2396 = arith.index_cast %add3A_2395 : i32 to index
      %swap3A_2397 = arith.constant 32 : index
      %swap3A_2398 = tpu.vector_load %arg10[%swap3A_2396, %swap3A_2397] {strides = array<i32>} : memref<104x128xi32, #tpu.memory_space<vmem>>, vector<1x16xi32>,
      %swap3A_2399 = vector.shape_cast %swap3A_2398 : vector<1x16xi32> to vector<16xi32>
      %swap3A_2400 = vector.shape_cast %add3A_2391 : vector<16xi32> to vector<1x16xi32>
      tpu.vector_store %arg10[%swap3A_2396, %swap3A_2397], %swap3A_2400 {strides = array<i32>} : memref<104x128xi32, #tpu.memory_space<vmem>>, vector<1x16xi32>,
      %mul3A_2401 = arith.constant 13 : i32
      %mul3A_2402 = arith.muli %scan3A_675, %mul3A_2401 : i32
      %add3A_2403 = arith.constant 9 : i32
      %add3A_2404 = arith.addi %mul3A_2402, %add3A_2403 : i32
      %get3A_2405 = arith.index_cast %add3A_2404 : i32 to index
      %get3A_2406 = arith.constant 48 : index
      %get3A_2407 = tpu.vector_load %arg10[%get3A_2405, %get3A_2406] {strides = array<i32>} : memref<104x128xi32, #tpu.memory_space<vmem>>, vector<1x16xi32>,
      %get3A_2408 = vector.shape_cast %get3A_2407 : vector<1x16xi32> to vector<16xi32>
      %get3A_2409 = arith.constant 9 : i32
      %get3A_2410 = arith.index_cast %get3A_2409 : i32 to index
      %get3A_2411 = arith.constant 48 : index
      %get3A_2412 = tpu.vector_load %arg11[%get3A_2410, %get3A_2411] {strides = array<i32>} : memref<13x128xi32, #tpu.memory_space<vmem>>, vector<1x16xi32>,
      %get3A_2413 = vector.shape_cast %get3A_2412 : vector<1x16xi32> to vector<16xi32>
      %add3A_2414 = arith.addi %get3A_2408, %get3A_2413 : vector<16xi32>
      %mul3A_2415 = arith.constant 13 : i32
      %mul3A_2416 = arith.muli %scan3A_675, %mul3A_2415 : i32
      %add3A_2417 = arith.constant 9 : i32
      %add3A_2418 = arith.addi %mul3A_2416, %add3A_2417 : i32
      %swap3A_2419 = arith.index_cast %add3A_2418 : i32 to index
      %swap3A_2420 = arith.constant 48 : index
      %swap3A_2421 = tpu.vector_load %arg10[%swap3A_2419, %swap3A_2420] {strides = array<i32>} : memref<104x128xi32, #tpu.memory_space<vmem>>, vector<1x16xi32>,
      %swap3A_2422 = vector.shape_cast %swap3A_2421 : vector<1x16xi32> to vector<16xi32>
      %swap3A_2423 = vector.shape_cast %add3A_2414 : vector<16xi32> to vector<1x16xi32>
      tpu.vector_store %arg10[%swap3A_2419, %swap3A_2420], %swap3A_2423 {strides = array<i32>} : memref<104x128xi32, #tpu.memory_space<vmem>>, vector<1x16xi32>,
      %mul3A_2424 = arith.constant 13 : i32
      %mul3A_2425 = arith.muli %scan3A_675, %mul3A_2424 : i32
      %add3A_2426 = arith.constant 9 : i32
      %add3A_2427 = arith.addi %mul3A_2425, %add3A_2426 : i32
      %get3A_2428 = arith.index_cast %add3A_2427 : i32 to index
      %get3A_2429 = arith.constant 64 : index
      %get3A_2430 = tpu.vector_load %arg10[%get3A_2428, %get3A_2429] {strides = array<i32>} : memref<104x128xi32, #tpu.memory_space<vmem>>, vector<1x16xi32>,
      %get3A_2431 = vector.shape_cast %get3A_2430 : vector<1x16xi32> to vector<16xi32>
      %get3A_2432 = arith.constant 9 : i32
      %get3A_2433 = arith.index_cast %get3A_2432 : i32 to index
      %get3A_2434 = arith.constant 64 : index
      %get3A_2435 = tpu.vector_load %arg11[%get3A_2433, %get3A_2434] {strides = array<i32>} : memref<13x128xi32, #tpu.memory_space<vmem>>, vector<1x16xi32>,
      %get3A_2436 = vector.shape_cast %get3A_2435 : vector<1x16xi32> to vector<16xi32>
      %add3A_2437 = arith.addi %get3A_2431, %get3A_2436 : vector<16xi32>
      %mul3A_2438 = arith.constant 13 : i32
      %mul3A_2439 = arith.muli %scan3A_675, %mul3A_2438 : i32
      %add3A_2440 = arith.constant 9 : i32
      %add3A_2441 = arith.addi %mul3A_2439, %add3A_2440 : i32
      %swap3A_2442 = arith.index_cast %add3A_2441 : i32 to index
      %swap3A_2443 = arith.constant 64 : index
      %swap3A_2444 = tpu.vector_load %arg10[%swap3A_2442, %swap3A_2443] {strides = array<i32>} : memref<104x128xi32, #tpu.memory_space<vmem>>, vector<1x16xi32>,
      %swap3A_2445 = vector.shape_cast %swap3A_2444 : vector<1x16xi32> to vector<16xi32>
      %swap3A_2446 = vector.shape_cast %add3A_2437 : vector<16xi32> to vector<1x16xi32>
      tpu.vector_store %arg10[%swap3A_2442, %swap3A_2443], %swap3A_2446 {strides = array<i32>} : memref<104x128xi32, #tpu.memory_space<vmem>>, vector<1x16xi32>,
      %mul3A_2447 = arith.constant 13 : i32
      %mul3A_2448 = arith.muli %scan3A_675, %mul3A_2447 : i32
      %add3A_2449 = arith.constant 9 : i32
      %add3A_2450 = arith.addi %mul3A_2448, %add3A_2449 : i32
      %get3A_2451 = arith.index_cast %add3A_2450 : i32 to index
      %get3A_2452 = arith.constant 80 : index
      %get3A_2453 = tpu.vector_load %arg10[%get3A_2451, %get3A_2452] {strides = array<i32>} : memref<104x128xi32, #tpu.memory_space<vmem>>, vector<1x16xi32>,
      %get3A_2454 = vector.shape_cast %get3A_2453 : vector<1x16xi32> to vector<16xi32>
      %get3A_2455 = arith.constant 9 : i32
      %get3A_2456 = arith.index_cast %get3A_2455 : i32 to index
      %get3A_2457 = arith.constant 80 : index
      %get3A_2458 = tpu.vector_load %arg11[%get3A_2456, %get3A_2457] {strides = array<i32>} : memref<13x128xi32, #tpu.memory_space<vmem>>, vector<1x16xi32>,
      %get3A_2459 = vector.shape_cast %get3A_2458 : vector<1x16xi32> to vector<16xi32>
      %add3A_2460 = arith.addi %get3A_2454, %get3A_2459 : vector<16xi32>
      %mul3A_2461 = arith.constant 13 : i32
      %mul3A_2462 = arith.muli %scan3A_675, %mul3A_2461 : i32
      %add3A_2463 = arith.constant 9 : i32
      %add3A_2464 = arith.addi %mul3A_2462, %add3A_2463 : i32
      %swap3A_2465 = arith.index_cast %add3A_2464 : i32 to index
      %swap3A_2466 = arith.constant 80 : index
      %swap3A_2467 = tpu.vector_load %arg10[%swap3A_2465, %swap3A_2466] {strides = array<i32>} : memref<104x128xi32, #tpu.memory_space<vmem>>, vector<1x16xi32>,
      %swap3A_2468 = vector.shape_cast %swap3A_2467 : vector<1x16xi32> to vector<16xi32>
      %swap3A_2469 = vector.shape_cast %add3A_2460 : vector<16xi32> to vector<1x16xi32>
      tpu.vector_store %arg10[%swap3A_2465, %swap3A_2466], %swap3A_2469 {strides = array<i32>} : memref<104x128xi32, #tpu.memory_space<vmem>>, vector<1x16xi32>,
      %mul3A_2470 = arith.constant 13 : i32
      %mul3A_2471 = arith.muli %scan3A_675, %mul3A_2470 : i32
      %add3A_2472 = arith.constant 9 : i32
      %add3A_2473 = arith.addi %mul3A_2471, %add3A_2472 : i32
      %get3A_2474 = arith.index_cast %add3A_2473 : i32 to index
      %get3A_2475 = arith.constant 96 : index
      %get3A_2476 = tpu.vector_load %arg10[%get3A_2474, %get3A_2475] {strides = array<i32>} : memref<104x128xi32, #tpu.memory_space<vmem>>, vector<1x16xi32>,
      %get3A_2477 = vector.shape_cast %get3A_2476 : vector<1x16xi32> to vector<16xi32>
      %get3A_2478 = arith.constant 9 : i32
      %get3A_2479 = arith.index_cast %get3A_2478 : i32 to index
      %get3A_2480 = arith.constant 96 : index
      %get3A_2481 = tpu.vector_load %arg11[%get3A_2479, %get3A_2480] {strides = array<i32>} : memref<13x128xi32, #tpu.memory_space<vmem>>, vector<1x16xi32>,
      %get3A_2482 = vector.shape_cast %get3A_2481 : vector<1x16xi32> to vector<16xi32>
      %add3A_2483 = arith.addi %get3A_2477, %get3A_2482 : vector<16xi32>
      %mul3A_2484 = arith.constant 13 : i32
      %mul3A_2485 = arith.muli %scan3A_675, %mul3A_2484 : i32
      %add3A_2486 = arith.constant 9 : i32
      %add3A_2487 = arith.addi %mul3A_2485, %add3A_2486 : i32
      %swap3A_2488 = arith.index_cast %add3A_2487 : i32 to index
      %swap3A_2489 = arith.constant 96 : index
      %swap3A_2490 = tpu.vector_load %arg10[%swap3A_2488, %swap3A_2489] {strides = array<i32>} : memref<104x128xi32, #tpu.memory_space<vmem>>, vector<1x16xi32>,
      %swap3A_2491 = vector.shape_cast %swap3A_2490 : vector<1x16xi32> to vector<16xi32>
      %swap3A_2492 = vector.shape_cast %add3A_2483 : vector<16xi32> to vector<1x16xi32>
      tpu.vector_store %arg10[%swap3A_2488, %swap3A_2489], %swap3A_2492 {strides = array<i32>} : memref<104x128xi32, #tpu.memory_space<vmem>>, vector<1x16xi32>,
      %mul3A_2493 = arith.constant 13 : i32
      %mul3A_2494 = arith.muli %scan3A_675, %mul3A_2493 : i32
      %add3A_2495 = arith.constant 9 : i32
      %add3A_2496 = arith.addi %mul3A_2494, %add3A_2495 : i32
      %get3A_2497 = arith.index_cast %add3A_2496 : i32 to index
      %get3A_2498 = arith.constant 112 : index
      %get3A_2499 = tpu.vector_load %arg10[%get3A_2497, %get3A_2498] {strides = array<i32>} : memref<104x128xi32, #tpu.memory_space<vmem>>, vector<1x16xi32>,
      %get3A_2500 = vector.shape_cast %get3A_2499 : vector<1x16xi32> to vector<16xi32>
      %get3A_2501 = arith.constant 9 : i32
      %get3A_2502 = arith.index_cast %get3A_2501 : i32 to index
      %get3A_2503 = arith.constant 112 : index
      %get3A_2504 = tpu.vector_load %arg11[%get3A_2502, %get3A_2503] {strides = array<i32>} : memref<13x128xi32, #tpu.memory_space<vmem>>, vector<1x16xi32>,
      %get3A_2505 = vector.shape_cast %get3A_2504 : vector<1x16xi32> to vector<16xi32>
      %add3A_2506 = arith.addi %get3A_2500, %get3A_2505 : vector<16xi32>
      %mul3A_2507 = arith.constant 13 : i32
      %mul3A_2508 = arith.muli %scan3A_675, %mul3A_2507 : i32
      %add3A_2509 = arith.constant 9 : i32
      %add3A_2510 = arith.addi %mul3A_2508, %add3A_2509 : i32
      %swap3A_2511 = arith.index_cast %add3A_2510 : i32 to index
      %swap3A_2512 = arith.constant 112 : index
      %swap3A_2513 = tpu.vector_load %arg10[%swap3A_2511, %swap3A_2512] {strides = array<i32>} : memref<104x128xi32, #tpu.memory_space<vmem>>, vector<1x16xi32>,
      %swap3A_2514 = vector.shape_cast %swap3A_2513 : vector<1x16xi32> to vector<16xi32>
      %swap3A_2515 = vector.shape_cast %add3A_2506 : vector<16xi32> to vector<1x16xi32>
      tpu.vector_store %arg10[%swap3A_2511, %swap3A_2512], %swap3A_2515 {strides = array<i32>} : memref<104x128xi32, #tpu.memory_space<vmem>>, vector<1x16xi32>,
      %mul3A_2516 = arith.constant 13 : i32
      %mul3A_2517 = arith.muli %scan3A_675, %mul3A_2516 : i32
      %add3A_2518 = arith.constant 10 : i32
      %add3A_2519 = arith.addi %mul3A_2517, %add3A_2518 : i32
      %get3A_2520 = arith.index_cast %add3A_2519 : i32 to index
      %get3A_2521 = arith.constant 0 : index
      %get3A_2522 = tpu.vector_load %arg10[%get3A_2520, %get3A_2521] {strides = array<i32>} : memref<104x128xi32, #tpu.memory_space<vmem>>, vector<1x16xi32>,
      %get3A_2523 = vector.shape_cast %get3A_2522 : vector<1x16xi32> to vector<16xi32>
      %get3A_2524 = arith.constant 10 : i32
      %get3A_2525 = arith.index_cast %get3A_2524 : i32 to index
      %get3A_2526 = arith.constant 0 : index
      %get3A_2527 = tpu.vector_load %arg11[%get3A_2525, %get3A_2526] {strides = array<i32>} : memref<13x128xi32, #tpu.memory_space<vmem>>, vector<1x16xi32>,
      %get3A_2528 = vector.shape_cast %get3A_2527 : vector<1x16xi32> to vector<16xi32>
      %add3A_2529 = arith.addi %get3A_2523, %get3A_2528 : vector<16xi32>
      %mul3A_2530 = arith.constant 13 : i32
      %mul3A_2531 = arith.muli %scan3A_675, %mul3A_2530 : i32
      %add3A_2532 = arith.constant 10 : i32
      %add3A_2533 = arith.addi %mul3A_2531, %add3A_2532 : i32
      %swap3A_2534 = arith.index_cast %add3A_2533 : i32 to index
      %swap3A_2535 = arith.constant 0 : index
      %swap3A_2536 = tpu.vector_load %arg10[%swap3A_2534, %swap3A_2535] {strides = array<i32>} : memref<104x128xi32, #tpu.memory_space<vmem>>, vector<1x16xi32>,
      %swap3A_2537 = vector.shape_cast %swap3A_2536 : vector<1x16xi32> to vector<16xi32>
      %swap3A_2538 = vector.shape_cast %add3A_2529 : vector<16xi32> to vector<1x16xi32>
      tpu.vector_store %arg10[%swap3A_2534, %swap3A_2535], %swap3A_2538 {strides = array<i32>} : memref<104x128xi32, #tpu.memory_space<vmem>>, vector<1x16xi32>,
      %mul3A_2539 = arith.constant 13 : i32
      %mul3A_2540 = arith.muli %scan3A_675, %mul3A_2539 : i32
      %add3A_2541 = arith.constant 10 : i32
      %add3A_2542 = arith.addi %mul3A_2540, %add3A_2541 : i32
      %get3A_2543 = arith.index_cast %add3A_2542 : i32 to index
      %get3A_2544 = arith.constant 16 : index
      %get3A_2545 = tpu.vector_load %arg10[%get3A_2543, %get3A_2544] {strides = array<i32>} : memref<104x128xi32, #tpu.memory_space<vmem>>, vector<1x16xi32>,
      %get3A_2546 = vector.shape_cast %get3A_2545 : vector<1x16xi32> to vector<16xi32>
      %get3A_2547 = arith.constant 10 : i32
      %get3A_2548 = arith.index_cast %get3A_2547 : i32 to index
      %get3A_2549 = arith.constant 16 : index
      %get3A_2550 = tpu.vector_load %arg11[%get3A_2548, %get3A_2549] {strides = array<i32>} : memref<13x128xi32, #tpu.memory_space<vmem>>, vector<1x16xi32>,
      %get3A_2551 = vector.shape_cast %get3A_2550 : vector<1x16xi32> to vector<16xi32>
      %add3A_2552 = arith.addi %get3A_2546, %get3A_2551 : vector<16xi32>
      %mul3A_2553 = arith.constant 13 : i32
      %mul3A_2554 = arith.muli %scan3A_675, %mul3A_2553 : i32
      %add3A_2555 = arith.constant 10 : i32
      %add3A_2556 = arith.addi %mul3A_2554, %add3A_2555 : i32
      %swap3A_2557 = arith.index_cast %add3A_2556 : i32 to index
      %swap3A_2558 = arith.constant 16 : index
      %swap3A_2559 = tpu.vector_load %arg10[%swap3A_2557, %swap3A_2558] {strides = array<i32>} : memref<104x128xi32, #tpu.memory_space<vmem>>, vector<1x16xi32>,
      %swap3A_2560 = vector.shape_cast %swap3A_2559 : vector<1x16xi32> to vector<16xi32>
      %swap3A_2561 = vector.shape_cast %add3A_2552 : vector<16xi32> to vector<1x16xi32>
      tpu.vector_store %arg10[%swap3A_2557, %swap3A_2558], %swap3A_2561 {strides = array<i32>} : memref<104x128xi32, #tpu.memory_space<vmem>>, vector<1x16xi32>,
      %mul3A_2562 = arith.constant 13 : i32
      %mul3A_2563 = arith.muli %scan3A_675, %mul3A_2562 : i32
      %add3A_2564 = arith.constant 10 : i32
      %add3A_2565 = arith.addi %mul3A_2563, %add3A_2564 : i32
      %get3A_2566 = arith.index_cast %add3A_2565 : i32 to index
      %get3A_2567 = arith.constant 32 : index
      %get3A_2568 = tpu.vector_load %arg10[%get3A_2566, %get3A_2567] {strides = array<i32>} : memref<104x128xi32, #tpu.memory_space<vmem>>, vector<1x16xi32>,
      %get3A_2569 = vector.shape_cast %get3A_2568 : vector<1x16xi32> to vector<16xi32>
      %get3A_2570 = arith.constant 10 : i32
      %get3A_2571 = arith.index_cast %get3A_2570 : i32 to index
      %get3A_2572 = arith.constant 32 : index
      %get3A_2573 = tpu.vector_load %arg11[%get3A_2571, %get3A_2572] {strides = array<i32>} : memref<13x128xi32, #tpu.memory_space<vmem>>, vector<1x16xi32>,
      %get3A_2574 = vector.shape_cast %get3A_2573 : vector<1x16xi32> to vector<16xi32>
      %add3A_2575 = arith.addi %get3A_2569, %get3A_2574 : vector<16xi32>
      %mul3A_2576 = arith.constant 13 : i32
      %mul3A_2577 = arith.muli %scan3A_675, %mul3A_2576 : i32
      %add3A_2578 = arith.constant 10 : i32
      %add3A_2579 = arith.addi %mul3A_2577, %add3A_2578 : i32
      %swap3A_2580 = arith.index_cast %add3A_2579 : i32 to index
      %swap3A_2581 = arith.constant 32 : index
      %swap3A_2582 = tpu.vector_load %arg10[%swap3A_2580, %swap3A_2581] {strides = array<i32>} : memref<104x128xi32, #tpu.memory_space<vmem>>, vector<1x16xi32>,
      %swap3A_2583 = vector.shape_cast %swap3A_2582 : vector<1x16xi32> to vector<16xi32>
      %swap3A_2584 = vector.shape_cast %add3A_2575 : vector<16xi32> to vector<1x16xi32>
      tpu.vector_store %arg10[%swap3A_2580, %swap3A_2581], %swap3A_2584 {strides = array<i32>} : memref<104x128xi32, #tpu.memory_space<vmem>>, vector<1x16xi32>,
      %mul3A_2585 = arith.constant 13 : i32
      %mul3A_2586 = arith.muli %scan3A_675, %mul3A_2585 : i32
      %add3A_2587 = arith.constant 10 : i32
      %add3A_2588 = arith.addi %mul3A_2586, %add3A_2587 : i32
      %get3A_2589 = arith.index_cast %add3A_2588 : i32 to index
      %get3A_2590 = arith.constant 48 : index
      %get3A_2591 = tpu.vector_load %arg10[%get3A_2589, %get3A_2590] {strides = array<i32>} : memref<104x128xi32, #tpu.memory_space<vmem>>, vector<1x16xi32>,
      %get3A_2592 = vector.shape_cast %get3A_2591 : vector<1x16xi32> to vector<16xi32>
      %get3A_2593 = arith.constant 10 : i32
      %get3A_2594 = arith.index_cast %get3A_2593 : i32 to index
      %get3A_2595 = arith.constant 48 : index
      %get3A_2596 = tpu.vector_load %arg11[%get3A_2594, %get3A_2595] {strides = array<i32>} : memref<13x128xi32, #tpu.memory_space<vmem>>, vector<1x16xi32>,
      %get3A_2597 = vector.shape_cast %get3A_2596 : vector<1x16xi32> to vector<16xi32>
      %add3A_2598 = arith.addi %get3A_2592, %get3A_2597 : vector<16xi32>
      %mul3A_2599 = arith.constant 13 : i32
      %mul3A_2600 = arith.muli %scan3A_675, %mul3A_2599 : i32
      %add3A_2601 = arith.constant 10 : i32
      %add3A_2602 = arith.addi %mul3A_2600, %add3A_2601 : i32
      %swap3A_2603 = arith.index_cast %add3A_2602 : i32 to index
      %swap3A_2604 = arith.constant 48 : index
      %swap3A_2605 = tpu.vector_load %arg10[%swap3A_2603, %swap3A_2604] {strides = array<i32>} : memref<104x128xi32, #tpu.memory_space<vmem>>, vector<1x16xi32>,
      %swap3A_2606 = vector.shape_cast %swap3A_2605 : vector<1x16xi32> to vector<16xi32>
      %swap3A_2607 = vector.shape_cast %add3A_2598 : vector<16xi32> to vector<1x16xi32>
      tpu.vector_store %arg10[%swap3A_2603, %swap3A_2604], %swap3A_2607 {strides = array<i32>} : memref<104x128xi32, #tpu.memory_space<vmem>>, vector<1x16xi32>,
      %mul3A_2608 = arith.constant 13 : i32
      %mul3A_2609 = arith.muli %scan3A_675, %mul3A_2608 : i32
      %add3A_2610 = arith.constant 10 : i32
      %add3A_2611 = arith.addi %mul3A_2609, %add3A_2610 : i32
      %get3A_2612 = arith.index_cast %add3A_2611 : i32 to index
      %get3A_2613 = arith.constant 64 : index
      %get3A_2614 = tpu.vector_load %arg10[%get3A_2612, %get3A_2613] {strides = array<i32>} : memref<104x128xi32, #tpu.memory_space<vmem>>, vector<1x16xi32>,
      %get3A_2615 = vector.shape_cast %get3A_2614 : vector<1x16xi32> to vector<16xi32>
      %get3A_2616 = arith.constant 10 : i32
      %get3A_2617 = arith.index_cast %get3A_2616 : i32 to index
      %get3A_2618 = arith.constant 64 : index
      %get3A_2619 = tpu.vector_load %arg11[%get3A_2617, %get3A_2618] {strides = array<i32>} : memref<13x128xi32, #tpu.memory_space<vmem>>, vector<1x16xi32>,
      %get3A_2620 = vector.shape_cast %get3A_2619 : vector<1x16xi32> to vector<16xi32>
      %add3A_2621 = arith.addi %get3A_2615, %get3A_2620 : vector<16xi32>
      %mul3A_2622 = arith.constant 13 : i32
      %mul3A_2623 = arith.muli %scan3A_675, %mul3A_2622 : i32
      %add3A_2624 = arith.constant 10 : i32
      %add3A_2625 = arith.addi %mul3A_2623, %add3A_2624 : i32
      %swap3A_2626 = arith.index_cast %add3A_2625 : i32 to index
      %swap3A_2627 = arith.constant 64 : index
      %swap3A_2628 = tpu.vector_load %arg10[%swap3A_2626, %swap3A_2627] {strides = array<i32>} : memref<104x128xi32, #tpu.memory_space<vmem>>, vector<1x16xi32>,
      %swap3A_2629 = vector.shape_cast %swap3A_2628 : vector<1x16xi32> to vector<16xi32>
      %swap3A_2630 = vector.shape_cast %add3A_2621 : vector<16xi32> to vector<1x16xi32>
      tpu.vector_store %arg10[%swap3A_2626, %swap3A_2627], %swap3A_2630 {strides = array<i32>} : memref<104x128xi32, #tpu.memory_space<vmem>>, vector<1x16xi32>,
      %mul3A_2631 = arith.constant 13 : i32
      %mul3A_2632 = arith.muli %scan3A_675, %mul3A_2631 : i32
      %add3A_2633 = arith.constant 10 : i32
      %add3A_2634 = arith.addi %mul3A_2632, %add3A_2633 : i32
      %get3A_2635 = arith.index_cast %add3A_2634 : i32 to index
      %get3A_2636 = arith.constant 80 : index
      %get3A_2637 = tpu.vector_load %arg10[%get3A_2635, %get3A_2636] {strides = array<i32>} : memref<104x128xi32, #tpu.memory_space<vmem>>, vector<1x16xi32>,
      %get3A_2638 = vector.shape_cast %get3A_2637 : vector<1x16xi32> to vector<16xi32>
      %get3A_2639 = arith.constant 10 : i32
      %get3A_2640 = arith.index_cast %get3A_2639 : i32 to index
      %get3A_2641 = arith.constant 80 : index
      %get3A_2642 = tpu.vector_load %arg11[%get3A_2640, %get3A_2641] {strides = array<i32>} : memref<13x128xi32, #tpu.memory_space<vmem>>, vector<1x16xi32>,
      %get3A_2643 = vector.shape_cast %get3A_2642 : vector<1x16xi32> to vector<16xi32>
      %add3A_2644 = arith.addi %get3A_2638, %get3A_2643 : vector<16xi32>
      %mul3A_2645 = arith.constant 13 : i32
      %mul3A_2646 = arith.muli %scan3A_675, %mul3A_2645 : i32
      %add3A_2647 = arith.constant 10 : i32
      %add3A_2648 = arith.addi %mul3A_2646, %add3A_2647 : i32
      %swap3A_2649 = arith.index_cast %add3A_2648 : i32 to index
      %swap3A_2650 = arith.constant 80 : index
      %swap3A_2651 = tpu.vector_load %arg10[%swap3A_2649, %swap3A_2650] {strides = array<i32>} : memref<104x128xi32, #tpu.memory_space<vmem>>, vector<1x16xi32>,
      %swap3A_2652 = vector.shape_cast %swap3A_2651 : vector<1x16xi32> to vector<16xi32>
      %swap3A_2653 = vector.shape_cast %add3A_2644 : vector<16xi32> to vector<1x16xi32>
      tpu.vector_store %arg10[%swap3A_2649, %swap3A_2650], %swap3A_2653 {strides = array<i32>} : memref<104x128xi32, #tpu.memory_space<vmem>>, vector<1x16xi32>,
      %mul3A_2654 = arith.constant 13 : i32
      %mul3A_2655 = arith.muli %scan3A_675, %mul3A_2654 : i32
      %add3A_2656 = arith.constant 10 : i32
      %add3A_2657 = arith.addi %mul3A_2655, %add3A_2656 : i32
      %get3A_2658 = arith.index_cast %add3A_2657 : i32 to index
      %get3A_2659 = arith.constant 96 : index
      %get3A_2660 = tpu.vector_load %arg10[%get3A_2658, %get3A_2659] {strides = array<i32>} : memref<104x128xi32, #tpu.memory_space<vmem>>, vector<1x16xi32>,
      %get3A_2661 = vector.shape_cast %get3A_2660 : vector<1x16xi32> to vector<16xi32>
      %get3A_2662 = arith.constant 10 : i32
      %get3A_2663 = arith.index_cast %get3A_2662 : i32 to index
      %get3A_2664 = arith.constant 96 : index
      %get3A_2665 = tpu.vector_load %arg11[%get3A_2663, %get3A_2664] {strides = array<i32>} : memref<13x128xi32, #tpu.memory_space<vmem>>, vector<1x16xi32>,
      %get3A_2666 = vector.shape_cast %get3A_2665 : vector<1x16xi32> to vector<16xi32>
      %add3A_2667 = arith.addi %get3A_2661, %get3A_2666 : vector<16xi32>
      %mul3A_2668 = arith.constant 13 : i32
      %mul3A_2669 = arith.muli %scan3A_675, %mul3A_2668 : i32
      %add3A_2670 = arith.constant 10 : i32
      %add3A_2671 = arith.addi %mul3A_2669, %add3A_2670 : i32
      %swap3A_2672 = arith.index_cast %add3A_2671 : i32 to index
      %swap3A_2673 = arith.constant 96 : index
      %swap3A_2674 = tpu.vector_load %arg10[%swap3A_2672, %swap3A_2673] {strides = array<i32>} : memref<104x128xi32, #tpu.memory_space<vmem>>, vector<1x16xi32>,
      %swap3A_2675 = vector.shape_cast %swap3A_2674 : vector<1x16xi32> to vector<16xi32>
      %swap3A_2676 = vector.shape_cast %add3A_2667 : vector<16xi32> to vector<1x16xi32>
      tpu.vector_store %arg10[%swap3A_2672, %swap3A_2673], %swap3A_2676 {strides = array<i32>} : memref<104x128xi32, #tpu.memory_space<vmem>>, vector<1x16xi32>,
      %mul3A_2677 = arith.constant 13 : i32
      %mul3A_2678 = arith.muli %scan3A_675, %mul3A_2677 : i32
      %add3A_2679 = arith.constant 10 : i32
      %add3A_2680 = arith.addi %mul3A_2678, %add3A_2679 : i32
      %get3A_2681 = arith.index_cast %add3A_2680 : i32 to index
      %get3A_2682 = arith.constant 112 : index
      %get3A_2683 = tpu.vector_load %arg10[%get3A_2681, %get3A_2682] {strides = array<i32>} : memref<104x128xi32, #tpu.memory_space<vmem>>, vector<1x16xi32>,
      %get3A_2684 = vector.shape_cast %get3A_2683 : vector<1x16xi32> to vector<16xi32>
      %get3A_2685 = arith.constant 10 : i32
      %get3A_2686 = arith.index_cast %get3A_2685 : i32 to index
      %get3A_2687 = arith.constant 112 : index
      %get3A_2688 = tpu.vector_load %arg11[%get3A_2686, %get3A_2687] {strides = array<i32>} : memref<13x128xi32, #tpu.memory_space<vmem>>, vector<1x16xi32>,
      %get3A_2689 = vector.shape_cast %get3A_2688 : vector<1x16xi32> to vector<16xi32>
      %add3A_2690 = arith.addi %get3A_2684, %get3A_2689 : vector<16xi32>
      %mul3A_2691 = arith.constant 13 : i32
      %mul3A_2692 = arith.muli %scan3A_675, %mul3A_2691 : i32
      %add3A_2693 = arith.constant 10 : i32
      %add3A_2694 = arith.addi %mul3A_2692, %add3A_2693 : i32
      %swap3A_2695 = arith.index_cast %add3A_2694 : i32 to index
      %swap3A_2696 = arith.constant 112 : index
      %swap3A_2697 = tpu.vector_load %arg10[%swap3A_2695, %swap3A_2696] {strides = array<i32>} : memref<104x128xi32, #tpu.memory_space<vmem>>, vector<1x16xi32>,
      %swap3A_2698 = vector.shape_cast %swap3A_2697 : vector<1x16xi32> to vector<16xi32>
      %swap3A_2699 = vector.shape_cast %add3A_2690 : vector<16xi32> to vector<1x16xi32>
      tpu.vector_store %arg10[%swap3A_2695, %swap3A_2696], %swap3A_2699 {strides = array<i32>} : memref<104x128xi32, #tpu.memory_space<vmem>>, vector<1x16xi32>,
      %mul3A_2700 = arith.constant 13 : i32
      %mul3A_2701 = arith.muli %scan3A_675, %mul3A_2700 : i32
      %add3A_2702 = arith.constant 11 : i32
      %add3A_2703 = arith.addi %mul3A_2701, %add3A_2702 : i32
      %get3A_2704 = arith.index_cast %add3A_2703 : i32 to index
      %get3A_2705 = arith.constant 0 : index
      %get3A_2706 = tpu.vector_load %arg10[%get3A_2704, %get3A_2705] {strides = array<i32>} : memref<104x128xi32, #tpu.memory_space<vmem>>, vector<1x16xi32>,
      %get3A_2707 = vector.shape_cast %get3A_2706 : vector<1x16xi32> to vector<16xi32>
      %get3A_2708 = arith.constant 11 : i32
      %get3A_2709 = arith.index_cast %get3A_2708 : i32 to index
      %get3A_2710 = arith.constant 0 : index
      %get3A_2711 = tpu.vector_load %arg11[%get3A_2709, %get3A_2710] {strides = array<i32>} : memref<13x128xi32, #tpu.memory_space<vmem>>, vector<1x16xi32>,
      %get3A_2712 = vector.shape_cast %get3A_2711 : vector<1x16xi32> to vector<16xi32>
      %add3A_2713 = arith.addi %get3A_2707, %get3A_2712 : vector<16xi32>
      %mul3A_2714 = arith.constant 13 : i32
      %mul3A_2715 = arith.muli %scan3A_675, %mul3A_2714 : i32
      %add3A_2716 = arith.constant 11 : i32
      %add3A_2717 = arith.addi %mul3A_2715, %add3A_2716 : i32
      %swap3A_2718 = arith.index_cast %add3A_2717 : i32 to index
      %swap3A_2719 = arith.constant 0 : index
      %swap3A_2720 = tpu.vector_load %arg10[%swap3A_2718, %swap3A_2719] {strides = array<i32>} : memref<104x128xi32, #tpu.memory_space<vmem>>, vector<1x16xi32>,
      %swap3A_2721 = vector.shape_cast %swap3A_2720 : vector<1x16xi32> to vector<16xi32>
      %swap3A_2722 = vector.shape_cast %add3A_2713 : vector<16xi32> to vector<1x16xi32>
      tpu.vector_store %arg10[%swap3A_2718, %swap3A_2719], %swap3A_2722 {strides = array<i32>} : memref<104x128xi32, #tpu.memory_space<vmem>>, vector<1x16xi32>,
      %mul3A_2723 = arith.constant 13 : i32
      %mul3A_2724 = arith.muli %scan3A_675, %mul3A_2723 : i32
      %add3A_2725 = arith.constant 11 : i32
      %add3A_2726 = arith.addi %mul3A_2724, %add3A_2725 : i32
      %get3A_2727 = arith.index_cast %add3A_2726 : i32 to index
      %get3A_2728 = arith.constant 16 : index
      %get3A_2729 = tpu.vector_load %arg10[%get3A_2727, %get3A_2728] {strides = array<i32>} : memref<104x128xi32, #tpu.memory_space<vmem>>, vector<1x16xi32>,
      %get3A_2730 = vector.shape_cast %get3A_2729 : vector<1x16xi32> to vector<16xi32>
      %get3A_2731 = arith.constant 11 : i32
      %get3A_2732 = arith.index_cast %get3A_2731 : i32 to index
      %get3A_2733 = arith.constant 16 : index
      %get3A_2734 = tpu.vector_load %arg11[%get3A_2732, %get3A_2733] {strides = array<i32>} : memref<13x128xi32, #tpu.memory_space<vmem>>, vector<1x16xi32>,
      %get3A_2735 = vector.shape_cast %get3A_2734 : vector<1x16xi32> to vector<16xi32>
      %add3A_2736 = arith.addi %get3A_2730, %get3A_2735 : vector<16xi32>
      %mul3A_2737 = arith.constant 13 : i32
      %mul3A_2738 = arith.muli %scan3A_675, %mul3A_2737 : i32
      %add3A_2739 = arith.constant 11 : i32
      %add3A_2740 = arith.addi %mul3A_2738, %add3A_2739 : i32
      %swap3A_2741 = arith.index_cast %add3A_2740 : i32 to index
      %swap3A_2742 = arith.constant 16 : index
      %swap3A_2743 = tpu.vector_load %arg10[%swap3A_2741, %swap3A_2742] {strides = array<i32>} : memref<104x128xi32, #tpu.memory_space<vmem>>, vector<1x16xi32>,
      %swap3A_2744 = vector.shape_cast %swap3A_2743 : vector<1x16xi32> to vector<16xi32>
      %swap3A_2745 = vector.shape_cast %add3A_2736 : vector<16xi32> to vector<1x16xi32>
      tpu.vector_store %arg10[%swap3A_2741, %swap3A_2742], %swap3A_2745 {strides = array<i32>} : memref<104x128xi32, #tpu.memory_space<vmem>>, vector<1x16xi32>,
      %mul3A_2746 = arith.constant 13 : i32
      %mul3A_2747 = arith.muli %scan3A_675, %mul3A_2746 : i32
      %add3A_2748 = arith.constant 11 : i32
      %add3A_2749 = arith.addi %mul3A_2747, %add3A_2748 : i32
      %get3A_2750 = arith.index_cast %add3A_2749 : i32 to index
      %get3A_2751 = arith.constant 32 : index
      %get3A_2752 = tpu.vector_load %arg10[%get3A_2750, %get3A_2751] {strides = array<i32>} : memref<104x128xi32, #tpu.memory_space<vmem>>, vector<1x16xi32>,
      %get3A_2753 = vector.shape_cast %get3A_2752 : vector<1x16xi32> to vector<16xi32>
      %get3A_2754 = arith.constant 11 : i32
      %get3A_2755 = arith.index_cast %get3A_2754 : i32 to index
      %get3A_2756 = arith.constant 32 : index
      %get3A_2757 = tpu.vector_load %arg11[%get3A_2755, %get3A_2756] {strides = array<i32>} : memref<13x128xi32, #tpu.memory_space<vmem>>, vector<1x16xi32>,
      %get3A_2758 = vector.shape_cast %get3A_2757 : vector<1x16xi32> to vector<16xi32>
      %add3A_2759 = arith.addi %get3A_2753, %get3A_2758 : vector<16xi32>
      %mul3A_2760 = arith.constant 13 : i32
      %mul3A_2761 = arith.muli %scan3A_675, %mul3A_2760 : i32
      %add3A_2762 = arith.constant 11 : i32
      %add3A_2763 = arith.addi %mul3A_2761, %add3A_2762 : i32
      %swap3A_2764 = arith.index_cast %add3A_2763 : i32 to index
      %swap3A_2765 = arith.constant 32 : index
      %swap3A_2766 = tpu.vector_load %arg10[%swap3A_2764, %swap3A_2765] {strides = array<i32>} : memref<104x128xi32, #tpu.memory_space<vmem>>, vector<1x16xi32>,
      %swap3A_2767 = vector.shape_cast %swap3A_2766 : vector<1x16xi32> to vector<16xi32>
      %swap3A_2768 = vector.shape_cast %add3A_2759 : vector<16xi32> to vector<1x16xi32>
      tpu.vector_store %arg10[%swap3A_2764, %swap3A_2765], %swap3A_2768 {strides = array<i32>} : memref<104x128xi32, #tpu.memory_space<vmem>>, vector<1x16xi32>,
      %mul3A_2769 = arith.constant 13 : i32
      %mul3A_2770 = arith.muli %scan3A_675, %mul3A_2769 : i32
      %add3A_2771 = arith.constant 11 : i32
      %add3A_2772 = arith.addi %mul3A_2770, %add3A_2771 : i32
      %get3A_2773 = arith.index_cast %add3A_2772 : i32 to index
      %get3A_2774 = arith.constant 48 : index
      %get3A_2775 = tpu.vector_load %arg10[%get3A_2773, %get3A_2774] {strides = array<i32>} : memref<104x128xi32, #tpu.memory_space<vmem>>, vector<1x16xi32>,
      %get3A_2776 = vector.shape_cast %get3A_2775 : vector<1x16xi32> to vector<16xi32>
      %get3A_2777 = arith.constant 11 : i32
      %get3A_2778 = arith.index_cast %get3A_2777 : i32 to index
      %get3A_2779 = arith.constant 48 : index
      %get3A_2780 = tpu.vector_load %arg11[%get3A_2778, %get3A_2779] {strides = array<i32>} : memref<13x128xi32, #tpu.memory_space<vmem>>, vector<1x16xi32>,
      %get3A_2781 = vector.shape_cast %get3A_2780 : vector<1x16xi32> to vector<16xi32>
      %add3A_2782 = arith.addi %get3A_2776, %get3A_2781 : vector<16xi32>
      %mul3A_2783 = arith.constant 13 : i32
      %mul3A_2784 = arith.muli %scan3A_675, %mul3A_2783 : i32
      %add3A_2785 = arith.constant 11 : i32
      %add3A_2786 = arith.addi %mul3A_2784, %add3A_2785 : i32
      %swap3A_2787 = arith.index_cast %add3A_2786 : i32 to index
      %swap3A_2788 = arith.constant 48 : index
      %swap3A_2789 = tpu.vector_load %arg10[%swap3A_2787, %swap3A_2788] {strides = array<i32>} : memref<104x128xi32, #tpu.memory_space<vmem>>, vector<1x16xi32>,
      %swap3A_2790 = vector.shape_cast %swap3A_2789 : vector<1x16xi32> to vector<16xi32>
      %swap3A_2791 = vector.shape_cast %add3A_2782 : vector<16xi32> to vector<1x16xi32>
      tpu.vector_store %arg10[%swap3A_2787, %swap3A_2788], %swap3A_2791 {strides = array<i32>} : memref<104x128xi32, #tpu.memory_space<vmem>>, vector<1x16xi32>,
      %mul3A_2792 = arith.constant 13 : i32
      %mul3A_2793 = arith.muli %scan3A_675, %mul3A_2792 : i32
      %add3A_2794 = arith.constant 11 : i32
      %add3A_2795 = arith.addi %mul3A_2793, %add3A_2794 : i32
      %get3A_2796 = arith.index_cast %add3A_2795 : i32 to index
      %get3A_2797 = arith.constant 64 : index
      %get3A_2798 = tpu.vector_load %arg10[%get3A_2796, %get3A_2797] {strides = array<i32>} : memref<104x128xi32, #tpu.memory_space<vmem>>, vector<1x16xi32>,
      %get3A_2799 = vector.shape_cast %get3A_2798 : vector<1x16xi32> to vector<16xi32>
      %get3A_2800 = arith.constant 11 : i32
      %get3A_2801 = arith.index_cast %get3A_2800 : i32 to index
      %get3A_2802 = arith.constant 64 : index
      %get3A_2803 = tpu.vector_load %arg11[%get3A_2801, %get3A_2802] {strides = array<i32>} : memref<13x128xi32, #tpu.memory_space<vmem>>, vector<1x16xi32>,
      %get3A_2804 = vector.shape_cast %get3A_2803 : vector<1x16xi32> to vector<16xi32>
      %add3A_2805 = arith.addi %get3A_2799, %get3A_2804 : vector<16xi32>
      %mul3A_2806 = arith.constant 13 : i32
      %mul3A_2807 = arith.muli %scan3A_675, %mul3A_2806 : i32
      %add3A_2808 = arith.constant 11 : i32
      %add3A_2809 = arith.addi %mul3A_2807, %add3A_2808 : i32
      %swap3A_2810 = arith.index_cast %add3A_2809 : i32 to index
      %swap3A_2811 = arith.constant 64 : index
      %swap3A_2812 = tpu.vector_load %arg10[%swap3A_2810, %swap3A_2811] {strides = array<i32>} : memref<104x128xi32, #tpu.memory_space<vmem>>, vector<1x16xi32>,
      %swap3A_2813 = vector.shape_cast %swap3A_2812 : vector<1x16xi32> to vector<16xi32>
      %swap3A_2814 = vector.shape_cast %add3A_2805 : vector<16xi32> to vector<1x16xi32>
      tpu.vector_store %arg10[%swap3A_2810, %swap3A_2811], %swap3A_2814 {strides = array<i32>} : memref<104x128xi32, #tpu.memory_space<vmem>>, vector<1x16xi32>,
      %mul3A_2815 = arith.constant 13 : i32
      %mul3A_2816 = arith.muli %scan3A_675, %mul3A_2815 : i32
      %add3A_2817 = arith.constant 11 : i32
      %add3A_2818 = arith.addi %mul3A_2816, %add3A_2817 : i32
      %get3A_2819 = arith.index_cast %add3A_2818 : i32 to index
      %get3A_2820 = arith.constant 80 : index
      %get3A_2821 = tpu.vector_load %arg10[%get3A_2819, %get3A_2820] {strides = array<i32>} : memref<104x128xi32, #tpu.memory_space<vmem>>, vector<1x16xi32>,
      %get3A_2822 = vector.shape_cast %get3A_2821 : vector<1x16xi32> to vector<16xi32>
      %get3A_2823 = arith.constant 11 : i32
      %get3A_2824 = arith.index_cast %get3A_2823 : i32 to index
      %get3A_2825 = arith.constant 80 : index
      %get3A_2826 = tpu.vector_load %arg11[%get3A_2824, %get3A_2825] {strides = array<i32>} : memref<13x128xi32, #tpu.memory_space<vmem>>, vector<1x16xi32>,
      %get3A_2827 = vector.shape_cast %get3A_2826 : vector<1x16xi32> to vector<16xi32>
      %add3A_2828 = arith.addi %get3A_2822, %get3A_2827 : vector<16xi32>
      %mul3A_2829 = arith.constant 13 : i32
      %mul3A_2830 = arith.muli %scan3A_675, %mul3A_2829 : i32
      %add3A_2831 = arith.constant 11 : i32
      %add3A_2832 = arith.addi %mul3A_2830, %add3A_2831 : i32
      %swap3A_2833 = arith.index_cast %add3A_2832 : i32 to index
      %swap3A_2834 = arith.constant 80 : index
      %swap3A_2835 = tpu.vector_load %arg10[%swap3A_2833, %swap3A_2834] {strides = array<i32>} : memref<104x128xi32, #tpu.memory_space<vmem>>, vector<1x16xi32>,
      %swap3A_2836 = vector.shape_cast %swap3A_2835 : vector<1x16xi32> to vector<16xi32>
      %swap3A_2837 = vector.shape_cast %add3A_2828 : vector<16xi32> to vector<1x16xi32>
      tpu.vector_store %arg10[%swap3A_2833, %swap3A_2834], %swap3A_2837 {strides = array<i32>} : memref<104x128xi32, #tpu.memory_space<vmem>>, vector<1x16xi32>,
      %mul3A_2838 = arith.constant 13 : i32
      %mul3A_2839 = arith.muli %scan3A_675, %mul3A_2838 : i32
      %add3A_2840 = arith.constant 11 : i32
      %add3A_2841 = arith.addi %mul3A_2839, %add3A_2840 : i32
      %get3A_2842 = arith.index_cast %add3A_2841 : i32 to index
      %get3A_2843 = arith.constant 96 : index
      %get3A_2844 = tpu.vector_load %arg10[%get3A_2842, %get3A_2843] {strides = array<i32>} : memref<104x128xi32, #tpu.memory_space<vmem>>, vector<1x16xi32>,
      %get3A_2845 = vector.shape_cast %get3A_2844 : vector<1x16xi32> to vector<16xi32>
      %get3A_2846 = arith.constant 11 : i32
      %get3A_2847 = arith.index_cast %get3A_2846 : i32 to index
      %get3A_2848 = arith.constant 96 : index
      %get3A_2849 = tpu.vector_load %arg11[%get3A_2847, %get3A_2848] {strides = array<i32>} : memref<13x128xi32, #tpu.memory_space<vmem>>, vector<1x16xi32>,
      %get3A_2850 = vector.shape_cast %get3A_2849 : vector<1x16xi32> to vector<16xi32>
      %add3A_2851 = arith.addi %get3A_2845, %get3A_2850 : vector<16xi32>
      %mul3A_2852 = arith.constant 13 : i32
      %mul3A_2853 = arith.muli %scan3A_675, %mul3A_2852 : i32
      %add3A_2854 = arith.constant 11 : i32
      %add3A_2855 = arith.addi %mul3A_2853, %add3A_2854 : i32
      %swap3A_2856 = arith.index_cast %add3A_2855 : i32 to index
      %swap3A_2857 = arith.constant 96 : index
      %swap3A_2858 = tpu.vector_load %arg10[%swap3A_2856, %swap3A_2857] {strides = array<i32>} : memref<104x128xi32, #tpu.memory_space<vmem>>, vector<1x16xi32>,
      %swap3A_2859 = vector.shape_cast %swap3A_2858 : vector<1x16xi32> to vector<16xi32>
      %swap3A_2860 = vector.shape_cast %add3A_2851 : vector<16xi32> to vector<1x16xi32>
      tpu.vector_store %arg10[%swap3A_2856, %swap3A_2857], %swap3A_2860 {strides = array<i32>} : memref<104x128xi32, #tpu.memory_space<vmem>>, vector<1x16xi32>,
      %mul3A_2861 = arith.constant 13 : i32
      %mul3A_2862 = arith.muli %scan3A_675, %mul3A_2861 : i32
      %add3A_2863 = arith.constant 11 : i32
      %add3A_2864 = arith.addi %mul3A_2862, %add3A_2863 : i32
      %get3A_2865 = arith.index_cast %add3A_2864 : i32 to index
      %get3A_2866 = arith.constant 112 : index
      %get3A_2867 = tpu.vector_load %arg10[%get3A_2865, %get3A_2866] {strides = array<i32>} : memref<104x128xi32, #tpu.memory_space<vmem>>, vector<1x16xi32>,
      %get3A_2868 = vector.shape_cast %get3A_2867 : vector<1x16xi32> to vector<16xi32>
      %get3A_2869 = arith.constant 11 : i32
      %get3A_2870 = arith.index_cast %get3A_2869 : i32 to index
      %get3A_2871 = arith.constant 112 : index
      %get3A_2872 = tpu.vector_load %arg11[%get3A_2870, %get3A_2871] {strides = array<i32>} : memref<13x128xi32, #tpu.memory_space<vmem>>, vector<1x16xi32>,
      %get3A_2873 = vector.shape_cast %get3A_2872 : vector<1x16xi32> to vector<16xi32>
      %add3A_2874 = arith.addi %get3A_2868, %get3A_2873 : vector<16xi32>
      %mul3A_2875 = arith.constant 13 : i32
      %mul3A_2876 = arith.muli %scan3A_675, %mul3A_2875 : i32
      %add3A_2877 = arith.constant 11 : i32
      %add3A_2878 = arith.addi %mul3A_2876, %add3A_2877 : i32
      %swap3A_2879 = arith.index_cast %add3A_2878 : i32 to index
      %swap3A_2880 = arith.constant 112 : index
      %swap3A_2881 = tpu.vector_load %arg10[%swap3A_2879, %swap3A_2880] {strides = array<i32>} : memref<104x128xi32, #tpu.memory_space<vmem>>, vector<1x16xi32>,
      %swap3A_2882 = vector.shape_cast %swap3A_2881 : vector<1x16xi32> to vector<16xi32>
      %swap3A_2883 = vector.shape_cast %add3A_2874 : vector<16xi32> to vector<1x16xi32>
      tpu.vector_store %arg10[%swap3A_2879, %swap3A_2880], %swap3A_2883 {strides = array<i32>} : memref<104x128xi32, #tpu.memory_space<vmem>>, vector<1x16xi32>,
      %mul3A_2884 = arith.constant 13 : i32
      %mul3A_2885 = arith.muli %scan3A_675, %mul3A_2884 : i32
      %add3A_2886 = arith.constant 12 : i32
      %add3A_2887 = arith.addi %mul3A_2885, %add3A_2886 : i32
      %get3A_2888 = arith.index_cast %add3A_2887 : i32 to index
      %get3A_2889 = arith.constant 0 : index
      %get3A_2890 = tpu.vector_load %arg10[%get3A_2888, %get3A_2889] {strides = array<i32>} : memref<104x128xi32, #tpu.memory_space<vmem>>, vector<1x16xi32>,
      %get3A_2891 = vector.shape_cast %get3A_2890 : vector<1x16xi32> to vector<16xi32>
      %get3A_2892 = arith.constant 12 : i32
      %get3A_2893 = arith.index_cast %get3A_2892 : i32 to index
      %get3A_2894 = arith.constant 0 : index
      %get3A_2895 = tpu.vector_load %arg11[%get3A_2893, %get3A_2894] {strides = array<i32>} : memref<13x128xi32, #tpu.memory_space<vmem>>, vector<1x16xi32>,
      %get3A_2896 = vector.shape_cast %get3A_2895 : vector<1x16xi32> to vector<16xi32>
      %add3A_2897 = arith.addi %get3A_2891, %get3A_2896 : vector<16xi32>
      %mul3A_2898 = arith.constant 13 : i32
      %mul3A_2899 = arith.muli %scan3A_675, %mul3A_2898 : i32
      %add3A_2900 = arith.constant 12 : i32
      %add3A_2901 = arith.addi %mul3A_2899, %add3A_2900 : i32
      %swap3A_2902 = arith.index_cast %add3A_2901 : i32 to index
      %swap3A_2903 = arith.constant 0 : index
      %swap3A_2904 = tpu.vector_load %arg10[%swap3A_2902, %swap3A_2903] {strides = array<i32>} : memref<104x128xi32, #tpu.memory_space<vmem>>, vector<1x16xi32>,
      %swap3A_2905 = vector.shape_cast %swap3A_2904 : vector<1x16xi32> to vector<16xi32>
      %swap3A_2906 = vector.shape_cast %add3A_2897 : vector<16xi32> to vector<1x16xi32>
      tpu.vector_store %arg10[%swap3A_2902, %swap3A_2903], %swap3A_2906 {strides = array<i32>} : memref<104x128xi32, #tpu.memory_space<vmem>>, vector<1x16xi32>,
      %mul3A_2907 = arith.constant 13 : i32
      %mul3A_2908 = arith.muli %scan3A_675, %mul3A_2907 : i32
      %add3A_2909 = arith.constant 12 : i32
      %add3A_2910 = arith.addi %mul3A_2908, %add3A_2909 : i32
      %get3A_2911 = arith.index_cast %add3A_2910 : i32 to index
      %get3A_2912 = arith.constant 16 : index
      %get3A_2913 = tpu.vector_load %arg10[%get3A_2911, %get3A_2912] {strides = array<i32>} : memref<104x128xi32, #tpu.memory_space<vmem>>, vector<1x16xi32>,
      %get3A_2914 = vector.shape_cast %get3A_2913 : vector<1x16xi32> to vector<16xi32>
      %get3A_2915 = arith.constant 12 : i32
      %get3A_2916 = arith.index_cast %get3A_2915 : i32 to index
      %get3A_2917 = arith.constant 16 : index
      %get3A_2918 = tpu.vector_load %arg11[%get3A_2916, %get3A_2917] {strides = array<i32>} : memref<13x128xi32, #tpu.memory_space<vmem>>, vector<1x16xi32>,
      %get3A_2919 = vector.shape_cast %get3A_2918 : vector<1x16xi32> to vector<16xi32>
      %add3A_2920 = arith.addi %get3A_2914, %get3A_2919 : vector<16xi32>
      %mul3A_2921 = arith.constant 13 : i32
      %mul3A_2922 = arith.muli %scan3A_675, %mul3A_2921 : i32
      %add3A_2923 = arith.constant 12 : i32
      %add3A_2924 = arith.addi %mul3A_2922, %add3A_2923 : i32
      %swap3A_2925 = arith.index_cast %add3A_2924 : i32 to index
      %swap3A_2926 = arith.constant 16 : index
      %swap3A_2927 = tpu.vector_load %arg10[%swap3A_2925, %swap3A_2926] {strides = array<i32>} : memref<104x128xi32, #tpu.memory_space<vmem>>, vector<1x16xi32>,
      %swap3A_2928 = vector.shape_cast %swap3A_2927 : vector<1x16xi32> to vector<16xi32>
      %swap3A_2929 = vector.shape_cast %add3A_2920 : vector<16xi32> to vector<1x16xi32>
      tpu.vector_store %arg10[%swap3A_2925, %swap3A_2926], %swap3A_2929 {strides = array<i32>} : memref<104x128xi32, #tpu.memory_space<vmem>>, vector<1x16xi32>,
      %mul3A_2930 = arith.constant 13 : i32
      %mul3A_2931 = arith.muli %scan3A_675, %mul3A_2930 : i32
      %add3A_2932 = arith.constant 12 : i32
      %add3A_2933 = arith.addi %mul3A_2931, %add3A_2932 : i32
      %get3A_2934 = arith.index_cast %add3A_2933 : i32 to index
      %get3A_2935 = arith.constant 32 : index
      %get3A_2936 = tpu.vector_load %arg10[%get3A_2934, %get3A_2935] {strides = array<i32>} : memref<104x128xi32, #tpu.memory_space<vmem>>, vector<1x16xi32>,
      %get3A_2937 = vector.shape_cast %get3A_2936 : vector<1x16xi32> to vector<16xi32>
      %get3A_2938 = arith.constant 12 : i32
      %get3A_2939 = arith.index_cast %get3A_2938 : i32 to index
      %get3A_2940 = arith.constant 32 : index
      %get3A_2941 = tpu.vector_load %arg11[%get3A_2939, %get3A_2940] {strides = array<i32>} : memref<13x128xi32, #tpu.memory_space<vmem>>, vector<1x16xi32>,
      %get3A_2942 = vector.shape_cast %get3A_2941 : vector<1x16xi32> to vector<16xi32>
      %add3A_2943 = arith.addi %get3A_2937, %get3A_2942 : vector<16xi32>
      %mul3A_2944 = arith.constant 13 : i32
      %mul3A_2945 = arith.muli %scan3A_675, %mul3A_2944 : i32
      %add3A_2946 = arith.constant 12 : i32
      %add3A_2947 = arith.addi %mul3A_2945, %add3A_2946 : i32
      %swap3A_2948 = arith.index_cast %add3A_2947 : i32 to index
      %swap3A_2949 = arith.constant 32 : index
      %swap3A_2950 = tpu.vector_load %arg10[%swap3A_2948, %swap3A_2949] {strides = array<i32>} : memref<104x128xi32, #tpu.memory_space<vmem>>, vector<1x16xi32>,
      %swap3A_2951 = vector.shape_cast %swap3A_2950 : vector<1x16xi32> to vector<16xi32>
      %swap3A_2952 = vector.shape_cast %add3A_2943 : vector<16xi32> to vector<1x16xi32>
      tpu.vector_store %arg10[%swap3A_2948, %swap3A_2949], %swap3A_2952 {strides = array<i32>} : memref<104x128xi32, #tpu.memory_space<vmem>>, vector<1x16xi32>,
      %mul3A_2953 = arith.constant 13 : i32
      %mul3A_2954 = arith.muli %scan3A_675, %mul3A_2953 : i32
      %add3A_2955 = arith.constant 12 : i32
      %add3A_2956 = arith.addi %mul3A_2954, %add3A_2955 : i32
      %get3A_2957 = arith.index_cast %add3A_2956 : i32 to index
      %get3A_2958 = arith.constant 48 : index
      %get3A_2959 = tpu.vector_load %arg10[%get3A_2957, %get3A_2958] {strides = array<i32>} : memref<104x128xi32, #tpu.memory_space<vmem>>, vector<1x16xi32>,
      %get3A_2960 = vector.shape_cast %get3A_2959 : vector<1x16xi32> to vector<16xi32>
      %get3A_2961 = arith.constant 12 : i32
      %get3A_2962 = arith.index_cast %get3A_2961 : i32 to index
      %get3A_2963 = arith.constant 48 : index
      %get3A_2964 = tpu.vector_load %arg11[%get3A_2962, %get3A_2963] {strides = array<i32>} : memref<13x128xi32, #tpu.memory_space<vmem>>, vector<1x16xi32>,
      %get3A_2965 = vector.shape_cast %get3A_2964 : vector<1x16xi32> to vector<16xi32>
      %add3A_2966 = arith.addi %get3A_2960, %get3A_2965 : vector<16xi32>
      %mul3A_2967 = arith.constant 13 : i32
      %mul3A_2968 = arith.muli %scan3A_675, %mul3A_2967 : i32
      %add3A_2969 = arith.constant 12 : i32
      %add3A_2970 = arith.addi %mul3A_2968, %add3A_2969 : i32
      %swap3A_2971 = arith.index_cast %add3A_2970 : i32 to index
      %swap3A_2972 = arith.constant 48 : index
      %swap3A_2973 = tpu.vector_load %arg10[%swap3A_2971, %swap3A_2972] {strides = array<i32>} : memref<104x128xi32, #tpu.memory_space<vmem>>, vector<1x16xi32>,
      %swap3A_2974 = vector.shape_cast %swap3A_2973 : vector<1x16xi32> to vector<16xi32>
      %swap3A_2975 = vector.shape_cast %add3A_2966 : vector<16xi32> to vector<1x16xi32>
      tpu.vector_store %arg10[%swap3A_2971, %swap3A_2972], %swap3A_2975 {strides = array<i32>} : memref<104x128xi32, #tpu.memory_space<vmem>>, vector<1x16xi32>,
      %mul3A_2976 = arith.constant 13 : i32
      %mul3A_2977 = arith.muli %scan3A_675, %mul3A_2976 : i32
      %add3A_2978 = arith.constant 12 : i32
      %add3A_2979 = arith.addi %mul3A_2977, %add3A_2978 : i32
      %get3A_2980 = arith.index_cast %add3A_2979 : i32 to index
      %get3A_2981 = arith.constant 64 : index
      %get3A_2982 = tpu.vector_load %arg10[%get3A_2980, %get3A_2981] {strides = array<i32>} : memref<104x128xi32, #tpu.memory_space<vmem>>, vector<1x16xi32>,
      %get3A_2983 = vector.shape_cast %get3A_2982 : vector<1x16xi32> to vector<16xi32>
      %get3A_2984 = arith.constant 12 : i32
      %get3A_2985 = arith.index_cast %get3A_2984 : i32 to index
      %get3A_2986 = arith.constant 64 : index
      %get3A_2987 = tpu.vector_load %arg11[%get3A_2985, %get3A_2986] {strides = array<i32>} : memref<13x128xi32, #tpu.memory_space<vmem>>, vector<1x16xi32>,
      %get3A_2988 = vector.shape_cast %get3A_2987 : vector<1x16xi32> to vector<16xi32>
      %add3A_2989 = arith.addi %get3A_2983, %get3A_2988 : vector<16xi32>
      %mul3A_2990 = arith.constant 13 : i32
      %mul3A_2991 = arith.muli %scan3A_675, %mul3A_2990 : i32
      %add3A_2992 = arith.constant 12 : i32
      %add3A_2993 = arith.addi %mul3A_2991, %add3A_2992 : i32
      %swap3A_2994 = arith.index_cast %add3A_2993 : i32 to index
      %swap3A_2995 = arith.constant 64 : index
      %swap3A_2996 = tpu.vector_load %arg10[%swap3A_2994, %swap3A_2995] {strides = array<i32>} : memref<104x128xi32, #tpu.memory_space<vmem>>, vector<1x16xi32>,
      %swap3A_2997 = vector.shape_cast %swap3A_2996 : vector<1x16xi32> to vector<16xi32>
      %swap3A_2998 = vector.shape_cast %add3A_2989 : vector<16xi32> to vector<1x16xi32>
      tpu.vector_store %arg10[%swap3A_2994, %swap3A_2995], %swap3A_2998 {strides = array<i32>} : memref<104x128xi32, #tpu.memory_space<vmem>>, vector<1x16xi32>,
      %mul3A_2999 = arith.constant 13 : i32
      %mul3A_3000 = arith.muli %scan3A_675, %mul3A_2999 : i32
      %add3A_3001 = arith.constant 12 : i32
      %add3A_3002 = arith.addi %mul3A_3000, %add3A_3001 : i32
      %get3A_3003 = arith.index_cast %add3A_3002 : i32 to index
      %get3A_3004 = arith.constant 80 : index
      %get3A_3005 = tpu.vector_load %arg10[%get3A_3003, %get3A_3004] {strides = array<i32>} : memref<104x128xi32, #tpu.memory_space<vmem>>, vector<1x16xi32>,
      %get3A_3006 = vector.shape_cast %get3A_3005 : vector<1x16xi32> to vector<16xi32>
      %get3A_3007 = arith.constant 12 : i32
      %get3A_3008 = arith.index_cast %get3A_3007 : i32 to index
      %get3A_3009 = arith.constant 80 : index
      %get3A_3010 = tpu.vector_load %arg11[%get3A_3008, %get3A_3009] {strides = array<i32>} : memref<13x128xi32, #tpu.memory_space<vmem>>, vector<1x16xi32>,
      %get3A_3011 = vector.shape_cast %get3A_3010 : vector<1x16xi32> to vector<16xi32>
      %add3A_3012 = arith.addi %get3A_3006, %get3A_3011 : vector<16xi32>
      %mul3A_3013 = arith.constant 13 : i32
      %mul3A_3014 = arith.muli %scan3A_675, %mul3A_3013 : i32
      %add3A_3015 = arith.constant 12 : i32
      %add3A_3016 = arith.addi %mul3A_3014, %add3A_3015 : i32
      %swap3A_3017 = arith.index_cast %add3A_3016 : i32 to index
      %swap3A_3018 = arith.constant 80 : index
      %swap3A_3019 = tpu.vector_load %arg10[%swap3A_3017, %swap3A_3018] {strides = array<i32>} : memref<104x128xi32, #tpu.memory_space<vmem>>, vector<1x16xi32>,
      %swap3A_3020 = vector.shape_cast %swap3A_3019 : vector<1x16xi32> to vector<16xi32>
      %swap3A_3021 = vector.shape_cast %add3A_3012 : vector<16xi32> to vector<1x16xi32>
      tpu.vector_store %arg10[%swap3A_3017, %swap3A_3018], %swap3A_3021 {strides = array<i32>} : memref<104x128xi32, #tpu.memory_space<vmem>>, vector<1x16xi32>,
      %mul3A_3022 = arith.constant 13 : i32
      %mul3A_3023 = arith.muli %scan3A_675, %mul3A_3022 : i32
      %add3A_3024 = arith.constant 12 : i32
      %add3A_3025 = arith.addi %mul3A_3023, %add3A_3024 : i32
      %get3A_3026 = arith.index_cast %add3A_3025 : i32 to index
      %get3A_3027 = arith.constant 96 : index
      %get3A_3028 = tpu.vector_load %arg10[%get3A_3026, %get3A_3027] {strides = array<i32>} : memref<104x128xi32, #tpu.memory_space<vmem>>, vector<1x16xi32>,
      %get3A_3029 = vector.shape_cast %get3A_3028 : vector<1x16xi32> to vector<16xi32>
      %get3A_3030 = arith.constant 12 : i32
      %get3A_3031 = arith.index_cast %get3A_3030 : i32 to index
      %get3A_3032 = arith.constant 96 : index
      %get3A_3033 = tpu.vector_load %arg11[%get3A_3031, %get3A_3032] {strides = array<i32>} : memref<13x128xi32, #tpu.memory_space<vmem>>, vector<1x16xi32>,
      %get3A_3034 = vector.shape_cast %get3A_3033 : vector<1x16xi32> to vector<16xi32>
      %add3A_3035 = arith.addi %get3A_3029, %get3A_3034 : vector<16xi32>
      %mul3A_3036 = arith.constant 13 : i32
      %mul3A_3037 = arith.muli %scan3A_675, %mul3A_3036 : i32
      %add3A_3038 = arith.constant 12 : i32
      %add3A_3039 = arith.addi %mul3A_3037, %add3A_3038 : i32
      %swap3A_3040 = arith.index_cast %add3A_3039 : i32 to index
      %swap3A_3041 = arith.constant 96 : index
      %swap3A_3042 = tpu.vector_load %arg10[%swap3A_3040, %swap3A_3041] {strides = array<i32>} : memref<104x128xi32, #tpu.memory_space<vmem>>, vector<1x16xi32>,
      %swap3A_3043 = vector.shape_cast %swap3A_3042 : vector<1x16xi32> to vector<16xi32>
      %swap3A_3044 = vector.shape_cast %add3A_3035 : vector<16xi32> to vector<1x16xi32>
      tpu.vector_store %arg10[%swap3A_3040, %swap3A_3041], %swap3A_3044 {strides = array<i32>} : memref<104x128xi32, #tpu.memory_space<vmem>>, vector<1x16xi32>,
      %mul3A_3045 = arith.constant 13 : i32
      %mul3A_3046 = arith.muli %scan3A_675, %mul3A_3045 : i32
      %add3A_3047 = arith.constant 12 : i32
      %add3A_3048 = arith.addi %mul3A_3046, %add3A_3047 : i32
      %get3A_3049 = arith.index_cast %add3A_3048 : i32 to index
      %get3A_3050 = arith.constant 112 : index
      %get3A_3051 = tpu.vector_load %arg10[%get3A_3049, %get3A_3050] {strides = array<i32>} : memref<104x128xi32, #tpu.memory_space<vmem>>, vector<1x16xi32>,
      %get3A_3052 = vector.shape_cast %get3A_3051 : vector<1x16xi32> to vector<16xi32>
      %get3A_3053 = arith.constant 12 : i32
      %get3A_3054 = arith.index_cast %get3A_3053 : i32 to index
      %get3A_3055 = arith.constant 112 : index
      %get3A_3056 = tpu.vector_load %arg11[%get3A_3054, %get3A_3055] {strides = array<i32>} : memref<13x128xi32, #tpu.memory_space<vmem>>, vector<1x16xi32>,
      %get3A_3057 = vector.shape_cast %get3A_3056 : vector<1x16xi32> to vector<16xi32>
      %add3A_3058 = arith.addi %get3A_3052, %get3A_3057 : vector<16xi32>
      %mul3A_3059 = arith.constant 13 : i32
      %mul3A_3060 = arith.muli %scan3A_675, %mul3A_3059 : i32
      %add3A_3061 = arith.constant 12 : i32
      %add3A_3062 = arith.addi %mul3A_3060, %add3A_3061 : i32
      %swap3A_3063 = arith.index_cast %add3A_3062 : i32 to index
      %swap3A_3064 = arith.constant 112 : index
      %swap3A_3065 = tpu.vector_load %arg10[%swap3A_3063, %swap3A_3064] {strides = array<i32>} : memref<104x128xi32, #tpu.memory_space<vmem>>, vector<1x16xi32>,
      %swap3A_3066 = vector.shape_cast %swap3A_3065 : vector<1x16xi32> to vector<16xi32>
      %swap3A_3067 = vector.shape_cast %add3A_3058 : vector<16xi32> to vector<1x16xi32>
      tpu.vector_store %arg10[%swap3A_3063, %swap3A_3064], %swap3A_3067 {strides = array<i32>} : memref<104x128xi32, #tpu.memory_space<vmem>>, vector<1x16xi32>,
    }
    %scan3A_668 = arith.constant 8 : i32
    %scan3A_669 = arith.constant 0 : i32
    %scan3A_670 = arith.constant 0 : i32
    %scan3A_671 = arith.constant 8 : i32
    %scan3A_672 = arith.addi %scan3A_670, %scan3A_671 : i32
    %scan3A_673 = arith.constant 1 : i32
    scf.for %scan3A_675 = %scan3A_670 to %scan3A_672 step %scan3A_673  : i32 {
      %mul3A_676 = arith.constant 512 : i32
      %mul3A_677 = arith.muli %add3A, %mul3A_676 : i32
      %mul3A_678 = arith.constant 64 : i32
      %mul3A_679 = arith.muli %scan3A_675, %mul3A_678 : i32
      %add3A_680 = arith.addi %mul3A_677, %mul3A_679 : i32
      %mul3A_681 = arith.constant 16 : i32
      %mul3A_682 = arith.muli %add3A_680, %mul3A_681 : i32
      "tpu.region"() ({
        %run_scoped3A = tpu.sem_alloc : memref<!tpu.dma_semaphore, #tpu.memory_space<semaphore_mem>>
        %dma_start3A_978 = tpu.memref_slice %arg3[%mul3A_682] : memref<262144xf32, #tpu.memory_space<hbm>> -> memref<1024xf32, #tpu.memory_space<hbm>>
        %dma_start3A_979 = tpu.memref_slice %arg3[%mul3A_682] : memref<262144xf32, #tpu.memory_space<hbm>> -> memref<1024xf32, #tpu.memory_space<hbm>>
        tpu.enqueue_dma source(%dma_start3A_979 : memref<1024xf32, #tpu.memory_space<hbm>>) target(%arg14 : memref<1024xf32, #tpu.memory_space<vmem>>) target_semaphore(%run_scoped3A : memref<!tpu.dma_semaphore, #tpu.memory_space<semaphore_mem>>)
        %dma_wait3A_980 = tpu.memref_slice %arg3[%mul3A_682] : memref<262144xf32, #tpu.memory_space<hbm>> -> memref<1024xf32, #tpu.memory_space<hbm>>
        %dma_wait3A_981 = tpu.memref_slice %arg3[%mul3A_682] : memref<262144xf32, #tpu.memory_space<hbm>> -> memref<1024xf32, #tpu.memory_space<hbm>>
        tpu.wait_dma2 semaphore(%run_scoped3A : memref<!tpu.dma_semaphore, #tpu.memory_space<semaphore_mem>>) src(%dma_wait3A_981 : memref<1024xf32, #tpu.memory_space<hbm>>) dst(%arg14 : memref<1024xf32, #tpu.memory_space<vmem>>)
        tpu.yield
      }) : () -> ()
      %mul3A_683 = arith.constant 13 : i32
      %mul3A_684 = arith.muli %scan3A_675, %mul3A_683 : i32
      %add3A_685 = arith.constant 0 : i32
      %add3A_686 = arith.addi %mul3A_684, %add3A_685 : i32
      %dma_start3A = arith.constant 0 : i32
      %dma_start3A_687 = arith.constant 0 : i32
      %dma_start3A_688 = tpu.memref_slice %arg12[%dma_start3A, %dma_start3A_687] : memref<1664x16xf32, #tpu.memory_space<vmem>> -> memref<128x16xf32, #tpu.memory_space<vmem>>
      %dma_start3A_689 = arith.constant 0 : i32
      %dma_start3A_690 = tpu.memref_slice %arg10[%add3A_686, %dma_start3A_689] : memref<104x128xi32, #tpu.memory_space<vmem>> -> memref<1x128xi32, #tpu.memory_space<vmem>>
      %dma_start3A_691 = tpu.memref_squeeze %dma_start3A_690 : memref<1x128xi32, #tpu.memory_space<vmem>> -> memref<128xi32, #tpu.memory_space<vmem>>
      %dma_start3A_692 = arith.constant 0 : i32
      %dma_start3A_693 = arith.constant 0 : i32
      %dma_start3A_694 = tpu.memref_slice %arg8[%dma_start3A_692, %dma_start3A_693] : memref<2600000x16xf32, #tpu.memory_space<hbm>> -> memref<2600000x16xf32, #tpu.memory_space<hbm>>
      tpu.enqueue_indirect_dma source(%dma_start3A_694 : memref<2600000x16xf32, #tpu.memory_space<hbm>>) target(%dma_start3A_688 : memref<128x16xf32, #tpu.memory_space<vmem>>) offsets(%dma_start3A_691 : memref<128xi32, #tpu.memory_space<vmem>>) semaphore(%arg18 : memref<!tpu.dma_semaphore, #tpu.memory_space<semaphore_mem>>)
      %mul3A_695 = arith.constant 13 : i32
      %mul3A_696 = arith.muli %scan3A_675, %mul3A_695 : i32
      %add3A_697 = arith.constant 1 : i32
      %add3A_698 = arith.addi %mul3A_696, %add3A_697 : i32
      %dma_start3A_699 = arith.constant 128 : i32
      %dma_start3A_700 = arith.constant 0 : i32
      %dma_start3A_701 = tpu.memref_slice %arg12[%dma_start3A_699, %dma_start3A_700] : memref<1664x16xf32, #tpu.memory_space<vmem>> -> memref<128x16xf32, #tpu.memory_space<vmem>>
      %dma_start3A_702 = arith.constant 0 : i32
      %dma_start3A_703 = tpu.memref_slice %arg10[%add3A_698, %dma_start3A_702] : memref<104x128xi32, #tpu.memory_space<vmem>> -> memref<1x128xi32, #tpu.memory_space<vmem>>
      %dma_start3A_704 = tpu.memref_squeeze %dma_start3A_703 : memref<1x128xi32, #tpu.memory_space<vmem>> -> memref<128xi32, #tpu.memory_space<vmem>>
      %dma_start3A_705 = arith.constant 0 : i32
      %dma_start3A_706 = arith.constant 0 : i32
      %dma_start3A_707 = tpu.memref_slice %arg8[%dma_start3A_705, %dma_start3A_706] : memref<2600000x16xf32, #tpu.memory_space<hbm>> -> memref<2600000x16xf32, #tpu.memory_space<hbm>>
      tpu.enqueue_indirect_dma source(%dma_start3A_707 : memref<2600000x16xf32, #tpu.memory_space<hbm>>) target(%dma_start3A_701 : memref<128x16xf32, #tpu.memory_space<vmem>>) offsets(%dma_start3A_704 : memref<128xi32, #tpu.memory_space<vmem>>) semaphore(%arg18 : memref<!tpu.dma_semaphore, #tpu.memory_space<semaphore_mem>>)
      %mul3A_708 = arith.constant 13 : i32
      %mul3A_709 = arith.muli %scan3A_675, %mul3A_708 : i32
      %add3A_710 = arith.constant 2 : i32
      %add3A_711 = arith.addi %mul3A_709, %add3A_710 : i32
      %dma_start3A_712 = arith.constant 256 : i32
      %dma_start3A_713 = arith.constant 0 : i32
      %dma_start3A_714 = tpu.memref_slice %arg12[%dma_start3A_712, %dma_start3A_713] : memref<1664x16xf32, #tpu.memory_space<vmem>> -> memref<128x16xf32, #tpu.memory_space<vmem>>
      %dma_start3A_715 = arith.constant 0 : i32
      %dma_start3A_716 = tpu.memref_slice %arg10[%add3A_711, %dma_start3A_715] : memref<104x128xi32, #tpu.memory_space<vmem>> -> memref<1x128xi32, #tpu.memory_space<vmem>>
      %dma_start3A_717 = tpu.memref_squeeze %dma_start3A_716 : memref<1x128xi32, #tpu.memory_space<vmem>> -> memref<128xi32, #tpu.memory_space<vmem>>
      %dma_start3A_718 = arith.constant 0 : i32
      %dma_start3A_719 = arith.constant 0 : i32
      %dma_start3A_720 = tpu.memref_slice %arg8[%dma_start3A_718, %dma_start3A_719] : memref<2600000x16xf32, #tpu.memory_space<hbm>> -> memref<2600000x16xf32, #tpu.memory_space<hbm>>
      tpu.enqueue_indirect_dma source(%dma_start3A_720 : memref<2600000x16xf32, #tpu.memory_space<hbm>>) target(%dma_start3A_714 : memref<128x16xf32, #tpu.memory_space<vmem>>) offsets(%dma_start3A_717 : memref<128xi32, #tpu.memory_space<vmem>>) semaphore(%arg18 : memref<!tpu.dma_semaphore, #tpu.memory_space<semaphore_mem>>)
      %mul3A_721 = arith.constant 13 : i32
      %mul3A_722 = arith.muli %scan3A_675, %mul3A_721 : i32
      %add3A_723 = arith.constant 3 : i32
      %add3A_724 = arith.addi %mul3A_722, %add3A_723 : i32
      %dma_start3A_725 = arith.constant 384 : i32
      %dma_start3A_726 = arith.constant 0 : i32
      %dma_start3A_727 = tpu.memref_slice %arg12[%dma_start3A_725, %dma_start3A_726] : memref<1664x16xf32, #tpu.memory_space<vmem>> -> memref<128x16xf32, #tpu.memory_space<vmem>>
      %dma_start3A_728 = arith.constant 0 : i32
      %dma_start3A_729 = tpu.memref_slice %arg10[%add3A_724, %dma_start3A_728] : memref<104x128xi32, #tpu.memory_space<vmem>> -> memref<1x128xi32, #tpu.memory_space<vmem>>
      %dma_start3A_730 = tpu.memref_squeeze %dma_start3A_729 : memref<1x128xi32, #tpu.memory_space<vmem>> -> memref<128xi32, #tpu.memory_space<vmem>>
      %dma_start3A_731 = arith.constant 0 : i32
      %dma_start3A_732 = arith.constant 0 : i32
      %dma_start3A_733 = tpu.memref_slice %arg8[%dma_start3A_731, %dma_start3A_732] : memref<2600000x16xf32, #tpu.memory_space<hbm>> -> memref<2600000x16xf32, #tpu.memory_space<hbm>>
      tpu.enqueue_indirect_dma source(%dma_start3A_733 : memref<2600000x16xf32, #tpu.memory_space<hbm>>) target(%dma_start3A_727 : memref<128x16xf32, #tpu.memory_space<vmem>>) offsets(%dma_start3A_730 : memref<128xi32, #tpu.memory_space<vmem>>) semaphore(%arg18 : memref<!tpu.dma_semaphore, #tpu.memory_space<semaphore_mem>>)
      %mul3A_734 = arith.constant 13 : i32
      %mul3A_735 = arith.muli %scan3A_675, %mul3A_734 : i32
      %add3A_736 = arith.constant 4 : i32
      %add3A_737 = arith.addi %mul3A_735, %add3A_736 : i32
      %dma_start3A_738 = arith.constant 512 : i32
      %dma_start3A_739 = arith.constant 0 : i32
      %dma_start3A_740 = tpu.memref_slice %arg12[%dma_start3A_738, %dma_start3A_739] : memref<1664x16xf32, #tpu.memory_space<vmem>> -> memref<128x16xf32, #tpu.memory_space<vmem>>
      %dma_start3A_741 = arith.constant 0 : i32
      %dma_start3A_742 = tpu.memref_slice %arg10[%add3A_737, %dma_start3A_741] : memref<104x128xi32, #tpu.memory_space<vmem>> -> memref<1x128xi32, #tpu.memory_space<vmem>>
      %dma_start3A_743 = tpu.memref_squeeze %dma_start3A_742 : memref<1x128xi32, #tpu.memory_space<vmem>> -> memref<128xi32, #tpu.memory_space<vmem>>
      %dma_start3A_744 = arith.constant 0 : i32
      %dma_start3A_745 = arith.constant 0 : i32
      %dma_start3A_746 = tpu.memref_slice %arg8[%dma_start3A_744, %dma_start3A_745] : memref<2600000x16xf32, #tpu.memory_space<hbm>> -> memref<2600000x16xf32, #tpu.memory_space<hbm>>
      tpu.enqueue_indirect_dma source(%dma_start3A_746 : memref<2600000x16xf32, #tpu.memory_space<hbm>>) target(%dma_start3A_740 : memref<128x16xf32, #tpu.memory_space<vmem>>) offsets(%dma_start3A_743 : memref<128xi32, #tpu.memory_space<vmem>>) semaphore(%arg18 : memref<!tpu.dma_semaphore, #tpu.memory_space<semaphore_mem>>)
      %mul3A_747 = arith.constant 13 : i32
      %mul3A_748 = arith.muli %scan3A_675, %mul3A_747 : i32
      %add3A_749 = arith.constant 5 : i32
      %add3A_750 = arith.addi %mul3A_748, %add3A_749 : i32
      %dma_start3A_751 = arith.constant 640 : i32
      %dma_start3A_752 = arith.constant 0 : i32
      %dma_start3A_753 = tpu.memref_slice %arg12[%dma_start3A_751, %dma_start3A_752] : memref<1664x16xf32, #tpu.memory_space<vmem>> -> memref<128x16xf32, #tpu.memory_space<vmem>>
      %dma_start3A_754 = arith.constant 0 : i32
      %dma_start3A_755 = tpu.memref_slice %arg10[%add3A_750, %dma_start3A_754] : memref<104x128xi32, #tpu.memory_space<vmem>> -> memref<1x128xi32, #tpu.memory_space<vmem>>
      %dma_start3A_756 = tpu.memref_squeeze %dma_start3A_755 : memref<1x128xi32, #tpu.memory_space<vmem>> -> memref<128xi32, #tpu.memory_space<vmem>>
      %dma_start3A_757 = arith.constant 0 : i32
      %dma_start3A_758 = arith.constant 0 : i32
      %dma_start3A_759 = tpu.memref_slice %arg8[%dma_start3A_757, %dma_start3A_758] : memref<2600000x16xf32, #tpu.memory_space<hbm>> -> memref<2600000x16xf32, #tpu.memory_space<hbm>>
      tpu.enqueue_indirect_dma source(%dma_start3A_759 : memref<2600000x16xf32, #tpu.memory_space<hbm>>) target(%dma_start3A_753 : memref<128x16xf32, #tpu.memory_space<vmem>>) offsets(%dma_start3A_756 : memref<128xi32, #tpu.memory_space<vmem>>) semaphore(%arg18 : memref<!tpu.dma_semaphore, #tpu.memory_space<semaphore_mem>>)
      %mul3A_760 = arith.constant 13 : i32
      %mul3A_761 = arith.muli %scan3A_675, %mul3A_760 : i32
      %add3A_762 = arith.constant 6 : i32
      %add3A_763 = arith.addi %mul3A_761, %add3A_762 : i32
      %dma_start3A_764 = arith.constant 768 : i32
      %dma_start3A_765 = arith.constant 0 : i32
      %dma_start3A_766 = tpu.memref_slice %arg12[%dma_start3A_764, %dma_start3A_765] : memref<1664x16xf32, #tpu.memory_space<vmem>> -> memref<128x16xf32, #tpu.memory_space<vmem>>
      %dma_start3A_767 = arith.constant 0 : i32
      %dma_start3A_768 = tpu.memref_slice %arg10[%add3A_763, %dma_start3A_767] : memref<104x128xi32, #tpu.memory_space<vmem>> -> memref<1x128xi32, #tpu.memory_space<vmem>>
      %dma_start3A_769 = tpu.memref_squeeze %dma_start3A_768 : memref<1x128xi32, #tpu.memory_space<vmem>> -> memref<128xi32, #tpu.memory_space<vmem>>
      %dma_start3A_770 = arith.constant 0 : i32
      %dma_start3A_771 = arith.constant 0 : i32
      %dma_start3A_772 = tpu.memref_slice %arg8[%dma_start3A_770, %dma_start3A_771] : memref<2600000x16xf32, #tpu.memory_space<hbm>> -> memref<2600000x16xf32, #tpu.memory_space<hbm>>
      tpu.enqueue_indirect_dma source(%dma_start3A_772 : memref<2600000x16xf32, #tpu.memory_space<hbm>>) target(%dma_start3A_766 : memref<128x16xf32, #tpu.memory_space<vmem>>) offsets(%dma_start3A_769 : memref<128xi32, #tpu.memory_space<vmem>>) semaphore(%arg18 : memref<!tpu.dma_semaphore, #tpu.memory_space<semaphore_mem>>)
      %mul3A_773 = arith.constant 13 : i32
      %mul3A_774 = arith.muli %scan3A_675, %mul3A_773 : i32
      %add3A_775 = arith.constant 7 : i32
      %add3A_776 = arith.addi %mul3A_774, %add3A_775 : i32
      %dma_start3A_777 = arith.constant 896 : i32
      %dma_start3A_778 = arith.constant 0 : i32
      %dma_start3A_779 = tpu.memref_slice %arg12[%dma_start3A_777, %dma_start3A_778] : memref<1664x16xf32, #tpu.memory_space<vmem>> -> memref<128x16xf32, #tpu.memory_space<vmem>>
      %dma_start3A_780 = arith.constant 0 : i32
      %dma_start3A_781 = tpu.memref_slice %arg10[%add3A_776, %dma_start3A_780] : memref<104x128xi32, #tpu.memory_space<vmem>> -> memref<1x128xi32, #tpu.memory_space<vmem>>
      %dma_start3A_782 = tpu.memref_squeeze %dma_start3A_781 : memref<1x128xi32, #tpu.memory_space<vmem>> -> memref<128xi32, #tpu.memory_space<vmem>>
      %dma_start3A_783 = arith.constant 0 : i32
      %dma_start3A_784 = arith.constant 0 : i32
      %dma_start3A_785 = tpu.memref_slice %arg8[%dma_start3A_783, %dma_start3A_784] : memref<2600000x16xf32, #tpu.memory_space<hbm>> -> memref<2600000x16xf32, #tpu.memory_space<hbm>>
      tpu.enqueue_indirect_dma source(%dma_start3A_785 : memref<2600000x16xf32, #tpu.memory_space<hbm>>) target(%dma_start3A_779 : memref<128x16xf32, #tpu.memory_space<vmem>>) offsets(%dma_start3A_782 : memref<128xi32, #tpu.memory_space<vmem>>) semaphore(%arg18 : memref<!tpu.dma_semaphore, #tpu.memory_space<semaphore_mem>>)
      %mul3A_786 = arith.constant 13 : i32
      %mul3A_787 = arith.muli %scan3A_675, %mul3A_786 : i32
      %add3A_788 = arith.constant 8 : i32
      %add3A_789 = arith.addi %mul3A_787, %add3A_788 : i32
      %dma_start3A_790 = arith.constant 1024 : i32
      %dma_start3A_791 = arith.constant 0 : i32
      %dma_start3A_792 = tpu.memref_slice %arg12[%dma_start3A_790, %dma_start3A_791] : memref<1664x16xf32, #tpu.memory_space<vmem>> -> memref<128x16xf32, #tpu.memory_space<vmem>>
      %dma_start3A_793 = arith.constant 0 : i32
      %dma_start3A_794 = tpu.memref_slice %arg10[%add3A_789, %dma_start3A_793] : memref<104x128xi32, #tpu.memory_space<vmem>> -> memref<1x128xi32, #tpu.memory_space<vmem>>
      %dma_start3A_795 = tpu.memref_squeeze %dma_start3A_794 : memref<1x128xi32, #tpu.memory_space<vmem>> -> memref<128xi32, #tpu.memory_space<vmem>>
      %dma_start3A_796 = arith.constant 0 : i32
      %dma_start3A_797 = arith.constant 0 : i32
      %dma_start3A_798 = tpu.memref_slice %arg8[%dma_start3A_796, %dma_start3A_797] : memref<2600000x16xf32, #tpu.memory_space<hbm>> -> memref<2600000x16xf32, #tpu.memory_space<hbm>>
      tpu.enqueue_indirect_dma source(%dma_start3A_798 : memref<2600000x16xf32, #tpu.memory_space<hbm>>) target(%dma_start3A_792 : memref<128x16xf32, #tpu.memory_space<vmem>>) offsets(%dma_start3A_795 : memref<128xi32, #tpu.memory_space<vmem>>) semaphore(%arg18 : memref<!tpu.dma_semaphore, #tpu.memory_space<semaphore_mem>>)
      %mul3A_799 = arith.constant 13 : i32
      %mul3A_800 = arith.muli %scan3A_675, %mul3A_799 : i32
      %add3A_801 = arith.constant 9 : i32
      %add3A_802 = arith.addi %mul3A_800, %add3A_801 : i32
      %dma_start3A_803 = arith.constant 1152 : i32
      %dma_start3A_804 = arith.constant 0 : i32
      %dma_start3A_805 = tpu.memref_slice %arg12[%dma_start3A_803, %dma_start3A_804] : memref<1664x16xf32, #tpu.memory_space<vmem>> -> memref<128x16xf32, #tpu.memory_space<vmem>>
      %dma_start3A_806 = arith.constant 0 : i32
      %dma_start3A_807 = tpu.memref_slice %arg10[%add3A_802, %dma_start3A_806] : memref<104x128xi32, #tpu.memory_space<vmem>> -> memref<1x128xi32, #tpu.memory_space<vmem>>
      %dma_start3A_808 = tpu.memref_squeeze %dma_start3A_807 : memref<1x128xi32, #tpu.memory_space<vmem>> -> memref<128xi32, #tpu.memory_space<vmem>>
      %dma_start3A_809 = arith.constant 0 : i32
      %dma_start3A_810 = arith.constant 0 : i32
      %dma_start3A_811 = tpu.memref_slice %arg8[%dma_start3A_809, %dma_start3A_810] : memref<2600000x16xf32, #tpu.memory_space<hbm>> -> memref<2600000x16xf32, #tpu.memory_space<hbm>>
      tpu.enqueue_indirect_dma source(%dma_start3A_811 : memref<2600000x16xf32, #tpu.memory_space<hbm>>) target(%dma_start3A_805 : memref<128x16xf32, #tpu.memory_space<vmem>>) offsets(%dma_start3A_808 : memref<128xi32, #tpu.memory_space<vmem>>) semaphore(%arg18 : memref<!tpu.dma_semaphore, #tpu.memory_space<semaphore_mem>>)
      %mul3A_812 = arith.constant 13 : i32
      %mul3A_813 = arith.muli %scan3A_675, %mul3A_812 : i32
      %add3A_814 = arith.constant 10 : i32
      %add3A_815 = arith.addi %mul3A_813, %add3A_814 : i32
      %dma_start3A_816 = arith.constant 1280 : i32
      %dma_start3A_817 = arith.constant 0 : i32
      %dma_start3A_818 = tpu.memref_slice %arg12[%dma_start3A_816, %dma_start3A_817] : memref<1664x16xf32, #tpu.memory_space<vmem>> -> memref<128x16xf32, #tpu.memory_space<vmem>>
      %dma_start3A_819 = arith.constant 0 : i32
      %dma_start3A_820 = tpu.memref_slice %arg10[%add3A_815, %dma_start3A_819] : memref<104x128xi32, #tpu.memory_space<vmem>> -> memref<1x128xi32, #tpu.memory_space<vmem>>
      %dma_start3A_821 = tpu.memref_squeeze %dma_start3A_820 : memref<1x128xi32, #tpu.memory_space<vmem>> -> memref<128xi32, #tpu.memory_space<vmem>>
      %dma_start3A_822 = arith.constant 0 : i32
      %dma_start3A_823 = arith.constant 0 : i32
      %dma_start3A_824 = tpu.memref_slice %arg8[%dma_start3A_822, %dma_start3A_823] : memref<2600000x16xf32, #tpu.memory_space<hbm>> -> memref<2600000x16xf32, #tpu.memory_space<hbm>>
      tpu.enqueue_indirect_dma source(%dma_start3A_824 : memref<2600000x16xf32, #tpu.memory_space<hbm>>) target(%dma_start3A_818 : memref<128x16xf32, #tpu.memory_space<vmem>>) offsets(%dma_start3A_821 : memref<128xi32, #tpu.memory_space<vmem>>) semaphore(%arg18 : memref<!tpu.dma_semaphore, #tpu.memory_space<semaphore_mem>>)
      %mul3A_825 = arith.constant 13 : i32
      %mul3A_826 = arith.muli %scan3A_675, %mul3A_825 : i32
      %add3A_827 = arith.constant 11 : i32
      %add3A_828 = arith.addi %mul3A_826, %add3A_827 : i32
      %dma_start3A_829 = arith.constant 1408 : i32
      %dma_start3A_830 = arith.constant 0 : i32
      %dma_start3A_831 = tpu.memref_slice %arg12[%dma_start3A_829, %dma_start3A_830] : memref<1664x16xf32, #tpu.memory_space<vmem>> -> memref<128x16xf32, #tpu.memory_space<vmem>>
      %dma_start3A_832 = arith.constant 0 : i32
      %dma_start3A_833 = tpu.memref_slice %arg10[%add3A_828, %dma_start3A_832] : memref<104x128xi32, #tpu.memory_space<vmem>> -> memref<1x128xi32, #tpu.memory_space<vmem>>
      %dma_start3A_834 = tpu.memref_squeeze %dma_start3A_833 : memref<1x128xi32, #tpu.memory_space<vmem>> -> memref<128xi32, #tpu.memory_space<vmem>>
      %dma_start3A_835 = arith.constant 0 : i32
      %dma_start3A_836 = arith.constant 0 : i32
      %dma_start3A_837 = tpu.memref_slice %arg8[%dma_start3A_835, %dma_start3A_836] : memref<2600000x16xf32, #tpu.memory_space<hbm>> -> memref<2600000x16xf32, #tpu.memory_space<hbm>>
      tpu.enqueue_indirect_dma source(%dma_start3A_837 : memref<2600000x16xf32, #tpu.memory_space<hbm>>) target(%dma_start3A_831 : memref<128x16xf32, #tpu.memory_space<vmem>>) offsets(%dma_start3A_834 : memref<128xi32, #tpu.memory_space<vmem>>) semaphore(%arg18 : memref<!tpu.dma_semaphore, #tpu.memory_space<semaphore_mem>>)
      %mul3A_838 = arith.constant 13 : i32
      %mul3A_839 = arith.muli %scan3A_675, %mul3A_838 : i32
      %add3A_840 = arith.constant 12 : i32
      %add3A_841 = arith.addi %mul3A_839, %add3A_840 : i32
      %dma_start3A_842 = arith.constant 1536 : i32
      %dma_start3A_843 = arith.constant 0 : i32
      %dma_start3A_844 = tpu.memref_slice %arg12[%dma_start3A_842, %dma_start3A_843] : memref<1664x16xf32, #tpu.memory_space<vmem>> -> memref<128x16xf32, #tpu.memory_space<vmem>>
      %dma_start3A_845 = arith.constant 0 : i32
      %dma_start3A_846 = tpu.memref_slice %arg10[%add3A_841, %dma_start3A_845] : memref<104x128xi32, #tpu.memory_space<vmem>> -> memref<1x128xi32, #tpu.memory_space<vmem>>
      %dma_start3A_847 = tpu.memref_squeeze %dma_start3A_846 : memref<1x128xi32, #tpu.memory_space<vmem>> -> memref<128xi32, #tpu.memory_space<vmem>>
      %dma_start3A_848 = arith.constant 0 : i32
      %dma_start3A_849 = arith.constant 0 : i32
      %dma_start3A_850 = tpu.memref_slice %arg8[%dma_start3A_848, %dma_start3A_849] : memref<2600000x16xf32, #tpu.memory_space<hbm>> -> memref<2600000x16xf32, #tpu.memory_space<hbm>>
      tpu.enqueue_indirect_dma source(%dma_start3A_850 : memref<2600000x16xf32, #tpu.memory_space<hbm>>) target(%dma_start3A_844 : memref<128x16xf32, #tpu.memory_space<vmem>>) offsets(%dma_start3A_847 : memref<128xi32, #tpu.memory_space<vmem>>) semaphore(%arg18 : memref<!tpu.dma_semaphore, #tpu.memory_space<semaphore_mem>>)
      %dma_wait3A = arith.constant 0 : i32
      %dma_wait3A_851 = arith.constant 0 : i32
      %dma_wait3A_852 = tpu.memref_slice %arg12[%dma_wait3A, %dma_wait3A_851] : memref<1664x16xf32, #tpu.memory_space<vmem>> -> memref<128x16xf32, #tpu.memory_space<vmem>>
      %dma_wait3A_853 = arith.constant 0 : i32
      %dma_wait3A_854 = tpu.memref_slice %arg10[%add3A_686, %dma_wait3A_853] : memref<104x128xi32, #tpu.memory_space<vmem>> -> memref<1x128xi32, #tpu.memory_space<vmem>>
      %dma_wait3A_855 = tpu.memref_squeeze %dma_wait3A_854 : memref<1x128xi32, #tpu.memory_space<vmem>> -> memref<128xi32, #tpu.memory_space<vmem>>
      %dma_wait3A_856 = arith.constant 0 : i32
      %dma_wait3A_857 = arith.constant 0 : i32
      %dma_wait3A_858 = tpu.memref_slice %arg8[%dma_wait3A_856, %dma_wait3A_857] : memref<2600000x16xf32, #tpu.memory_space<hbm>> -> memref<2600000x16xf32, #tpu.memory_space<hbm>>
      tpu.wait_indirect_dma semaphore(%arg18 : memref<!tpu.dma_semaphore, #tpu.memory_space<semaphore_mem>>) src(%dma_wait3A_858 : memref<2600000x16xf32, #tpu.memory_space<hbm>>) dst(%dma_wait3A_852 : memref<128x16xf32, #tpu.memory_space<vmem>>)
      %dma_wait3A_859 = arith.constant 128 : i32
      %dma_wait3A_860 = arith.constant 0 : i32
      %dma_wait3A_861 = tpu.memref_slice %arg12[%dma_wait3A_859, %dma_wait3A_860] : memref<1664x16xf32, #tpu.memory_space<vmem>> -> memref<128x16xf32, #tpu.memory_space<vmem>>
      %dma_wait3A_862 = arith.constant 0 : i32
      %dma_wait3A_863 = tpu.memref_slice %arg10[%add3A_698, %dma_wait3A_862] : memref<104x128xi32, #tpu.memory_space<vmem>> -> memref<1x128xi32, #tpu.memory_space<vmem>>
      %dma_wait3A_864 = tpu.memref_squeeze %dma_wait3A_863 : memref<1x128xi32, #tpu.memory_space<vmem>> -> memref<128xi32, #tpu.memory_space<vmem>>
      %dma_wait3A_865 = arith.constant 0 : i32
      %dma_wait3A_866 = arith.constant 0 : i32
      %dma_wait3A_867 = tpu.memref_slice %arg8[%dma_wait3A_865, %dma_wait3A_866] : memref<2600000x16xf32, #tpu.memory_space<hbm>> -> memref<2600000x16xf32, #tpu.memory_space<hbm>>
      tpu.wait_indirect_dma semaphore(%arg18 : memref<!tpu.dma_semaphore, #tpu.memory_space<semaphore_mem>>) src(%dma_wait3A_867 : memref<2600000x16xf32, #tpu.memory_space<hbm>>) dst(%dma_wait3A_861 : memref<128x16xf32, #tpu.memory_space<vmem>>)
      %dma_wait3A_868 = arith.constant 256 : i32
      %dma_wait3A_869 = arith.constant 0 : i32
      %dma_wait3A_870 = tpu.memref_slice %arg12[%dma_wait3A_868, %dma_wait3A_869] : memref<1664x16xf32, #tpu.memory_space<vmem>> -> memref<128x16xf32, #tpu.memory_space<vmem>>
      %dma_wait3A_871 = arith.constant 0 : i32
      %dma_wait3A_872 = tpu.memref_slice %arg10[%add3A_711, %dma_wait3A_871] : memref<104x128xi32, #tpu.memory_space<vmem>> -> memref<1x128xi32, #tpu.memory_space<vmem>>
      %dma_wait3A_873 = tpu.memref_squeeze %dma_wait3A_872 : memref<1x128xi32, #tpu.memory_space<vmem>> -> memref<128xi32, #tpu.memory_space<vmem>>
      %dma_wait3A_874 = arith.constant 0 : i32
      %dma_wait3A_875 = arith.constant 0 : i32
      %dma_wait3A_876 = tpu.memref_slice %arg8[%dma_wait3A_874, %dma_wait3A_875] : memref<2600000x16xf32, #tpu.memory_space<hbm>> -> memref<2600000x16xf32, #tpu.memory_space<hbm>>
      tpu.wait_indirect_dma semaphore(%arg18 : memref<!tpu.dma_semaphore, #tpu.memory_space<semaphore_mem>>) src(%dma_wait3A_876 : memref<2600000x16xf32, #tpu.memory_space<hbm>>) dst(%dma_wait3A_870 : memref<128x16xf32, #tpu.memory_space<vmem>>)
      %dma_wait3A_877 = arith.constant 384 : i32
      %dma_wait3A_878 = arith.constant 0 : i32
      %dma_wait3A_879 = tpu.memref_slice %arg12[%dma_wait3A_877, %dma_wait3A_878] : memref<1664x16xf32, #tpu.memory_space<vmem>> -> memref<128x16xf32, #tpu.memory_space<vmem>>
      %dma_wait3A_880 = arith.constant 0 : i32
      %dma_wait3A_881 = tpu.memref_slice %arg10[%add3A_724, %dma_wait3A_880] : memref<104x128xi32, #tpu.memory_space<vmem>> -> memref<1x128xi32, #tpu.memory_space<vmem>>
      %dma_wait3A_882 = tpu.memref_squeeze %dma_wait3A_881 : memref<1x128xi32, #tpu.memory_space<vmem>> -> memref<128xi32, #tpu.memory_space<vmem>>
      %dma_wait3A_883 = arith.constant 0 : i32
      %dma_wait3A_884 = arith.constant 0 : i32
      %dma_wait3A_885 = tpu.memref_slice %arg8[%dma_wait3A_883, %dma_wait3A_884] : memref<2600000x16xf32, #tpu.memory_space<hbm>> -> memref<2600000x16xf32, #tpu.memory_space<hbm>>
      tpu.wait_indirect_dma semaphore(%arg18 : memref<!tpu.dma_semaphore, #tpu.memory_space<semaphore_mem>>) src(%dma_wait3A_885 : memref<2600000x16xf32, #tpu.memory_space<hbm>>) dst(%dma_wait3A_879 : memref<128x16xf32, #tpu.memory_space<vmem>>)
      %dma_wait3A_886 = arith.constant 512 : i32
      %dma_wait3A_887 = arith.constant 0 : i32
      %dma_wait3A_888 = tpu.memref_slice %arg12[%dma_wait3A_886, %dma_wait3A_887] : memref<1664x16xf32, #tpu.memory_space<vmem>> -> memref<128x16xf32, #tpu.memory_space<vmem>>
      %dma_wait3A_889 = arith.constant 0 : i32
      %dma_wait3A_890 = tpu.memref_slice %arg10[%add3A_737, %dma_wait3A_889] : memref<104x128xi32, #tpu.memory_space<vmem>> -> memref<1x128xi32, #tpu.memory_space<vmem>>
      %dma_wait3A_891 = tpu.memref_squeeze %dma_wait3A_890 : memref<1x128xi32, #tpu.memory_space<vmem>> -> memref<128xi32, #tpu.memory_space<vmem>>
      %dma_wait3A_892 = arith.constant 0 : i32
      %dma_wait3A_893 = arith.constant 0 : i32
      %dma_wait3A_894 = tpu.memref_slice %arg8[%dma_wait3A_892, %dma_wait3A_893] : memref<2600000x16xf32, #tpu.memory_space<hbm>> -> memref<2600000x16xf32, #tpu.memory_space<hbm>>
      tpu.wait_indirect_dma semaphore(%arg18 : memref<!tpu.dma_semaphore, #tpu.memory_space<semaphore_mem>>) src(%dma_wait3A_894 : memref<2600000x16xf32, #tpu.memory_space<hbm>>) dst(%dma_wait3A_888 : memref<128x16xf32, #tpu.memory_space<vmem>>)
      %dma_wait3A_895 = arith.constant 640 : i32
      %dma_wait3A_896 = arith.constant 0 : i32
      %dma_wait3A_897 = tpu.memref_slice %arg12[%dma_wait3A_895, %dma_wait3A_896] : memref<1664x16xf32, #tpu.memory_space<vmem>> -> memref<128x16xf32, #tpu.memory_space<vmem>>
      %dma_wait3A_898 = arith.constant 0 : i32
      %dma_wait3A_899 = tpu.memref_slice %arg10[%add3A_750, %dma_wait3A_898] : memref<104x128xi32, #tpu.memory_space<vmem>> -> memref<1x128xi32, #tpu.memory_space<vmem>>
      %dma_wait3A_900 = tpu.memref_squeeze %dma_wait3A_899 : memref<1x128xi32, #tpu.memory_space<vmem>> -> memref<128xi32, #tpu.memory_space<vmem>>
      %dma_wait3A_901 = arith.constant 0 : i32
      %dma_wait3A_902 = arith.constant 0 : i32
      %dma_wait3A_903 = tpu.memref_slice %arg8[%dma_wait3A_901, %dma_wait3A_902] : memref<2600000x16xf32, #tpu.memory_space<hbm>> -> memref<2600000x16xf32, #tpu.memory_space<hbm>>
      tpu.wait_indirect_dma semaphore(%arg18 : memref<!tpu.dma_semaphore, #tpu.memory_space<semaphore_mem>>) src(%dma_wait3A_903 : memref<2600000x16xf32, #tpu.memory_space<hbm>>) dst(%dma_wait3A_897 : memref<128x16xf32, #tpu.memory_space<vmem>>)
      %dma_wait3A_904 = arith.constant 768 : i32
      %dma_wait3A_905 = arith.constant 0 : i32
      %dma_wait3A_906 = tpu.memref_slice %arg12[%dma_wait3A_904, %dma_wait3A_905] : memref<1664x16xf32, #tpu.memory_space<vmem>> -> memref<128x16xf32, #tpu.memory_space<vmem>>
      %dma_wait3A_907 = arith.constant 0 : i32
      %dma_wait3A_908 = tpu.memref_slice %arg10[%add3A_763, %dma_wait3A_907] : memref<104x128xi32, #tpu.memory_space<vmem>> -> memref<1x128xi32, #tpu.memory_space<vmem>>
      %dma_wait3A_909 = tpu.memref_squeeze %dma_wait3A_908 : memref<1x128xi32, #tpu.memory_space<vmem>> -> memref<128xi32, #tpu.memory_space<vmem>>
      %dma_wait3A_910 = arith.constant 0 : i32
      %dma_wait3A_911 = arith.constant 0 : i32
      %dma_wait3A_912 = tpu.memref_slice %arg8[%dma_wait3A_910, %dma_wait3A_911] : memref<2600000x16xf32, #tpu.memory_space<hbm>> -> memref<2600000x16xf32, #tpu.memory_space<hbm>>
      tpu.wait_indirect_dma semaphore(%arg18 : memref<!tpu.dma_semaphore, #tpu.memory_space<semaphore_mem>>) src(%dma_wait3A_912 : memref<2600000x16xf32, #tpu.memory_space<hbm>>) dst(%dma_wait3A_906 : memref<128x16xf32, #tpu.memory_space<vmem>>)
      %dma_wait3A_913 = arith.constant 896 : i32
      %dma_wait3A_914 = arith.constant 0 : i32
      %dma_wait3A_915 = tpu.memref_slice %arg12[%dma_wait3A_913, %dma_wait3A_914] : memref<1664x16xf32, #tpu.memory_space<vmem>> -> memref<128x16xf32, #tpu.memory_space<vmem>>
      %dma_wait3A_916 = arith.constant 0 : i32
      %dma_wait3A_917 = tpu.memref_slice %arg10[%add3A_776, %dma_wait3A_916] : memref<104x128xi32, #tpu.memory_space<vmem>> -> memref<1x128xi32, #tpu.memory_space<vmem>>
      %dma_wait3A_918 = tpu.memref_squeeze %dma_wait3A_917 : memref<1x128xi32, #tpu.memory_space<vmem>> -> memref<128xi32, #tpu.memory_space<vmem>>
      %dma_wait3A_919 = arith.constant 0 : i32
      %dma_wait3A_920 = arith.constant 0 : i32
      %dma_wait3A_921 = tpu.memref_slice %arg8[%dma_wait3A_919, %dma_wait3A_920] : memref<2600000x16xf32, #tpu.memory_space<hbm>> -> memref<2600000x16xf32, #tpu.memory_space<hbm>>
      tpu.wait_indirect_dma semaphore(%arg18 : memref<!tpu.dma_semaphore, #tpu.memory_space<semaphore_mem>>) src(%dma_wait3A_921 : memref<2600000x16xf32, #tpu.memory_space<hbm>>) dst(%dma_wait3A_915 : memref<128x16xf32, #tpu.memory_space<vmem>>)
      %dma_wait3A_922 = arith.constant 1024 : i32
      %dma_wait3A_923 = arith.constant 0 : i32
      %dma_wait3A_924 = tpu.memref_slice %arg12[%dma_wait3A_922, %dma_wait3A_923] : memref<1664x16xf32, #tpu.memory_space<vmem>> -> memref<128x16xf32, #tpu.memory_space<vmem>>
      %dma_wait3A_925 = arith.constant 0 : i32
      %dma_wait3A_926 = tpu.memref_slice %arg10[%add3A_789, %dma_wait3A_925] : memref<104x128xi32, #tpu.memory_space<vmem>> -> memref<1x128xi32, #tpu.memory_space<vmem>>
      %dma_wait3A_927 = tpu.memref_squeeze %dma_wait3A_926 : memref<1x128xi32, #tpu.memory_space<vmem>> -> memref<128xi32, #tpu.memory_space<vmem>>
      %dma_wait3A_928 = arith.constant 0 : i32
      %dma_wait3A_929 = arith.constant 0 : i32
      %dma_wait3A_930 = tpu.memref_slice %arg8[%dma_wait3A_928, %dma_wait3A_929] : memref<2600000x16xf32, #tpu.memory_space<hbm>> -> memref<2600000x16xf32, #tpu.memory_space<hbm>>
      tpu.wait_indirect_dma semaphore(%arg18 : memref<!tpu.dma_semaphore, #tpu.memory_space<semaphore_mem>>) src(%dma_wait3A_930 : memref<2600000x16xf32, #tpu.memory_space<hbm>>) dst(%dma_wait3A_924 : memref<128x16xf32, #tpu.memory_space<vmem>>)
      %dma_wait3A_931 = arith.constant 1152 : i32
      %dma_wait3A_932 = arith.constant 0 : i32
      %dma_wait3A_933 = tpu.memref_slice %arg12[%dma_wait3A_931, %dma_wait3A_932] : memref<1664x16xf32, #tpu.memory_space<vmem>> -> memref<128x16xf32, #tpu.memory_space<vmem>>
      %dma_wait3A_934 = arith.constant 0 : i32
      %dma_wait3A_935 = tpu.memref_slice %arg10[%add3A_802, %dma_wait3A_934] : memref<104x128xi32, #tpu.memory_space<vmem>> -> memref<1x128xi32, #tpu.memory_space<vmem>>
      %dma_wait3A_936 = tpu.memref_squeeze %dma_wait3A_935 : memref<1x128xi32, #tpu.memory_space<vmem>> -> memref<128xi32, #tpu.memory_space<vmem>>
      %dma_wait3A_937 = arith.constant 0 : i32
      %dma_wait3A_938 = arith.constant 0 : i32
      %dma_wait3A_939 = tpu.memref_slice %arg8[%dma_wait3A_937, %dma_wait3A_938] : memref<2600000x16xf32, #tpu.memory_space<hbm>> -> memref<2600000x16xf32, #tpu.memory_space<hbm>>
      tpu.wait_indirect_dma semaphore(%arg18 : memref<!tpu.dma_semaphore, #tpu.memory_space<semaphore_mem>>) src(%dma_wait3A_939 : memref<2600000x16xf32, #tpu.memory_space<hbm>>) dst(%dma_wait3A_933 : memref<128x16xf32, #tpu.memory_space<vmem>>)
      %dma_wait3A_940 = arith.constant 1280 : i32
      %dma_wait3A_941 = arith.constant 0 : i32
      %dma_wait3A_942 = tpu.memref_slice %arg12[%dma_wait3A_940, %dma_wait3A_941] : memref<1664x16xf32, #tpu.memory_space<vmem>> -> memref<128x16xf32, #tpu.memory_space<vmem>>
      %dma_wait3A_943 = arith.constant 0 : i32
      %dma_wait3A_944 = tpu.memref_slice %arg10[%add3A_815, %dma_wait3A_943] : memref<104x128xi32, #tpu.memory_space<vmem>> -> memref<1x128xi32, #tpu.memory_space<vmem>>
      %dma_wait3A_945 = tpu.memref_squeeze %dma_wait3A_944 : memref<1x128xi32, #tpu.memory_space<vmem>> -> memref<128xi32, #tpu.memory_space<vmem>>
      %dma_wait3A_946 = arith.constant 0 : i32
      %dma_wait3A_947 = arith.constant 0 : i32
      %dma_wait3A_948 = tpu.memref_slice %arg8[%dma_wait3A_946, %dma_wait3A_947] : memref<2600000x16xf32, #tpu.memory_space<hbm>> -> memref<2600000x16xf32, #tpu.memory_space<hbm>>
      tpu.wait_indirect_dma semaphore(%arg18 : memref<!tpu.dma_semaphore, #tpu.memory_space<semaphore_mem>>) src(%dma_wait3A_948 : memref<2600000x16xf32, #tpu.memory_space<hbm>>) dst(%dma_wait3A_942 : memref<128x16xf32, #tpu.memory_space<vmem>>)
      %dma_wait3A_949 = arith.constant 1408 : i32
      %dma_wait3A_950 = arith.constant 0 : i32
      %dma_wait3A_951 = tpu.memref_slice %arg12[%dma_wait3A_949, %dma_wait3A_950] : memref<1664x16xf32, #tpu.memory_space<vmem>> -> memref<128x16xf32, #tpu.memory_space<vmem>>
      %dma_wait3A_952 = arith.constant 0 : i32
      %dma_wait3A_953 = tpu.memref_slice %arg10[%add3A_828, %dma_wait3A_952] : memref<104x128xi32, #tpu.memory_space<vmem>> -> memref<1x128xi32, #tpu.memory_space<vmem>>
      %dma_wait3A_954 = tpu.memref_squeeze %dma_wait3A_953 : memref<1x128xi32, #tpu.memory_space<vmem>> -> memref<128xi32, #tpu.memory_space<vmem>>
      %dma_wait3A_955 = arith.constant 0 : i32
      %dma_wait3A_956 = arith.constant 0 : i32
      %dma_wait3A_957 = tpu.memref_slice %arg8[%dma_wait3A_955, %dma_wait3A_956] : memref<2600000x16xf32, #tpu.memory_space<hbm>> -> memref<2600000x16xf32, #tpu.memory_space<hbm>>
      tpu.wait_indirect_dma semaphore(%arg18 : memref<!tpu.dma_semaphore, #tpu.memory_space<semaphore_mem>>) src(%dma_wait3A_957 : memref<2600000x16xf32, #tpu.memory_space<hbm>>) dst(%dma_wait3A_951 : memref<128x16xf32, #tpu.memory_space<vmem>>)
      %dma_wait3A_958 = arith.constant 1536 : i32
      %dma_wait3A_959 = arith.constant 0 : i32
      %dma_wait3A_960 = tpu.memref_slice %arg12[%dma_wait3A_958, %dma_wait3A_959] : memref<1664x16xf32, #tpu.memory_space<vmem>> -> memref<128x16xf32, #tpu.memory_space<vmem>>
      %dma_wait3A_961 = arith.constant 0 : i32
      %dma_wait3A_962 = tpu.memref_slice %arg10[%add3A_841, %dma_wait3A_961] : memref<104x128xi32, #tpu.memory_space<vmem>> -> memref<1x128xi32, #tpu.memory_space<vmem>>
      %dma_wait3A_963 = tpu.memref_squeeze %dma_wait3A_962 : memref<1x128xi32, #tpu.memory_space<vmem>> -> memref<128xi32, #tpu.memory_space<vmem>>
      %dma_wait3A_964 = arith.constant 0 : i32
      %dma_wait3A_965 = arith.constant 0 : i32
      %dma_wait3A_966 = tpu.memref_slice %arg8[%dma_wait3A_964, %dma_wait3A_965] : memref<2600000x16xf32, #tpu.memory_space<hbm>> -> memref<2600000x16xf32, #tpu.memory_space<hbm>>
      tpu.wait_indirect_dma semaphore(%arg18 : memref<!tpu.dma_semaphore, #tpu.memory_space<semaphore_mem>>) src(%dma_wait3A_966 : memref<2600000x16xf32, #tpu.memory_space<hbm>>) dst(%dma_wait3A_960 : memref<128x16xf32, #tpu.memory_space<vmem>>)
      %scan3A_967 = arith.constant 0 : i32
      %scan3A_968 = arith.constant 0 : i32
      %scan3A_969 = arith.constant 64 : i32
      %scan3A_970 = arith.addi %scan3A_968, %scan3A_969 : i32
      %scan3A_971 = arith.constant 1 : i32
      scf.for %scan3A_978 = %scan3A_968 to %scan3A_970 step %scan3A_971  : i32 {
        %mul3A_979 = arith.constant 16 : i32
        %mul3A_980 = arith.muli %scan3A_978, %mul3A_979 : i32
        %get3A_981 = arith.index_cast %mul3A_980 : i32 to index
        %get3A_982 = tpu.vector_load %arg14[%get3A_981] {strides = array<i32>} : memref<1024xf32, #tpu.memory_space<vmem>>, vector<16xf32>,
        %get3A_983 = vector.shape_cast %get3A_982 : vector<16xf32> to vector<16xf32>
        %mul3A_984 = arith.constant 39 : i32
        %mul3A_985 = arith.muli %scan3A_978, %mul3A_984 : i32
        %slice3A = vector.extract_strided_slice %get3A_983 {offsets = [0], sizes = [1], strides = [1]} : vector<16xf32> to vector<1xf32>
        %squeeze3A = vector.extract %slice3A[0] : f32 from vector<1xf32>
        %get3A_986 = arith.constant 0 : i32
        %get3A_987 = arith.index_cast %get3A_986 : i32 to index
        %get3A_988 = arith.constant 0 : index
        %get3A_989 = tpu.vector_load %arg15[%get3A_987, %get3A_988] {strides = array<i32>} : memref<13x16xf32, #tpu.memory_space<vmem>>, vector<1x16xf32>,
        %get3A_990 = vector.shape_cast %get3A_989 : vector<1x16xf32> to vector<16xf32>
        %mul3A_991 = vector.broadcast %squeeze3A : f32 to vector<16xf32>
        %mul3A_992 = arith.mulf %mul3A_991, %get3A_990 : vector<16xf32>
        %get3A_993 = arith.constant 0 : i32
        %get3A_994 = arith.index_cast %get3A_993 : i32 to index
        %get3A_995 = arith.constant 0 : index
        %get3A_996 = tpu.vector_load %arg16[%get3A_994, %get3A_995] {strides = array<i32>} : memref<39x16xf32, #tpu.memory_space<vmem>>, vector<1x16xf32>,
        %get3A_997 = vector.shape_cast %get3A_996 : vector<1x16xf32> to vector<16xf32>
        %add3A_998 = arith.addf %mul3A_992, %get3A_997 : vector<16xf32>
        %add3A_999 = arith.constant 0 : i32
        %add3A_1000 = arith.addi %mul3A_985, %add3A_999 : i32
        %mul3A_1001 = arith.constant 16 : i32
        %mul3A_1002 = arith.muli %add3A_1000, %mul3A_1001 : i32
        %swap3A_1003 = arith.index_cast %mul3A_1002 : i32 to index
        %swap3A_1004 = tpu.vector_load %arg13[%swap3A_1003] {strides = array<i32>} : memref<39936xf32, #tpu.memory_space<vmem>>, vector<16xf32>,
        %swap3A_1005 = vector.shape_cast %swap3A_1004 : vector<16xf32> to vector<16xf32>
        %swap3A_1006 = vector.shape_cast %add3A_998 : vector<16xf32> to vector<16xf32>
        tpu.vector_store %arg13[%swap3A_1003], %swap3A_1006 {strides = array<i32>} : memref<39936xf32, #tpu.memory_space<vmem>>, vector<16xf32>,
        %slice3A_1007 = vector.extract_strided_slice %get3A_983 {offsets = [1], sizes = [1], strides = [1]} : vector<16xf32> to vector<1xf32>
        %squeeze3A_1008 = vector.extract %slice3A_1007[0] : f32 from vector<1xf32>
        %get3A_1009 = arith.constant 1 : i32
        %get3A_1010 = arith.index_cast %get3A_1009 : i32 to index
        %get3A_1011 = arith.constant 0 : index
        %get3A_1012 = tpu.vector_load %arg15[%get3A_1010, %get3A_1011] {strides = array<i32>} : memref<13x16xf32, #tpu.memory_space<vmem>>, vector<1x16xf32>,
        %get3A_1013 = vector.shape_cast %get3A_1012 : vector<1x16xf32> to vector<16xf32>
        %mul3A_1014 = vector.broadcast %squeeze3A_1008 : f32 to vector<16xf32>
        %mul3A_1015 = arith.mulf %mul3A_1014, %get3A_1013 : vector<16xf32>
        %get3A_1016 = arith.constant 1 : i32
        %get3A_1017 = arith.index_cast %get3A_1016 : i32 to index
        %get3A_1018 = arith.constant 0 : index
        %get3A_1019 = tpu.vector_load %arg16[%get3A_1017, %get3A_1018] {strides = array<i32>} : memref<39x16xf32, #tpu.memory_space<vmem>>, vector<1x16xf32>,
        %get3A_1020 = vector.shape_cast %get3A_1019 : vector<1x16xf32> to vector<16xf32>
        %add3A_1021 = arith.addf %mul3A_1015, %get3A_1020 : vector<16xf32>
        %add3A_1022 = arith.constant 1 : i32
        %add3A_1023 = arith.addi %mul3A_985, %add3A_1022 : i32
        %mul3A_1024 = arith.constant 16 : i32
        %mul3A_1025 = arith.muli %add3A_1023, %mul3A_1024 : i32
        %swap3A_1026 = arith.index_cast %mul3A_1025 : i32 to index
        %swap3A_1027 = tpu.vector_load %arg13[%swap3A_1026] {strides = array<i32>} : memref<39936xf32, #tpu.memory_space<vmem>>, vector<16xf32>,
        %swap3A_1028 = vector.shape_cast %swap3A_1027 : vector<16xf32> to vector<16xf32>
        %swap3A_1029 = vector.shape_cast %add3A_1021 : vector<16xf32> to vector<16xf32>
        tpu.vector_store %arg13[%swap3A_1026], %swap3A_1029 {strides = array<i32>} : memref<39936xf32, #tpu.memory_space<vmem>>, vector<16xf32>,
        %slice3A_1030 = vector.extract_strided_slice %get3A_983 {offsets = [2], sizes = [1], strides = [1]} : vector<16xf32> to vector<1xf32>
        %squeeze3A_1031 = vector.extract %slice3A_1030[0] : f32 from vector<1xf32>
        %get3A_1032 = arith.constant 2 : i32
        %get3A_1033 = arith.index_cast %get3A_1032 : i32 to index
        %get3A_1034 = arith.constant 0 : index
        %get3A_1035 = tpu.vector_load %arg15[%get3A_1033, %get3A_1034] {strides = array<i32>} : memref<13x16xf32, #tpu.memory_space<vmem>>, vector<1x16xf32>,
        %get3A_1036 = vector.shape_cast %get3A_1035 : vector<1x16xf32> to vector<16xf32>
        %mul3A_1037 = vector.broadcast %squeeze3A_1031 : f32 to vector<16xf32>
        %mul3A_1038 = arith.mulf %mul3A_1037, %get3A_1036 : vector<16xf32>
        %get3A_1039 = arith.constant 2 : i32
        %get3A_1040 = arith.index_cast %get3A_1039 : i32 to index
        %get3A_1041 = arith.constant 0 : index
        %get3A_1042 = tpu.vector_load %arg16[%get3A_1040, %get3A_1041] {strides = array<i32>} : memref<39x16xf32, #tpu.memory_space<vmem>>, vector<1x16xf32>,
        %get3A_1043 = vector.shape_cast %get3A_1042 : vector<1x16xf32> to vector<16xf32>
        %add3A_1044 = arith.addf %mul3A_1038, %get3A_1043 : vector<16xf32>
        %add3A_1045 = arith.constant 2 : i32
        %add3A_1046 = arith.addi %mul3A_985, %add3A_1045 : i32
        %mul3A_1047 = arith.constant 16 : i32
        %mul3A_1048 = arith.muli %add3A_1046, %mul3A_1047 : i32
        %swap3A_1049 = arith.index_cast %mul3A_1048 : i32 to index
        %swap3A_1050 = tpu.vector_load %arg13[%swap3A_1049] {strides = array<i32>} : memref<39936xf32, #tpu.memory_space<vmem>>, vector<16xf32>,
        %swap3A_1051 = vector.shape_cast %swap3A_1050 : vector<16xf32> to vector<16xf32>
        %swap3A_1052 = vector.shape_cast %add3A_1044 : vector<16xf32> to vector<16xf32>
        tpu.vector_store %arg13[%swap3A_1049], %swap3A_1052 {strides = array<i32>} : memref<39936xf32, #tpu.memory_space<vmem>>, vector<16xf32>,
        %slice3A_1053 = vector.extract_strided_slice %get3A_983 {offsets = [3], sizes = [1], strides = [1]} : vector<16xf32> to vector<1xf32>
        %squeeze3A_1054 = vector.extract %slice3A_1053[0] : f32 from vector<1xf32>
        %get3A_1055 = arith.constant 3 : i32
        %get3A_1056 = arith.index_cast %get3A_1055 : i32 to index
        %get3A_1057 = arith.constant 0 : index
        %get3A_1058 = tpu.vector_load %arg15[%get3A_1056, %get3A_1057] {strides = array<i32>} : memref<13x16xf32, #tpu.memory_space<vmem>>, vector<1x16xf32>,
        %get3A_1059 = vector.shape_cast %get3A_1058 : vector<1x16xf32> to vector<16xf32>
        %mul3A_1060 = vector.broadcast %squeeze3A_1054 : f32 to vector<16xf32>
        %mul3A_1061 = arith.mulf %mul3A_1060, %get3A_1059 : vector<16xf32>
        %get3A_1062 = arith.constant 3 : i32
        %get3A_1063 = arith.index_cast %get3A_1062 : i32 to index
        %get3A_1064 = arith.constant 0 : index
        %get3A_1065 = tpu.vector_load %arg16[%get3A_1063, %get3A_1064] {strides = array<i32>} : memref<39x16xf32, #tpu.memory_space<vmem>>, vector<1x16xf32>,
        %get3A_1066 = vector.shape_cast %get3A_1065 : vector<1x16xf32> to vector<16xf32>
        %add3A_1067 = arith.addf %mul3A_1061, %get3A_1066 : vector<16xf32>
        %add3A_1068 = arith.constant 3 : i32
        %add3A_1069 = arith.addi %mul3A_985, %add3A_1068 : i32
        %mul3A_1070 = arith.constant 16 : i32
        %mul3A_1071 = arith.muli %add3A_1069, %mul3A_1070 : i32
        %swap3A_1072 = arith.index_cast %mul3A_1071 : i32 to index
        %swap3A_1073 = tpu.vector_load %arg13[%swap3A_1072] {strides = array<i32>} : memref<39936xf32, #tpu.memory_space<vmem>>, vector<16xf32>,
        %swap3A_1074 = vector.shape_cast %swap3A_1073 : vector<16xf32> to vector<16xf32>
        %swap3A_1075 = vector.shape_cast %add3A_1067 : vector<16xf32> to vector<16xf32>
        tpu.vector_store %arg13[%swap3A_1072], %swap3A_1075 {strides = array<i32>} : memref<39936xf32, #tpu.memory_space<vmem>>, vector<16xf32>,
        %slice3A_1076 = vector.extract_strided_slice %get3A_983 {offsets = [4], sizes = [1], strides = [1]} : vector<16xf32> to vector<1xf32>
        %squeeze3A_1077 = vector.extract %slice3A_1076[0] : f32 from vector<1xf32>
        %get3A_1078 = arith.constant 4 : i32
        %get3A_1079 = arith.index_cast %get3A_1078 : i32 to index
        %get3A_1080 = arith.constant 0 : index
        %get3A_1081 = tpu.vector_load %arg15[%get3A_1079, %get3A_1080] {strides = array<i32>} : memref<13x16xf32, #tpu.memory_space<vmem>>, vector<1x16xf32>,
        %get3A_1082 = vector.shape_cast %get3A_1081 : vector<1x16xf32> to vector<16xf32>
        %mul3A_1083 = vector.broadcast %squeeze3A_1077 : f32 to vector<16xf32>
        %mul3A_1084 = arith.mulf %mul3A_1083, %get3A_1082 : vector<16xf32>
        %get3A_1085 = arith.constant 4 : i32
        %get3A_1086 = arith.index_cast %get3A_1085 : i32 to index
        %get3A_1087 = arith.constant 0 : index
        %get3A_1088 = tpu.vector_load %arg16[%get3A_1086, %get3A_1087] {strides = array<i32>} : memref<39x16xf32, #tpu.memory_space<vmem>>, vector<1x16xf32>,
        %get3A_1089 = vector.shape_cast %get3A_1088 : vector<1x16xf32> to vector<16xf32>
        %add3A_1090 = arith.addf %mul3A_1084, %get3A_1089 : vector<16xf32>
        %add3A_1091 = arith.constant 4 : i32
        %add3A_1092 = arith.addi %mul3A_985, %add3A_1091 : i32
        %mul3A_1093 = arith.constant 16 : i32
        %mul3A_1094 = arith.muli %add3A_1092, %mul3A_1093 : i32
        %swap3A_1095 = arith.index_cast %mul3A_1094 : i32 to index
        %swap3A_1096 = tpu.vector_load %arg13[%swap3A_1095] {strides = array<i32>} : memref<39936xf32, #tpu.memory_space<vmem>>, vector<16xf32>,
        %swap3A_1097 = vector.shape_cast %swap3A_1096 : vector<16xf32> to vector<16xf32>
        %swap3A_1098 = vector.shape_cast %add3A_1090 : vector<16xf32> to vector<16xf32>
        tpu.vector_store %arg13[%swap3A_1095], %swap3A_1098 {strides = array<i32>} : memref<39936xf32, #tpu.memory_space<vmem>>, vector<16xf32>,
        %slice3A_1099 = vector.extract_strided_slice %get3A_983 {offsets = [5], sizes = [1], strides = [1]} : vector<16xf32> to vector<1xf32>
        %squeeze3A_1100 = vector.extract %slice3A_1099[0] : f32 from vector<1xf32>
        %get3A_1101 = arith.constant 5 : i32
        %get3A_1102 = arith.index_cast %get3A_1101 : i32 to index
        %get3A_1103 = arith.constant 0 : index
        %get3A_1104 = tpu.vector_load %arg15[%get3A_1102, %get3A_1103] {strides = array<i32>} : memref<13x16xf32, #tpu.memory_space<vmem>>, vector<1x16xf32>,
        %get3A_1105 = vector.shape_cast %get3A_1104 : vector<1x16xf32> to vector<16xf32>
        %mul3A_1106 = vector.broadcast %squeeze3A_1100 : f32 to vector<16xf32>
        %mul3A_1107 = arith.mulf %mul3A_1106, %get3A_1105 : vector<16xf32>
        %get3A_1108 = arith.constant 5 : i32
        %get3A_1109 = arith.index_cast %get3A_1108 : i32 to index
        %get3A_1110 = arith.constant 0 : index
        %get3A_1111 = tpu.vector_load %arg16[%get3A_1109, %get3A_1110] {strides = array<i32>} : memref<39x16xf32, #tpu.memory_space<vmem>>, vector<1x16xf32>,
        %get3A_1112 = vector.shape_cast %get3A_1111 : vector<1x16xf32> to vector<16xf32>
        %add3A_1113 = arith.addf %mul3A_1107, %get3A_1112 : vector<16xf32>
        %add3A_1114 = arith.constant 5 : i32
        %add3A_1115 = arith.addi %mul3A_985, %add3A_1114 : i32
        %mul3A_1116 = arith.constant 16 : i32
        %mul3A_1117 = arith.muli %add3A_1115, %mul3A_1116 : i32
        %swap3A_1118 = arith.index_cast %mul3A_1117 : i32 to index
        %swap3A_1119 = tpu.vector_load %arg13[%swap3A_1118] {strides = array<i32>} : memref<39936xf32, #tpu.memory_space<vmem>>, vector<16xf32>,
        %swap3A_1120 = vector.shape_cast %swap3A_1119 : vector<16xf32> to vector<16xf32>
        %swap3A_1121 = vector.shape_cast %add3A_1113 : vector<16xf32> to vector<16xf32>
        tpu.vector_store %arg13[%swap3A_1118], %swap3A_1121 {strides = array<i32>} : memref<39936xf32, #tpu.memory_space<vmem>>, vector<16xf32>,
        %slice3A_1122 = vector.extract_strided_slice %get3A_983 {offsets = [6], sizes = [1], strides = [1]} : vector<16xf32> to vector<1xf32>
        %squeeze3A_1123 = vector.extract %slice3A_1122[0] : f32 from vector<1xf32>
        %get3A_1124 = arith.constant 6 : i32
        %get3A_1125 = arith.index_cast %get3A_1124 : i32 to index
        %get3A_1126 = arith.constant 0 : index
        %get3A_1127 = tpu.vector_load %arg15[%get3A_1125, %get3A_1126] {strides = array<i32>} : memref<13x16xf32, #tpu.memory_space<vmem>>, vector<1x16xf32>,
        %get3A_1128 = vector.shape_cast %get3A_1127 : vector<1x16xf32> to vector<16xf32>
        %mul3A_1129 = vector.broadcast %squeeze3A_1123 : f32 to vector<16xf32>
        %mul3A_1130 = arith.mulf %mul3A_1129, %get3A_1128 : vector<16xf32>
        %get3A_1131 = arith.constant 6 : i32
        %get3A_1132 = arith.index_cast %get3A_1131 : i32 to index
        %get3A_1133 = arith.constant 0 : index
        %get3A_1134 = tpu.vector_load %arg16[%get3A_1132, %get3A_1133] {strides = array<i32>} : memref<39x16xf32, #tpu.memory_space<vmem>>, vector<1x16xf32>,
        %get3A_1135 = vector.shape_cast %get3A_1134 : vector<1x16xf32> to vector<16xf32>
        %add3A_1136 = arith.addf %mul3A_1130, %get3A_1135 : vector<16xf32>
        %add3A_1137 = arith.constant 6 : i32
        %add3A_1138 = arith.addi %mul3A_985, %add3A_1137 : i32
        %mul3A_1139 = arith.constant 16 : i32
        %mul3A_1140 = arith.muli %add3A_1138, %mul3A_1139 : i32
        %swap3A_1141 = arith.index_cast %mul3A_1140 : i32 to index
        %swap3A_1142 = tpu.vector_load %arg13[%swap3A_1141] {strides = array<i32>} : memref<39936xf32, #tpu.memory_space<vmem>>, vector<16xf32>,
        %swap3A_1143 = vector.shape_cast %swap3A_1142 : vector<16xf32> to vector<16xf32>
        %swap3A_1144 = vector.shape_cast %add3A_1136 : vector<16xf32> to vector<16xf32>
        tpu.vector_store %arg13[%swap3A_1141], %swap3A_1144 {strides = array<i32>} : memref<39936xf32, #tpu.memory_space<vmem>>, vector<16xf32>,
        %slice3A_1145 = vector.extract_strided_slice %get3A_983 {offsets = [7], sizes = [1], strides = [1]} : vector<16xf32> to vector<1xf32>
        %squeeze3A_1146 = vector.extract %slice3A_1145[0] : f32 from vector<1xf32>
        %get3A_1147 = arith.constant 7 : i32
        %get3A_1148 = arith.index_cast %get3A_1147 : i32 to index
        %get3A_1149 = arith.constant 0 : index
        %get3A_1150 = tpu.vector_load %arg15[%get3A_1148, %get3A_1149] {strides = array<i32>} : memref<13x16xf32, #tpu.memory_space<vmem>>, vector<1x16xf32>,
        %get3A_1151 = vector.shape_cast %get3A_1150 : vector<1x16xf32> to vector<16xf32>
        %mul3A_1152 = vector.broadcast %squeeze3A_1146 : f32 to vector<16xf32>
        %mul3A_1153 = arith.mulf %mul3A_1152, %get3A_1151 : vector<16xf32>
        %get3A_1154 = arith.constant 7 : i32
        %get3A_1155 = arith.index_cast %get3A_1154 : i32 to index
        %get3A_1156 = arith.constant 0 : index
        %get3A_1157 = tpu.vector_load %arg16[%get3A_1155, %get3A_1156] {strides = array<i32>} : memref<39x16xf32, #tpu.memory_space<vmem>>, vector<1x16xf32>,
        %get3A_1158 = vector.shape_cast %get3A_1157 : vector<1x16xf32> to vector<16xf32>
        %add3A_1159 = arith.addf %mul3A_1153, %get3A_1158 : vector<16xf32>
        %add3A_1160 = arith.constant 7 : i32
        %add3A_1161 = arith.addi %mul3A_985, %add3A_1160 : i32
        %mul3A_1162 = arith.constant 16 : i32
        %mul3A_1163 = arith.muli %add3A_1161, %mul3A_1162 : i32
        %swap3A_1164 = arith.index_cast %mul3A_1163 : i32 to index
        %swap3A_1165 = tpu.vector_load %arg13[%swap3A_1164] {strides = array<i32>} : memref<39936xf32, #tpu.memory_space<vmem>>, vector<16xf32>,
        %swap3A_1166 = vector.shape_cast %swap3A_1165 : vector<16xf32> to vector<16xf32>
        %swap3A_1167 = vector.shape_cast %add3A_1159 : vector<16xf32> to vector<16xf32>
        tpu.vector_store %arg13[%swap3A_1164], %swap3A_1167 {strides = array<i32>} : memref<39936xf32, #tpu.memory_space<vmem>>, vector<16xf32>,
        %slice3A_1168 = vector.extract_strided_slice %get3A_983 {offsets = [8], sizes = [1], strides = [1]} : vector<16xf32> to vector<1xf32>
        %squeeze3A_1169 = vector.extract %slice3A_1168[0] : f32 from vector<1xf32>
        %get3A_1170 = arith.constant 8 : i32
        %get3A_1171 = arith.index_cast %get3A_1170 : i32 to index
        %get3A_1172 = arith.constant 0 : index
        %get3A_1173 = tpu.vector_load %arg15[%get3A_1171, %get3A_1172] {strides = array<i32>} : memref<13x16xf32, #tpu.memory_space<vmem>>, vector<1x16xf32>,
        %get3A_1174 = vector.shape_cast %get3A_1173 : vector<1x16xf32> to vector<16xf32>
        %mul3A_1175 = vector.broadcast %squeeze3A_1169 : f32 to vector<16xf32>
        %mul3A_1176 = arith.mulf %mul3A_1175, %get3A_1174 : vector<16xf32>
        %get3A_1177 = arith.constant 8 : i32
        %get3A_1178 = arith.index_cast %get3A_1177 : i32 to index
        %get3A_1179 = arith.constant 0 : index
        %get3A_1180 = tpu.vector_load %arg16[%get3A_1178, %get3A_1179] {strides = array<i32>} : memref<39x16xf32, #tpu.memory_space<vmem>>, vector<1x16xf32>,
        %get3A_1181 = vector.shape_cast %get3A_1180 : vector<1x16xf32> to vector<16xf32>
        %add3A_1182 = arith.addf %mul3A_1176, %get3A_1181 : vector<16xf32>
        %add3A_1183 = arith.constant 8 : i32
        %add3A_1184 = arith.addi %mul3A_985, %add3A_1183 : i32
        %mul3A_1185 = arith.constant 16 : i32
        %mul3A_1186 = arith.muli %add3A_1184, %mul3A_1185 : i32
        %swap3A_1187 = arith.index_cast %mul3A_1186 : i32 to index
        %swap3A_1188 = tpu.vector_load %arg13[%swap3A_1187] {strides = array<i32>} : memref<39936xf32, #tpu.memory_space<vmem>>, vector<16xf32>,
        %swap3A_1189 = vector.shape_cast %swap3A_1188 : vector<16xf32> to vector<16xf32>
        %swap3A_1190 = vector.shape_cast %add3A_1182 : vector<16xf32> to vector<16xf32>
        tpu.vector_store %arg13[%swap3A_1187], %swap3A_1190 {strides = array<i32>} : memref<39936xf32, #tpu.memory_space<vmem>>, vector<16xf32>,
        %slice3A_1191 = vector.extract_strided_slice %get3A_983 {offsets = [9], sizes = [1], strides = [1]} : vector<16xf32> to vector<1xf32>
        %squeeze3A_1192 = vector.extract %slice3A_1191[0] : f32 from vector<1xf32>
        %get3A_1193 = arith.constant 9 : i32
        %get3A_1194 = arith.index_cast %get3A_1193 : i32 to index
        %get3A_1195 = arith.constant 0 : index
        %get3A_1196 = tpu.vector_load %arg15[%get3A_1194, %get3A_1195] {strides = array<i32>} : memref<13x16xf32, #tpu.memory_space<vmem>>, vector<1x16xf32>,
        %get3A_1197 = vector.shape_cast %get3A_1196 : vector<1x16xf32> to vector<16xf32>
        %mul3A_1198 = vector.broadcast %squeeze3A_1192 : f32 to vector<16xf32>
        %mul3A_1199 = arith.mulf %mul3A_1198, %get3A_1197 : vector<16xf32>
        %get3A_1200 = arith.constant 9 : i32
        %get3A_1201 = arith.index_cast %get3A_1200 : i32 to index
        %get3A_1202 = arith.constant 0 : index
        %get3A_1203 = tpu.vector_load %arg16[%get3A_1201, %get3A_1202] {strides = array<i32>} : memref<39x16xf32, #tpu.memory_space<vmem>>, vector<1x16xf32>,
        %get3A_1204 = vector.shape_cast %get3A_1203 : vector<1x16xf32> to vector<16xf32>
        %add3A_1205 = arith.addf %mul3A_1199, %get3A_1204 : vector<16xf32>
        %add3A_1206 = arith.constant 9 : i32
        %add3A_1207 = arith.addi %mul3A_985, %add3A_1206 : i32
        %mul3A_1208 = arith.constant 16 : i32
        %mul3A_1209 = arith.muli %add3A_1207, %mul3A_1208 : i32
        %swap3A_1210 = arith.index_cast %mul3A_1209 : i32 to index
        %swap3A_1211 = tpu.vector_load %arg13[%swap3A_1210] {strides = array<i32>} : memref<39936xf32, #tpu.memory_space<vmem>>, vector<16xf32>,
        %swap3A_1212 = vector.shape_cast %swap3A_1211 : vector<16xf32> to vector<16xf32>
        %swap3A_1213 = vector.shape_cast %add3A_1205 : vector<16xf32> to vector<16xf32>
        tpu.vector_store %arg13[%swap3A_1210], %swap3A_1213 {strides = array<i32>} : memref<39936xf32, #tpu.memory_space<vmem>>, vector<16xf32>,
        %slice3A_1214 = vector.extract_strided_slice %get3A_983 {offsets = [10], sizes = [1], strides = [1]} : vector<16xf32> to vector<1xf32>
        %squeeze3A_1215 = vector.extract %slice3A_1214[0] : f32 from vector<1xf32>
        %get3A_1216 = arith.constant 10 : i32
        %get3A_1217 = arith.index_cast %get3A_1216 : i32 to index
        %get3A_1218 = arith.constant 0 : index
        %get3A_1219 = tpu.vector_load %arg15[%get3A_1217, %get3A_1218] {strides = array<i32>} : memref<13x16xf32, #tpu.memory_space<vmem>>, vector<1x16xf32>,
        %get3A_1220 = vector.shape_cast %get3A_1219 : vector<1x16xf32> to vector<16xf32>
        %mul3A_1221 = vector.broadcast %squeeze3A_1215 : f32 to vector<16xf32>
        %mul3A_1222 = arith.mulf %mul3A_1221, %get3A_1220 : vector<16xf32>
        %get3A_1223 = arith.constant 10 : i32
        %get3A_1224 = arith.index_cast %get3A_1223 : i32 to index
        %get3A_1225 = arith.constant 0 : index
        %get3A_1226 = tpu.vector_load %arg16[%get3A_1224, %get3A_1225] {strides = array<i32>} : memref<39x16xf32, #tpu.memory_space<vmem>>, vector<1x16xf32>,
        %get3A_1227 = vector.shape_cast %get3A_1226 : vector<1x16xf32> to vector<16xf32>
        %add3A_1228 = arith.addf %mul3A_1222, %get3A_1227 : vector<16xf32>
        %add3A_1229 = arith.constant 10 : i32
        %add3A_1230 = arith.addi %mul3A_985, %add3A_1229 : i32
        %mul3A_1231 = arith.constant 16 : i32
        %mul3A_1232 = arith.muli %add3A_1230, %mul3A_1231 : i32
        %swap3A_1233 = arith.index_cast %mul3A_1232 : i32 to index
        %swap3A_1234 = tpu.vector_load %arg13[%swap3A_1233] {strides = array<i32>} : memref<39936xf32, #tpu.memory_space<vmem>>, vector<16xf32>,
        %swap3A_1235 = vector.shape_cast %swap3A_1234 : vector<16xf32> to vector<16xf32>
        %swap3A_1236 = vector.shape_cast %add3A_1228 : vector<16xf32> to vector<16xf32>
        tpu.vector_store %arg13[%swap3A_1233], %swap3A_1236 {strides = array<i32>} : memref<39936xf32, #tpu.memory_space<vmem>>, vector<16xf32>,
        %slice3A_1237 = vector.extract_strided_slice %get3A_983 {offsets = [11], sizes = [1], strides = [1]} : vector<16xf32> to vector<1xf32>
        %squeeze3A_1238 = vector.extract %slice3A_1237[0] : f32 from vector<1xf32>
        %get3A_1239 = arith.constant 11 : i32
        %get3A_1240 = arith.index_cast %get3A_1239 : i32 to index
        %get3A_1241 = arith.constant 0 : index
        %get3A_1242 = tpu.vector_load %arg15[%get3A_1240, %get3A_1241] {strides = array<i32>} : memref<13x16xf32, #tpu.memory_space<vmem>>, vector<1x16xf32>,
        %get3A_1243 = vector.shape_cast %get3A_1242 : vector<1x16xf32> to vector<16xf32>
        %mul3A_1244 = vector.broadcast %squeeze3A_1238 : f32 to vector<16xf32>
        %mul3A_1245 = arith.mulf %mul3A_1244, %get3A_1243 : vector<16xf32>
        %get3A_1246 = arith.constant 11 : i32
        %get3A_1247 = arith.index_cast %get3A_1246 : i32 to index
        %get3A_1248 = arith.constant 0 : index
        %get3A_1249 = tpu.vector_load %arg16[%get3A_1247, %get3A_1248] {strides = array<i32>} : memref<39x16xf32, #tpu.memory_space<vmem>>, vector<1x16xf32>,
        %get3A_1250 = vector.shape_cast %get3A_1249 : vector<1x16xf32> to vector<16xf32>
        %add3A_1251 = arith.addf %mul3A_1245, %get3A_1250 : vector<16xf32>
        %add3A_1252 = arith.constant 11 : i32
        %add3A_1253 = arith.addi %mul3A_985, %add3A_1252 : i32
        %mul3A_1254 = arith.constant 16 : i32
        %mul3A_1255 = arith.muli %add3A_1253, %mul3A_1254 : i32
        %swap3A_1256 = arith.index_cast %mul3A_1255 : i32 to index
        %swap3A_1257 = tpu.vector_load %arg13[%swap3A_1256] {strides = array<i32>} : memref<39936xf32, #tpu.memory_space<vmem>>, vector<16xf32>,
        %swap3A_1258 = vector.shape_cast %swap3A_1257 : vector<16xf32> to vector<16xf32>
        %swap3A_1259 = vector.shape_cast %add3A_1251 : vector<16xf32> to vector<16xf32>
        tpu.vector_store %arg13[%swap3A_1256], %swap3A_1259 {strides = array<i32>} : memref<39936xf32, #tpu.memory_space<vmem>>, vector<16xf32>,
        %slice3A_1260 = vector.extract_strided_slice %get3A_983 {offsets = [12], sizes = [1], strides = [1]} : vector<16xf32> to vector<1xf32>
        %squeeze3A_1261 = vector.extract %slice3A_1260[0] : f32 from vector<1xf32>
        %get3A_1262 = arith.constant 12 : i32
        %get3A_1263 = arith.index_cast %get3A_1262 : i32 to index
        %get3A_1264 = arith.constant 0 : index
        %get3A_1265 = tpu.vector_load %arg15[%get3A_1263, %get3A_1264] {strides = array<i32>} : memref<13x16xf32, #tpu.memory_space<vmem>>, vector<1x16xf32>,
        %get3A_1266 = vector.shape_cast %get3A_1265 : vector<1x16xf32> to vector<16xf32>
        %mul3A_1267 = vector.broadcast %squeeze3A_1261 : f32 to vector<16xf32>
        %mul3A_1268 = arith.mulf %mul3A_1267, %get3A_1266 : vector<16xf32>
        %get3A_1269 = arith.constant 12 : i32
        %get3A_1270 = arith.index_cast %get3A_1269 : i32 to index
        %get3A_1271 = arith.constant 0 : index
        %get3A_1272 = tpu.vector_load %arg16[%get3A_1270, %get3A_1271] {strides = array<i32>} : memref<39x16xf32, #tpu.memory_space<vmem>>, vector<1x16xf32>,
        %get3A_1273 = vector.shape_cast %get3A_1272 : vector<1x16xf32> to vector<16xf32>
        %add3A_1274 = arith.addf %mul3A_1268, %get3A_1273 : vector<16xf32>
        %add3A_1275 = arith.constant 12 : i32
        %add3A_1276 = arith.addi %mul3A_985, %add3A_1275 : i32
        %mul3A_1277 = arith.constant 16 : i32
        %mul3A_1278 = arith.muli %add3A_1276, %mul3A_1277 : i32
        %swap3A_1279 = arith.index_cast %mul3A_1278 : i32 to index
        %swap3A_1280 = tpu.vector_load %arg13[%swap3A_1279] {strides = array<i32>} : memref<39936xf32, #tpu.memory_space<vmem>>, vector<16xf32>,
        %swap3A_1281 = vector.shape_cast %swap3A_1280 : vector<16xf32> to vector<16xf32>
        %swap3A_1282 = vector.shape_cast %add3A_1274 : vector<16xf32> to vector<16xf32>
        tpu.vector_store %arg13[%swap3A_1279], %swap3A_1282 {strides = array<i32>} : memref<39936xf32, #tpu.memory_space<vmem>>, vector<16xf32>,
        %mul3A_1283 = arith.constant 26 : i32
        %mul3A_1284 = arith.muli %scan3A_978, %mul3A_1283 : i32
        %add3A_1285 = arith.constant 0 : i32
        %add3A_1286 = arith.addi %mul3A_1284, %add3A_1285 : i32
        %get3A_1287 = arith.index_cast %add3A_1286 : i32 to index
        %get3A_1288 = arith.constant 0 : index
        %get3A_1289 = tpu.vector_load %arg12[%get3A_1287, %get3A_1288] {strides = array<i32>} : memref<1664x16xf32, #tpu.memory_space<vmem>>, vector<1x16xf32>,
        %get3A_1290 = vector.shape_cast %get3A_1289 : vector<1x16xf32> to vector<16xf32>
        %get3A_1291 = arith.constant 13 : i32
        %get3A_1292 = arith.index_cast %get3A_1291 : i32 to index
        %get3A_1293 = arith.constant 0 : index
        %get3A_1294 = tpu.vector_load %arg16[%get3A_1292, %get3A_1293] {strides = array<i32>} : memref<39x16xf32, #tpu.memory_space<vmem>>, vector<1x16xf32>,
        %get3A_1295 = vector.shape_cast %get3A_1294 : vector<1x16xf32> to vector<16xf32>
        %add3A_1296 = arith.addf %get3A_1290, %get3A_1295 : vector<16xf32>
        %add3A_1297 = arith.constant 13 : i32
        %add3A_1298 = arith.addi %mul3A_985, %add3A_1297 : i32
        %add3A_1299 = arith.constant 0 : i32
        %add3A_1300 = arith.addi %add3A_1298, %add3A_1299 : i32
        %mul3A_1301 = arith.constant 16 : i32
        %mul3A_1302 = arith.muli %add3A_1300, %mul3A_1301 : i32
        %swap3A_1303 = arith.index_cast %mul3A_1302 : i32 to index
        %swap3A_1304 = tpu.vector_load %arg13[%swap3A_1303] {strides = array<i32>} : memref<39936xf32, #tpu.memory_space<vmem>>, vector<16xf32>,
        %swap3A_1305 = vector.shape_cast %swap3A_1304 : vector<16xf32> to vector<16xf32>
        %swap3A_1306 = vector.shape_cast %add3A_1296 : vector<16xf32> to vector<16xf32>
        tpu.vector_store %arg13[%swap3A_1303], %swap3A_1306 {strides = array<i32>} : memref<39936xf32, #tpu.memory_space<vmem>>, vector<16xf32>,
        %mul3A_1307 = arith.constant 26 : i32
        %mul3A_1308 = arith.muli %scan3A_978, %mul3A_1307 : i32
        %add3A_1309 = arith.constant 1 : i32
        %add3A_1310 = arith.addi %mul3A_1308, %add3A_1309 : i32
        %get3A_1311 = arith.index_cast %add3A_1310 : i32 to index
        %get3A_1312 = arith.constant 0 : index
        %get3A_1313 = tpu.vector_load %arg12[%get3A_1311, %get3A_1312] {strides = array<i32>} : memref<1664x16xf32, #tpu.memory_space<vmem>>, vector<1x16xf32>,
        %get3A_1314 = vector.shape_cast %get3A_1313 : vector<1x16xf32> to vector<16xf32>
        %get3A_1315 = arith.constant 14 : i32
        %get3A_1316 = arith.index_cast %get3A_1315 : i32 to index
        %get3A_1317 = arith.constant 0 : index
        %get3A_1318 = tpu.vector_load %arg16[%get3A_1316, %get3A_1317] {strides = array<i32>} : memref<39x16xf32, #tpu.memory_space<vmem>>, vector<1x16xf32>,
        %get3A_1319 = vector.shape_cast %get3A_1318 : vector<1x16xf32> to vector<16xf32>
        %add3A_1320 = arith.addf %get3A_1314, %get3A_1319 : vector<16xf32>
        %add3A_1321 = arith.constant 13 : i32
        %add3A_1322 = arith.addi %mul3A_985, %add3A_1321 : i32
        %add3A_1323 = arith.constant 1 : i32
        %add3A_1324 = arith.addi %add3A_1322, %add3A_1323 : i32
        %mul3A_1325 = arith.constant 16 : i32
        %mul3A_1326 = arith.muli %add3A_1324, %mul3A_1325 : i32
        %swap3A_1327 = arith.index_cast %mul3A_1326 : i32 to index
        %swap3A_1328 = tpu.vector_load %arg13[%swap3A_1327] {strides = array<i32>} : memref<39936xf32, #tpu.memory_space<vmem>>, vector<16xf32>,
        %swap3A_1329 = vector.shape_cast %swap3A_1328 : vector<16xf32> to vector<16xf32>
        %swap3A_1330 = vector.shape_cast %add3A_1320 : vector<16xf32> to vector<16xf32>
        tpu.vector_store %arg13[%swap3A_1327], %swap3A_1330 {strides = array<i32>} : memref<39936xf32, #tpu.memory_space<vmem>>, vector<16xf32>,
        %mul3A_1331 = arith.constant 26 : i32
        %mul3A_1332 = arith.muli %scan3A_978, %mul3A_1331 : i32
        %add3A_1333 = arith.constant 2 : i32
        %add3A_1334 = arith.addi %mul3A_1332, %add3A_1333 : i32
        %get3A_1335 = arith.index_cast %add3A_1334 : i32 to index
        %get3A_1336 = arith.constant 0 : index
        %get3A_1337 = tpu.vector_load %arg12[%get3A_1335, %get3A_1336] {strides = array<i32>} : memref<1664x16xf32, #tpu.memory_space<vmem>>, vector<1x16xf32>,
        %get3A_1338 = vector.shape_cast %get3A_1337 : vector<1x16xf32> to vector<16xf32>
        %get3A_1339 = arith.constant 15 : i32
        %get3A_1340 = arith.index_cast %get3A_1339 : i32 to index
        %get3A_1341 = arith.constant 0 : index
        %get3A_1342 = tpu.vector_load %arg16[%get3A_1340, %get3A_1341] {strides = array<i32>} : memref<39x16xf32, #tpu.memory_space<vmem>>, vector<1x16xf32>,
        %get3A_1343 = vector.shape_cast %get3A_1342 : vector<1x16xf32> to vector<16xf32>
        %add3A_1344 = arith.addf %get3A_1338, %get3A_1343 : vector<16xf32>
        %add3A_1345 = arith.constant 13 : i32
        %add3A_1346 = arith.addi %mul3A_985, %add3A_1345 : i32
        %add3A_1347 = arith.constant 2 : i32
        %add3A_1348 = arith.addi %add3A_1346, %add3A_1347 : i32
        %mul3A_1349 = arith.constant 16 : i32
        %mul3A_1350 = arith.muli %add3A_1348, %mul3A_1349 : i32
        %swap3A_1351 = arith.index_cast %mul3A_1350 : i32 to index
        %swap3A_1352 = tpu.vector_load %arg13[%swap3A_1351] {strides = array<i32>} : memref<39936xf32, #tpu.memory_space<vmem>>, vector<16xf32>,
        %swap3A_1353 = vector.shape_cast %swap3A_1352 : vector<16xf32> to vector<16xf32>
        %swap3A_1354 = vector.shape_cast %add3A_1344 : vector<16xf32> to vector<16xf32>
        tpu.vector_store %arg13[%swap3A_1351], %swap3A_1354 {strides = array<i32>} : memref<39936xf32, #tpu.memory_space<vmem>>, vector<16xf32>,
        %mul3A_1355 = arith.constant 26 : i32
        %mul3A_1356 = arith.muli %scan3A_978, %mul3A_1355 : i32
        %add3A_1357 = arith.constant 3 : i32
        %add3A_1358 = arith.addi %mul3A_1356, %add3A_1357 : i32
        %get3A_1359 = arith.index_cast %add3A_1358 : i32 to index
        %get3A_1360 = arith.constant 0 : index
        %get3A_1361 = tpu.vector_load %arg12[%get3A_1359, %get3A_1360] {strides = array<i32>} : memref<1664x16xf32, #tpu.memory_space<vmem>>, vector<1x16xf32>,
        %get3A_1362 = vector.shape_cast %get3A_1361 : vector<1x16xf32> to vector<16xf32>
        %get3A_1363 = arith.constant 16 : i32
        %get3A_1364 = arith.index_cast %get3A_1363 : i32 to index
        %get3A_1365 = arith.constant 0 : index
        %get3A_1366 = tpu.vector_load %arg16[%get3A_1364, %get3A_1365] {strides = array<i32>} : memref<39x16xf32, #tpu.memory_space<vmem>>, vector<1x16xf32>,
        %get3A_1367 = vector.shape_cast %get3A_1366 : vector<1x16xf32> to vector<16xf32>
        %add3A_1368 = arith.addf %get3A_1362, %get3A_1367 : vector<16xf32>
        %add3A_1369 = arith.constant 13 : i32
        %add3A_1370 = arith.addi %mul3A_985, %add3A_1369 : i32
        %add3A_1371 = arith.constant 3 : i32
        %add3A_1372 = arith.addi %add3A_1370, %add3A_1371 : i32
        %mul3A_1373 = arith.constant 16 : i32
        %mul3A_1374 = arith.muli %add3A_1372, %mul3A_1373 : i32
        %swap3A_1375 = arith.index_cast %mul3A_1374 : i32 to index
        %swap3A_1376 = tpu.vector_load %arg13[%swap3A_1375] {strides = array<i32>} : memref<39936xf32, #tpu.memory_space<vmem>>, vector<16xf32>,
        %swap3A_1377 = vector.shape_cast %swap3A_1376 : vector<16xf32> to vector<16xf32>
        %swap3A_1378 = vector.shape_cast %add3A_1368 : vector<16xf32> to vector<16xf32>
        tpu.vector_store %arg13[%swap3A_1375], %swap3A_1378 {strides = array<i32>} : memref<39936xf32, #tpu.memory_space<vmem>>, vector<16xf32>,
        %mul3A_1379 = arith.constant 26 : i32
        %mul3A_1380 = arith.muli %scan3A_978, %mul3A_1379 : i32
        %add3A_1381 = arith.constant 4 : i32
        %add3A_1382 = arith.addi %mul3A_1380, %add3A_1381 : i32
        %get3A_1383 = arith.index_cast %add3A_1382 : i32 to index
        %get3A_1384 = arith.constant 0 : index
        %get3A_1385 = tpu.vector_load %arg12[%get3A_1383, %get3A_1384] {strides = array<i32>} : memref<1664x16xf32, #tpu.memory_space<vmem>>, vector<1x16xf32>,
        %get3A_1386 = vector.shape_cast %get3A_1385 : vector<1x16xf32> to vector<16xf32>
        %get3A_1387 = arith.constant 17 : i32
        %get3A_1388 = arith.index_cast %get3A_1387 : i32 to index
        %get3A_1389 = arith.constant 0 : index
        %get3A_1390 = tpu.vector_load %arg16[%get3A_1388, %get3A_1389] {strides = array<i32>} : memref<39x16xf32, #tpu.memory_space<vmem>>, vector<1x16xf32>,
        %get3A_1391 = vector.shape_cast %get3A_1390 : vector<1x16xf32> to vector<16xf32>
        %add3A_1392 = arith.addf %get3A_1386, %get3A_1391 : vector<16xf32>
        %add3A_1393 = arith.constant 13 : i32
        %add3A_1394 = arith.addi %mul3A_985, %add3A_1393 : i32
        %add3A_1395 = arith.constant 4 : i32
        %add3A_1396 = arith.addi %add3A_1394, %add3A_1395 : i32
        %mul3A_1397 = arith.constant 16 : i32
        %mul3A_1398 = arith.muli %add3A_1396, %mul3A_1397 : i32
        %swap3A_1399 = arith.index_cast %mul3A_1398 : i32 to index
        %swap3A_1400 = tpu.vector_load %arg13[%swap3A_1399] {strides = array<i32>} : memref<39936xf32, #tpu.memory_space<vmem>>, vector<16xf32>,
        %swap3A_1401 = vector.shape_cast %swap3A_1400 : vector<16xf32> to vector<16xf32>
        %swap3A_1402 = vector.shape_cast %add3A_1392 : vector<16xf32> to vector<16xf32>
        tpu.vector_store %arg13[%swap3A_1399], %swap3A_1402 {strides = array<i32>} : memref<39936xf32, #tpu.memory_space<vmem>>, vector<16xf32>,
        %mul3A_1403 = arith.constant 26 : i32
        %mul3A_1404 = arith.muli %scan3A_978, %mul3A_1403 : i32
        %add3A_1405 = arith.constant 5 : i32
        %add3A_1406 = arith.addi %mul3A_1404, %add3A_1405 : i32
        %get3A_1407 = arith.index_cast %add3A_1406 : i32 to index
        %get3A_1408 = arith.constant 0 : index
        %get3A_1409 = tpu.vector_load %arg12[%get3A_1407, %get3A_1408] {strides = array<i32>} : memref<1664x16xf32, #tpu.memory_space<vmem>>, vector<1x16xf32>,
        %get3A_1410 = vector.shape_cast %get3A_1409 : vector<1x16xf32> to vector<16xf32>
        %get3A_1411 = arith.constant 18 : i32
        %get3A_1412 = arith.index_cast %get3A_1411 : i32 to index
        %get3A_1413 = arith.constant 0 : index
        %get3A_1414 = tpu.vector_load %arg16[%get3A_1412, %get3A_1413] {strides = array<i32>} : memref<39x16xf32, #tpu.memory_space<vmem>>, vector<1x16xf32>,
        %get3A_1415 = vector.shape_cast %get3A_1414 : vector<1x16xf32> to vector<16xf32>
        %add3A_1416 = arith.addf %get3A_1410, %get3A_1415 : vector<16xf32>
        %add3A_1417 = arith.constant 13 : i32
        %add3A_1418 = arith.addi %mul3A_985, %add3A_1417 : i32
        %add3A_1419 = arith.constant 5 : i32
        %add3A_1420 = arith.addi %add3A_1418, %add3A_1419 : i32
        %mul3A_1421 = arith.constant 16 : i32
        %mul3A_1422 = arith.muli %add3A_1420, %mul3A_1421 : i32
        %swap3A_1423 = arith.index_cast %mul3A_1422 : i32 to index
        %swap3A_1424 = tpu.vector_load %arg13[%swap3A_1423] {strides = array<i32>} : memref<39936xf32, #tpu.memory_space<vmem>>, vector<16xf32>,
        %swap3A_1425 = vector.shape_cast %swap3A_1424 : vector<16xf32> to vector<16xf32>
        %swap3A_1426 = vector.shape_cast %add3A_1416 : vector<16xf32> to vector<16xf32>
        tpu.vector_store %arg13[%swap3A_1423], %swap3A_1426 {strides = array<i32>} : memref<39936xf32, #tpu.memory_space<vmem>>, vector<16xf32>,
        %mul3A_1427 = arith.constant 26 : i32
        %mul3A_1428 = arith.muli %scan3A_978, %mul3A_1427 : i32
        %add3A_1429 = arith.constant 6 : i32
        %add3A_1430 = arith.addi %mul3A_1428, %add3A_1429 : i32
        %get3A_1431 = arith.index_cast %add3A_1430 : i32 to index
        %get3A_1432 = arith.constant 0 : index
        %get3A_1433 = tpu.vector_load %arg12[%get3A_1431, %get3A_1432] {strides = array<i32>} : memref<1664x16xf32, #tpu.memory_space<vmem>>, vector<1x16xf32>,
        %get3A_1434 = vector.shape_cast %get3A_1433 : vector<1x16xf32> to vector<16xf32>
        %get3A_1435 = arith.constant 19 : i32
        %get3A_1436 = arith.index_cast %get3A_1435 : i32 to index
        %get3A_1437 = arith.constant 0 : index
        %get3A_1438 = tpu.vector_load %arg16[%get3A_1436, %get3A_1437] {strides = array<i32>} : memref<39x16xf32, #tpu.memory_space<vmem>>, vector<1x16xf32>,
        %get3A_1439 = vector.shape_cast %get3A_1438 : vector<1x16xf32> to vector<16xf32>
        %add3A_1440 = arith.addf %get3A_1434, %get3A_1439 : vector<16xf32>
        %add3A_1441 = arith.constant 13 : i32
        %add3A_1442 = arith.addi %mul3A_985, %add3A_1441 : i32
        %add3A_1443 = arith.constant 6 : i32
        %add3A_1444 = arith.addi %add3A_1442, %add3A_1443 : i32
        %mul3A_1445 = arith.constant 16 : i32
        %mul3A_1446 = arith.muli %add3A_1444, %mul3A_1445 : i32
        %swap3A_1447 = arith.index_cast %mul3A_1446 : i32 to index
        %swap3A_1448 = tpu.vector_load %arg13[%swap3A_1447] {strides = array<i32>} : memref<39936xf32, #tpu.memory_space<vmem>>, vector<16xf32>,
        %swap3A_1449 = vector.shape_cast %swap3A_1448 : vector<16xf32> to vector<16xf32>
        %swap3A_1450 = vector.shape_cast %add3A_1440 : vector<16xf32> to vector<16xf32>
        tpu.vector_store %arg13[%swap3A_1447], %swap3A_1450 {strides = array<i32>} : memref<39936xf32, #tpu.memory_space<vmem>>, vector<16xf32>,
        %mul3A_1451 = arith.constant 26 : i32
        %mul3A_1452 = arith.muli %scan3A_978, %mul3A_1451 : i32
        %add3A_1453 = arith.constant 7 : i32
        %add3A_1454 = arith.addi %mul3A_1452, %add3A_1453 : i32
        %get3A_1455 = arith.index_cast %add3A_1454 : i32 to index
        %get3A_1456 = arith.constant 0 : index
        %get3A_1457 = tpu.vector_load %arg12[%get3A_1455, %get3A_1456] {strides = array<i32>} : memref<1664x16xf32, #tpu.memory_space<vmem>>, vector<1x16xf32>,
        %get3A_1458 = vector.shape_cast %get3A_1457 : vector<1x16xf32> to vector<16xf32>
        %get3A_1459 = arith.constant 20 : i32
        %get3A_1460 = arith.index_cast %get3A_1459 : i32 to index
        %get3A_1461 = arith.constant 0 : index
        %get3A_1462 = tpu.vector_load %arg16[%get3A_1460, %get3A_1461] {strides = array<i32>} : memref<39x16xf32, #tpu.memory_space<vmem>>, vector<1x16xf32>,
        %get3A_1463 = vector.shape_cast %get3A_1462 : vector<1x16xf32> to vector<16xf32>
        %add3A_1464 = arith.addf %get3A_1458, %get3A_1463 : vector<16xf32>
        %add3A_1465 = arith.constant 13 : i32
        %add3A_1466 = arith.addi %mul3A_985, %add3A_1465 : i32
        %add3A_1467 = arith.constant 7 : i32
        %add3A_1468 = arith.addi %add3A_1466, %add3A_1467 : i32
        %mul3A_1469 = arith.constant 16 : i32
        %mul3A_1470 = arith.muli %add3A_1468, %mul3A_1469 : i32
        %swap3A_1471 = arith.index_cast %mul3A_1470 : i32 to index
        %swap3A_1472 = tpu.vector_load %arg13[%swap3A_1471] {strides = array<i32>} : memref<39936xf32, #tpu.memory_space<vmem>>, vector<16xf32>,
        %swap3A_1473 = vector.shape_cast %swap3A_1472 : vector<16xf32> to vector<16xf32>
        %swap3A_1474 = vector.shape_cast %add3A_1464 : vector<16xf32> to vector<16xf32>
        tpu.vector_store %arg13[%swap3A_1471], %swap3A_1474 {strides = array<i32>} : memref<39936xf32, #tpu.memory_space<vmem>>, vector<16xf32>,
        %mul3A_1475 = arith.constant 26 : i32
        %mul3A_1476 = arith.muli %scan3A_978, %mul3A_1475 : i32
        %add3A_1477 = arith.constant 8 : i32
        %add3A_1478 = arith.addi %mul3A_1476, %add3A_1477 : i32
        %get3A_1479 = arith.index_cast %add3A_1478 : i32 to index
        %get3A_1480 = arith.constant 0 : index
        %get3A_1481 = tpu.vector_load %arg12[%get3A_1479, %get3A_1480] {strides = array<i32>} : memref<1664x16xf32, #tpu.memory_space<vmem>>, vector<1x16xf32>,
        %get3A_1482 = vector.shape_cast %get3A_1481 : vector<1x16xf32> to vector<16xf32>
        %get3A_1483 = arith.constant 21 : i32
        %get3A_1484 = arith.index_cast %get3A_1483 : i32 to index
        %get3A_1485 = arith.constant 0 : index
        %get3A_1486 = tpu.vector_load %arg16[%get3A_1484, %get3A_1485] {strides = array<i32>} : memref<39x16xf32, #tpu.memory_space<vmem>>, vector<1x16xf32>,
        %get3A_1487 = vector.shape_cast %get3A_1486 : vector<1x16xf32> to vector<16xf32>
        %add3A_1488 = arith.addf %get3A_1482, %get3A_1487 : vector<16xf32>
        %add3A_1489 = arith.constant 13 : i32
        %add3A_1490 = arith.addi %mul3A_985, %add3A_1489 : i32
        %add3A_1491 = arith.constant 8 : i32
        %add3A_1492 = arith.addi %add3A_1490, %add3A_1491 : i32
        %mul3A_1493 = arith.constant 16 : i32
        %mul3A_1494 = arith.muli %add3A_1492, %mul3A_1493 : i32
        %swap3A_1495 = arith.index_cast %mul3A_1494 : i32 to index
        %swap3A_1496 = tpu.vector_load %arg13[%swap3A_1495] {strides = array<i32>} : memref<39936xf32, #tpu.memory_space<vmem>>, vector<16xf32>,
        %swap3A_1497 = vector.shape_cast %swap3A_1496 : vector<16xf32> to vector<16xf32>
        %swap3A_1498 = vector.shape_cast %add3A_1488 : vector<16xf32> to vector<16xf32>
        tpu.vector_store %arg13[%swap3A_1495], %swap3A_1498 {strides = array<i32>} : memref<39936xf32, #tpu.memory_space<vmem>>, vector<16xf32>,
        %mul3A_1499 = arith.constant 26 : i32
        %mul3A_1500 = arith.muli %scan3A_978, %mul3A_1499 : i32
        %add3A_1501 = arith.constant 9 : i32
        %add3A_1502 = arith.addi %mul3A_1500, %add3A_1501 : i32
        %get3A_1503 = arith.index_cast %add3A_1502 : i32 to index
        %get3A_1504 = arith.constant 0 : index
        %get3A_1505 = tpu.vector_load %arg12[%get3A_1503, %get3A_1504] {strides = array<i32>} : memref<1664x16xf32, #tpu.memory_space<vmem>>, vector<1x16xf32>,
        %get3A_1506 = vector.shape_cast %get3A_1505 : vector<1x16xf32> to vector<16xf32>
        %get3A_1507 = arith.constant 22 : i32
        %get3A_1508 = arith.index_cast %get3A_1507 : i32 to index
        %get3A_1509 = arith.constant 0 : index
        %get3A_1510 = tpu.vector_load %arg16[%get3A_1508, %get3A_1509] {strides = array<i32>} : memref<39x16xf32, #tpu.memory_space<vmem>>, vector<1x16xf32>,
        %get3A_1511 = vector.shape_cast %get3A_1510 : vector<1x16xf32> to vector<16xf32>
        %add3A_1512 = arith.addf %get3A_1506, %get3A_1511 : vector<16xf32>
        %add3A_1513 = arith.constant 13 : i32
        %add3A_1514 = arith.addi %mul3A_985, %add3A_1513 : i32
        %add3A_1515 = arith.constant 9 : i32
        %add3A_1516 = arith.addi %add3A_1514, %add3A_1515 : i32
        %mul3A_1517 = arith.constant 16 : i32
        %mul3A_1518 = arith.muli %add3A_1516, %mul3A_1517 : i32
        %swap3A_1519 = arith.index_cast %mul3A_1518 : i32 to index
        %swap3A_1520 = tpu.vector_load %arg13[%swap3A_1519] {strides = array<i32>} : memref<39936xf32, #tpu.memory_space<vmem>>, vector<16xf32>,
        %swap3A_1521 = vector.shape_cast %swap3A_1520 : vector<16xf32> to vector<16xf32>
        %swap3A_1522 = vector.shape_cast %add3A_1512 : vector<16xf32> to vector<16xf32>
        tpu.vector_store %arg13[%swap3A_1519], %swap3A_1522 {strides = array<i32>} : memref<39936xf32, #tpu.memory_space<vmem>>, vector<16xf32>,
        %mul3A_1523 = arith.constant 26 : i32
        %mul3A_1524 = arith.muli %scan3A_978, %mul3A_1523 : i32
        %add3A_1525 = arith.constant 10 : i32
        %add3A_1526 = arith.addi %mul3A_1524, %add3A_1525 : i32
        %get3A_1527 = arith.index_cast %add3A_1526 : i32 to index
        %get3A_1528 = arith.constant 0 : index
        %get3A_1529 = tpu.vector_load %arg12[%get3A_1527, %get3A_1528] {strides = array<i32>} : memref<1664x16xf32, #tpu.memory_space<vmem>>, vector<1x16xf32>,
        %get3A_1530 = vector.shape_cast %get3A_1529 : vector<1x16xf32> to vector<16xf32>
        %get3A_1531 = arith.constant 23 : i32
        %get3A_1532 = arith.index_cast %get3A_1531 : i32 to index
        %get3A_1533 = arith.constant 0 : index
        %get3A_1534 = tpu.vector_load %arg16[%get3A_1532, %get3A_1533] {strides = array<i32>} : memref<39x16xf32, #tpu.memory_space<vmem>>, vector<1x16xf32>,
        %get3A_1535 = vector.shape_cast %get3A_1534 : vector<1x16xf32> to vector<16xf32>
        %add3A_1536 = arith.addf %get3A_1530, %get3A_1535 : vector<16xf32>
        %add3A_1537 = arith.constant 13 : i32
        %add3A_1538 = arith.addi %mul3A_985, %add3A_1537 : i32
        %add3A_1539 = arith.constant 10 : i32
        %add3A_1540 = arith.addi %add3A_1538, %add3A_1539 : i32
        %mul3A_1541 = arith.constant 16 : i32
        %mul3A_1542 = arith.muli %add3A_1540, %mul3A_1541 : i32
        %swap3A_1543 = arith.index_cast %mul3A_1542 : i32 to index
        %swap3A_1544 = tpu.vector_load %arg13[%swap3A_1543] {strides = array<i32>} : memref<39936xf32, #tpu.memory_space<vmem>>, vector<16xf32>,
        %swap3A_1545 = vector.shape_cast %swap3A_1544 : vector<16xf32> to vector<16xf32>
        %swap3A_1546 = vector.shape_cast %add3A_1536 : vector<16xf32> to vector<16xf32>
        tpu.vector_store %arg13[%swap3A_1543], %swap3A_1546 {strides = array<i32>} : memref<39936xf32, #tpu.memory_space<vmem>>, vector<16xf32>,
        %mul3A_1547 = arith.constant 26 : i32
        %mul3A_1548 = arith.muli %scan3A_978, %mul3A_1547 : i32
        %add3A_1549 = arith.constant 11 : i32
        %add3A_1550 = arith.addi %mul3A_1548, %add3A_1549 : i32
        %get3A_1551 = arith.index_cast %add3A_1550 : i32 to index
        %get3A_1552 = arith.constant 0 : index
        %get3A_1553 = tpu.vector_load %arg12[%get3A_1551, %get3A_1552] {strides = array<i32>} : memref<1664x16xf32, #tpu.memory_space<vmem>>, vector<1x16xf32>,
        %get3A_1554 = vector.shape_cast %get3A_1553 : vector<1x16xf32> to vector<16xf32>
        %get3A_1555 = arith.constant 24 : i32
        %get3A_1556 = arith.index_cast %get3A_1555 : i32 to index
        %get3A_1557 = arith.constant 0 : index
        %get3A_1558 = tpu.vector_load %arg16[%get3A_1556, %get3A_1557] {strides = array<i32>} : memref<39x16xf32, #tpu.memory_space<vmem>>, vector<1x16xf32>,
        %get3A_1559 = vector.shape_cast %get3A_1558 : vector<1x16xf32> to vector<16xf32>
        %add3A_1560 = arith.addf %get3A_1554, %get3A_1559 : vector<16xf32>
        %add3A_1561 = arith.constant 13 : i32
        %add3A_1562 = arith.addi %mul3A_985, %add3A_1561 : i32
        %add3A_1563 = arith.constant 11 : i32
        %add3A_1564 = arith.addi %add3A_1562, %add3A_1563 : i32
        %mul3A_1565 = arith.constant 16 : i32
        %mul3A_1566 = arith.muli %add3A_1564, %mul3A_1565 : i32
        %swap3A_1567 = arith.index_cast %mul3A_1566 : i32 to index
        %swap3A_1568 = tpu.vector_load %arg13[%swap3A_1567] {strides = array<i32>} : memref<39936xf32, #tpu.memory_space<vmem>>, vector<16xf32>,
        %swap3A_1569 = vector.shape_cast %swap3A_1568 : vector<16xf32> to vector<16xf32>
        %swap3A_1570 = vector.shape_cast %add3A_1560 : vector<16xf32> to vector<16xf32>
        tpu.vector_store %arg13[%swap3A_1567], %swap3A_1570 {strides = array<i32>} : memref<39936xf32, #tpu.memory_space<vmem>>, vector<16xf32>,
        %mul3A_1571 = arith.constant 26 : i32
        %mul3A_1572 = arith.muli %scan3A_978, %mul3A_1571 : i32
        %add3A_1573 = arith.constant 12 : i32
        %add3A_1574 = arith.addi %mul3A_1572, %add3A_1573 : i32
        %get3A_1575 = arith.index_cast %add3A_1574 : i32 to index
        %get3A_1576 = arith.constant 0 : index
        %get3A_1577 = tpu.vector_load %arg12[%get3A_1575, %get3A_1576] {strides = array<i32>} : memref<1664x16xf32, #tpu.memory_space<vmem>>, vector<1x16xf32>,
        %get3A_1578 = vector.shape_cast %get3A_1577 : vector<1x16xf32> to vector<16xf32>
        %get3A_1579 = arith.constant 25 : i32
        %get3A_1580 = arith.index_cast %get3A_1579 : i32 to index
        %get3A_1581 = arith.constant 0 : index
        %get3A_1582 = tpu.vector_load %arg16[%get3A_1580, %get3A_1581] {strides = array<i32>} : memref<39x16xf32, #tpu.memory_space<vmem>>, vector<1x16xf32>,
        %get3A_1583 = vector.shape_cast %get3A_1582 : vector<1x16xf32> to vector<16xf32>
        %add3A_1584 = arith.addf %get3A_1578, %get3A_1583 : vector<16xf32>
        %add3A_1585 = arith.constant 13 : i32
        %add3A_1586 = arith.addi %mul3A_985, %add3A_1585 : i32
        %add3A_1587 = arith.constant 12 : i32
        %add3A_1588 = arith.addi %add3A_1586, %add3A_1587 : i32
        %mul3A_1589 = arith.constant 16 : i32
        %mul3A_1590 = arith.muli %add3A_1588, %mul3A_1589 : i32
        %swap3A_1591 = arith.index_cast %mul3A_1590 : i32 to index
        %swap3A_1592 = tpu.vector_load %arg13[%swap3A_1591] {strides = array<i32>} : memref<39936xf32, #tpu.memory_space<vmem>>, vector<16xf32>,
        %swap3A_1593 = vector.shape_cast %swap3A_1592 : vector<16xf32> to vector<16xf32>
        %swap3A_1594 = vector.shape_cast %add3A_1584 : vector<16xf32> to vector<16xf32>
        tpu.vector_store %arg13[%swap3A_1591], %swap3A_1594 {strides = array<i32>} : memref<39936xf32, #tpu.memory_space<vmem>>, vector<16xf32>,
        %mul3A_1595 = arith.constant 26 : i32
        %mul3A_1596 = arith.muli %scan3A_978, %mul3A_1595 : i32
        %add3A_1597 = arith.constant 13 : i32
        %add3A_1598 = arith.addi %mul3A_1596, %add3A_1597 : i32
        %get3A_1599 = arith.index_cast %add3A_1598 : i32 to index
        %get3A_1600 = arith.constant 0 : index
        %get3A_1601 = tpu.vector_load %arg12[%get3A_1599, %get3A_1600] {strides = array<i32>} : memref<1664x16xf32, #tpu.memory_space<vmem>>, vector<1x16xf32>,
        %get3A_1602 = vector.shape_cast %get3A_1601 : vector<1x16xf32> to vector<16xf32>
        %get3A_1603 = arith.constant 26 : i32
        %get3A_1604 = arith.index_cast %get3A_1603 : i32 to index
        %get3A_1605 = arith.constant 0 : index
        %get3A_1606 = tpu.vector_load %arg16[%get3A_1604, %get3A_1605] {strides = array<i32>} : memref<39x16xf32, #tpu.memory_space<vmem>>, vector<1x16xf32>,
        %get3A_1607 = vector.shape_cast %get3A_1606 : vector<1x16xf32> to vector<16xf32>
        %add3A_1608 = arith.addf %get3A_1602, %get3A_1607 : vector<16xf32>
        %add3A_1609 = arith.constant 13 : i32
        %add3A_1610 = arith.addi %mul3A_985, %add3A_1609 : i32
        %add3A_1611 = arith.constant 13 : i32
        %add3A_1612 = arith.addi %add3A_1610, %add3A_1611 : i32
        %mul3A_1613 = arith.constant 16 : i32
        %mul3A_1614 = arith.muli %add3A_1612, %mul3A_1613 : i32
        %swap3A_1615 = arith.index_cast %mul3A_1614 : i32 to index
        %swap3A_1616 = tpu.vector_load %arg13[%swap3A_1615] {strides = array<i32>} : memref<39936xf32, #tpu.memory_space<vmem>>, vector<16xf32>,
        %swap3A_1617 = vector.shape_cast %swap3A_1616 : vector<16xf32> to vector<16xf32>
        %swap3A_1618 = vector.shape_cast %add3A_1608 : vector<16xf32> to vector<16xf32>
        tpu.vector_store %arg13[%swap3A_1615], %swap3A_1618 {strides = array<i32>} : memref<39936xf32, #tpu.memory_space<vmem>>, vector<16xf32>,
        %mul3A_1619 = arith.constant 26 : i32
        %mul3A_1620 = arith.muli %scan3A_978, %mul3A_1619 : i32
        %add3A_1621 = arith.constant 14 : i32
        %add3A_1622 = arith.addi %mul3A_1620, %add3A_1621 : i32
        %get3A_1623 = arith.index_cast %add3A_1622 : i32 to index
        %get3A_1624 = arith.constant 0 : index
        %get3A_1625 = tpu.vector_load %arg12[%get3A_1623, %get3A_1624] {strides = array<i32>} : memref<1664x16xf32, #tpu.memory_space<vmem>>, vector<1x16xf32>,
        %get3A_1626 = vector.shape_cast %get3A_1625 : vector<1x16xf32> to vector<16xf32>
        %get3A_1627 = arith.constant 27 : i32
        %get3A_1628 = arith.index_cast %get3A_1627 : i32 to index
        %get3A_1629 = arith.constant 0 : index
        %get3A_1630 = tpu.vector_load %arg16[%get3A_1628, %get3A_1629] {strides = array<i32>} : memref<39x16xf32, #tpu.memory_space<vmem>>, vector<1x16xf32>,
        %get3A_1631 = vector.shape_cast %get3A_1630 : vector<1x16xf32> to vector<16xf32>
        %add3A_1632 = arith.addf %get3A_1626, %get3A_1631 : vector<16xf32>
        %add3A_1633 = arith.constant 13 : i32
        %add3A_1634 = arith.addi %mul3A_985, %add3A_1633 : i32
        %add3A_1635 = arith.constant 14 : i32
        %add3A_1636 = arith.addi %add3A_1634, %add3A_1635 : i32
        %mul3A_1637 = arith.constant 16 : i32
        %mul3A_1638 = arith.muli %add3A_1636, %mul3A_1637 : i32
        %swap3A_1639 = arith.index_cast %mul3A_1638 : i32 to index
        %swap3A_1640 = tpu.vector_load %arg13[%swap3A_1639] {strides = array<i32>} : memref<39936xf32, #tpu.memory_space<vmem>>, vector<16xf32>,
        %swap3A_1641 = vector.shape_cast %swap3A_1640 : vector<16xf32> to vector<16xf32>
        %swap3A_1642 = vector.shape_cast %add3A_1632 : vector<16xf32> to vector<16xf32>
        tpu.vector_store %arg13[%swap3A_1639], %swap3A_1642 {strides = array<i32>} : memref<39936xf32, #tpu.memory_space<vmem>>, vector<16xf32>,
        %mul3A_1643 = arith.constant 26 : i32
        %mul3A_1644 = arith.muli %scan3A_978, %mul3A_1643 : i32
        %add3A_1645 = arith.constant 15 : i32
        %add3A_1646 = arith.addi %mul3A_1644, %add3A_1645 : i32
        %get3A_1647 = arith.index_cast %add3A_1646 : i32 to index
        %get3A_1648 = arith.constant 0 : index
        %get3A_1649 = tpu.vector_load %arg12[%get3A_1647, %get3A_1648] {strides = array<i32>} : memref<1664x16xf32, #tpu.memory_space<vmem>>, vector<1x16xf32>,
        %get3A_1650 = vector.shape_cast %get3A_1649 : vector<1x16xf32> to vector<16xf32>
        %get3A_1651 = arith.constant 28 : i32
        %get3A_1652 = arith.index_cast %get3A_1651 : i32 to index
        %get3A_1653 = arith.constant 0 : index
        %get3A_1654 = tpu.vector_load %arg16[%get3A_1652, %get3A_1653] {strides = array<i32>} : memref<39x16xf32, #tpu.memory_space<vmem>>, vector<1x16xf32>,
        %get3A_1655 = vector.shape_cast %get3A_1654 : vector<1x16xf32> to vector<16xf32>
        %add3A_1656 = arith.addf %get3A_1650, %get3A_1655 : vector<16xf32>
        %add3A_1657 = arith.constant 13 : i32
        %add3A_1658 = arith.addi %mul3A_985, %add3A_1657 : i32
        %add3A_1659 = arith.constant 15 : i32
        %add3A_1660 = arith.addi %add3A_1658, %add3A_1659 : i32
        %mul3A_1661 = arith.constant 16 : i32
        %mul3A_1662 = arith.muli %add3A_1660, %mul3A_1661 : i32
        %swap3A_1663 = arith.index_cast %mul3A_1662 : i32 to index
        %swap3A_1664 = tpu.vector_load %arg13[%swap3A_1663] {strides = array<i32>} : memref<39936xf32, #tpu.memory_space<vmem>>, vector<16xf32>,
        %swap3A_1665 = vector.shape_cast %swap3A_1664 : vector<16xf32> to vector<16xf32>
        %swap3A_1666 = vector.shape_cast %add3A_1656 : vector<16xf32> to vector<16xf32>
        tpu.vector_store %arg13[%swap3A_1663], %swap3A_1666 {strides = array<i32>} : memref<39936xf32, #tpu.memory_space<vmem>>, vector<16xf32>,
        %mul3A_1667 = arith.constant 26 : i32
        %mul3A_1668 = arith.muli %scan3A_978, %mul3A_1667 : i32
        %add3A_1669 = arith.constant 16 : i32
        %add3A_1670 = arith.addi %mul3A_1668, %add3A_1669 : i32
        %get3A_1671 = arith.index_cast %add3A_1670 : i32 to index
        %get3A_1672 = arith.constant 0 : index
        %get3A_1673 = tpu.vector_load %arg12[%get3A_1671, %get3A_1672] {strides = array<i32>} : memref<1664x16xf32, #tpu.memory_space<vmem>>, vector<1x16xf32>,
        %get3A_1674 = vector.shape_cast %get3A_1673 : vector<1x16xf32> to vector<16xf32>
        %get3A_1675 = arith.constant 29 : i32
        %get3A_1676 = arith.index_cast %get3A_1675 : i32 to index
        %get3A_1677 = arith.constant 0 : index
        %get3A_1678 = tpu.vector_load %arg16[%get3A_1676, %get3A_1677] {strides = array<i32>} : memref<39x16xf32, #tpu.memory_space<vmem>>, vector<1x16xf32>,
        %get3A_1679 = vector.shape_cast %get3A_1678 : vector<1x16xf32> to vector<16xf32>
        %add3A_1680 = arith.addf %get3A_1674, %get3A_1679 : vector<16xf32>
        %add3A_1681 = arith.constant 13 : i32
        %add3A_1682 = arith.addi %mul3A_985, %add3A_1681 : i32
        %add3A_1683 = arith.constant 16 : i32
        %add3A_1684 = arith.addi %add3A_1682, %add3A_1683 : i32
        %mul3A_1685 = arith.constant 16 : i32
        %mul3A_1686 = arith.muli %add3A_1684, %mul3A_1685 : i32
        %swap3A_1687 = arith.index_cast %mul3A_1686 : i32 to index
        %swap3A_1688 = tpu.vector_load %arg13[%swap3A_1687] {strides = array<i32>} : memref<39936xf32, #tpu.memory_space<vmem>>, vector<16xf32>,
        %swap3A_1689 = vector.shape_cast %swap3A_1688 : vector<16xf32> to vector<16xf32>
        %swap3A_1690 = vector.shape_cast %add3A_1680 : vector<16xf32> to vector<16xf32>
        tpu.vector_store %arg13[%swap3A_1687], %swap3A_1690 {strides = array<i32>} : memref<39936xf32, #tpu.memory_space<vmem>>, vector<16xf32>,
        %mul3A_1691 = arith.constant 26 : i32
        %mul3A_1692 = arith.muli %scan3A_978, %mul3A_1691 : i32
        %add3A_1693 = arith.constant 17 : i32
        %add3A_1694 = arith.addi %mul3A_1692, %add3A_1693 : i32
        %get3A_1695 = arith.index_cast %add3A_1694 : i32 to index
        %get3A_1696 = arith.constant 0 : index
        %get3A_1697 = tpu.vector_load %arg12[%get3A_1695, %get3A_1696] {strides = array<i32>} : memref<1664x16xf32, #tpu.memory_space<vmem>>, vector<1x16xf32>,
        %get3A_1698 = vector.shape_cast %get3A_1697 : vector<1x16xf32> to vector<16xf32>
        %get3A_1699 = arith.constant 30 : i32
        %get3A_1700 = arith.index_cast %get3A_1699 : i32 to index
        %get3A_1701 = arith.constant 0 : index
        %get3A_1702 = tpu.vector_load %arg16[%get3A_1700, %get3A_1701] {strides = array<i32>} : memref<39x16xf32, #tpu.memory_space<vmem>>, vector<1x16xf32>,
        %get3A_1703 = vector.shape_cast %get3A_1702 : vector<1x16xf32> to vector<16xf32>
        %add3A_1704 = arith.addf %get3A_1698, %get3A_1703 : vector<16xf32>
        %add3A_1705 = arith.constant 13 : i32
        %add3A_1706 = arith.addi %mul3A_985, %add3A_1705 : i32
        %add3A_1707 = arith.constant 17 : i32
        %add3A_1708 = arith.addi %add3A_1706, %add3A_1707 : i32
        %mul3A_1709 = arith.constant 16 : i32
        %mul3A_1710 = arith.muli %add3A_1708, %mul3A_1709 : i32
        %swap3A_1711 = arith.index_cast %mul3A_1710 : i32 to index
        %swap3A_1712 = tpu.vector_load %arg13[%swap3A_1711] {strides = array<i32>} : memref<39936xf32, #tpu.memory_space<vmem>>, vector<16xf32>,
        %swap3A_1713 = vector.shape_cast %swap3A_1712 : vector<16xf32> to vector<16xf32>
        %swap3A_1714 = vector.shape_cast %add3A_1704 : vector<16xf32> to vector<16xf32>
        tpu.vector_store %arg13[%swap3A_1711], %swap3A_1714 {strides = array<i32>} : memref<39936xf32, #tpu.memory_space<vmem>>, vector<16xf32>,
        %mul3A_1715 = arith.constant 26 : i32
        %mul3A_1716 = arith.muli %scan3A_978, %mul3A_1715 : i32
        %add3A_1717 = arith.constant 18 : i32
        %add3A_1718 = arith.addi %mul3A_1716, %add3A_1717 : i32
        %get3A_1719 = arith.index_cast %add3A_1718 : i32 to index
        %get3A_1720 = arith.constant 0 : index
        %get3A_1721 = tpu.vector_load %arg12[%get3A_1719, %get3A_1720] {strides = array<i32>} : memref<1664x16xf32, #tpu.memory_space<vmem>>, vector<1x16xf32>,
        %get3A_1722 = vector.shape_cast %get3A_1721 : vector<1x16xf32> to vector<16xf32>
        %get3A_1723 = arith.constant 31 : i32
        %get3A_1724 = arith.index_cast %get3A_1723 : i32 to index
        %get3A_1725 = arith.constant 0 : index
        %get3A_1726 = tpu.vector_load %arg16[%get3A_1724, %get3A_1725] {strides = array<i32>} : memref<39x16xf32, #tpu.memory_space<vmem>>, vector<1x16xf32>,
        %get3A_1727 = vector.shape_cast %get3A_1726 : vector<1x16xf32> to vector<16xf32>
        %add3A_1728 = arith.addf %get3A_1722, %get3A_1727 : vector<16xf32>
        %add3A_1729 = arith.constant 13 : i32
        %add3A_1730 = arith.addi %mul3A_985, %add3A_1729 : i32
        %add3A_1731 = arith.constant 18 : i32
        %add3A_1732 = arith.addi %add3A_1730, %add3A_1731 : i32
        %mul3A_1733 = arith.constant 16 : i32
        %mul3A_1734 = arith.muli %add3A_1732, %mul3A_1733 : i32
        %swap3A_1735 = arith.index_cast %mul3A_1734 : i32 to index
        %swap3A_1736 = tpu.vector_load %arg13[%swap3A_1735] {strides = array<i32>} : memref<39936xf32, #tpu.memory_space<vmem>>, vector<16xf32>,
        %swap3A_1737 = vector.shape_cast %swap3A_1736 : vector<16xf32> to vector<16xf32>
        %swap3A_1738 = vector.shape_cast %add3A_1728 : vector<16xf32> to vector<16xf32>
        tpu.vector_store %arg13[%swap3A_1735], %swap3A_1738 {strides = array<i32>} : memref<39936xf32, #tpu.memory_space<vmem>>, vector<16xf32>,
        %mul3A_1739 = arith.constant 26 : i32
        %mul3A_1740 = arith.muli %scan3A_978, %mul3A_1739 : i32
        %add3A_1741 = arith.constant 19 : i32
        %add3A_1742 = arith.addi %mul3A_1740, %add3A_1741 : i32
        %get3A_1743 = arith.index_cast %add3A_1742 : i32 to index
        %get3A_1744 = arith.constant 0 : index
        %get3A_1745 = tpu.vector_load %arg12[%get3A_1743, %get3A_1744] {strides = array<i32>} : memref<1664x16xf32, #tpu.memory_space<vmem>>, vector<1x16xf32>,
        %get3A_1746 = vector.shape_cast %get3A_1745 : vector<1x16xf32> to vector<16xf32>
        %get3A_1747 = arith.constant 32 : i32
        %get3A_1748 = arith.index_cast %get3A_1747 : i32 to index
        %get3A_1749 = arith.constant 0 : index
        %get3A_1750 = tpu.vector_load %arg16[%get3A_1748, %get3A_1749] {strides = array<i32>} : memref<39x16xf32, #tpu.memory_space<vmem>>, vector<1x16xf32>,
        %get3A_1751 = vector.shape_cast %get3A_1750 : vector<1x16xf32> to vector<16xf32>
        %add3A_1752 = arith.addf %get3A_1746, %get3A_1751 : vector<16xf32>
        %add3A_1753 = arith.constant 13 : i32
        %add3A_1754 = arith.addi %mul3A_985, %add3A_1753 : i32
        %add3A_1755 = arith.constant 19 : i32
        %add3A_1756 = arith.addi %add3A_1754, %add3A_1755 : i32
        %mul3A_1757 = arith.constant 16 : i32
        %mul3A_1758 = arith.muli %add3A_1756, %mul3A_1757 : i32
        %swap3A_1759 = arith.index_cast %mul3A_1758 : i32 to index
        %swap3A_1760 = tpu.vector_load %arg13[%swap3A_1759] {strides = array<i32>} : memref<39936xf32, #tpu.memory_space<vmem>>, vector<16xf32>,
        %swap3A_1761 = vector.shape_cast %swap3A_1760 : vector<16xf32> to vector<16xf32>
        %swap3A_1762 = vector.shape_cast %add3A_1752 : vector<16xf32> to vector<16xf32>
        tpu.vector_store %arg13[%swap3A_1759], %swap3A_1762 {strides = array<i32>} : memref<39936xf32, #tpu.memory_space<vmem>>, vector<16xf32>,
        %mul3A_1763 = arith.constant 26 : i32
        %mul3A_1764 = arith.muli %scan3A_978, %mul3A_1763 : i32
        %add3A_1765 = arith.constant 20 : i32
        %add3A_1766 = arith.addi %mul3A_1764, %add3A_1765 : i32
        %get3A_1767 = arith.index_cast %add3A_1766 : i32 to index
        %get3A_1768 = arith.constant 0 : index
        %get3A_1769 = tpu.vector_load %arg12[%get3A_1767, %get3A_1768] {strides = array<i32>} : memref<1664x16xf32, #tpu.memory_space<vmem>>, vector<1x16xf32>,
        %get3A_1770 = vector.shape_cast %get3A_1769 : vector<1x16xf32> to vector<16xf32>
        %get3A_1771 = arith.constant 33 : i32
        %get3A_1772 = arith.index_cast %get3A_1771 : i32 to index
        %get3A_1773 = arith.constant 0 : index
        %get3A_1774 = tpu.vector_load %arg16[%get3A_1772, %get3A_1773] {strides = array<i32>} : memref<39x16xf32, #tpu.memory_space<vmem>>, vector<1x16xf32>,
        %get3A_1775 = vector.shape_cast %get3A_1774 : vector<1x16xf32> to vector<16xf32>
        %add3A_1776 = arith.addf %get3A_1770, %get3A_1775 : vector<16xf32>
        %add3A_1777 = arith.constant 13 : i32
        %add3A_1778 = arith.addi %mul3A_985, %add3A_1777 : i32
        %add3A_1779 = arith.constant 20 : i32
        %add3A_1780 = arith.addi %add3A_1778, %add3A_1779 : i32
        %mul3A_1781 = arith.constant 16 : i32
        %mul3A_1782 = arith.muli %add3A_1780, %mul3A_1781 : i32
        %swap3A_1783 = arith.index_cast %mul3A_1782 : i32 to index
        %swap3A_1784 = tpu.vector_load %arg13[%swap3A_1783] {strides = array<i32>} : memref<39936xf32, #tpu.memory_space<vmem>>, vector<16xf32>,
        %swap3A_1785 = vector.shape_cast %swap3A_1784 : vector<16xf32> to vector<16xf32>
        %swap3A_1786 = vector.shape_cast %add3A_1776 : vector<16xf32> to vector<16xf32>
        tpu.vector_store %arg13[%swap3A_1783], %swap3A_1786 {strides = array<i32>} : memref<39936xf32, #tpu.memory_space<vmem>>, vector<16xf32>,
        %mul3A_1787 = arith.constant 26 : i32
        %mul3A_1788 = arith.muli %scan3A_978, %mul3A_1787 : i32
        %add3A_1789 = arith.constant 21 : i32
        %add3A_1790 = arith.addi %mul3A_1788, %add3A_1789 : i32
        %get3A_1791 = arith.index_cast %add3A_1790 : i32 to index
        %get3A_1792 = arith.constant 0 : index
        %get3A_1793 = tpu.vector_load %arg12[%get3A_1791, %get3A_1792] {strides = array<i32>} : memref<1664x16xf32, #tpu.memory_space<vmem>>, vector<1x16xf32>,
        %get3A_1794 = vector.shape_cast %get3A_1793 : vector<1x16xf32> to vector<16xf32>
        %get3A_1795 = arith.constant 34 : i32
        %get3A_1796 = arith.index_cast %get3A_1795 : i32 to index
        %get3A_1797 = arith.constant 0 : index
        %get3A_1798 = tpu.vector_load %arg16[%get3A_1796, %get3A_1797] {strides = array<i32>} : memref<39x16xf32, #tpu.memory_space<vmem>>, vector<1x16xf32>,
        %get3A_1799 = vector.shape_cast %get3A_1798 : vector<1x16xf32> to vector<16xf32>
        %add3A_1800 = arith.addf %get3A_1794, %get3A_1799 : vector<16xf32>
        %add3A_1801 = arith.constant 13 : i32
        %add3A_1802 = arith.addi %mul3A_985, %add3A_1801 : i32
        %add3A_1803 = arith.constant 21 : i32
        %add3A_1804 = arith.addi %add3A_1802, %add3A_1803 : i32
        %mul3A_1805 = arith.constant 16 : i32
        %mul3A_1806 = arith.muli %add3A_1804, %mul3A_1805 : i32
        %swap3A_1807 = arith.index_cast %mul3A_1806 : i32 to index
        %swap3A_1808 = tpu.vector_load %arg13[%swap3A_1807] {strides = array<i32>} : memref<39936xf32, #tpu.memory_space<vmem>>, vector<16xf32>,
        %swap3A_1809 = vector.shape_cast %swap3A_1808 : vector<16xf32> to vector<16xf32>
        %swap3A_1810 = vector.shape_cast %add3A_1800 : vector<16xf32> to vector<16xf32>
        tpu.vector_store %arg13[%swap3A_1807], %swap3A_1810 {strides = array<i32>} : memref<39936xf32, #tpu.memory_space<vmem>>, vector<16xf32>,
        %mul3A_1811 = arith.constant 26 : i32
        %mul3A_1812 = arith.muli %scan3A_978, %mul3A_1811 : i32
        %add3A_1813 = arith.constant 22 : i32
        %add3A_1814 = arith.addi %mul3A_1812, %add3A_1813 : i32
        %get3A_1815 = arith.index_cast %add3A_1814 : i32 to index
        %get3A_1816 = arith.constant 0 : index
        %get3A_1817 = tpu.vector_load %arg12[%get3A_1815, %get3A_1816] {strides = array<i32>} : memref<1664x16xf32, #tpu.memory_space<vmem>>, vector<1x16xf32>,
        %get3A_1818 = vector.shape_cast %get3A_1817 : vector<1x16xf32> to vector<16xf32>
        %get3A_1819 = arith.constant 35 : i32
        %get3A_1820 = arith.index_cast %get3A_1819 : i32 to index
        %get3A_1821 = arith.constant 0 : index
        %get3A_1822 = tpu.vector_load %arg16[%get3A_1820, %get3A_1821] {strides = array<i32>} : memref<39x16xf32, #tpu.memory_space<vmem>>, vector<1x16xf32>,
        %get3A_1823 = vector.shape_cast %get3A_1822 : vector<1x16xf32> to vector<16xf32>
        %add3A_1824 = arith.addf %get3A_1818, %get3A_1823 : vector<16xf32>
        %add3A_1825 = arith.constant 13 : i32
        %add3A_1826 = arith.addi %mul3A_985, %add3A_1825 : i32
        %add3A_1827 = arith.constant 22 : i32
        %add3A_1828 = arith.addi %add3A_1826, %add3A_1827 : i32
        %mul3A_1829 = arith.constant 16 : i32
        %mul3A_1830 = arith.muli %add3A_1828, %mul3A_1829 : i32
        %swap3A_1831 = arith.index_cast %mul3A_1830 : i32 to index
        %swap3A_1832 = tpu.vector_load %arg13[%swap3A_1831] {strides = array<i32>} : memref<39936xf32, #tpu.memory_space<vmem>>, vector<16xf32>,
        %swap3A_1833 = vector.shape_cast %swap3A_1832 : vector<16xf32> to vector<16xf32>
        %swap3A_1834 = vector.shape_cast %add3A_1824 : vector<16xf32> to vector<16xf32>
        tpu.vector_store %arg13[%swap3A_1831], %swap3A_1834 {strides = array<i32>} : memref<39936xf32, #tpu.memory_space<vmem>>, vector<16xf32>,
        %mul3A_1835 = arith.constant 26 : i32
        %mul3A_1836 = arith.muli %scan3A_978, %mul3A_1835 : i32
        %add3A_1837 = arith.constant 23 : i32
        %add3A_1838 = arith.addi %mul3A_1836, %add3A_1837 : i32
        %get3A_1839 = arith.index_cast %add3A_1838 : i32 to index
        %get3A_1840 = arith.constant 0 : index
        %get3A_1841 = tpu.vector_load %arg12[%get3A_1839, %get3A_1840] {strides = array<i32>} : memref<1664x16xf32, #tpu.memory_space<vmem>>, vector<1x16xf32>,
        %get3A_1842 = vector.shape_cast %get3A_1841 : vector<1x16xf32> to vector<16xf32>
        %get3A_1843 = arith.constant 36 : i32
        %get3A_1844 = arith.index_cast %get3A_1843 : i32 to index
        %get3A_1845 = arith.constant 0 : index
        %get3A_1846 = tpu.vector_load %arg16[%get3A_1844, %get3A_1845] {strides = array<i32>} : memref<39x16xf32, #tpu.memory_space<vmem>>, vector<1x16xf32>,
        %get3A_1847 = vector.shape_cast %get3A_1846 : vector<1x16xf32> to vector<16xf32>
        %add3A_1848 = arith.addf %get3A_1842, %get3A_1847 : vector<16xf32>
        %add3A_1849 = arith.constant 13 : i32
        %add3A_1850 = arith.addi %mul3A_985, %add3A_1849 : i32
        %add3A_1851 = arith.constant 23 : i32
        %add3A_1852 = arith.addi %add3A_1850, %add3A_1851 : i32
        %mul3A_1853 = arith.constant 16 : i32
        %mul3A_1854 = arith.muli %add3A_1852, %mul3A_1853 : i32
        %swap3A_1855 = arith.index_cast %mul3A_1854 : i32 to index
        %swap3A_1856 = tpu.vector_load %arg13[%swap3A_1855] {strides = array<i32>} : memref<39936xf32, #tpu.memory_space<vmem>>, vector<16xf32>,
        %swap3A_1857 = vector.shape_cast %swap3A_1856 : vector<16xf32> to vector<16xf32>
        %swap3A_1858 = vector.shape_cast %add3A_1848 : vector<16xf32> to vector<16xf32>
        tpu.vector_store %arg13[%swap3A_1855], %swap3A_1858 {strides = array<i32>} : memref<39936xf32, #tpu.memory_space<vmem>>, vector<16xf32>,
        %mul3A_1859 = arith.constant 26 : i32
        %mul3A_1860 = arith.muli %scan3A_978, %mul3A_1859 : i32
        %add3A_1861 = arith.constant 24 : i32
        %add3A_1862 = arith.addi %mul3A_1860, %add3A_1861 : i32
        %get3A_1863 = arith.index_cast %add3A_1862 : i32 to index
        %get3A_1864 = arith.constant 0 : index
        %get3A_1865 = tpu.vector_load %arg12[%get3A_1863, %get3A_1864] {strides = array<i32>} : memref<1664x16xf32, #tpu.memory_space<vmem>>, vector<1x16xf32>,
        %get3A_1866 = vector.shape_cast %get3A_1865 : vector<1x16xf32> to vector<16xf32>
        %get3A_1867 = arith.constant 37 : i32
        %get3A_1868 = arith.index_cast %get3A_1867 : i32 to index
        %get3A_1869 = arith.constant 0 : index
        %get3A_1870 = tpu.vector_load %arg16[%get3A_1868, %get3A_1869] {strides = array<i32>} : memref<39x16xf32, #tpu.memory_space<vmem>>, vector<1x16xf32>,
        %get3A_1871 = vector.shape_cast %get3A_1870 : vector<1x16xf32> to vector<16xf32>
        %add3A_1872 = arith.addf %get3A_1866, %get3A_1871 : vector<16xf32>
        %add3A_1873 = arith.constant 13 : i32
        %add3A_1874 = arith.addi %mul3A_985, %add3A_1873 : i32
        %add3A_1875 = arith.constant 24 : i32
        %add3A_1876 = arith.addi %add3A_1874, %add3A_1875 : i32
        %mul3A_1877 = arith.constant 16 : i32
        %mul3A_1878 = arith.muli %add3A_1876, %mul3A_1877 : i32
        %swap3A_1879 = arith.index_cast %mul3A_1878 : i32 to index
        %swap3A_1880 = tpu.vector_load %arg13[%swap3A_1879] {strides = array<i32>} : memref<39936xf32, #tpu.memory_space<vmem>>, vector<16xf32>,
        %swap3A_1881 = vector.shape_cast %swap3A_1880 : vector<16xf32> to vector<16xf32>
        %swap3A_1882 = vector.shape_cast %add3A_1872 : vector<16xf32> to vector<16xf32>
        tpu.vector_store %arg13[%swap3A_1879], %swap3A_1882 {strides = array<i32>} : memref<39936xf32, #tpu.memory_space<vmem>>, vector<16xf32>,
        %mul3A_1883 = arith.constant 26 : i32
        %mul3A_1884 = arith.muli %scan3A_978, %mul3A_1883 : i32
        %add3A_1885 = arith.constant 25 : i32
        %add3A_1886 = arith.addi %mul3A_1884, %add3A_1885 : i32
        %get3A_1887 = arith.index_cast %add3A_1886 : i32 to index
        %get3A_1888 = arith.constant 0 : index
        %get3A_1889 = tpu.vector_load %arg12[%get3A_1887, %get3A_1888] {strides = array<i32>} : memref<1664x16xf32, #tpu.memory_space<vmem>>, vector<1x16xf32>,
        %get3A_1890 = vector.shape_cast %get3A_1889 : vector<1x16xf32> to vector<16xf32>
        %get3A_1891 = arith.constant 38 : i32
        %get3A_1892 = arith.index_cast %get3A_1891 : i32 to index
        %get3A_1893 = arith.constant 0 : index
        %get3A_1894 = tpu.vector_load %arg16[%get3A_1892, %get3A_1893] {strides = array<i32>} : memref<39x16xf32, #tpu.memory_space<vmem>>, vector<1x16xf32>,
        %get3A_1895 = vector.shape_cast %get3A_1894 : vector<1x16xf32> to vector<16xf32>
        %add3A_1896 = arith.addf %get3A_1890, %get3A_1895 : vector<16xf32>
        %add3A_1897 = arith.constant 13 : i32
        %add3A_1898 = arith.addi %mul3A_985, %add3A_1897 : i32
        %add3A_1899 = arith.constant 25 : i32
        %add3A_1900 = arith.addi %add3A_1898, %add3A_1899 : i32
        %mul3A_1901 = arith.constant 16 : i32
        %mul3A_1902 = arith.muli %add3A_1900, %mul3A_1901 : i32
        %swap3A_1903 = arith.index_cast %mul3A_1902 : i32 to index
        %swap3A_1904 = tpu.vector_load %arg13[%swap3A_1903] {strides = array<i32>} : memref<39936xf32, #tpu.memory_space<vmem>>, vector<16xf32>,
        %swap3A_1905 = vector.shape_cast %swap3A_1904 : vector<16xf32> to vector<16xf32>
        %swap3A_1906 = vector.shape_cast %add3A_1896 : vector<16xf32> to vector<16xf32>
        tpu.vector_store %arg13[%swap3A_1903], %swap3A_1906 {strides = array<i32>} : memref<39936xf32, #tpu.memory_space<vmem>>, vector<16xf32>,
      }
      %scan3A_972 = arith.constant 64 : i32
      %mul3A_973 = arith.constant 8 : i32
      %mul3A_974 = arith.muli %add3A, %mul3A_973 : i32
      %add3A_975 = arith.addi %mul3A_974, %scan3A_675 : i32
      %mul3A_976 = arith.constant 39936 : i32
      %mul3A_977 = arith.muli %add3A_975, %mul3A_976 : i32
      "tpu.region"() ({
        %run_scoped3A = tpu.sem_alloc : memref<!tpu.dma_semaphore, #tpu.memory_space<semaphore_mem>>
        %dma_start3A_978 = tpu.memref_slice %arg9[%mul3A_977] : memref<10223616xf32, #tpu.memory_space<hbm>> -> memref<39936xf32, #tpu.memory_space<hbm>>
        %dma_start3A_979 = tpu.memref_slice %arg9[%mul3A_977] : memref<10223616xf32, #tpu.memory_space<hbm>> -> memref<39936xf32, #tpu.memory_space<hbm>>
        tpu.enqueue_dma source(%arg13 : memref<39936xf32, #tpu.memory_space<vmem>>) target(%dma_start3A_979 : memref<39936xf32, #tpu.memory_space<hbm>>) target_semaphore(%run_scoped3A : memref<!tpu.dma_semaphore, #tpu.memory_space<semaphore_mem>>)
        %dma_wait3A_980 = tpu.memref_slice %arg9[%mul3A_977] : memref<10223616xf32, #tpu.memory_space<hbm>> -> memref<39936xf32, #tpu.memory_space<hbm>>
        %dma_wait3A_981 = tpu.memref_slice %arg9[%mul3A_977] : memref<10223616xf32, #tpu.memory_space<hbm>> -> memref<39936xf32, #tpu.memory_space<hbm>>
        tpu.wait_dma2 semaphore(%run_scoped3A : memref<!tpu.dma_semaphore, #tpu.memory_space<semaphore_mem>>) src(%arg13 : memref<39936xf32, #tpu.memory_space<vmem>>) dst(%dma_wait3A_981 : memref<39936xf32, #tpu.memory_space<hbm>>)
        tpu.yield
      }) : () -> ()
    }
    %scan3A_674 = arith.constant 8 : i32
    return
  }
}

</mosaic_0001>

<sc_bundles>
// kernel: kernel.3.cloned.1.call-start
scs
__scs_entry_jumppad:
0x0: {  	(pc) =	sbr.rel $0x88, $3  }
0x1: {  	(tag) =	ssettag $0x0;
	lr =	simm.s32 $0x1  }
0x2: {  	[smem:$0x3F9C] =	sst lr;
	_ =	strace $0xD0000000  }
0x3: {  	_ = 	snop  }
0x4: {  	_ = 	snop  }
0x5: {  	_ = 	snop  }
0x6: {  	_ = 	snop  }
0x7: {  	_ = 	snop  }
__scs_overlays_trampoline_lowered:
0x8: {  	[smem:$0x3FAB] =	sst s0  }
0x9: {  	[smem:$0x3FAC] =	sst s1  }
0xa: {  	[smem:$0x3FAD] =	sst s2  }
0xb: {  	[smem:$0x3FAE] =	sst s3  }
0xc: {  	[smem:$0x3FAF] =	sst s4  }
0xd: {  	[smem:$0x3FB0] =	sst s5  }
0xe: {  	[smem:$0x3FB1] =	sst s6  }
0xf: {  	[smem:$0x3FB2] =	sst s7  }
0x10: {  	[smem:$0x3FB3] =	sst s8  }
0x11: {  	[smem:$0x3FB4] =	sst s9;
	s0 =	simm.s32 @!p0 $0x0  }
0x12: {  	s1 =	sld [smem:$0x3F9A];
	s0 =	simm.s32 @p0 $0x1  }
0x13: {  	[smem:$0x3FB5] =	sst s0;
	s0 =	simm.s32 @!p1 $0x0  }
0x14: {  	s2 =	sld [smem:$0x3F99];
	s0 =	simm.s32 @p1 $0x1  }
0x15: {  	[smem:$0x3FB6] =	sst s0;
	s0 =	simm.s32 @!p2 $0x0  }
0x16: {  	s3 =	sld [smem:$0x3FDB];
	s0 =	simm.s32 @p2 $0x1  }
0x17: {  	s4 =	simm.s32 $0x1BF5;
	[smem:$0x3FB8] =	sst s0  }
0x18: {  	s0 =	sld [smem:$0x3F9B];
	_ =	swait.ge [sflag:s4], $0x0  }
0x19: {  	s7 =	sld [smem:$0x3F9C]  }
0x1a: {  	s8 =	sadd.s32 $0xFFFFE003, lr  }
0x1b: {  	s9 =	sadd.s32 $0xFFFFFEF7, lr;
	s5 =	simm.s32 $0xFFFFFFFF;
	p2 =	slt.u32 s8, $0xFFFFF086  }
0x1c: {  	p1 =	slt.u32 s9, $0xF7A;
	s5 =	simm.s32 @!p2 $0x0  }
0x1d: {  	s5 =	simm.s32 @p1 $0x1;
	p0 =	seq.s32 s7, s2  }
0x1e: {  	s7 =	smul.u32 @!p0 $0xF7A, s2;
	p2 =	seq.s32 @!p0 s5, $0x0  }
0x1f: {  	s9 =	smul.u32 $0xF7A, s1;
	s8 =	simm.s32 @!p0 $0x1BF5;
	p2 =	por !p2, p0  }
0x20: {  	[sflag:s8] =	ssyncset.s32 @!p0 $0xFFFFF086;
	s6 =	sadd.s32 @!p0 s3, s7;
	s7 =	simm.s32 @!p0 $0x108  }
0x21: {  	s3 =	sadd.s32 s3, s9;
	s6 =	sadd.s32 @!p0 $0x88, s6;
	s7 =	simm.s32 @p2 $0x1082  }
0x22: {  	[simem:s7], [sflag:s8] =	dma.local @!p0 [hbm:s6], $0xF7A  }
0x23: {  	s9 =	sor.u32 $0xD0000000, s2;
	s6 =	simm.s32 $0x108;
	_ =	swait.ge @!p0 [sflag:s8], $0x0  }
0x24: {  	s3 =	sadd.s32 $0x88, s3;
	s6 =	simm.s32 @!p1 $0x1082;
	[sflag:s4] =	ssyncset.s32 $0xFFFFF086  }
0x25: {  	[simem:s6], [sflag:s4] =	dma.local [hbm:s3], $0xF7A  }
0x26: {  	[smem:$0x3F9C] =	sst s1;
	(tag) =	ssettag s2;
	_ =	strace s9  }
0x27: {  	s1 =	sld [smem:$0x3FAC]  }
0x28: {  	s2 =	sld [smem:$0x3FAD]  }
0x29: {  	s4 =	sld [smem:$0x3FAF]  }
0x2a: {  	p0 =	seq.s32 s5, $0x0;
	s5 =	sld [smem:$0x3FB0]  }
0x2b: {  	s6 =	sld [smem:$0x3FB1]  }
0x2c: {  	s7 =	sld [smem:$0x3FB2]  }
0x2d: {  	s3 =	simm.s32 $0x108;
	s8 =	sld [smem:$0x3FB3]  }
0x2e: {  	s3 =	simm.s32 @!p0 $0x1082;
	s9 =	sld [smem:$0x3FB4]  }
0x2f: {  	lr =	sadd.s32 s0, s3;
	s0 =	sld [smem:$0x3FAB]  }
0x30: {  	s3 =	sld [smem:$0x3FAE]  }
0x31: {  	[smem:$0x3FB7] =	sst s10  }
0x32: {  	s10 =	sld [smem:$0x3FB5];
	_ =	sdelay $0x3  }
0x33: {  	p0 =	seq.s32 s10, $0x1;
	s10 =	sld [smem:$0x3FB7];
	_ =	sdelay $0x3  }
0x34: {  	[smem:$0x3FB7] =	sst s10  }
0x35: {  	s10 =	sld [smem:$0x3FB6];
	_ =	sdelay $0x3  }
0x36: {  	p1 =	seq.s32 s10, $0x1;
	s10 =	sld [smem:$0x3FB7];
	_ =	sdelay $0x3  }
0x37: {  	[smem:$0x3FB7] =	sst s10  }
0x38: {  	s10 =	sld [smem:$0x3FB8]  }
0x39: {  	_ = 	snop;
	(pc) =	sbr.ind lr, $3  }
0x3a: {  	_ = 	snop  }
0x3b: {  	_ = 	snop  }
0x3c: {  	p2 =	seq.s32 s10, $0x1;
	s10 =	sld [smem:$0x3FB7]  }
0x3d: {  	_ =	shalt  }
0x3e: {  	_ =	shalt  }
0x3f: {  	_ =	shalt  }
0x40: {  	_ =	shalt  }
0x41: {  	_ =	shalt  }
0x42: {  	_ =	shalt  }
0x43: {  	_ =	shalt  }
0x44: {  	_ =	shalt  }
0x45: {  	_ =	shalt  }
0x46: {  	_ =	shalt  }
0x47: {  	_ =	shalt  }
0x48: {  	_ =	shalt  }
0x49: {  	_ =	shalt  }
0x4a: {  	_ =	shalt  }
0x4b: {  	_ =	shalt  }
0x4c: {  	_ =	shalt  }
0x4d: {  	_ =	shalt  }
0x4e: {  	_ =	shalt  }
0x4f: {  	_ =	shalt  }
0x50: {  	_ =	shalt  }
0x51: {  	_ =	shalt  }
0x52: {  	_ =	shalt  }
0x53: {  	_ =	shalt  }
0x54: {  	_ =	shalt  }
0x55: {  	_ =	shalt  }
0x56: {  	_ =	shalt  }
0x57: {  	_ =	shalt  }
0x58: {  	_ =	shalt  }
0x59: {  	_ =	shalt  }
0x5a: {  	_ =	shalt  }
0x5b: {  	_ =	shalt  }
0x5c: {  	_ =	shalt  }
0x5d: {  	_ =	shalt  }
0x5e: {  	_ =	shalt  }
0x5f: {  	_ =	shalt  }
0x60: {  	_ =	shalt  }
0x61: {  	_ =	shalt  }
0x62: {  	_ =	shalt  }
0x63: {  	_ =	shalt  }
0x64: {  	_ =	shalt  }
0x65: {  	_ =	shalt  }
0x66: {  	_ =	shalt  }
0x67: {  	_ =	shalt  }
0x68: {  	_ =	shalt  }
0x69: {  	_ =	shalt  }
0x6a: {  	_ =	shalt  }
0x6b: {  	_ =	shalt  }
0x6c: {  	_ =	shalt  }
0x6d: {  	_ =	shalt  }
0x6e: {  	_ =	shalt  }
0x6f: {  	_ =	shalt  }
0x70: {  	_ =	shalt  }
0x71: {  	_ =	shalt  }
0x72: {  	_ =	shalt  }
0x73: {  	_ =	shalt  }
0x74: {  	_ =	shalt  }
0x75: {  	_ =	shalt  }
0x76: {  	_ =	shalt  }
0x77: {  	_ =	shalt  }
0x78: {  	_ =	shalt  }
0x79: {  	_ =	shalt  }
0x7a: {  	_ =	shalt  }
0x7b: {  	_ =	shalt  }
0x7c: {  	_ =	shalt  }
0x7d: {  	_ =	shalt  }
0x7e: {  	_ =	shalt  }
0x7f: {  	_ =	shalt  }
0x80: {  	_ =	shalt  }
0x81: {  	_ =	shalt  }
0x82: {  	_ =	shalt  }
0x83: {  	_ =	shalt  }
0x84: {  	_ =	shalt  }
0x85: {  	_ =	shalt  }
0x86: {  	_ =	shalt  }
0x87: {  	_ =	shalt  }
.Lfunc_end0:
.L_simem_size_0:
called_computation.1_lowered:
.L_overlay_start_0:
0x88: {  	s2 =	sld [smem:$0x3FD9]  }
0x89: {  	s3 =	sld [smem:$0x3FFE];
	_ =	sdelay $0x1  }
0x8a: {  	s1 =	srdreg.scid  }
0x8b: {  	s0 =	sand.u32 $0x1, s1  }
0x8c: {  	s17 =	sshll.u32 s0, $0xA;
	s2 =	sadd.s32 s3, s2  }
0x8d: {  	s2 =	sadd.s32 s2, s17  }
0x8e: {  	[smem:$0x3FC3] =	sst s2  }
0x8f: {  	_ = 	snop  }
0x90: {  	s2 =	sld [smem:$0x3FD0];
	(tm) =	ssettm $0x1  }
0x91: {  	s18 =	sld [smem:$0x3FFB];
	_ =	sdelay $0x3  }
0x92: {  	_ =	strace s18  }
0x93: {  	s3 =	sld [smem:$0x3FFC];
	_ =	sdelay $0x3  }
0x94: {  	_ =	strace s3  }
0x95: {  	s3 =	sld [smem:$0x3FFD];
	_ =	sdelay $0x3  }
0x96: {  	_ =	strace s3  }
0x97: {  	_ =	strace $0x8FFFFFFF  }
0x98: {  	s19 =	sld [smem:$0x3FDB];
	_ =	sdelay $0x1  }
0x99: {  	s4 =	simm.s32 $_scs_section_size  }
0x9a: {  	s5 =	simm.s32 $_size__tile_overlayer_lowered;
	s6 =	simm.s32 $_tile_overlayer_lowered  }
0x9b: {  	s22 =	simm.s32 $0x1BFF;
	s21 =	sshll.u32 s6, $0x1;
	s3 =	sadd.s32 s4, s19  }
0x9c: {  	s7 =	simm.s32 $0x0;
	s20 =	sshll.u32 s5, $0x1;
	s5 =	sadd.s32 s21, s3  }
0x9d: {  	[timem:s7], [sflag:s22] =	dma.local [hbm:s5], s20  }
0x9e: {  	_ =	swait.ge [sflag:s22], s20  }
0x9f: {  	s4 =	ssub.s32 $0x0, s20;
	[sflag:s22] =	ssyncset.done $0x0  }
0xa0: {  	[sflag:s22] =	ssyncadd.s32 s4;
	_ =	sdelay $0x1  }
0xa1: {  	s23 =	simm.s32 $0x1B8B  }
0xa2: {  	_ =	swait.ge [sflag:s23], $0x1  }
0xa3: {  	[sflag:s23] =	ssyncset.done $0x0  }
0xa4: {  	s25 =	simm.s32 $0x1B8E;
	s24 =	sld [smem:$0x3FFE];
	[sflag:s23] =	ssyncadd.s32 $0xFFFFFFFF  }
0xa5: {  	s26 =	simm.s32 $execute0_lowered;
	[smem:$0x3FD2] =	sst s25  }
0xa6: {  	s5 =	sshll.u32 s26, $0x1;
	_ =	strace $0x80000046;
	[dreg:$0x1] =	wrdreg $0xFFFFFFFF  }
0xa7: {  	s28 =	simm.s32 $_size_execute0_lowered;
	s3 =	sadd.s32 s3, s5;
	[dreg:$0x0] =	wrdreg $0x0  }
0xa8: {  	s5 =	sshll.u32 s28, $0x1;
	[dreg:$0x2] =	wrdreg s3  }
0xa9: {  	[dreg:$0x3] =	wrdreg s5  }
0xaa: {  	[dreg:$0x4] =	wrdreg $0xC0  }
0xab: {  	_ =	task [dreg:s7], $0x5FFFF  }
0xac: {  	[dreg:$0x1] =	wrdreg $0xFFFFFFFF  }
0xad: {  	[dreg:$0x0] =	wrdreg $0x60  }
0xae: {  	[dreg:$0x2] =	wrdreg s24  }
0xaf: {  	[dreg:$0x3] =	wrdreg s2  }
0xb0: {  	[dreg:$0x4] =	wrdreg $0x9  }
0xb1: {  	_ =	task.clear_ibuf [dreg:s7], $0x5FFFF;
	_ =	strace $0x90000046  }
0xb2: {  	s29 =	simm.s32 $0x9;
	_ =	strace $0x80000048  }
0xb3: {  	_ =	swait.ge [sflag:s29], $0x1  }
0xb4: {  	[sflag:s29] =	ssyncadd.s32 $0xFFFFFFFF  }
0xb5: {  	_ =	strace $0x90000048  }
0xb6: {  	_ =	sfence  }
0xb7: {  	s30 =	sld [smem:$0x0];
	_ =	sdelay $0x2  }
0xb8: {  	s31 =	sshll.u32 s1, $0xD;
	s1 =	sshrl.u32 s1, $0x2  }
0xb9: {  	s3 =	sand.u32 $0x4000, s31;
	s1 =	sadd.s32 s1, s30  }
0xba: {  	s0 =	sor.u32 s3, s0;
	s1 =	sshll.u32 s1, $0x11  }
0xbb: {  	s0 =	sor.u32 s1, s0  }
0xbc: {  	s0 =	sadd.s32 $0x8F2B, s0  }
0xbd: {  	[sflag:s0] =	ssyncadd.remote.s32 $0x1  }
0xbe: {  	_ =	sfence.sel $0xFFFF  }
0xbf: {  	[dreg:$0x0] =	wrdreg $0xFFFFFFFF;
	(pc) =	sbr.abs _section_cstart, $3  }
0xc0: {  	[dreg:$0x1] =	wrdreg $0xFFFFFFFF  }
0xc1: {  	_ =	task.clear_ibuf [dreg:s7], $0x2FFFF;
	_ =	strace $0x9FFFFFFF  }
0xc2: {  	(tm) =	ssettm $0x7FFFFFFF  }
0xc3: {  	_ =	shalt  }
tec
execute0_lowered:
.L_overlay_start_1:
0x0: {  	(tag) =	ssettag $0x1  }
0x1: {  	s0 =	srdreg.scid;
	s2 =	stileid.u32  }
0x2: {  	s1 =	rddreg [dreg:$0x0];
	s14 =	simm.s32 $0x2;
	s18 =	simm.s32 $0x13E80  }
0x3: {  	s19 =	simm.s32 $0x80;
	s20 =	simm.s32 $0x3A80;
	s21 =	simm.s32 $0x4280  }
0x4: {  	s22 =	simm.s32 $0x4A80;
	s28 =	simm.s32 $0x7280;
	s29 =	simm.s32 $0x7A80  }
0x5: {  	s30 =	simm.s32 $0x8280;
	s31 =	simm.s32 $0x8A80;
	s13 =	simm.s32 $0x1  }
0x6: {  	s15 =	simm.s32 $0xA280;
	s16 =	simm.s32 $0x0;
	s0 =	sand.u32 $0x1, s0  }
0x7: {  	s3 =	sshll.u32 s2, $0x1;
	s2 =	rddreg [dreg:$0x1];
	s7 =	sadd.s32 $0x16800, s1  }
0x8: {  	s23 =	sadd.s32 $0x16400, s1;
	s4 =	sor.u32 s0, s3;
	s3 =	simm.s32 $0x0  }
0x9: {  	s24 =	sadd.s32 $0x16600, s1;
	s8 =	sadd.s32 $0x16A00, s1;
	[smem:$0x7FF] =	sst s3  }
0xa: {  	s0 =	ssub.s32 $0x2, s0;
	_ =	strace $0x80000047;
	[dreg:$0x3] =	wrdreg s7  }
0xb: {  	s5 =	smul.u32 $0x680, s4;
	s6 =	sshll.u32 s4, $0xA;
	[dreg:$0x4] =	wrdreg s23  }
0xc: {  	s25 =	sshrl.u32 s0, $0x1;
	s11 =	sshll.u32 s4, $0x3;
	[dreg:$0x5] =	wrdreg s24  }
0xd: {  	s6 =	sadd.s32 s6, s1;
	[dreg:$0x6] =	wrdreg s8;
	s8 =	sadd.s32 $0x27AD800, s1  }
0xe: {  	s0 =	ssub.s32 s0, s25;
	s23 =	simm.s32 $0x5280;
	s24 =	simm.s32 $0x5A80  }
0xf: {  	s25 =	simm.s32 $0x6280;
	s5 =	sadd.s32 s5, s1;
	s10 =	sadd.s32 $0x1400, s6  }
0x10: {  	s12 =	smax.u32 s0, $0x1;
	s1 =	simm.s32 $0x9280;
	s26 =	sadd.s32 $0x9400, s5  }
0x11: {  	s0 =	simm.s32 $0x9A80;
	[dreg:$0x7] =	wrdreg s26;
	s26 =	simm.s32 $0x6A80  }
.LBB2_1:
0x12: {  	s4 =	rddreg [dreg:$0x3];
	s5 =	simm.s32 $0x14280  }
0x13: {  	[tilespmem:s5], [sflag:$0x2] =	stream.linear.gather [hbm4b:s4+s3], $0xD0, $0x38;
	[tilespmem:$0x14830] =	vst v63  }
0x14: {  	_ =	swait.ge [sflag:s14], $0xD0  }
0x15: {  	[sflag:s14] =	ssyncset.done $0x0  }
0x16: {  	s17 =	simm.s32 $0x14350;
	s9 =	rddreg [dreg:$0x4];
	[sflag:s14] =	ssyncadd.s32 $0xFFFFFF30  }
0x17: {  	[tilespmem:s17], [sflag:$0x2] =	stream.linear.gather [hbm4b:s9+s3], $0x270, $0x38;
	[tilespmem:$0x14830] =	vst v63  }
0x18: {  	_ =	swait.ge [sflag:s14], $0x270  }
0x19: {  	[sflag:s14] =	ssyncset.done $0x0  }
0x1a: {  	s7 =	simm.s32 $0x145C0;
	s6 =	rddreg [dreg:$0x5];
	[sflag:s14] =	ssyncadd.s32 $0xFFFFFD90  }
0x1b: {  	[tilespmem:s7], [sflag:$0x2] =	stream.linear.gather [hbm4b:s6+s3], $0x270, $0x38;
	[tilespmem:$0x14830] =	vst v63  }
0x1c: {  	_ =	swait.ge [sflag:s14], $0x270  }
0x1d: {  	[sflag:s14] =	ssyncset.done $0x0  }
0x1e: {  	s17 =	simm.s32 $0x3400;
	s9 =	rddreg [dreg:$0x6];
	[sflag:s14] =	ssyncadd.s32 $0xFFFFFD90  }
0x1f: {  	[tilespmem:s17], [sflag:$0x2] =	stream.linear.gather [hbm4b:s9+s3], $0x680, $0x38;
	[tilespmem:$0x14830] =	vst v63  }
0x20: {  	_ =	swait.ge [sflag:s14], $0x680  }
0x21: {  	[sflag:s14] =	ssyncset.done $0x0  }
0x22: {  	[sflag:s14] =	ssyncadd.s32 $0xFFFFF980  }
0x23: {  	v0 =	vld [tilespmem:$0x14350]  }
0x24: {  	v1 =	vld [tilespmem:$0x145C0]  }
0x25: {  	v2 =	vld [tilespmem:$0x14360]  }
0x26: {  	v3 =	vld [tilespmem:$0x145D0]  }
0x27: {  	v4 =	vld [tilespmem:$0x14370]  }
0x28: {  	v5 =	vld [tilespmem:$0x145E0]  }
0x29: {  	v6 =	vld [tilespmem:$0x14380]  }
0x2a: {  	v7 =	vld [tilespmem:$0x145F0]  }
0x2b: {  	v8 =	vld [tilespmem:$0x14390]  }
0x2c: {  	v9 =	vld [tilespmem:$0x14600]  }
0x2d: {  	v10 =	vld [tilespmem:$0x143A0]  }
0x2e: {  	v11 =	vld [tilespmem:$0x14610]  }
0x2f: {  	v12 =	vld [tilespmem:$0x143B0]  }
0x30: {  	v13 =	vld [tilespmem:$0x14620]  }
0x31: {  	v14 =	vld [tilespmem:$0x143C0]  }
0x32: {  	v15 =	vld [tilespmem:$0x14630]  }
0x33: {  	v16 =	vld [tilespmem:$0x143D0]  }
0x34: {  	v17 =	vld [tilespmem:$0x14640]  }
0x35: {  	v18 =	vld [tilespmem:$0x143E0]  }
0x36: {  	v19 =	vld [tilespmem:$0x14650]  }
0x37: {  	v20 =	vld [tilespmem:$0x143F0]  }
0x38: {  	v21 =	vld [tilespmem:$0x14660]  }
0x39: {  	v22 =	vld [tilespmem:$0x14400]  }
0x3a: {  	v23 =	vld [tilespmem:$0x14670]  }
0x3b: {  	v24 =	vld [tilespmem:$0x14410]  }
0x3c: {  	v25 =	vld [tilespmem:$0x14680]  }
0x3d: {  	v26 =	vld [tilespmem:$0x14420]  }
0x3e: {  	v27 =	vld [tilespmem:$0x14690]  }
0x3f: {  	v28 =	vld [tilespmem:$0x14430]  }
0x40: {  	v29 =	vld [tilespmem:$0x146A0]  }
0x41: {  	v30 =	vld [tilespmem:$0x14440]  }
0x42: {  	v31 =	vld [tilespmem:$0x146B0]  }
0x43: {  	v32 =	vld [tilespmem:$0x14450]  }
0x44: {  	v33 =	vld [tilespmem:$0x146C0]  }
0x45: {  	v34 =	vld [tilespmem:$0x14460]  }
0x46: {  	v35 =	vld [tilespmem:$0x146D0]  }
0x47: {  	v36 =	vld [tilespmem:$0x14470]  }
0x48: {  	v37 =	vld [tilespmem:$0x146E0]  }
0x49: {  	v38 =	vld [tilespmem:$0x14480]  }
0x4a: {  	v39 =	vld [tilespmem:$0x146F0]  }
0x4b: {  	v40 =	vld [tilespmem:$0x14490]  }
0x4c: {  	v41 =	vld [tilespmem:$0x14700]  }
0x4d: {  	v42 =	vld [tilespmem:$0x144A0]  }
0x4e: {  	v43 =	vld [tilespmem:$0x14710]  }
0x4f: {  	v55 =	vld [tilespmem:$0x144C0];
	v0 =	vadd.f32 v1, v0  }
0x50: {  	v56 =	vld [tilespmem:$0x14730];
	v2 =	vadd.f32 v3, v2  }
0x51: {  	v57 =	vld [tilespmem:$0x144D0];
	[tilespmem:$0x14350] =	vst v0;
	v0 =	vadd.f32 v5, v4  }
0x52: {  	v58 =	vld [tilespmem:$0x14740];
	[tilespmem:$0x14360] =	vst v2;
	v2 =	vadd.f32 v7, v6  }
0x53: {  	v59 =	vld [tilespmem:$0x144E0];
	[tilespmem:$0x14370] =	vst v0;
	v0 =	vadd.f32 v9, v8  }
0x54: {  	v60 =	vld [tilespmem:$0x14750];
	[tilespmem:$0x14380] =	vst v2;
	v2 =	vadd.f32 v11, v10  }
0x55: {  	v61 =	vld [tilespmem:$0x144F0];
	[tilespmem:$0x14390] =	vst v0;
	v0 =	vadd.f32 v13, v12  }
0x56: {  	v62 =	vld [tilespmem:$0x14760];
	[tilespmem:$0x143A0] =	vst v2;
	v2 =	vadd.f32 v15, v14  }
0x57: {  	v63 =	vld [tilespmem:$0x14500];
	[tilespmem:$0x143B0] =	vst v0;
	v0 =	vadd.f32 v17, v16  }
0x58: {  	v44 =	vld [tilespmem:$0x14770];
	[tilespmem:$0x143C0] =	vst v2;
	v2 =	vadd.f32 v19, v18  }
0x59: {  	v45 =	vld [tilespmem:$0x14510];
	[tilespmem:$0x143D0] =	vst v0;
	v0 =	vadd.f32 v21, v20  }
0x5a: {  	v46 =	vld [tilespmem:$0x14780];
	[tilespmem:$0x143E0] =	vst v2;
	v2 =	vadd.f32 v23, v22  }
0x5b: {  	v47 =	vld [tilespmem:$0x14520];
	[tilespmem:$0x143F0] =	vst v0;
	v0 =	vadd.f32 v25, v24  }
0x5c: {  	v48 =	vld [tilespmem:$0x14790];
	[tilespmem:$0x14400] =	vst v2;
	v2 =	vadd.f32 v27, v26  }
0x5d: {  	v49 =	vld [tilespmem:$0x14530];
	[tilespmem:$0x14410] =	vst v0;
	v0 =	vadd.f32 v29, v28  }
0x5e: {  	v50 =	vld [tilespmem:$0x147A0];
	[tilespmem:$0x14420] =	vst v2;
	v2 =	vadd.f32 v31, v30  }
0x5f: {  	v1 =	vld [tilespmem:$0x144B0];
	[tilespmem:$0x14430] =	vst v0;
	v0 =	vadd.f32 v33, v32  }
0x60: {  	v3 =	vld [tilespmem:$0x14720];
	[tilespmem:$0x14440] =	vst v2;
	v2 =	vadd.f32 v35, v34  }
0x61: {  	v51 =	vld [tilespmem:$0x14540];
	[tilespmem:$0x14450] =	vst v0;
	v0 =	vadd.f32 v37, v36  }
0x62: {  	v52 =	vld [tilespmem:$0x147B0];
	[tilespmem:$0x14460] =	vst v2;
	v2 =	vadd.f32 v39, v38  }
0x63: {  	v53 =	vld [tilespmem:$0x14550];
	[tilespmem:$0x14470] =	vst v0;
	v0 =	vadd.f32 v41, v40  }
0x64: {  	v54 =	vld [tilespmem:$0x147C0];
	[tilespmem:$0x14480] =	vst v2;
	v2 =	vadd.f32 v43, v42  }
0x65: {  	[tilespmem:$0x14490] =	vst v0;
	v0 =	vadd.f32 v3, v1;
	v1 =	vld [tilespmem:$0x14560]  }
0x66: {  	[tilespmem:$0x144A0] =	vst v2;
	v2 =	vadd.f32 v56, v55;
	v3 =	vld [tilespmem:$0x147D0]  }
0x67: {  	v55 =	vld [tilespmem:$0x14570];
	[tilespmem:$0x144B0] =	vst v0;
	v0 =	vadd.f32 v58, v57  }
0x68: {  	v56 =	vld [tilespmem:$0x147E0];
	[tilespmem:$0x144C0] =	vst v2;
	v2 =	vadd.f32 v60, v59  }
0x69: {  	v57 =	vld [tilespmem:$0x14580];
	[tilespmem:$0x144D0] =	vst v0;
	v0 =	vadd.f32 v62, v61  }
0x6a: {  	v58 =	vld [tilespmem:$0x147F0];
	[tilespmem:$0x144E0] =	vst v2;
	v2 =	vadd.f32 v44, v63  }
0x6b: {  	v59 =	vld [tilespmem:$0x14590];
	[tilespmem:$0x144F0] =	vst v0;
	v0 =	vadd.f32 v46, v45  }
0x6c: {  	v60 =	vld [tilespmem:$0x14800];
	[tilespmem:$0x14500] =	vst v2;
	v2 =	vadd.f32 v48, v47  }
0x6d: {  	v61 =	vld [tilespmem:$0x145A0];
	[tilespmem:$0x14510] =	vst v0;
	v0 =	vadd.f32 v50, v49  }
0x6e: {  	v62 =	vld [tilespmem:$0x14810];
	[tilespmem:$0x14520] =	vst v2;
	v2 =	vadd.f32 v52, v51  }
0x6f: {  	v63 =	vld [tilespmem:$0x145B0];
	[tilespmem:$0x14530] =	vst v0;
	v0 =	vadd.f32 v54, v53  }
0x70: {  	v1 =	vadd.f32 v3, v1;
	[tilespmem:$0x14540] =	vst v2;
	v2 =	vld [tilespmem:$0x14820]  }
0x71: {  	[tilespmem:$0x14550] =	vst v0;
	v0 =	vadd.f32 v56, v55  }
0x72: {  	[tilespmem:$0x14560] =	vst v1;
	v1 =	vadd.f32 v58, v57  }
0x73: {  	[tilespmem:$0x14570] =	vst v0;
	v0 =	vadd.f32 v60, v59  }
0x74: {  	[tilespmem:$0x14580] =	vst v1;
	v1 =	vadd.f32 v62, v61  }
0x75: {  	[tilespmem:$0x14590] =	vst v0;
	v0 =	vadd.f32 v2, v63  }
0x76: {  	[tilespmem:$0x145A0] =	vst v1  }
0x77: {  	s6 =	rddreg [dreg:$0x7];
	[tilespmem:$0x145B0] =	vst v0  }
0x78: {  	[tilespmem:s3], [sflag:$0x2] =	stream.linear.gather [hbm4b:s6+s3], $0x3400, $0x38;
	[tilespmem:$0x14830] =	vst v63  }
0x79: {  	s7 =	smul.u32 $0x1A00, s3;
	_ =	swait.ge [sflag:s14], $0x3400  }
0x7a: {  	[sflag:s14] =	ssyncset.done $0x0  }
0x7b: {  	s17 =	sshra.s32 s7, $0x2;
	[sflag:s14] =	ssyncadd.s32 $0xFFFFCC00  }
0x7c: {  	v0 =	vld [tilespmem:s17+$0x0]  }
0x7d: {  	v1 =	vld [tilespmem:$0x3400];
	_ =	sdelay $0x4  }
0x7e: {  	v0 =	vadd.s32 v0, v1  }
0x7f: {  	[tilespmem:s17+$0x0] =	vst v0;
	v0 =	vld [tilespmem:s17+$0x10]  }
0x80: {  	v1 =	vld [tilespmem:$0x3410];
	_ =	sdelay $0x4  }
0x81: {  	v0 =	vadd.s32 v0, v1  }
0x82: {  	[tilespmem:s17+$0x10] =	vst v0;
	v0 =	vld [tilespmem:s17+$0x20]  }
0x83: {  	v1 =	vld [tilespmem:$0x3420];
	_ =	sdelay $0x4  }
0x84: {  	v0 =	vadd.s32 v0, v1  }
0x85: {  	[tilespmem:s17+$0x20] =	vst v0;
	v0 =	vld [tilespmem:s17+$0x30]  }
0x86: {  	v1 =	vld [tilespmem:$0x3430];
	_ =	sdelay $0x4  }
0x87: {  	v0 =	vadd.s32 v0, v1  }
0x88: {  	[tilespmem:s17+$0x30] =	vst v0;
	v0 =	vld [tilespmem:s17+$0x40]  }
0x89: {  	v1 =	vld [tilespmem:$0x3440];
	_ =	sdelay $0x4  }
0x8a: {  	v0 =	vadd.s32 v0, v1  }
0x8b: {  	[tilespmem:s17+$0x40] =	vst v0;
	v0 =	vld [tilespmem:s17+$0x50]  }
0x8c: {  	v1 =	vld [tilespmem:$0x3450];
	_ =	sdelay $0x4  }
0x8d: {  	v0 =	vadd.s32 v0, v1  }
0x8e: {  	[tilespmem:s17+$0x50] =	vst v0;
	v0 =	vld [tilespmem:s17+$0x60]  }
0x8f: {  	v1 =	vld [tilespmem:$0x3460];
	_ =	sdelay $0x4  }
0x90: {  	v0 =	vadd.s32 v0, v1  }
0x91: {  	[tilespmem:s17+$0x60] =	vst v0;
	v0 =	vld [tilespmem:s17+$0x70]  }
0x92: {  	v1 =	vld [tilespmem:$0x3470];
	_ =	sdelay $0x4  }
0x93: {  	v0 =	vadd.s32 v0, v1  }
0x94: {  	[tilespmem:s17+$0x70] =	vst v0;
	v0 =	vld [tilespmem:s17+$0x80]  }
0x95: {  	v1 =	vld [tilespmem:$0x3480];
	_ =	sdelay $0x4  }
0x96: {  	v0 =	vadd.s32 v0, v1  }
0x97: {  	[tilespmem:s17+$0x80] =	vst v0;
	v0 =	vld [tilespmem:s17+$0x90]  }
0x98: {  	v1 =	vld [tilespmem:$0x3490];
	_ =	sdelay $0x4  }
0x99: {  	v0 =	vadd.s32 v0, v1  }
0x9a: {  	[tilespmem:s17+$0x90] =	vst v0;
	v0 =	vld [tilespmem:s17+$0xA0]  }
0x9b: {  	v1 =	vld [tilespmem:$0x34A0];
	_ =	sdelay $0x4  }
0x9c: {  	v0 =	vadd.s32 v0, v1  }
0x9d: {  	[tilespmem:s17+$0xA0] =	vst v0;
	v0 =	vld [tilespmem:s17+$0xB0]  }
0x9e: {  	v1 =	vld [tilespmem:$0x34B0];
	_ =	sdelay $0x4  }
0x9f: {  	v0 =	vadd.s32 v0, v1  }
0xa0: {  	[tilespmem:s17+$0xB0] =	vst v0;
	v0 =	vld [tilespmem:s17+$0xC0]  }
0xa1: {  	v1 =	vld [tilespmem:$0x34C0];
	_ =	sdelay $0x4  }
0xa2: {  	v0 =	vadd.s32 v0, v1  }
0xa3: {  	[tilespmem:s17+$0xC0] =	vst v0;
	v0 =	vld [tilespmem:s17+$0xD0]  }
0xa4: {  	v1 =	vld [tilespmem:$0x34D0];
	_ =	sdelay $0x4  }
0xa5: {  	v0 =	vadd.s32 v0, v1  }
0xa6: {  	[tilespmem:s17+$0xD0] =	vst v0;
	v0 =	vld [tilespmem:s17+$0xE0]  }
0xa7: {  	v1 =	vld [tilespmem:$0x34E0];
	_ =	sdelay $0x4  }
0xa8: {  	v0 =	vadd.s32 v0, v1  }
0xa9: {  	[tilespmem:s17+$0xE0] =	vst v0;
	v0 =	vld [tilespmem:s17+$0xF0]  }
0xaa: {  	v1 =	vld [tilespmem:$0x34F0];
	_ =	sdelay $0x4  }
0xab: {  	v0 =	vadd.s32 v0, v1  }
0xac: {  	[tilespmem:s17+$0xF0] =	vst v0;
	v0 =	vld [tilespmem:s17+$0x100]  }
0xad: {  	v1 =	vld [tilespmem:$0x3500];
	_ =	sdelay $0x4  }
0xae: {  	v0 =	vadd.s32 v0, v1  }
0xaf: {  	[tilespmem:s17+$0x100] =	vst v0;
	v0 =	vld [tilespmem:s17+$0x110]  }
0xb0: {  	v1 =	vld [tilespmem:$0x3510];
	_ =	sdelay $0x4  }
0xb1: {  	v0 =	vadd.s32 v0, v1  }
0xb2: {  	[tilespmem:s17+$0x110] =	vst v0;
	v0 =	vld [tilespmem:s17+$0x120]  }
0xb3: {  	v1 =	vld [tilespmem:$0x3520];
	_ =	sdelay $0x4  }
0xb4: {  	v0 =	vadd.s32 v0, v1  }
0xb5: {  	[tilespmem:s17+$0x120] =	vst v0;
	v0 =	vld [tilespmem:s17+$0x130]  }
0xb6: {  	v1 =	vld [tilespmem:$0x3530];
	_ =	sdelay $0x4  }
0xb7: {  	v0 =	vadd.s32 v0, v1  }
0xb8: {  	[tilespmem:s17+$0x130] =	vst v0;
	v0 =	vld [tilespmem:s17+$0x140]  }
0xb9: {  	v1 =	vld [tilespmem:$0x3540];
	_ =	sdelay $0x4  }
0xba: {  	v0 =	vadd.s32 v0, v1  }
0xbb: {  	[tilespmem:s17+$0x140] =	vst v0;
	v0 =	vld [tilespmem:s17+$0x150]  }
0xbc: {  	v1 =	vld [tilespmem:$0x3550];
	_ =	sdelay $0x4  }
0xbd: {  	v0 =	vadd.s32 v0, v1  }
0xbe: {  	[tilespmem:s17+$0x150] =	vst v0;
	v0 =	vld [tilespmem:s17+$0x160]  }
0xbf: {  	v1 =	vld [tilespmem:$0x3560];
	_ =	sdelay $0x4  }
0xc0: {  	v0 =	vadd.s32 v0, v1  }
0xc1: {  	[tilespmem:s17+$0x160] =	vst v0;
	v0 =	vld [tilespmem:s17+$0x170]  }
0xc2: {  	v1 =	vld [tilespmem:$0x3570];
	_ =	sdelay $0x4  }
0xc3: {  	v0 =	vadd.s32 v0, v1  }
0xc4: {  	[tilespmem:s17+$0x170] =	vst v0;
	v0 =	vld [tilespmem:s17+$0x180]  }
0xc5: {  	v1 =	vld [tilespmem:$0x3580];
	_ =	sdelay $0x4  }
0xc6: {  	v0 =	vadd.s32 v0, v1  }
0xc7: {  	[tilespmem:s17+$0x180] =	vst v0;
	v0 =	vld [tilespmem:s17+$0x190]  }
0xc8: {  	v1 =	vld [tilespmem:$0x3590];
	_ =	sdelay $0x4  }
0xc9: {  	v0 =	vadd.s32 v0, v1  }
0xca: {  	[tilespmem:s17+$0x190] =	vst v0;
	v0 =	vld [tilespmem:s17+$0x1A0]  }
0xcb: {  	v1 =	vld [tilespmem:$0x35A0];
	_ =	sdelay $0x4  }
0xcc: {  	v0 =	vadd.s32 v0, v1  }
0xcd: {  	[tilespmem:s17+$0x1A0] =	vst v0;
	v0 =	vld [tilespmem:s17+$0x1B0]  }
0xce: {  	v1 =	vld [tilespmem:$0x35B0];
	_ =	sdelay $0x4  }
0xcf: {  	v0 =	vadd.s32 v0, v1  }
0xd0: {  	[tilespmem:s17+$0x1B0] =	vst v0;
	v0 =	vld [tilespmem:s17+$0x1C0]  }
0xd1: {  	v1 =	vld [tilespmem:$0x35C0];
	_ =	sdelay $0x4  }
0xd2: {  	v0 =	vadd.s32 v0, v1  }
0xd3: {  	[tilespmem:s17+$0x1C0] =	vst v0;
	v0 =	vld [tilespmem:s17+$0x1D0]  }
0xd4: {  	v1 =	vld [tilespmem:$0x35D0];
	_ =	sdelay $0x4  }
0xd5: {  	v0 =	vadd.s32 v0, v1  }
0xd6: {  	[tilespmem:s17+$0x1D0] =	vst v0;
	v0 =	vld [tilespmem:s17+$0x1E0]  }
0xd7: {  	v1 =	vld [tilespmem:$0x35E0];
	_ =	sdelay $0x4  }
0xd8: {  	v0 =	vadd.s32 v0, v1  }
0xd9: {  	[tilespmem:s17+$0x1E0] =	vst v0;
	v0 =	vld [tilespmem:s17+$0x1F0]  }
0xda: {  	v1 =	vld [tilespmem:$0x35F0];
	_ =	sdelay $0x4  }
0xdb: {  	v0 =	vadd.s32 v0, v1  }
0xdc: {  	[tilespmem:s17+$0x1F0] =	vst v0;
	v0 =	vld [tilespmem:s17+$0x200]  }
0xdd: {  	v1 =	vld [tilespmem:$0x3600];
	_ =	sdelay $0x4  }
0xde: {  	v0 =	vadd.s32 v0, v1  }
0xdf: {  	[tilespmem:s17+$0x200] =	vst v0;
	v0 =	vld [tilespmem:s17+$0x210]  }
0xe0: {  	v1 =	vld [tilespmem:$0x3610];
	_ =	sdelay $0x4  }
0xe1: {  	v0 =	vadd.s32 v0, v1  }
0xe2: {  	[tilespmem:s17+$0x210] =	vst v0;
	v0 =	vld [tilespmem:s17+$0x220]  }
0xe3: {  	v1 =	vld [tilespmem:$0x3620];
	_ =	sdelay $0x4  }
0xe4: {  	v0 =	vadd.s32 v0, v1  }
0xe5: {  	[tilespmem:s17+$0x220] =	vst v0;
	v0 =	vld [tilespmem:s17+$0x230]  }
0xe6: {  	v1 =	vld [tilespmem:$0x3630];
	_ =	sdelay $0x4  }
0xe7: {  	v0 =	vadd.s32 v0, v1  }
0xe8: {  	[tilespmem:s17+$0x230] =	vst v0;
	v0 =	vld [tilespmem:s17+$0x240]  }
0xe9: {  	v1 =	vld [tilespmem:$0x3640];
	_ =	sdelay $0x4  }
0xea: {  	v0 =	vadd.s32 v0, v1  }
0xeb: {  	[tilespmem:s17+$0x240] =	vst v0;
	v0 =	vld [tilespmem:s17+$0x250]  }
0xec: {  	v1 =	vld [tilespmem:$0x3650];
	_ =	sdelay $0x4  }
0xed: {  	v0 =	vadd.s32 v0, v1  }
0xee: {  	[tilespmem:s17+$0x250] =	vst v0;
	v0 =	vld [tilespmem:s17+$0x260]  }
0xef: {  	v1 =	vld [tilespmem:$0x3660];
	_ =	sdelay $0x4  }
0xf0: {  	v0 =	vadd.s32 v0, v1  }
0xf1: {  	[tilespmem:s17+$0x260] =	vst v0;
	v0 =	vld [tilespmem:s17+$0x270]  }
0xf2: {  	v1 =	vld [tilespmem:$0x3670];
	_ =	sdelay $0x4  }
0xf3: {  	v0 =	vadd.s32 v0, v1  }
0xf4: {  	[tilespmem:s17+$0x270] =	vst v0;
	v0 =	vld [tilespmem:s17+$0x280]  }
0xf5: {  	v1 =	vld [tilespmem:$0x3680];
	_ =	sdelay $0x4  }
0xf6: {  	v0 =	vadd.s32 v0, v1  }
0xf7: {  	[tilespmem:s17+$0x280] =	vst v0;
	v0 =	vld [tilespmem:s17+$0x290]  }
0xf8: {  	v1 =	vld [tilespmem:$0x3690];
	_ =	sdelay $0x4  }
0xf9: {  	v0 =	vadd.s32 v0, v1  }
0xfa: {  	[tilespmem:s17+$0x290] =	vst v0;
	v0 =	vld [tilespmem:s17+$0x2A0]  }
0xfb: {  	v1 =	vld [tilespmem:$0x36A0];
	_ =	sdelay $0x4  }
0xfc: {  	v0 =	vadd.s32 v0, v1  }
0xfd: {  	[tilespmem:s17+$0x2A0] =	vst v0;
	v0 =	vld [tilespmem:s17+$0x2B0]  }
0xfe: {  	v1 =	vld [tilespmem:$0x36B0];
	_ =	sdelay $0x4  }
0xff: {  	v0 =	vadd.s32 v0, v1  }
0x100: {  	[tilespmem:s17+$0x2B0] =	vst v0;
	v0 =	vld [tilespmem:s17+$0x2C0]  }
0x101: {  	v1 =	vld [tilespmem:$0x36C0];
	_ =	sdelay $0x4  }
0x102: {  	v0 =	vadd.s32 v0, v1  }
0x103: {  	[tilespmem:s17+$0x2C0] =	vst v0;
	v0 =	vld [tilespmem:s17+$0x2D0]  }
0x104: {  	v1 =	vld [tilespmem:$0x36D0];
	_ =	sdelay $0x4  }
0x105: {  	v0 =	vadd.s32 v0, v1  }
0x106: {  	[tilespmem:s17+$0x2D0] =	vst v0;
	v0 =	vld [tilespmem:s17+$0x2E0]  }
0x107: {  	v1 =	vld [tilespmem:$0x36E0];
	_ =	sdelay $0x4  }
0x108: {  	v0 =	vadd.s32 v0, v1  }
0x109: {  	[tilespmem:s17+$0x2E0] =	vst v0;
	v0 =	vld [tilespmem:s17+$0x2F0]  }
0x10a: {  	v1 =	vld [tilespmem:$0x36F0];
	_ =	sdelay $0x4  }
0x10b: {  	v0 =	vadd.s32 v0, v1  }
0x10c: {  	[tilespmem:s17+$0x2F0] =	vst v0;
	v0 =	vld [tilespmem:s17+$0x300]  }
0x10d: {  	v1 =	vld [tilespmem:$0x3700];
	_ =	sdelay $0x4  }
0x10e: {  	v0 =	vadd.s32 v0, v1  }
0x10f: {  	[tilespmem:s17+$0x300] =	vst v0;
	v0 =	vld [tilespmem:s17+$0x310]  }
0x110: {  	v1 =	vld [tilespmem:$0x3710];
	_ =	sdelay $0x4  }
0x111: {  	v0 =	vadd.s32 v0, v1  }
0x112: {  	[tilespmem:s17+$0x310] =	vst v0;
	v0 =	vld [tilespmem:s17+$0x320]  }
0x113: {  	v1 =	vld [tilespmem:$0x3720];
	_ =	sdelay $0x4  }
0x114: {  	v0 =	vadd.s32 v0, v1  }
0x115: {  	[tilespmem:s17+$0x320] =	vst v0;
	v0 =	vld [tilespmem:s17+$0x330]  }
0x116: {  	v1 =	vld [tilespmem:$0x3730];
	_ =	sdelay $0x4  }
0x117: {  	v0 =	vadd.s32 v0, v1  }
0x118: {  	[tilespmem:s17+$0x330] =	vst v0;
	v0 =	vld [tilespmem:s17+$0x340]  }
0x119: {  	v1 =	vld [tilespmem:$0x3740];
	_ =	sdelay $0x4  }
0x11a: {  	v0 =	vadd.s32 v0, v1  }
0x11b: {  	[tilespmem:s17+$0x340] =	vst v0;
	v0 =	vld [tilespmem:s17+$0x350]  }
0x11c: {  	v1 =	vld [tilespmem:$0x3750];
	_ =	sdelay $0x4  }
0x11d: {  	v0 =	vadd.s32 v0, v1  }
0x11e: {  	[tilespmem:s17+$0x350] =	vst v0;
	v0 =	vld [tilespmem:s17+$0x360]  }
0x11f: {  	v1 =	vld [tilespmem:$0x3760];
	_ =	sdelay $0x4  }
0x120: {  	v0 =	vadd.s32 v0, v1  }
0x121: {  	[tilespmem:s17+$0x360] =	vst v0;
	v0 =	vld [tilespmem:s17+$0x370]  }
0x122: {  	v1 =	vld [tilespmem:$0x3770];
	_ =	sdelay $0x4  }
0x123: {  	v0 =	vadd.s32 v0, v1  }
0x124: {  	[tilespmem:s17+$0x370] =	vst v0;
	v0 =	vld [tilespmem:s17+$0x380]  }
0x125: {  	v1 =	vld [tilespmem:$0x3780];
	_ =	sdelay $0x4  }
0x126: {  	v0 =	vadd.s32 v0, v1  }
0x127: {  	[tilespmem:s17+$0x380] =	vst v0;
	v0 =	vld [tilespmem:s17+$0x390]  }
0x128: {  	v1 =	vld [tilespmem:$0x3790];
	_ =	sdelay $0x4  }
0x129: {  	v0 =	vadd.s32 v0, v1  }
0x12a: {  	[tilespmem:s17+$0x390] =	vst v0;
	v0 =	vld [tilespmem:s17+$0x3A0]  }
0x12b: {  	v1 =	vld [tilespmem:$0x37A0];
	_ =	sdelay $0x4  }
0x12c: {  	v0 =	vadd.s32 v0, v1  }
0x12d: {  	[tilespmem:s17+$0x3A0] =	vst v0;
	v0 =	vld [tilespmem:s17+$0x3B0]  }
0x12e: {  	v1 =	vld [tilespmem:$0x37B0];
	_ =	sdelay $0x4  }
0x12f: {  	v0 =	vadd.s32 v0, v1  }
0x130: {  	[tilespmem:s17+$0x3B0] =	vst v0;
	v0 =	vld [tilespmem:s17+$0x3C0]  }
0x131: {  	v1 =	vld [tilespmem:$0x37C0];
	_ =	sdelay $0x4  }
0x132: {  	v0 =	vadd.s32 v0, v1  }
0x133: {  	[tilespmem:s17+$0x3C0] =	vst v0;
	v0 =	vld [tilespmem:s17+$0x3D0]  }
0x134: {  	v1 =	vld [tilespmem:$0x37D0];
	_ =	sdelay $0x4  }
0x135: {  	v0 =	vadd.s32 v0, v1  }
0x136: {  	[tilespmem:s17+$0x3D0] =	vst v0;
	v0 =	vld [tilespmem:s17+$0x3E0]  }
0x137: {  	v1 =	vld [tilespmem:$0x37E0];
	_ =	sdelay $0x4  }
0x138: {  	v0 =	vadd.s32 v0, v1  }
0x139: {  	[tilespmem:s17+$0x3E0] =	vst v0;
	v0 =	vld [tilespmem:s17+$0x3F0]  }
0x13a: {  	v1 =	vld [tilespmem:$0x37F0];
	_ =	sdelay $0x4  }
0x13b: {  	v0 =	vadd.s32 v0, v1  }
0x13c: {  	[tilespmem:s17+$0x3F0] =	vst v0;
	v0 =	vld [tilespmem:s17+$0x400]  }
0x13d: {  	v1 =	vld [tilespmem:$0x3800];
	_ =	sdelay $0x4  }
0x13e: {  	v0 =	vadd.s32 v0, v1  }
0x13f: {  	[tilespmem:s17+$0x400] =	vst v0;
	v0 =	vld [tilespmem:s17+$0x410]  }
0x140: {  	v1 =	vld [tilespmem:$0x3810];
	_ =	sdelay $0x4  }
0x141: {  	v0 =	vadd.s32 v0, v1  }
0x142: {  	[tilespmem:s17+$0x410] =	vst v0;
	v0 =	vld [tilespmem:s17+$0x420]  }
0x143: {  	v1 =	vld [tilespmem:$0x3820];
	_ =	sdelay $0x4  }
0x144: {  	v0 =	vadd.s32 v0, v1  }
0x145: {  	[tilespmem:s17+$0x420] =	vst v0;
	v0 =	vld [tilespmem:s17+$0x430]  }
0x146: {  	v1 =	vld [tilespmem:$0x3830];
	_ =	sdelay $0x4  }
0x147: {  	v0 =	vadd.s32 v0, v1  }
0x148: {  	[tilespmem:s17+$0x430] =	vst v0;
	v0 =	vld [tilespmem:s17+$0x440]  }
0x149: {  	v1 =	vld [tilespmem:$0x3840];
	_ =	sdelay $0x4  }
0x14a: {  	v0 =	vadd.s32 v0, v1  }
0x14b: {  	[tilespmem:s17+$0x440] =	vst v0;
	v0 =	vld [tilespmem:s17+$0x450]  }
0x14c: {  	v1 =	vld [tilespmem:$0x3850];
	_ =	sdelay $0x4  }
0x14d: {  	v0 =	vadd.s32 v0, v1  }
0x14e: {  	[tilespmem:s17+$0x450] =	vst v0;
	v0 =	vld [tilespmem:s17+$0x460]  }
0x14f: {  	v1 =	vld [tilespmem:$0x3860];
	_ =	sdelay $0x4  }
0x150: {  	v0 =	vadd.s32 v0, v1  }
0x151: {  	[tilespmem:s17+$0x460] =	vst v0;
	v0 =	vld [tilespmem:s17+$0x470]  }
0x152: {  	v1 =	vld [tilespmem:$0x3870];
	_ =	sdelay $0x4  }
0x153: {  	v0 =	vadd.s32 v0, v1  }
0x154: {  	[tilespmem:s17+$0x470] =	vst v0;
	v0 =	vld [tilespmem:s17+$0x480]  }
0x155: {  	v1 =	vld [tilespmem:$0x3880];
	_ =	sdelay $0x4  }
0x156: {  	v0 =	vadd.s32 v0, v1  }
0x157: {  	[tilespmem:s17+$0x480] =	vst v0;
	v0 =	vld [tilespmem:s17+$0x490]  }
0x158: {  	v1 =	vld [tilespmem:$0x3890];
	_ =	sdelay $0x4  }
0x159: {  	v0 =	vadd.s32 v0, v1  }
0x15a: {  	[tilespmem:s17+$0x490] =	vst v0;
	v0 =	vld [tilespmem:s17+$0x4A0]  }
0x15b: {  	v1 =	vld [tilespmem:$0x38A0];
	_ =	sdelay $0x4  }
0x15c: {  	v0 =	vadd.s32 v0, v1  }
0x15d: {  	[tilespmem:s17+$0x4A0] =	vst v0;
	v0 =	vld [tilespmem:s17+$0x4B0]  }
0x15e: {  	v1 =	vld [tilespmem:$0x38B0];
	_ =	sdelay $0x4  }
0x15f: {  	v0 =	vadd.s32 v0, v1  }
0x160: {  	[tilespmem:s17+$0x4B0] =	vst v0;
	v0 =	vld [tilespmem:s17+$0x4C0]  }
0x161: {  	v1 =	vld [tilespmem:$0x38C0];
	_ =	sdelay $0x4  }
0x162: {  	v0 =	vadd.s32 v0, v1  }
0x163: {  	[tilespmem:s17+$0x4C0] =	vst v0;
	v0 =	vld [tilespmem:s17+$0x4D0]  }
0x164: {  	v1 =	vld [tilespmem:$0x38D0];
	_ =	sdelay $0x4  }
0x165: {  	v0 =	vadd.s32 v0, v1  }
0x166: {  	[tilespmem:s17+$0x4D0] =	vst v0;
	v0 =	vld [tilespmem:s17+$0x4E0]  }
0x167: {  	v1 =	vld [tilespmem:$0x38E0];
	_ =	sdelay $0x4  }
0x168: {  	v0 =	vadd.s32 v0, v1  }
0x169: {  	[tilespmem:s17+$0x4E0] =	vst v0;
	v0 =	vld [tilespmem:s17+$0x4F0]  }
0x16a: {  	v1 =	vld [tilespmem:$0x38F0];
	_ =	sdelay $0x4  }
0x16b: {  	v0 =	vadd.s32 v0, v1  }
0x16c: {  	[tilespmem:s17+$0x4F0] =	vst v0;
	v0 =	vld [tilespmem:s17+$0x500]  }
0x16d: {  	v1 =	vld [tilespmem:$0x3900];
	_ =	sdelay $0x4  }
0x16e: {  	v0 =	vadd.s32 v0, v1  }
0x16f: {  	[tilespmem:s17+$0x500] =	vst v0;
	v0 =	vld [tilespmem:s17+$0x510]  }
0x170: {  	v1 =	vld [tilespmem:$0x3910];
	_ =	sdelay $0x4  }
0x171: {  	v0 =	vadd.s32 v0, v1  }
0x172: {  	[tilespmem:s17+$0x510] =	vst v0;
	v0 =	vld [tilespmem:s17+$0x520]  }
0x173: {  	v1 =	vld [tilespmem:$0x3920];
	_ =	sdelay $0x4  }
0x174: {  	v0 =	vadd.s32 v0, v1  }
0x175: {  	[tilespmem:s17+$0x520] =	vst v0;
	v0 =	vld [tilespmem:s17+$0x530]  }
0x176: {  	v1 =	vld [tilespmem:$0x3930];
	_ =	sdelay $0x4  }
0x177: {  	v0 =	vadd.s32 v0, v1  }
0x178: {  	[tilespmem:s17+$0x530] =	vst v0;
	v0 =	vld [tilespmem:s17+$0x540]  }
0x179: {  	v1 =	vld [tilespmem:$0x3940];
	_ =	sdelay $0x4  }
0x17a: {  	v0 =	vadd.s32 v0, v1  }
0x17b: {  	[tilespmem:s17+$0x540] =	vst v0;
	v0 =	vld [tilespmem:s17+$0x550]  }
0x17c: {  	v1 =	vld [tilespmem:$0x3950];
	_ =	sdelay $0x4  }
0x17d: {  	v0 =	vadd.s32 v0, v1  }
0x17e: {  	[tilespmem:s17+$0x550] =	vst v0;
	v0 =	vld [tilespmem:s17+$0x560]  }
0x17f: {  	v1 =	vld [tilespmem:$0x3960];
	_ =	sdelay $0x4  }
0x180: {  	v0 =	vadd.s32 v0, v1  }
0x181: {  	[tilespmem:s17+$0x560] =	vst v0;
	v0 =	vld [tilespmem:s17+$0x570]  }
0x182: {  	v1 =	vld [tilespmem:$0x3970];
	_ =	sdelay $0x4  }
0x183: {  	v0 =	vadd.s32 v0, v1  }
0x184: {  	[tilespmem:s17+$0x570] =	vst v0;
	v0 =	vld [tilespmem:s17+$0x580]  }
0x185: {  	v1 =	vld [tilespmem:$0x3980];
	_ =	sdelay $0x4  }
0x186: {  	v0 =	vadd.s32 v0, v1  }
0x187: {  	[tilespmem:s17+$0x580] =	vst v0;
	v0 =	vld [tilespmem:s17+$0x590]  }
0x188: {  	v1 =	vld [tilespmem:$0x3990];
	_ =	sdelay $0x4  }
0x189: {  	v0 =	vadd.s32 v0, v1  }
0x18a: {  	[tilespmem:s17+$0x590] =	vst v0;
	v0 =	vld [tilespmem:s17+$0x5A0]  }
0x18b: {  	v1 =	vld [tilespmem:$0x39A0];
	_ =	sdelay $0x4  }
0x18c: {  	v0 =	vadd.s32 v0, v1  }
0x18d: {  	[tilespmem:s17+$0x5A0] =	vst v0;
	v0 =	vld [tilespmem:s17+$0x5B0]  }
0x18e: {  	v1 =	vld [tilespmem:$0x39B0];
	_ =	sdelay $0x4  }
0x18f: {  	v0 =	vadd.s32 v0, v1  }
0x190: {  	[tilespmem:s17+$0x5B0] =	vst v0;
	v0 =	vld [tilespmem:s17+$0x5C0]  }
0x191: {  	v1 =	vld [tilespmem:$0x39C0];
	_ =	sdelay $0x4  }
0x192: {  	v0 =	vadd.s32 v0, v1  }
0x193: {  	[tilespmem:s17+$0x5C0] =	vst v0;
	v0 =	vld [tilespmem:s17+$0x5D0]  }
0x194: {  	v1 =	vld [tilespmem:$0x39D0];
	_ =	sdelay $0x4  }
0x195: {  	v0 =	vadd.s32 v0, v1  }
0x196: {  	[tilespmem:s17+$0x5D0] =	vst v0;
	v0 =	vld [tilespmem:s17+$0x5E0]  }
0x197: {  	v1 =	vld [tilespmem:$0x39E0];
	_ =	sdelay $0x4  }
0x198: {  	v0 =	vadd.s32 v0, v1  }
0x199: {  	[tilespmem:s17+$0x5E0] =	vst v0;
	v0 =	vld [tilespmem:s17+$0x5F0]  }
0x19a: {  	v1 =	vld [tilespmem:$0x39F0];
	_ =	sdelay $0x4  }
0x19b: {  	v0 =	vadd.s32 v0, v1  }
0x19c: {  	[tilespmem:s17+$0x5F0] =	vst v0;
	v0 =	vld [tilespmem:s17+$0x600]  }
0x19d: {  	v1 =	vld [tilespmem:$0x3A00];
	_ =	sdelay $0x4  }
0x19e: {  	v0 =	vadd.s32 v0, v1  }
0x19f: {  	[tilespmem:s17+$0x600] =	vst v0;
	v0 =	vld [tilespmem:s17+$0x610]  }
0x1a0: {  	v1 =	vld [tilespmem:$0x3A10];
	_ =	sdelay $0x4  }
0x1a1: {  	v0 =	vadd.s32 v0, v1  }
0x1a2: {  	[tilespmem:s17+$0x610] =	vst v0;
	v0 =	vld [tilespmem:s17+$0x620]  }
0x1a3: {  	v1 =	vld [tilespmem:$0x3A20];
	_ =	sdelay $0x4  }
0x1a4: {  	v0 =	vadd.s32 v0, v1  }
0x1a5: {  	[tilespmem:s17+$0x620] =	vst v0;
	v0 =	vld [tilespmem:s17+$0x630]  }
0x1a6: {  	v1 =	vld [tilespmem:$0x3A30];
	_ =	sdelay $0x4  }
0x1a7: {  	v0 =	vadd.s32 v0, v1  }
0x1a8: {  	[tilespmem:s17+$0x630] =	vst v0;
	v0 =	vld [tilespmem:s17+$0x640]  }
0x1a9: {  	v1 =	vld [tilespmem:$0x3A40];
	_ =	sdelay $0x4  }
0x1aa: {  	v0 =	vadd.s32 v0, v1  }
0x1ab: {  	[tilespmem:s17+$0x640] =	vst v0;
	v0 =	vld [tilespmem:s17+$0x650]  }
0x1ac: {  	v1 =	vld [tilespmem:$0x3A50];
	_ =	sdelay $0x4  }
0x1ad: {  	v0 =	vadd.s32 v0, v1  }
0x1ae: {  	[tilespmem:s17+$0x650] =	vst v0;
	v0 =	vld [tilespmem:s17+$0x660]  }
0x1af: {  	v1 =	vld [tilespmem:$0x3A60];
	_ =	sdelay $0x4  }
0x1b0: {  	v0 =	vadd.s32 v0, v1  }
0x1b1: {  	[tilespmem:s17+$0x660] =	vst v0;
	v0 =	vld [tilespmem:s17+$0x670]  }
0x1b2: {  	v1 =	vld [tilespmem:$0x3A70];
	_ =	sdelay $0x1  }
0x1b3: {  	s9 =	simm.s32 $0x1  }
0x1b4: {  	s5 =	smul.u32 $0x1A00, s9  }
0x1b5: {  	s4 =	simm.s32 $0x2  }
.LBB2_2:
0x1b6: {  	p0 =	sne.s32 s4, $0x7;
	s5 =	sshra.s32 s5, $0x2;
	v0 =	vadd.s32 v0, v1  }
0x1b7: {  	v1 =	vld [tilespmem:s5+$0x0];
	[tilespmem:s17+$0x670] =	vst v0;
	s17 =	smov.u32 s5  }
0x1b8: {  	v0 =	vld [tilespmem:$0x3400];
	_ =	sdelay $0x4  }
0x1b9: {  	v0 =	vadd.s32 v1, v0  }
0x1ba: {  	[tilespmem:s17+$0x0] =	vst v0;
	v0 =	vld [tilespmem:s17+$0x10]  }
0x1bb: {  	v1 =	vld [tilespmem:$0x3410];
	_ =	sdelay $0x4  }
0x1bc: {  	v0 =	vadd.s32 v0, v1  }
0x1bd: {  	[tilespmem:s17+$0x10] =	vst v0;
	v0 =	vld [tilespmem:s17+$0x20]  }
0x1be: {  	v1 =	vld [tilespmem:$0x3420];
	_ =	sdelay $0x4  }
0x1bf: {  	v0 =	vadd.s32 v0, v1  }
0x1c0: {  	[tilespmem:s17+$0x20] =	vst v0;
	v0 =	vld [tilespmem:s17+$0x30]  }
0x1c1: {  	v1 =	vld [tilespmem:$0x3430];
	_ =	sdelay $0x4  }
0x1c2: {  	v0 =	vadd.s32 v0, v1  }
0x1c3: {  	[tilespmem:s17+$0x30] =	vst v0;
	v0 =	vld [tilespmem:s17+$0x40]  }
0x1c4: {  	v1 =	vld [tilespmem:$0x3440];
	_ =	sdelay $0x4  }
0x1c5: {  	v0 =	vadd.s32 v0, v1  }
0x1c6: {  	[tilespmem:s17+$0x40] =	vst v0;
	v0 =	vld [tilespmem:s17+$0x50]  }
0x1c7: {  	v1 =	vld [tilespmem:$0x3450];
	_ =	sdelay $0x4  }
0x1c8: {  	v0 =	vadd.s32 v0, v1  }
0x1c9: {  	[tilespmem:s17+$0x50] =	vst v0;
	v0 =	vld [tilespmem:s17+$0x60]  }
0x1ca: {  	v1 =	vld [tilespmem:$0x3460];
	_ =	sdelay $0x4  }
0x1cb: {  	v0 =	vadd.s32 v0, v1  }
0x1cc: {  	[tilespmem:s17+$0x60] =	vst v0;
	v0 =	vld [tilespmem:s17+$0x70]  }
0x1cd: {  	v1 =	vld [tilespmem:$0x3470];
	_ =	sdelay $0x4  }
0x1ce: {  	v0 =	vadd.s32 v0, v1  }
0x1cf: {  	[tilespmem:s17+$0x70] =	vst v0;
	v0 =	vld [tilespmem:s17+$0x80]  }
0x1d0: {  	v1 =	vld [tilespmem:$0x3480];
	_ =	sdelay $0x4  }
0x1d1: {  	v0 =	vadd.s32 v0, v1  }
0x1d2: {  	[tilespmem:s17+$0x80] =	vst v0;
	v0 =	vld [tilespmem:s17+$0x90]  }
0x1d3: {  	v1 =	vld [tilespmem:$0x3490];
	_ =	sdelay $0x4  }
0x1d4: {  	v0 =	vadd.s32 v0, v1  }
0x1d5: {  	[tilespmem:s17+$0x90] =	vst v0;
	v0 =	vld [tilespmem:s17+$0xA0]  }
0x1d6: {  	v1 =	vld [tilespmem:$0x34A0];
	_ =	sdelay $0x4  }
0x1d7: {  	v0 =	vadd.s32 v0, v1  }
0x1d8: {  	[tilespmem:s17+$0xA0] =	vst v0;
	v0 =	vld [tilespmem:s17+$0xB0]  }
0x1d9: {  	v1 =	vld [tilespmem:$0x34B0];
	_ =	sdelay $0x4  }
0x1da: {  	v0 =	vadd.s32 v0, v1  }
0x1db: {  	[tilespmem:s17+$0xB0] =	vst v0;
	v0 =	vld [tilespmem:s17+$0xC0]  }
0x1dc: {  	v1 =	vld [tilespmem:$0x34C0];
	_ =	sdelay $0x4  }
0x1dd: {  	v0 =	vadd.s32 v0, v1  }
0x1de: {  	[tilespmem:s17+$0xC0] =	vst v0;
	v0 =	vld [tilespmem:s17+$0xD0]  }
0x1df: {  	v1 =	vld [tilespmem:$0x34D0];
	_ =	sdelay $0x4  }
0x1e0: {  	v0 =	vadd.s32 v0, v1  }
0x1e1: {  	[tilespmem:s17+$0xD0] =	vst v0;
	v0 =	vld [tilespmem:s17+$0xE0]  }
0x1e2: {  	v1 =	vld [tilespmem:$0x34E0];
	_ =	sdelay $0x4  }
0x1e3: {  	v0 =	vadd.s32 v0, v1  }
0x1e4: {  	[tilespmem:s17+$0xE0] =	vst v0;
	v0 =	vld [tilespmem:s17+$0xF0]  }
0x1e5: {  	v1 =	vld [tilespmem:$0x34F0];
	_ =	sdelay $0x4  }
0x1e6: {  	v0 =	vadd.s32 v0, v1  }
0x1e7: {  	[tilespmem:s17+$0xF0] =	vst v0;
	v0 =	vld [tilespmem:s17+$0x100]  }
0x1e8: {  	v1 =	vld [tilespmem:$0x3500];
	_ =	sdelay $0x4  }
0x1e9: {  	v0 =	vadd.s32 v0, v1  }
0x1ea: {  	[tilespmem:s17+$0x100] =	vst v0;
	v0 =	vld [tilespmem:s17+$0x110]  }
0x1eb: {  	v1 =	vld [tilespmem:$0x3510];
	_ =	sdelay $0x4  }
0x1ec: {  	v0 =	vadd.s32 v0, v1  }
0x1ed: {  	[tilespmem:s17+$0x110] =	vst v0;
	v0 =	vld [tilespmem:s17+$0x120]  }
0x1ee: {  	v1 =	vld [tilespmem:$0x3520];
	_ =	sdelay $0x4  }
0x1ef: {  	v0 =	vadd.s32 v0, v1  }
0x1f0: {  	[tilespmem:s17+$0x120] =	vst v0;
	v0 =	vld [tilespmem:s17+$0x130]  }
0x1f1: {  	v1 =	vld [tilespmem:$0x3530];
	_ =	sdelay $0x4  }
0x1f2: {  	v0 =	vadd.s32 v0, v1  }
0x1f3: {  	[tilespmem:s17+$0x130] =	vst v0;
	v0 =	vld [tilespmem:s17+$0x140]  }
0x1f4: {  	v1 =	vld [tilespmem:$0x3540];
	_ =	sdelay $0x4  }
0x1f5: {  	v0 =	vadd.s32 v0, v1  }
0x1f6: {  	[tilespmem:s17+$0x140] =	vst v0;
	v0 =	vld [tilespmem:s17+$0x150]  }
0x1f7: {  	v1 =	vld [tilespmem:$0x3550];
	_ =	sdelay $0x4  }
0x1f8: {  	v0 =	vadd.s32 v0, v1  }
0x1f9: {  	[tilespmem:s17+$0x150] =	vst v0;
	v0 =	vld [tilespmem:s17+$0x160]  }
0x1fa: {  	v1 =	vld [tilespmem:$0x3560];
	_ =	sdelay $0x4  }
0x1fb: {  	v0 =	vadd.s32 v0, v1  }
0x1fc: {  	[tilespmem:s17+$0x160] =	vst v0;
	v0 =	vld [tilespmem:s17+$0x170]  }
0x1fd: {  	v1 =	vld [tilespmem:$0x3570];
	_ =	sdelay $0x4  }
0x1fe: {  	v0 =	vadd.s32 v0, v1  }
0x1ff: {  	[tilespmem:s17+$0x170] =	vst v0;
	v0 =	vld [tilespmem:s17+$0x180]  }
0x200: {  	v1 =	vld [tilespmem:$0x3580];
	_ =	sdelay $0x4  }
0x201: {  	v0 =	vadd.s32 v0, v1  }
0x202: {  	[tilespmem:s17+$0x180] =	vst v0;
	v0 =	vld [tilespmem:s17+$0x190]  }
0x203: {  	v1 =	vld [tilespmem:$0x3590];
	_ =	sdelay $0x4  }
0x204: {  	v0 =	vadd.s32 v0, v1  }
0x205: {  	[tilespmem:s17+$0x190] =	vst v0;
	v0 =	vld [tilespmem:s17+$0x1A0]  }
0x206: {  	v1 =	vld [tilespmem:$0x35A0];
	_ =	sdelay $0x4  }
0x207: {  	v0 =	vadd.s32 v0, v1  }
0x208: {  	[tilespmem:s17+$0x1A0] =	vst v0;
	v0 =	vld [tilespmem:s17+$0x1B0]  }
0x209: {  	v1 =	vld [tilespmem:$0x35B0];
	_ =	sdelay $0x4  }
0x20a: {  	v0 =	vadd.s32 v0, v1  }
0x20b: {  	[tilespmem:s17+$0x1B0] =	vst v0;
	v0 =	vld [tilespmem:s17+$0x1C0]  }
0x20c: {  	v1 =	vld [tilespmem:$0x35C0];
	_ =	sdelay $0x4  }
0x20d: {  	v0 =	vadd.s32 v0, v1  }
0x20e: {  	[tilespmem:s17+$0x1C0] =	vst v0;
	v0 =	vld [tilespmem:s17+$0x1D0]  }
0x20f: {  	v1 =	vld [tilespmem:$0x35D0];
	_ =	sdelay $0x4  }
0x210: {  	v0 =	vadd.s32 v0, v1  }
0x211: {  	[tilespmem:s17+$0x1D0] =	vst v0;
	v0 =	vld [tilespmem:s17+$0x1E0]  }
0x212: {  	v1 =	vld [tilespmem:$0x35E0];
	_ =	sdelay $0x4  }
0x213: {  	v0 =	vadd.s32 v0, v1  }
0x214: {  	[tilespmem:s17+$0x1E0] =	vst v0;
	v0 =	vld [tilespmem:s17+$0x1F0]  }
0x215: {  	v1 =	vld [tilespmem:$0x35F0];
	_ =	sdelay $0x4  }
0x216: {  	v0 =	vadd.s32 v0, v1  }
0x217: {  	[tilespmem:s17+$0x1F0] =	vst v0;
	v0 =	vld [tilespmem:s17+$0x200]  }
0x218: {  	v1 =	vld [tilespmem:$0x3600];
	_ =	sdelay $0x4  }
0x219: {  	v0 =	vadd.s32 v0, v1  }
0x21a: {  	[tilespmem:s17+$0x200] =	vst v0;
	v0 =	vld [tilespmem:s17+$0x210]  }
0x21b: {  	v1 =	vld [tilespmem:$0x3610];
	_ =	sdelay $0x4  }
0x21c: {  	v0 =	vadd.s32 v0, v1  }
0x21d: {  	[tilespmem:s17+$0x210] =	vst v0;
	v0 =	vld [tilespmem:s17+$0x220]  }
0x21e: {  	v1 =	vld [tilespmem:$0x3620];
	_ =	sdelay $0x4  }
0x21f: {  	v0 =	vadd.s32 v0, v1  }
0x220: {  	[tilespmem:s17+$0x220] =	vst v0;
	v0 =	vld [tilespmem:s17+$0x230]  }
0x221: {  	v1 =	vld [tilespmem:$0x3630];
	_ =	sdelay $0x4  }
0x222: {  	v0 =	vadd.s32 v0, v1  }
0x223: {  	[tilespmem:s17+$0x230] =	vst v0;
	v0 =	vld [tilespmem:s17+$0x240]  }
0x224: {  	v1 =	vld [tilespmem:$0x3640];
	_ =	sdelay $0x4  }
0x225: {  	v0 =	vadd.s32 v0, v1  }
0x226: {  	[tilespmem:s17+$0x240] =	vst v0;
	v0 =	vld [tilespmem:s17+$0x250]  }
0x227: {  	v1 =	vld [tilespmem:$0x3650];
	_ =	sdelay $0x4  }
0x228: {  	v0 =	vadd.s32 v0, v1  }
0x229: {  	[tilespmem:s17+$0x250] =	vst v0;
	v0 =	vld [tilespmem:s17+$0x260]  }
0x22a: {  	v1 =	vld [tilespmem:$0x3660];
	_ =	sdelay $0x4  }
0x22b: {  	v0 =	vadd.s32 v0, v1  }
0x22c: {  	[tilespmem:s17+$0x260] =	vst v0;
	v0 =	vld [tilespmem:s17+$0x270]  }
0x22d: {  	v1 =	vld [tilespmem:$0x3670];
	_ =	sdelay $0x4  }
0x22e: {  	v0 =	vadd.s32 v0, v1  }
0x22f: {  	[tilespmem:s17+$0x270] =	vst v0;
	v0 =	vld [tilespmem:s17+$0x280]  }
0x230: {  	v1 =	vld [tilespmem:$0x3680];
	_ =	sdelay $0x4  }
0x231: {  	v0 =	vadd.s32 v0, v1  }
0x232: {  	[tilespmem:s17+$0x280] =	vst v0;
	v0 =	vld [tilespmem:s17+$0x290]  }
0x233: {  	v1 =	vld [tilespmem:$0x3690];
	_ =	sdelay $0x4  }
0x234: {  	v0 =	vadd.s32 v0, v1  }
0x235: {  	[tilespmem:s17+$0x290] =	vst v0;
	v0 =	vld [tilespmem:s17+$0x2A0]  }
0x236: {  	v1 =	vld [tilespmem:$0x36A0];
	_ =	sdelay $0x4  }
0x237: {  	v0 =	vadd.s32 v0, v1  }
0x238: {  	[tilespmem:s17+$0x2A0] =	vst v0;
	v0 =	vld [tilespmem:s17+$0x2B0]  }
0x239: {  	v1 =	vld [tilespmem:$0x36B0];
	_ =	sdelay $0x4  }
0x23a: {  	v0 =	vadd.s32 v0, v1  }
0x23b: {  	[tilespmem:s17+$0x2B0] =	vst v0;
	v0 =	vld [tilespmem:s17+$0x2C0]  }
0x23c: {  	v1 =	vld [tilespmem:$0x36C0];
	_ =	sdelay $0x4  }
0x23d: {  	v0 =	vadd.s32 v0, v1  }
0x23e: {  	[tilespmem:s17+$0x2C0] =	vst v0;
	v0 =	vld [tilespmem:s17+$0x2D0]  }
0x23f: {  	v1 =	vld [tilespmem:$0x36D0];
	_ =	sdelay $0x4  }
0x240: {  	v0 =	vadd.s32 v0, v1  }
0x241: {  	[tilespmem:s17+$0x2D0] =	vst v0;
	v0 =	vld [tilespmem:s17+$0x2E0]  }
0x242: {  	v1 =	vld [tilespmem:$0x36E0];
	_ =	sdelay $0x4  }
0x243: {  	v0 =	vadd.s32 v0, v1  }
0x244: {  	[tilespmem:s17+$0x2E0] =	vst v0;
	v0 =	vld [tilespmem:s17+$0x2F0]  }
0x245: {  	v1 =	vld [tilespmem:$0x36F0];
	_ =	sdelay $0x4  }
0x246: {  	v0 =	vadd.s32 v0, v1  }
0x247: {  	[tilespmem:s17+$0x2F0] =	vst v0;
	v0 =	vld [tilespmem:s17+$0x300]  }
0x248: {  	v1 =	vld [tilespmem:$0x3700];
	_ =	sdelay $0x4  }
0x249: {  	v0 =	vadd.s32 v0, v1  }
0x24a: {  	[tilespmem:s17+$0x300] =	vst v0;
	v0 =	vld [tilespmem:s17+$0x310]  }
0x24b: {  	v1 =	vld [tilespmem:$0x3710];
	_ =	sdelay $0x4  }
0x24c: {  	v0 =	vadd.s32 v0, v1  }
0x24d: {  	[tilespmem:s17+$0x310] =	vst v0;
	v0 =	vld [tilespmem:s17+$0x320]  }
0x24e: {  	v1 =	vld [tilespmem:$0x3720];
	_ =	sdelay $0x4  }
0x24f: {  	v0 =	vadd.s32 v0, v1  }
0x250: {  	[tilespmem:s17+$0x320] =	vst v0;
	v0 =	vld [tilespmem:s17+$0x330]  }
0x251: {  	v1 =	vld [tilespmem:$0x3730];
	_ =	sdelay $0x4  }
0x252: {  	v0 =	vadd.s32 v0, v1  }
0x253: {  	[tilespmem:s17+$0x330] =	vst v0;
	v0 =	vld [tilespmem:s17+$0x340]  }
0x254: {  	v1 =	vld [tilespmem:$0x3740];
	_ =	sdelay $0x4  }
0x255: {  	v0 =	vadd.s32 v0, v1  }
0x256: {  	[tilespmem:s17+$0x340] =	vst v0;
	v0 =	vld [tilespmem:s17+$0x350]  }
0x257: {  	v1 =	vld [tilespmem:$0x3750];
	_ =	sdelay $0x4  }
0x258: {  	v0 =	vadd.s32 v0, v1  }
0x259: {  	[tilespmem:s17+$0x350] =	vst v0;
	v0 =	vld [tilespmem:s17+$0x360]  }
0x25a: {  	v1 =	vld [tilespmem:$0x3760];
	_ =	sdelay $0x4  }
0x25b: {  	v0 =	vadd.s32 v0, v1  }
0x25c: {  	[tilespmem:s17+$0x360] =	vst v0;
	v0 =	vld [tilespmem:s17+$0x370]  }
0x25d: {  	v1 =	vld [tilespmem:$0x3770];
	_ =	sdelay $0x4  }
0x25e: {  	v0 =	vadd.s32 v0, v1  }
0x25f: {  	[tilespmem:s17+$0x370] =	vst v0;
	v0 =	vld [tilespmem:s17+$0x380]  }
0x260: {  	v1 =	vld [tilespmem:$0x3780];
	_ =	sdelay $0x4  }
0x261: {  	v0 =	vadd.s32 v0, v1  }
0x262: {  	[tilespmem:s17+$0x380] =	vst v0;
	v0 =	vld [tilespmem:s17+$0x390]  }
0x263: {  	v1 =	vld [tilespmem:$0x3790];
	_ =	sdelay $0x4  }
0x264: {  	v0 =	vadd.s32 v0, v1  }
0x265: {  	[tilespmem:s17+$0x390] =	vst v0;
	v0 =	vld [tilespmem:s17+$0x3A0]  }
0x266: {  	v1 =	vld [tilespmem:$0x37A0];
	_ =	sdelay $0x4  }
0x267: {  	v0 =	vadd.s32 v0, v1  }
0x268: {  	[tilespmem:s17+$0x3A0] =	vst v0;
	v0 =	vld [tilespmem:s17+$0x3B0]  }
0x269: {  	v1 =	vld [tilespmem:$0x37B0];
	_ =	sdelay $0x4  }
0x26a: {  	v0 =	vadd.s32 v0, v1  }
0x26b: {  	[tilespmem:s17+$0x3B0] =	vst v0;
	v0 =	vld [tilespmem:s17+$0x3C0]  }
0x26c: {  	v1 =	vld [tilespmem:$0x37C0];
	_ =	sdelay $0x4  }
0x26d: {  	v0 =	vadd.s32 v0, v1  }
0x26e: {  	[tilespmem:s17+$0x3C0] =	vst v0;
	v0 =	vld [tilespmem:s17+$0x3D0]  }
0x26f: {  	v1 =	vld [tilespmem:$0x37D0];
	_ =	sdelay $0x4  }
0x270: {  	v0 =	vadd.s32 v0, v1  }
0x271: {  	[tilespmem:s17+$0x3D0] =	vst v0;
	v0 =	vld [tilespmem:s17+$0x3E0]  }
0x272: {  	v1 =	vld [tilespmem:$0x37E0];
	_ =	sdelay $0x4  }
0x273: {  	v0 =	vadd.s32 v0, v1  }
0x274: {  	[tilespmem:s17+$0x3E0] =	vst v0;
	v0 =	vld [tilespmem:s17+$0x3F0]  }
0x275: {  	v1 =	vld [tilespmem:$0x37F0];
	_ =	sdelay $0x4  }
0x276: {  	v0 =	vadd.s32 v0, v1  }
0x277: {  	[tilespmem:s17+$0x3F0] =	vst v0;
	v0 =	vld [tilespmem:s17+$0x400]  }
0x278: {  	v1 =	vld [tilespmem:$0x3800];
	_ =	sdelay $0x4  }
0x279: {  	v0 =	vadd.s32 v0, v1  }
0x27a: {  	[tilespmem:s17+$0x400] =	vst v0;
	v0 =	vld [tilespmem:s17+$0x410]  }
0x27b: {  	v1 =	vld [tilespmem:$0x3810];
	_ =	sdelay $0x4  }
0x27c: {  	v0 =	vadd.s32 v0, v1  }
0x27d: {  	[tilespmem:s17+$0x410] =	vst v0;
	v0 =	vld [tilespmem:s17+$0x420]  }
0x27e: {  	v1 =	vld [tilespmem:$0x3820];
	_ =	sdelay $0x4  }
0x27f: {  	v0 =	vadd.s32 v0, v1  }
0x280: {  	[tilespmem:s17+$0x420] =	vst v0;
	v0 =	vld [tilespmem:s17+$0x430]  }
0x281: {  	v1 =	vld [tilespmem:$0x3830];
	_ =	sdelay $0x4  }
0x282: {  	v0 =	vadd.s32 v0, v1  }
0x283: {  	[tilespmem:s17+$0x430] =	vst v0;
	v0 =	vld [tilespmem:s17+$0x440]  }
0x284: {  	v1 =	vld [tilespmem:$0x3840];
	_ =	sdelay $0x4  }
0x285: {  	v0 =	vadd.s32 v0, v1  }
0x286: {  	[tilespmem:s17+$0x440] =	vst v0;
	v0 =	vld [tilespmem:s17+$0x450]  }
0x287: {  	v1 =	vld [tilespmem:$0x3850];
	_ =	sdelay $0x4  }
0x288: {  	v0 =	vadd.s32 v0, v1  }
0x289: {  	[tilespmem:s17+$0x450] =	vst v0;
	v0 =	vld [tilespmem:s17+$0x460]  }
0x28a: {  	v1 =	vld [tilespmem:$0x3860];
	_ =	sdelay $0x4  }
0x28b: {  	v0 =	vadd.s32 v0, v1  }
0x28c: {  	[tilespmem:s17+$0x460] =	vst v0;
	v0 =	vld [tilespmem:s17+$0x470]  }
0x28d: {  	v1 =	vld [tilespmem:$0x3870];
	_ =	sdelay $0x4  }
0x28e: {  	v0 =	vadd.s32 v0, v1  }
0x28f: {  	[tilespmem:s17+$0x470] =	vst v0;
	v0 =	vld [tilespmem:s17+$0x480]  }
0x290: {  	v1 =	vld [tilespmem:$0x3880];
	_ =	sdelay $0x4  }
0x291: {  	v0 =	vadd.s32 v0, v1  }
0x292: {  	[tilespmem:s17+$0x480] =	vst v0;
	v0 =	vld [tilespmem:s17+$0x490]  }
0x293: {  	v1 =	vld [tilespmem:$0x3890];
	_ =	sdelay $0x4  }
0x294: {  	v0 =	vadd.s32 v0, v1  }
0x295: {  	[tilespmem:s17+$0x490] =	vst v0;
	v0 =	vld [tilespmem:s17+$0x4A0]  }
0x296: {  	v1 =	vld [tilespmem:$0x38A0];
	_ =	sdelay $0x4  }
0x297: {  	v0 =	vadd.s32 v0, v1  }
0x298: {  	[tilespmem:s17+$0x4A0] =	vst v0;
	v0 =	vld [tilespmem:s17+$0x4B0]  }
0x299: {  	v1 =	vld [tilespmem:$0x38B0];
	_ =	sdelay $0x4  }
0x29a: {  	v0 =	vadd.s32 v0, v1  }
0x29b: {  	[tilespmem:s17+$0x4B0] =	vst v0;
	v0 =	vld [tilespmem:s17+$0x4C0]  }
0x29c: {  	v1 =	vld [tilespmem:$0x38C0];
	_ =	sdelay $0x4  }
0x29d: {  	v0 =	vadd.s32 v0, v1  }
0x29e: {  	[tilespmem:s17+$0x4C0] =	vst v0;
	v0 =	vld [tilespmem:s17+$0x4D0]  }
0x29f: {  	v1 =	vld [tilespmem:$0x38D0];
	_ =	sdelay $0x4  }
0x2a0: {  	v0 =	vadd.s32 v0, v1  }
0x2a1: {  	[tilespmem:s17+$0x4D0] =	vst v0;
	v0 =	vld [tilespmem:s17+$0x4E0]  }
0x2a2: {  	v1 =	vld [tilespmem:$0x38E0];
	_ =	sdelay $0x4  }
0x2a3: {  	v0 =	vadd.s32 v0, v1  }
0x2a4: {  	[tilespmem:s17+$0x4E0] =	vst v0;
	v0 =	vld [tilespmem:s17+$0x4F0]  }
0x2a5: {  	v1 =	vld [tilespmem:$0x38F0];
	_ =	sdelay $0x4  }
0x2a6: {  	v0 =	vadd.s32 v0, v1  }
0x2a7: {  	[tilespmem:s17+$0x4F0] =	vst v0;
	v0 =	vld [tilespmem:s17+$0x500]  }
0x2a8: {  	v1 =	vld [tilespmem:$0x3900];
	_ =	sdelay $0x4  }
0x2a9: {  	v0 =	vadd.s32 v0, v1  }
0x2aa: {  	[tilespmem:s17+$0x500] =	vst v0;
	v0 =	vld [tilespmem:s17+$0x510]  }
0x2ab: {  	v1 =	vld [tilespmem:$0x3910];
	_ =	sdelay $0x4  }
0x2ac: {  	v0 =	vadd.s32 v0, v1  }
0x2ad: {  	[tilespmem:s17+$0x510] =	vst v0;
	v0 =	vld [tilespmem:s17+$0x520]  }
0x2ae: {  	v1 =	vld [tilespmem:$0x3920];
	_ =	sdelay $0x4  }
0x2af: {  	v0 =	vadd.s32 v0, v1  }
0x2b0: {  	[tilespmem:s17+$0x520] =	vst v0;
	v0 =	vld [tilespmem:s17+$0x530]  }
0x2b1: {  	v1 =	vld [tilespmem:$0x3930];
	_ =	sdelay $0x4  }
0x2b2: {  	v0 =	vadd.s32 v0, v1  }
0x2b3: {  	[tilespmem:s17+$0x530] =	vst v0;
	v0 =	vld [tilespmem:s17+$0x540]  }
0x2b4: {  	v1 =	vld [tilespmem:$0x3940];
	_ =	sdelay $0x4  }
0x2b5: {  	v0 =	vadd.s32 v0, v1  }
0x2b6: {  	[tilespmem:s17+$0x540] =	vst v0;
	v0 =	vld [tilespmem:s17+$0x550]  }
0x2b7: {  	v1 =	vld [tilespmem:$0x3950];
	_ =	sdelay $0x4  }
0x2b8: {  	v0 =	vadd.s32 v0, v1  }
0x2b9: {  	[tilespmem:s17+$0x550] =	vst v0;
	v0 =	vld [tilespmem:s17+$0x560]  }
0x2ba: {  	v1 =	vld [tilespmem:$0x3960];
	_ =	sdelay $0x4  }
0x2bb: {  	v0 =	vadd.s32 v0, v1  }
0x2bc: {  	[tilespmem:s17+$0x560] =	vst v0;
	v0 =	vld [tilespmem:s17+$0x570]  }
0x2bd: {  	v1 =	vld [tilespmem:$0x3970];
	_ =	sdelay $0x4  }
0x2be: {  	v0 =	vadd.s32 v0, v1  }
0x2bf: {  	[tilespmem:s17+$0x570] =	vst v0;
	v0 =	vld [tilespmem:s17+$0x580]  }
0x2c0: {  	v1 =	vld [tilespmem:$0x3980];
	_ =	sdelay $0x4  }
0x2c1: {  	v0 =	vadd.s32 v0, v1  }
0x2c2: {  	[tilespmem:s17+$0x580] =	vst v0;
	v0 =	vld [tilespmem:s17+$0x590]  }
0x2c3: {  	v1 =	vld [tilespmem:$0x3990];
	_ =	sdelay $0x4  }
0x2c4: {  	v0 =	vadd.s32 v0, v1  }
0x2c5: {  	[tilespmem:s17+$0x590] =	vst v0;
	v0 =	vld [tilespmem:s17+$0x5A0]  }
0x2c6: {  	v1 =	vld [tilespmem:$0x39A0];
	_ =	sdelay $0x4  }
0x2c7: {  	v0 =	vadd.s32 v0, v1  }
0x2c8: {  	[tilespmem:s17+$0x5A0] =	vst v0;
	v0 =	vld [tilespmem:s17+$0x5B0]  }
0x2c9: {  	v1 =	vld [tilespmem:$0x39B0];
	_ =	sdelay $0x4  }
0x2ca: {  	v0 =	vadd.s32 v0, v1  }
0x2cb: {  	[tilespmem:s17+$0x5B0] =	vst v0;
	v0 =	vld [tilespmem:s17+$0x5C0]  }
0x2cc: {  	v1 =	vld [tilespmem:$0x39C0];
	_ =	sdelay $0x4  }
0x2cd: {  	v0 =	vadd.s32 v0, v1  }
0x2ce: {  	[tilespmem:s17+$0x5C0] =	vst v0;
	v0 =	vld [tilespmem:s17+$0x5D0]  }
0x2cf: {  	v1 =	vld [tilespmem:$0x39D0];
	_ =	sdelay $0x4  }
0x2d0: {  	v0 =	vadd.s32 v0, v1  }
0x2d1: {  	[tilespmem:s17+$0x5D0] =	vst v0;
	v0 =	vld [tilespmem:s17+$0x5E0]  }
0x2d2: {  	v1 =	vld [tilespmem:$0x39E0];
	_ =	sdelay $0x4  }
0x2d3: {  	v0 =	vadd.s32 v0, v1  }
0x2d4: {  	[tilespmem:s17+$0x5E0] =	vst v0;
	v0 =	vld [tilespmem:s17+$0x5F0]  }
0x2d5: {  	v1 =	vld [tilespmem:$0x39F0];
	_ =	sdelay $0x4  }
0x2d6: {  	v0 =	vadd.s32 v0, v1  }
0x2d7: {  	[tilespmem:s17+$0x5F0] =	vst v0;
	v0 =	vld [tilespmem:s17+$0x600]  }
0x2d8: {  	v1 =	vld [tilespmem:$0x3A00];
	_ =	sdelay $0x4  }
0x2d9: {  	v0 =	vadd.s32 v0, v1  }
0x2da: {  	[tilespmem:s17+$0x600] =	vst v0;
	v0 =	vld [tilespmem:s17+$0x610]  }
0x2db: {  	v1 =	vld [tilespmem:$0x3A10];
	_ =	sdelay $0x4  }
0x2dc: {  	v0 =	vadd.s32 v0, v1  }
0x2dd: {  	[tilespmem:s17+$0x610] =	vst v0;
	v0 =	vld [tilespmem:s17+$0x620]  }
0x2de: {  	v1 =	vld [tilespmem:$0x3A20];
	_ =	sdelay $0x4  }
0x2df: {  	v0 =	vadd.s32 v0, v1  }
0x2e0: {  	[tilespmem:s17+$0x620] =	vst v0;
	v0 =	vld [tilespmem:s17+$0x630]  }
0x2e1: {  	v1 =	vld [tilespmem:$0x3A30];
	_ =	sdelay $0x4  }
0x2e2: {  	v0 =	vadd.s32 v0, v1  }
0x2e3: {  	[tilespmem:s17+$0x630] =	vst v0;
	v0 =	vld [tilespmem:s17+$0x640]  }
0x2e4: {  	v1 =	vld [tilespmem:$0x3A40];
	_ =	sdelay $0x4  }
0x2e5: {  	v0 =	vadd.s32 v0, v1  }
0x2e6: {  	[tilespmem:s17+$0x640] =	vst v0;
	v0 =	vld [tilespmem:s17+$0x650]  }
0x2e7: {  	v1 =	vld [tilespmem:$0x3A50];
	_ =	sdelay $0x4  }
0x2e8: {  	v0 =	vadd.s32 v0, v1  }
0x2e9: {  	[tilespmem:s17+$0x650] =	vst v0;
	v0 =	vld [tilespmem:s17+$0x660]  }
0x2ea: {  	v1 =	vld [tilespmem:$0x3A60];
	_ =	sdelay $0x4  }
0x2eb: {  	v0 =	vadd.s32 v0, v1  }
0x2ec: {  	[tilespmem:s17+$0x660] =	vst v0;
	v0 =	vld [tilespmem:s17+$0x670]  }
.Ltmp0:
0x2ed: {  	v1 =	vld [tilespmem:$0x3A70];
	(pc) =	sbr.rel @p0 .LBB2_2-.Ltmp0, $3  }
0x2ee: {  	_ =	sdelay $0x1  }
0x2ef: {  	s5 =	smul.u32 $0x1A00, s4  }
0x2f0: {  	s4 =	sadd.s32 $0x1, s4  }
0x2f1: {  	s4 =	sshra.s32 s5, $0x2;
	v0 =	vadd.s32 v0, v1  }
0x2f2: {  	v37 =	vld [tilespmem:s4+$0x0];
	[tilespmem:s17+$0x670] =	vst v0  }
0x2f3: {  	v0 =	vld [tilespmem:$0x3400];
	_ =	sdelay $0x4  }
0x2f4: {  	v0 =	vadd.s32 v37, v0  }
0x2f5: {  	v38 =	vld [tilespmem:s4+$0x10];
	[tilespmem:s4+$0x0] =	vst v0  }
0x2f6: {  	v39 =	vld [tilespmem:$0x3410];
	_ =	sdelay $0x4  }
0x2f7: {  	v0 =	vadd.s32 v38, v39  }
0x2f8: {  	v40 =	vld [tilespmem:s4+$0x20];
	[tilespmem:s4+$0x10] =	vst v0  }
0x2f9: {  	v41 =	vld [tilespmem:$0x3420];
	_ =	sdelay $0x4  }
0x2fa: {  	v0 =	vadd.s32 v40, v41  }
0x2fb: {  	v42 =	vld [tilespmem:s4+$0x30];
	[tilespmem:s4+$0x20] =	vst v0  }
0x2fc: {  	v43 =	vld [tilespmem:$0x3430];
	_ =	sdelay $0x4  }
0x2fd: {  	v0 =	vadd.s32 v42, v43  }
0x2fe: {  	v44 =	vld [tilespmem:s4+$0x40];
	[tilespmem:s4+$0x30] =	vst v0  }
0x2ff: {  	v45 =	vld [tilespmem:$0x3440];
	_ =	sdelay $0x4  }
0x300: {  	v0 =	vadd.s32 v44, v45  }
0x301: {  	v46 =	vld [tilespmem:s4+$0x50];
	[tilespmem:s4+$0x40] =	vst v0  }
0x302: {  	v47 =	vld [tilespmem:$0x3450];
	_ =	sdelay $0x4  }
0x303: {  	v0 =	vadd.s32 v46, v47  }
0x304: {  	v48 =	vld [tilespmem:s4+$0x60];
	[tilespmem:s4+$0x50] =	vst v0  }
0x305: {  	v49 =	vld [tilespmem:$0x3460];
	_ =	sdelay $0x4  }
0x306: {  	v0 =	vadd.s32 v48, v49  }
0x307: {  	v50 =	vld [tilespmem:s4+$0x70];
	[tilespmem:s4+$0x60] =	vst v0  }
0x308: {  	v51 =	vld [tilespmem:$0x3470];
	_ =	sdelay $0x4  }
0x309: {  	v0 =	vadd.s32 v50, v51  }
0x30a: {  	v52 =	vld [tilespmem:s4+$0x80];
	[tilespmem:s4+$0x70] =	vst v0  }
0x30b: {  	v53 =	vld [tilespmem:$0x3480];
	_ =	sdelay $0x4  }
0x30c: {  	v0 =	vadd.s32 v52, v53  }
0x30d: {  	v54 =	vld [tilespmem:s4+$0x90];
	[tilespmem:s4+$0x80] =	vst v0  }
0x30e: {  	v55 =	vld [tilespmem:$0x3490];
	_ =	sdelay $0x4  }
0x30f: {  	v0 =	vadd.s32 v54, v55  }
0x310: {  	v56 =	vld [tilespmem:s4+$0xA0];
	[tilespmem:s4+$0x90] =	vst v0  }
0x311: {  	v57 =	vld [tilespmem:$0x34A0];
	_ =	sdelay $0x4  }
0x312: {  	v0 =	vadd.s32 v56, v57  }
0x313: {  	v58 =	vld [tilespmem:s4+$0xB0];
	[tilespmem:s4+$0xA0] =	vst v0  }
0x314: {  	v59 =	vld [tilespmem:$0x34B0];
	_ =	sdelay $0x4  }
0x315: {  	v0 =	vadd.s32 v58, v59  }
0x316: {  	v60 =	vld [tilespmem:s4+$0xC0];
	[tilespmem:s4+$0xB0] =	vst v0  }
0x317: {  	v61 =	vld [tilespmem:$0x34C0];
	_ =	sdelay $0x4  }
0x318: {  	v0 =	vadd.s32 v60, v61  }
0x319: {  	v62 =	vld [tilespmem:s4+$0xD0];
	[tilespmem:s4+$0xC0] =	vst v0  }
0x31a: {  	v63 =	vld [tilespmem:$0x34D0];
	_ =	sdelay $0x4  }
0x31b: {  	v0 =	vadd.s32 v62, v63  }
0x31c: {  	v4 =	vld [tilespmem:s4+$0xE0];
	[tilespmem:s4+$0xD0] =	vst v0  }
0x31d: {  	v5 =	vld [tilespmem:$0x34E0];
	_ =	sdelay $0x4  }
0x31e: {  	v0 =	vadd.s32 v4, v5  }
0x31f: {  	v6 =	vld [tilespmem:s4+$0xF0];
	[tilespmem:s4+$0xE0] =	vst v0  }
0x320: {  	v7 =	vld [tilespmem:$0x34F0];
	_ =	sdelay $0x4  }
0x321: {  	v0 =	vadd.s32 v6, v7  }
0x322: {  	v8 =	vld [tilespmem:s4+$0x100];
	[tilespmem:s4+$0xF0] =	vst v0  }
0x323: {  	v9 =	vld [tilespmem:$0x3500];
	_ =	sdelay $0x4  }
0x324: {  	v0 =	vadd.s32 v8, v9  }
0x325: {  	v10 =	vld [tilespmem:s4+$0x110];
	[tilespmem:s4+$0x100] =	vst v0  }
0x326: {  	v11 =	vld [tilespmem:$0x3510];
	_ =	sdelay $0x4  }
0x327: {  	v0 =	vadd.s32 v10, v11  }
0x328: {  	v12 =	vld [tilespmem:s4+$0x120];
	[tilespmem:s4+$0x110] =	vst v0  }
0x329: {  	v13 =	vld [tilespmem:$0x3520];
	_ =	sdelay $0x4  }
0x32a: {  	v0 =	vadd.s32 v12, v13  }
0x32b: {  	v14 =	vld [tilespmem:s4+$0x130];
	[tilespmem:s4+$0x120] =	vst v0  }
0x32c: {  	v15 =	vld [tilespmem:$0x3530];
	_ =	sdelay $0x4  }
0x32d: {  	v0 =	vadd.s32 v14, v15  }
0x32e: {  	v16 =	vld [tilespmem:s4+$0x140];
	[tilespmem:s4+$0x130] =	vst v0  }
0x32f: {  	v17 =	vld [tilespmem:$0x3540];
	_ =	sdelay $0x4  }
0x330: {  	v0 =	vadd.s32 v16, v17  }
0x331: {  	v18 =	vld [tilespmem:s4+$0x150];
	[tilespmem:s4+$0x140] =	vst v0  }
0x332: {  	v19 =	vld [tilespmem:$0x3550];
	_ =	sdelay $0x4  }
0x333: {  	v0 =	vadd.s32 v18, v19  }
0x334: {  	v20 =	vld [tilespmem:s4+$0x160];
	[tilespmem:s4+$0x150] =	vst v0  }
0x335: {  	v21 =	vld [tilespmem:$0x3560];
	_ =	sdelay $0x4  }
0x336: {  	v0 =	vadd.s32 v20, v21  }
0x337: {  	v22 =	vld [tilespmem:s4+$0x170];
	[tilespmem:s4+$0x160] =	vst v0  }
0x338: {  	v23 =	vld [tilespmem:$0x3570];
	_ =	sdelay $0x4  }
0x339: {  	v0 =	vadd.s32 v22, v23  }
0x33a: {  	v24 =	vld [tilespmem:s4+$0x180];
	[tilespmem:s4+$0x170] =	vst v0  }
0x33b: {  	v25 =	vld [tilespmem:$0x3580];
	_ =	sdelay $0x4  }
0x33c: {  	v0 =	vadd.s32 v24, v25  }
0x33d: {  	v26 =	vld [tilespmem:s4+$0x190];
	[tilespmem:s4+$0x180] =	vst v0  }
0x33e: {  	v27 =	vld [tilespmem:$0x3590];
	_ =	sdelay $0x4  }
0x33f: {  	v0 =	vadd.s32 v26, v27  }
0x340: {  	v28 =	vld [tilespmem:s4+$0x1A0];
	[tilespmem:s4+$0x190] =	vst v0  }
0x341: {  	v29 =	vld [tilespmem:$0x35A0];
	_ =	sdelay $0x4  }
0x342: {  	v0 =	vadd.s32 v28, v29  }
0x343: {  	v30 =	vld [tilespmem:s4+$0x1B0];
	[tilespmem:s4+$0x1A0] =	vst v0  }
0x344: {  	v31 =	vld [tilespmem:$0x35B0];
	_ =	sdelay $0x4  }
0x345: {  	v0 =	vadd.s32 v30, v31  }
0x346: {  	v32 =	vld [tilespmem:s4+$0x1C0];
	[tilespmem:s4+$0x1B0] =	vst v0  }
0x347: {  	v33 =	vld [tilespmem:$0x35C0];
	_ =	sdelay $0x4  }
0x348: {  	v0 =	vadd.s32 v32, v33  }
0x349: {  	v34 =	vld [tilespmem:s4+$0x1D0];
	[tilespmem:s4+$0x1C0] =	vst v0  }
0x34a: {  	v35 =	vld [tilespmem:$0x35D0];
	_ =	sdelay $0x4  }
0x34b: {  	v0 =	vadd.s32 v34, v35  }
0x34c: {  	v36 =	vld [tilespmem:s4+$0x1E0];
	[tilespmem:s4+$0x1D0] =	vst v0  }
0x34d: {  	v37 =	vld [tilespmem:$0x35E0];
	_ =	sdelay $0x4  }
0x34e: {  	v0 =	vadd.s32 v36, v37  }
0x34f: {  	v38 =	vld [tilespmem:s4+$0x1F0];
	[tilespmem:s4+$0x1E0] =	vst v0  }
0x350: {  	v39 =	vld [tilespmem:$0x35F0];
	_ =	sdelay $0x4  }
0x351: {  	v0 =	vadd.s32 v38, v39  }
0x352: {  	v40 =	vld [tilespmem:s4+$0x200];
	[tilespmem:s4+$0x1F0] =	vst v0  }
0x353: {  	v41 =	vld [tilespmem:$0x3600];
	_ =	sdelay $0x4  }
0x354: {  	v0 =	vadd.s32 v40, v41  }
0x355: {  	v42 =	vld [tilespmem:s4+$0x210];
	[tilespmem:s4+$0x200] =	vst v0  }
0x356: {  	v43 =	vld [tilespmem:$0x3610];
	_ =	sdelay $0x4  }
0x357: {  	v0 =	vadd.s32 v42, v43  }
0x358: {  	v44 =	vld [tilespmem:s4+$0x220];
	[tilespmem:s4+$0x210] =	vst v0  }
0x359: {  	v45 =	vld [tilespmem:$0x3620];
	_ =	sdelay $0x4  }
0x35a: {  	v0 =	vadd.s32 v44, v45  }
0x35b: {  	v46 =	vld [tilespmem:s4+$0x230];
	[tilespmem:s4+$0x220] =	vst v0  }
0x35c: {  	v47 =	vld [tilespmem:$0x3630];
	_ =	sdelay $0x4  }
0x35d: {  	v0 =	vadd.s32 v46, v47  }
0x35e: {  	v48 =	vld [tilespmem:s4+$0x240];
	[tilespmem:s4+$0x230] =	vst v0  }
0x35f: {  	v49 =	vld [tilespmem:$0x3640];
	_ =	sdelay $0x4  }
0x360: {  	v0 =	vadd.s32 v48, v49  }
0x361: {  	v50 =	vld [tilespmem:s4+$0x250];
	[tilespmem:s4+$0x240] =	vst v0  }
0x362: {  	v51 =	vld [tilespmem:$0x3650];
	_ =	sdelay $0x4  }
0x363: {  	v0 =	vadd.s32 v50, v51  }
0x364: {  	v52 =	vld [tilespmem:s4+$0x260];
	[tilespmem:s4+$0x250] =	vst v0  }
0x365: {  	v53 =	vld [tilespmem:$0x3660];
	_ =	sdelay $0x4  }
0x366: {  	v0 =	vadd.s32 v52, v53  }
0x367: {  	v54 =	vld [tilespmem:s4+$0x270];
	[tilespmem:s4+$0x260] =	vst v0  }
0x368: {  	v55 =	vld [tilespmem:$0x3670];
	_ =	sdelay $0x4  }
0x369: {  	v0 =	vadd.s32 v54, v55  }
0x36a: {  	v56 =	vld [tilespmem:s4+$0x280];
	[tilespmem:s4+$0x270] =	vst v0  }
0x36b: {  	v57 =	vld [tilespmem:$0x3680];
	_ =	sdelay $0x4  }
0x36c: {  	v0 =	vadd.s32 v56, v57  }
0x36d: {  	v58 =	vld [tilespmem:s4+$0x290];
	[tilespmem:s4+$0x280] =	vst v0  }
0x36e: {  	v59 =	vld [tilespmem:$0x3690];
	_ =	sdelay $0x4  }
0x36f: {  	v0 =	vadd.s32 v58, v59  }
0x370: {  	v60 =	vld [tilespmem:s4+$0x2A0];
	[tilespmem:s4+$0x290] =	vst v0  }
0x371: {  	v61 =	vld [tilespmem:$0x36A0];
	_ =	sdelay $0x4  }
0x372: {  	v0 =	vadd.s32 v60, v61  }
0x373: {  	v62 =	vld [tilespmem:s4+$0x2B0];
	[tilespmem:s4+$0x2A0] =	vst v0  }
0x374: {  	v63 =	vld [tilespmem:$0x36B0];
	_ =	sdelay $0x4  }
0x375: {  	v0 =	vadd.s32 v62, v63  }
0x376: {  	v4 =	vld [tilespmem:s4+$0x2C0];
	[tilespmem:s4+$0x2B0] =	vst v0  }
0x377: {  	v5 =	vld [tilespmem:$0x36C0];
	_ =	sdelay $0x4  }
0x378: {  	v0 =	vadd.s32 v4, v5  }
0x379: {  	v6 =	vld [tilespmem:s4+$0x2D0];
	[tilespmem:s4+$0x2C0] =	vst v0  }
0x37a: {  	v7 =	vld [tilespmem:$0x36D0];
	_ =	sdelay $0x4  }
0x37b: {  	v0 =	vadd.s32 v6, v7  }
0x37c: {  	v8 =	vld [tilespmem:s4+$0x2E0];
	[tilespmem:s4+$0x2D0] =	vst v0  }
0x37d: {  	v9 =	vld [tilespmem:$0x36E0];
	_ =	sdelay $0x4  }
0x37e: {  	v0 =	vadd.s32 v8, v9  }
0x37f: {  	v10 =	vld [tilespmem:s4+$0x2F0];
	[tilespmem:s4+$0x2E0] =	vst v0  }
0x380: {  	v11 =	vld [tilespmem:$0x36F0];
	_ =	sdelay $0x4  }
0x381: {  	v0 =	vadd.s32 v10, v11  }
0x382: {  	v12 =	vld [tilespmem:s4+$0x300];
	[tilespmem:s4+$0x2F0] =	vst v0  }
0x383: {  	v13 =	vld [tilespmem:$0x3700];
	_ =	sdelay $0x4  }
0x384: {  	v0 =	vadd.s32 v12, v13  }
0x385: {  	v14 =	vld [tilespmem:s4+$0x310];
	[tilespmem:s4+$0x300] =	vst v0  }
0x386: {  	v15 =	vld [tilespmem:$0x3710];
	_ =	sdelay $0x4  }
0x387: {  	v0 =	vadd.s32 v14, v15  }
0x388: {  	v16 =	vld [tilespmem:s4+$0x320];
	[tilespmem:s4+$0x310] =	vst v0  }
0x389: {  	v17 =	vld [tilespmem:$0x3720];
	_ =	sdelay $0x4  }
0x38a: {  	v0 =	vadd.s32 v16, v17  }
0x38b: {  	v18 =	vld [tilespmem:s4+$0x330];
	[tilespmem:s4+$0x320] =	vst v0  }
0x38c: {  	v19 =	vld [tilespmem:$0x3730];
	_ =	sdelay $0x4  }
0x38d: {  	v0 =	vadd.s32 v18, v19  }
0x38e: {  	v20 =	vld [tilespmem:s4+$0x340];
	[tilespmem:s4+$0x330] =	vst v0  }
0x38f: {  	v21 =	vld [tilespmem:$0x3740];
	_ =	sdelay $0x4  }
0x390: {  	v0 =	vadd.s32 v20, v21  }
0x391: {  	v22 =	vld [tilespmem:s4+$0x350];
	[tilespmem:s4+$0x340] =	vst v0  }
0x392: {  	v23 =	vld [tilespmem:$0x3750];
	_ =	sdelay $0x4  }
0x393: {  	v0 =	vadd.s32 v22, v23  }
0x394: {  	v24 =	vld [tilespmem:s4+$0x360];
	[tilespmem:s4+$0x350] =	vst v0  }
0x395: {  	v25 =	vld [tilespmem:$0x3760];
	_ =	sdelay $0x4  }
0x396: {  	v0 =	vadd.s32 v24, v25  }
0x397: {  	v26 =	vld [tilespmem:s4+$0x370];
	[tilespmem:s4+$0x360] =	vst v0  }
0x398: {  	v27 =	vld [tilespmem:$0x3770];
	_ =	sdelay $0x4  }
0x399: {  	v0 =	vadd.s32 v26, v27  }
0x39a: {  	v28 =	vld [tilespmem:s4+$0x380];
	[tilespmem:s4+$0x370] =	vst v0  }
0x39b: {  	v29 =	vld [tilespmem:$0x3780];
	_ =	sdelay $0x4  }
0x39c: {  	v0 =	vadd.s32 v28, v29  }
0x39d: {  	v30 =	vld [tilespmem:s4+$0x390];
	[tilespmem:s4+$0x380] =	vst v0  }
0x39e: {  	v31 =	vld [tilespmem:$0x3790];
	_ =	sdelay $0x4  }
0x39f: {  	v0 =	vadd.s32 v30, v31  }
0x3a0: {  	v32 =	vld [tilespmem:s4+$0x3A0];
	[tilespmem:s4+$0x390] =	vst v0  }
0x3a1: {  	v33 =	vld [tilespmem:$0x37A0];
	_ =	sdelay $0x4  }
0x3a2: {  	v0 =	vadd.s32 v32, v33  }
0x3a3: {  	v34 =	vld [tilespmem:s4+$0x3B0];
	[tilespmem:s4+$0x3A0] =	vst v0  }
0x3a4: {  	v35 =	vld [tilespmem:$0x37B0];
	_ =	sdelay $0x4  }
0x3a5: {  	v0 =	vadd.s32 v34, v35  }
0x3a6: {  	v36 =	vld [tilespmem:s4+$0x3C0];
	[tilespmem:s4+$0x3B0] =	vst v0  }
0x3a7: {  	v37 =	vld [tilespmem:$0x37C0];
	_ =	sdelay $0x4  }
0x3a8: {  	v0 =	vadd.s32 v36, v37  }
0x3a9: {  	v38 =	vld [tilespmem:s4+$0x3D0];
	[tilespmem:s4+$0x3C0] =	vst v0  }
0x3aa: {  	v39 =	vld [tilespmem:$0x37D0];
	_ =	sdelay $0x4  }
0x3ab: {  	v0 =	vadd.s32 v38, v39  }
0x3ac: {  	v40 =	vld [tilespmem:s4+$0x3E0];
	[tilespmem:s4+$0x3D0] =	vst v0  }
0x3ad: {  	v41 =	vld [tilespmem:$0x37E0];
	_ =	sdelay $0x4  }
0x3ae: {  	v0 =	vadd.s32 v40, v41  }
0x3af: {  	v42 =	vld [tilespmem:s4+$0x3F0];
	[tilespmem:s4+$0x3E0] =	vst v0  }
0x3b0: {  	v43 =	vld [tilespmem:$0x37F0];
	_ =	sdelay $0x4  }
0x3b1: {  	v0 =	vadd.s32 v42, v43  }
0x3b2: {  	v44 =	vld [tilespmem:s4+$0x400];
	[tilespmem:s4+$0x3F0] =	vst v0  }
0x3b3: {  	v45 =	vld [tilespmem:$0x3800];
	_ =	sdelay $0x4  }
0x3b4: {  	v0 =	vadd.s32 v44, v45  }
0x3b5: {  	v46 =	vld [tilespmem:s4+$0x410];
	[tilespmem:s4+$0x400] =	vst v0  }
0x3b6: {  	v47 =	vld [tilespmem:$0x3810];
	_ =	sdelay $0x4  }
0x3b7: {  	v0 =	vadd.s32 v46, v47  }
0x3b8: {  	v48 =	vld [tilespmem:s4+$0x420];
	[tilespmem:s4+$0x410] =	vst v0  }
0x3b9: {  	v49 =	vld [tilespmem:$0x3820];
	_ =	sdelay $0x4  }
0x3ba: {  	v0 =	vadd.s32 v48, v49  }
0x3bb: {  	v50 =	vld [tilespmem:s4+$0x430];
	[tilespmem:s4+$0x420] =	vst v0  }
0x3bc: {  	v51 =	vld [tilespmem:$0x3830];
	_ =	sdelay $0x4  }
0x3bd: {  	v0 =	vadd.s32 v50, v51  }
0x3be: {  	v52 =	vld [tilespmem:s4+$0x440];
	[tilespmem:s4+$0x430] =	vst v0  }
0x3bf: {  	v53 =	vld [tilespmem:$0x3840];
	_ =	sdelay $0x4  }
0x3c0: {  	v0 =	vadd.s32 v52, v53  }
0x3c1: {  	v54 =	vld [tilespmem:s4+$0x450];
	[tilespmem:s4+$0x440] =	vst v0  }
0x3c2: {  	v55 =	vld [tilespmem:$0x3850];
	_ =	sdelay $0x4  }
0x3c3: {  	v0 =	vadd.s32 v54, v55  }
0x3c4: {  	v56 =	vld [tilespmem:s4+$0x460];
	[tilespmem:s4+$0x450] =	vst v0  }
0x3c5: {  	v57 =	vld [tilespmem:$0x3860];
	_ =	sdelay $0x4  }
0x3c6: {  	v0 =	vadd.s32 v56, v57  }
0x3c7: {  	v58 =	vld [tilespmem:s4+$0x470];
	[tilespmem:s4+$0x460] =	vst v0  }
0x3c8: {  	v59 =	vld [tilespmem:$0x3870];
	_ =	sdelay $0x4  }
0x3c9: {  	v0 =	vadd.s32 v58, v59  }
0x3ca: {  	v60 =	vld [tilespmem:s4+$0x480];
	[tilespmem:s4+$0x470] =	vst v0  }
0x3cb: {  	v61 =	vld [tilespmem:$0x3880];
	_ =	sdelay $0x4  }
0x3cc: {  	v0 =	vadd.s32 v60, v61  }
0x3cd: {  	v62 =	vld [tilespmem:s4+$0x490];
	[tilespmem:s4+$0x480] =	vst v0  }
0x3ce: {  	v63 =	vld [tilespmem:$0x3890];
	_ =	sdelay $0x4  }
0x3cf: {  	v0 =	vadd.s32 v62, v63  }
0x3d0: {  	v4 =	vld [tilespmem:s4+$0x4A0];
	[tilespmem:s4+$0x490] =	vst v0  }
0x3d1: {  	v5 =	vld [tilespmem:$0x38A0];
	_ =	sdelay $0x4  }
0x3d2: {  	v0 =	vadd.s32 v4, v5  }
0x3d3: {  	v6 =	vld [tilespmem:s4+$0x4B0];
	[tilespmem:s4+$0x4A0] =	vst v0  }
0x3d4: {  	v7 =	vld [tilespmem:$0x38B0];
	_ =	sdelay $0x4  }
0x3d5: {  	v0 =	vadd.s32 v6, v7  }
0x3d6: {  	v8 =	vld [tilespmem:s4+$0x4C0];
	[tilespmem:s4+$0x4B0] =	vst v0  }
0x3d7: {  	v9 =	vld [tilespmem:$0x38C0];
	_ =	sdelay $0x4  }
0x3d8: {  	v0 =	vadd.s32 v8, v9  }
0x3d9: {  	v10 =	vld [tilespmem:s4+$0x4D0];
	[tilespmem:s4+$0x4C0] =	vst v0  }
0x3da: {  	v11 =	vld [tilespmem:$0x38D0];
	_ =	sdelay $0x4  }
0x3db: {  	v0 =	vadd.s32 v10, v11  }
0x3dc: {  	v12 =	vld [tilespmem:s4+$0x4E0];
	[tilespmem:s4+$0x4D0] =	vst v0  }
0x3dd: {  	v13 =	vld [tilespmem:$0x38E0];
	_ =	sdelay $0x4  }
0x3de: {  	v0 =	vadd.s32 v12, v13  }
0x3df: {  	v14 =	vld [tilespmem:s4+$0x4F0];
	[tilespmem:s4+$0x4E0] =	vst v0  }
0x3e0: {  	v15 =	vld [tilespmem:$0x38F0];
	_ =	sdelay $0x4  }
0x3e1: {  	v0 =	vadd.s32 v14, v15  }
0x3e2: {  	v16 =	vld [tilespmem:s4+$0x500];
	[tilespmem:s4+$0x4F0] =	vst v0  }
0x3e3: {  	v17 =	vld [tilespmem:$0x3900];
	_ =	sdelay $0x4  }
0x3e4: {  	v0 =	vadd.s32 v16, v17  }
0x3e5: {  	v18 =	vld [tilespmem:s4+$0x510];
	[tilespmem:s4+$0x500] =	vst v0  }
0x3e6: {  	v19 =	vld [tilespmem:$0x3910];
	_ =	sdelay $0x4  }
0x3e7: {  	v0 =	vadd.s32 v18, v19  }
0x3e8: {  	v20 =	vld [tilespmem:s4+$0x520];
	[tilespmem:s4+$0x510] =	vst v0  }
0x3e9: {  	v21 =	vld [tilespmem:$0x3920];
	_ =	sdelay $0x4  }
0x3ea: {  	v0 =	vadd.s32 v20, v21  }
0x3eb: {  	v22 =	vld [tilespmem:s4+$0x530];
	[tilespmem:s4+$0x520] =	vst v0  }
0x3ec: {  	v23 =	vld [tilespmem:$0x3930];
	_ =	sdelay $0x4  }
0x3ed: {  	v0 =	vadd.s32 v22, v23  }
0x3ee: {  	v24 =	vld [tilespmem:s4+$0x540];
	[tilespmem:s4+$0x530] =	vst v0  }
0x3ef: {  	v25 =	vld [tilespmem:$0x3940];
	_ =	sdelay $0x4  }
0x3f0: {  	v0 =	vadd.s32 v24, v25  }
0x3f1: {  	v26 =	vld [tilespmem:s4+$0x550];
	[tilespmem:s4+$0x540] =	vst v0  }
0x3f2: {  	v27 =	vld [tilespmem:$0x3950];
	_ =	sdelay $0x4  }
0x3f3: {  	v0 =	vadd.s32 v26, v27  }
0x3f4: {  	v28 =	vld [tilespmem:s4+$0x560];
	[tilespmem:s4+$0x550] =	vst v0  }
0x3f5: {  	v29 =	vld [tilespmem:$0x3960];
	_ =	sdelay $0x4  }
0x3f6: {  	v0 =	vadd.s32 v28, v29  }
0x3f7: {  	v30 =	vld [tilespmem:s4+$0x570];
	[tilespmem:s4+$0x560] =	vst v0  }
0x3f8: {  	v31 =	vld [tilespmem:$0x3970];
	_ =	sdelay $0x4  }
0x3f9: {  	v0 =	vadd.s32 v30, v31  }
0x3fa: {  	v32 =	vld [tilespmem:s4+$0x580];
	[tilespmem:s4+$0x570] =	vst v0  }
0x3fb: {  	v33 =	vld [tilespmem:$0x3980];
	_ =	sdelay $0x4  }
0x3fc: {  	v0 =	vadd.s32 v32, v33  }
0x3fd: {  	v34 =	vld [tilespmem:s4+$0x590];
	[tilespmem:s4+$0x580] =	vst v0  }
0x3fe: {  	v35 =	vld [tilespmem:$0x3990];
	_ =	sdelay $0x4  }
0x3ff: {  	v0 =	vadd.s32 v34, v35  }
0x400: {  	v36 =	vld [tilespmem:s4+$0x5A0];
	[tilespmem:s4+$0x590] =	vst v0  }
0x401: {  	v37 =	vld [tilespmem:$0x39A0];
	_ =	sdelay $0x4  }
0x402: {  	v0 =	vadd.s32 v36, v37  }
0x403: {  	v38 =	vld [tilespmem:s4+$0x5B0];
	[tilespmem:s4+$0x5A0] =	vst v0  }
0x404: {  	v39 =	vld [tilespmem:$0x39B0];
	_ =	sdelay $0x4  }
0x405: {  	v0 =	vadd.s32 v38, v39  }
0x406: {  	v40 =	vld [tilespmem:s4+$0x5C0];
	[tilespmem:s4+$0x5B0] =	vst v0  }
0x407: {  	v41 =	vld [tilespmem:$0x39C0];
	_ =	sdelay $0x4  }
0x408: {  	v0 =	vadd.s32 v40, v41  }
0x409: {  	v42 =	vld [tilespmem:s4+$0x5D0];
	[tilespmem:s4+$0x5C0] =	vst v0  }
0x40a: {  	v43 =	vld [tilespmem:$0x39D0];
	_ =	sdelay $0x4  }
0x40b: {  	v0 =	vadd.s32 v42, v43  }
0x40c: {  	v44 =	vld [tilespmem:s4+$0x5E0];
	[tilespmem:s4+$0x5D0] =	vst v0  }
0x40d: {  	v45 =	vld [tilespmem:$0x39E0];
	_ =	sdelay $0x4  }
0x40e: {  	v0 =	vadd.s32 v44, v45  }
0x40f: {  	v46 =	vld [tilespmem:s4+$0x5F0];
	[tilespmem:s4+$0x5E0] =	vst v0  }
0x410: {  	v47 =	vld [tilespmem:$0x39F0];
	_ =	sdelay $0x4  }
0x411: {  	v0 =	vadd.s32 v46, v47  }
0x412: {  	v48 =	vld [tilespmem:s4+$0x600];
	[tilespmem:s4+$0x5F0] =	vst v0  }
0x413: {  	v49 =	vld [tilespmem:$0x3A00];
	_ =	sdelay $0x4  }
0x414: {  	v0 =	vadd.s32 v48, v49  }
0x415: {  	v50 =	vld [tilespmem:s4+$0x610];
	[tilespmem:s4+$0x600] =	vst v0  }
0x416: {  	v51 =	vld [tilespmem:$0x3A10];
	_ =	sdelay $0x4  }
0x417: {  	v0 =	vadd.s32 v50, v51  }
0x418: {  	v52 =	vld [tilespmem:s4+$0x620];
	[tilespmem:s4+$0x610] =	vst v0  }
0x419: {  	v53 =	vld [tilespmem:$0x3A20];
	_ =	sdelay $0x4  }
0x41a: {  	v0 =	vadd.s32 v52, v53  }
0x41b: {  	v54 =	vld [tilespmem:s4+$0x630];
	[tilespmem:s4+$0x620] =	vst v0  }
0x41c: {  	v55 =	vld [tilespmem:$0x3A30];
	_ =	sdelay $0x4  }
0x41d: {  	v0 =	vadd.s32 v54, v55  }
0x41e: {  	v56 =	vld [tilespmem:s4+$0x640];
	[tilespmem:s4+$0x630] =	vst v0  }
0x41f: {  	v57 =	vld [tilespmem:$0x3A40];
	_ =	sdelay $0x4  }
0x420: {  	v0 =	vadd.s32 v56, v57  }
0x421: {  	v58 =	vld [tilespmem:s4+$0x650];
	[tilespmem:s4+$0x640] =	vst v0  }
0x422: {  	v59 =	vld [tilespmem:$0x3A50];
	_ =	sdelay $0x4  }
0x423: {  	v0 =	vadd.s32 v58, v59  }
0x424: {  	v60 =	vld [tilespmem:s4+$0x660];
	[tilespmem:s4+$0x650] =	vst v0  }
0x425: {  	v61 =	vld [tilespmem:$0x3A60];
	_ =	sdelay $0x4  }
0x426: {  	v0 =	vadd.s32 v60, v61  }
0x427: {  	v62 =	vld [tilespmem:s4+$0x670];
	[tilespmem:s4+$0x660] =	vst v0  }
0x428: {  	v63 =	vld [tilespmem:$0x3A70];
	_ =	sdelay $0x4  }
0x429: {  	v0 =	vadd.s32 v62, v63  }
0x42a: {  	s17 =	simm.s32 $0x0;
	[tilespmem:s4+$0x670] =	vst v0;
	s4 =	simm.s32 $0x0  }
.LBB2_4:
0x42b: {  	s5 =	sshll.u32 s17, $0x7  }
0x42c: {  	s5 =	sadd.s32 s5, s10  }
0x42d: {  	[tilespmem:s18], [sflag:$0x2] =	stream.linear.gather [hbm4b:s5+s4], $0x400, $0x38;
	[tilespmem:$0x14830] =	vst v63  }
0x42e: {  	s6 =	smul.u32 $0x1A00, s17;
	_ =	swait.ge [sflag:s14], $0x400  }
0x42f: {  	[sflag:s14] =	ssyncset.done $0x0  }
0x430: {  	s5 =	sshra.s32 s6, $0x2;
	[sflag:s14] =	ssyncadd.s32 $0xFFFFFC00  }
0x431: {  	[tilespmem:s20], [sflag:$0x1] =	stream.indirect.gather [hbm4b:s8+s19], $0x10, s5, s19, $0xb8;
	[tilespmem:$0x14830] =	vst v63  }
0x432: {  	s6 =	sadd.s32 $0x80, s5  }
0x433: {  	[tilespmem:s21], [sflag:$0x1] =	stream.indirect.gather [hbm4b:s8+s19], $0x10, s6, s19, $0xb8;
	[tilespmem:$0x14830] =	vst v63  }
0x434: {  	s7 =	sadd.s32 $0x100, s5  }
0x435: {  	[tilespmem:s22], [sflag:$0x1] =	stream.indirect.gather [hbm4b:s8+s19], $0x10, s7, s19, $0xb8;
	[tilespmem:$0x14830] =	vst v63  }
0x436: {  	s9 =	sadd.s32 $0x180, s5  }
0x437: {  	[tilespmem:s23], [sflag:$0x1] =	stream.indirect.gather [hbm4b:s8+s19], $0x10, s9, s19, $0xb8;
	[tilespmem:$0x14830] =	vst v63  }
0x438: {  	s7 =	sadd.s32 $0x200, s5  }
0x439: {  	[tilespmem:s24], [sflag:$0x1] =	stream.indirect.gather [hbm4b:s8+s19], $0x10, s7, s19, $0xb8;
	[tilespmem:$0x14830] =	vst v63  }
0x43a: {  	s9 =	sadd.s32 $0x280, s5  }
0x43b: {  	[tilespmem:s25], [sflag:$0x1] =	stream.indirect.gather [hbm4b:s8+s19], $0x10, s9, s19, $0xb8;
	[tilespmem:$0x14830] =	vst v63  }
0x43c: {  	s7 =	sadd.s32 $0x300, s5  }
0x43d: {  	[tilespmem:s26], [sflag:$0x1] =	stream.indirect.gather [hbm4b:s8+s19], $0x10, s7, s19, $0xb8;
	[tilespmem:$0x14830] =	vst v63  }
0x43e: {  	s9 =	sadd.s32 $0x380, s5  }
0x43f: {  	[tilespmem:s28], [sflag:$0x1] =	stream.indirect.gather [hbm4b:s8+s19], $0x10, s9, s19, $0xb8;
	[tilespmem:$0x14830] =	vst v63  }
0x440: {  	s7 =	sadd.s32 $0x400, s5  }
0x441: {  	[tilespmem:s29], [sflag:$0x1] =	stream.indirect.gather [hbm4b:s8+s19], $0x10, s7, s19, $0xb8;
	[tilespmem:$0x14830] =	vst v63  }
0x442: {  	s9 =	sadd.s32 $0x480, s5  }
0x443: {  	[tilespmem:s30], [sflag:$0x1] =	stream.indirect.gather [hbm4b:s8+s19], $0x10, s9, s19, $0xb8;
	[tilespmem:$0x14830] =	vst v63  }
0x444: {  	s7 =	sadd.s32 $0x500, s5  }
0x445: {  	[tilespmem:s31], [sflag:$0x1] =	stream.indirect.gather [hbm4b:s8+s19], $0x10, s7, s19, $0xb8;
	[tilespmem:$0x14830] =	vst v63  }
0x446: {  	s9 =	sadd.s32 $0x580, s5  }
0x447: {  	[tilespmem:s1], [sflag:$0x1] =	stream.indirect.gather [hbm4b:s8+s19], $0x10, s9, s19, $0xb8;
	[tilespmem:$0x14830] =	vst v63  }
0x448: {  	s5 =	sadd.s32 $0x600, s5  }
0x449: {  	[tilespmem:s0], [sflag:$0x1] =	stream.indirect.gather [hbm4b:s8+s19], $0x10, s5, s19, $0xb8;
	[tilespmem:$0x14830] =	vst v63  }
0x44a: {  	_ =	swait.ge [sflag:s13], $0x800  }
0x44b: {  	[sflag:s13] =	ssyncset.done $0x0  }
0x44c: {  	[sflag:s13] =	ssyncadd.s32 $0xFFFFF800  }
0x44d: {  	_ =	swait.ge [sflag:s13], $0x800  }
0x44e: {  	[sflag:s13] =	ssyncset.done $0x0  }
0x44f: {  	[sflag:s13] =	ssyncadd.s32 $0xFFFFF800  }
0x450: {  	_ =	swait.ge [sflag:s13], $0x800  }
0x451: {  	[sflag:s13] =	ssyncset.done $0x0  }
0x452: {  	[sflag:s13] =	ssyncadd.s32 $0xFFFFF800  }
0x453: {  	_ =	swait.ge [sflag:s13], $0x800  }
0x454: {  	[sflag:s13] =	ssyncset.done $0x0  }
0x455: {  	[sflag:s13] =	ssyncadd.s32 $0xFFFFF800  }
0x456: {  	_ =	swait.ge [sflag:s13], $0x800  }
0x457: {  	[sflag:s13] =	ssyncset.done $0x0  }
0x458: {  	[sflag:s13] =	ssyncadd.s32 $0xFFFFF800  }
0x459: {  	_ =	swait.ge [sflag:s13], $0x800  }
0x45a: {  	[sflag:s13] =	ssyncset.done $0x0  }
0x45b: {  	[sflag:s13] =	ssyncadd.s32 $0xFFFFF800  }
0x45c: {  	_ =	swait.ge [sflag:s13], $0x800  }
0x45d: {  	[sflag:s13] =	ssyncset.done $0x0  }
0x45e: {  	[sflag:s13] =	ssyncadd.s32 $0xFFFFF800  }
0x45f: {  	_ =	swait.ge [sflag:s13], $0x800  }
0x460: {  	[sflag:s13] =	ssyncset.done $0x0  }
0x461: {  	[sflag:s13] =	ssyncadd.s32 $0xFFFFF800  }
0x462: {  	_ =	swait.ge [sflag:s13], $0x800  }
0x463: {  	[sflag:s13] =	ssyncset.done $0x0  }
0x464: {  	[sflag:s13] =	ssyncadd.s32 $0xFFFFF800  }
0x465: {  	_ =	swait.ge [sflag:s13], $0x800  }
0x466: {  	[sflag:s13] =	ssyncset.done $0x0  }
0x467: {  	[sflag:s13] =	ssyncadd.s32 $0xFFFFF800  }
0x468: {  	_ =	swait.ge [sflag:s13], $0x800  }
0x469: {  	[sflag:s13] =	ssyncset.done $0x0  }
0x46a: {  	[sflag:s13] =	ssyncadd.s32 $0xFFFFF800  }
0x46b: {  	_ =	swait.ge [sflag:s13], $0x800  }
0x46c: {  	[sflag:s13] =	ssyncset.done $0x0  }
0x46d: {  	[sflag:s13] =	ssyncadd.s32 $0xFFFFF800  }
0x46e: {  	_ =	swait.ge [sflag:s13], $0x800  }
0x46f: {  	s6 =	simm.s32 $0x3B50;
	[sflag:s13] =	ssyncset.done $0x0  }
0x470: {  	s7 =	simm.s32 $0x0;
	s5 =	simm.s32 $0xA3B0;
	[sflag:s13] =	ssyncadd.s32 $0xFFFFF800  }
.LBB2_5:
0x471: {  	s9 =	sshra.s32 s7, $0x2  }
0x472: {  	v0 =	vld [tilespmem:s9+$0x13E80];
	_ =	sdelay $0x1  }
0x473: {  	v1 =	vld [tilespmem:$0x14280];
	_ =	sdelay $0x1  }
0x474: {  	v2 =	vld [tilespmem:$0x14350]  }
0x475: {  	v3 =	vbroadcast v0, $0x0;
	_ =	sdelay $0x1  }
0x476: {  	v1 =	vmul.f32 v1, v3;
	_ =	sdelay $0x1  }
0x477: {  	v1 =	vadd.f32 v2, v1;
	_ =	sdelay $0x1  }
0x478: {  	[tilespmem:s5+$0xFFFFFED0] =	vst v1  }
0x479: {  	v1 =	vld [tilespmem:$0x14290];
	_ =	sdelay $0x1  }
0x47a: {  	v15 =	vld [tilespmem:$0x14360]  }
0x47b: {  	v16 =	vbroadcast v0, $0x1;
	_ =	sdelay $0x1  }
0x47c: {  	v1 =	vmul.f32 v1, v16;
	_ =	sdelay $0x1  }
0x47d: {  	v1 =	vadd.f32 v15, v1;
	_ =	sdelay $0x1  }
0x47e: {  	[tilespmem:s5+$0xFFFFFEE0] =	vst v1  }
0x47f: {  	v1 =	vld [tilespmem:$0x142A0];
	_ =	sdelay $0x1  }
0x480: {  	v17 =	vld [tilespmem:$0x14370]  }
0x481: {  	v18 =	vbroadcast v0, $0x2;
	_ =	sdelay $0x1  }
0x482: {  	v1 =	vmul.f32 v1, v18;
	_ =	sdelay $0x1  }
0x483: {  	v1 =	vadd.f32 v17, v1;
	_ =	sdelay $0x1  }
0x484: {  	[tilespmem:s5+$0xFFFFFEF0] =	vst v1  }
0x485: {  	v1 =	vld [tilespmem:$0x142B0];
	_ =	sdelay $0x1  }
0x486: {  	v19 =	vld [tilespmem:$0x14380]  }
0x487: {  	v20 =	vbroadcast v0, $0x3;
	_ =	sdelay $0x1  }
0x488: {  	v1 =	vmul.f32 v1, v20;
	_ =	sdelay $0x1  }
0x489: {  	v1 =	vadd.f32 v19, v1;
	_ =	sdelay $0x1  }
0x48a: {  	[tilespmem:s5+$0xFFFFFF00] =	vst v1  }
0x48b: {  	v1 =	vld [tilespmem:$0x142C0];
	_ =	sdelay $0x1  }
0x48c: {  	v21 =	vld [tilespmem:$0x14390]  }
0x48d: {  	v22 =	vbroadcast v0, $0x4;
	_ =	sdelay $0x1  }
0x48e: {  	v1 =	vmul.f32 v1, v22;
	_ =	sdelay $0x1  }
0x48f: {  	v1 =	vadd.f32 v21, v1;
	_ =	sdelay $0x1  }
0x490: {  	[tilespmem:s5+$0xFFFFFF10] =	vst v1  }
0x491: {  	v1 =	vld [tilespmem:$0x142D0];
	_ =	sdelay $0x1  }
0x492: {  	v23 =	vld [tilespmem:$0x143A0]  }
0x493: {  	v24 =	vbroadcast v0, $0x5;
	_ =	sdelay $0x1  }
0x494: {  	v1 =	vmul.f32 v1, v24;
	_ =	sdelay $0x1  }
0x495: {  	v1 =	vadd.f32 v23, v1;
	_ =	sdelay $0x1  }
0x496: {  	[tilespmem:s5+$0xFFFFFF20] =	vst v1  }
0x497: {  	v1 =	vld [tilespmem:$0x142E0];
	_ =	sdelay $0x1  }
0x498: {  	v25 =	vld [tilespmem:$0x143B0]  }
0x499: {  	v26 =	vbroadcast v0, $0x6;
	_ =	sdelay $0x1  }
0x49a: {  	v1 =	vmul.f32 v1, v26;
	_ =	sdelay $0x1  }
0x49b: {  	v1 =	vadd.f32 v25, v1;
	_ =	sdelay $0x1  }
0x49c: {  	[tilespmem:s5+$0xFFFFFF30] =	vst v1  }
0x49d: {  	v1 =	vld [tilespmem:$0x142F0];
	_ =	sdelay $0x1  }
0x49e: {  	v27 =	vld [tilespmem:$0x143C0]  }
0x49f: {  	v28 =	vbroadcast v0, $0x7;
	_ =	sdelay $0x1  }
0x4a0: {  	v1 =	vmul.f32 v1, v28;
	_ =	sdelay $0x1  }
0x4a1: {  	v1 =	vadd.f32 v27, v1;
	_ =	sdelay $0x1  }
0x4a2: {  	[tilespmem:s5+$0xFFFFFF40] =	vst v1  }
0x4a3: {  	v1 =	vld [tilespmem:$0x14300];
	_ =	sdelay $0x1  }
0x4a4: {  	v29 =	vld [tilespmem:$0x143D0]  }
0x4a5: {  	v30 =	vbroadcast v0, $0x8;
	_ =	sdelay $0x1  }
0x4a6: {  	v1 =	vmul.f32 v1, v30;
	_ =	sdelay $0x1  }
0x4a7: {  	v1 =	vadd.f32 v29, v1;
	_ =	sdelay $0x1  }
0x4a8: {  	[tilespmem:s5+$0xFFFFFF50] =	vst v1  }
0x4a9: {  	v1 =	vld [tilespmem:$0x14310];
	_ =	sdelay $0x1  }
0x4aa: {  	v31 =	vld [tilespmem:$0x143E0]  }
0x4ab: {  	v32 =	vbroadcast v0, $0x9;
	_ =	sdelay $0x1  }
0x4ac: {  	v1 =	vmul.f32 v1, v32;
	_ =	sdelay $0x1  }
0x4ad: {  	v1 =	vadd.f32 v31, v1;
	_ =	sdelay $0x1  }
0x4ae: {  	[tilespmem:s5+$0xFFFFFF60] =	vst v1  }
0x4af: {  	v1 =	vld [tilespmem:$0x14320];
	_ =	sdelay $0x1  }
0x4b0: {  	v33 =	vld [tilespmem:$0x143F0]  }
0x4b1: {  	v34 =	vbroadcast v0, $0xA;
	_ =	sdelay $0x1  }
0x4b2: {  	v1 =	vmul.f32 v1, v34;
	_ =	sdelay $0x1  }
0x4b3: {  	v1 =	vadd.f32 v33, v1;
	_ =	sdelay $0x1  }
0x4b4: {  	[tilespmem:s5+$0xFFFFFF70] =	vst v1  }
0x4b5: {  	v1 =	vld [tilespmem:$0x14330];
	_ =	sdelay $0x1  }
0x4b6: {  	v35 =	vld [tilespmem:$0x14400]  }
0x4b7: {  	v36 =	vbroadcast v0, $0xB;
	_ =	sdelay $0x1  }
0x4b8: {  	v1 =	vmul.f32 v1, v36;
	_ =	sdelay $0x1  }
0x4b9: {  	v1 =	vadd.f32 v35, v1;
	_ =	sdelay $0x1  }
0x4ba: {  	[tilespmem:s5+$0xFFFFFF80] =	vst v1  }
0x4bb: {  	v1 =	vld [tilespmem:$0x14340];
	_ =	sdelay $0x1  }
0x4bc: {  	v37 =	vld [tilespmem:$0x14410]  }
0x4bd: {  	v0 =	vbroadcast v0, $0xC;
	_ =	sdelay $0x1  }
0x4be: {  	v0 =	vmul.f32 v1, v0;
	_ =	sdelay $0x1  }
0x4bf: {  	v0 =	vadd.f32 v37, v0;
	_ =	sdelay $0x1  }
0x4c0: {  	[tilespmem:s5+$0xFFFFFF90] =	vst v0  }
0x4c1: {  	v0 =	vld [tilespmem:s6+$0xFFFFFF30]  }
0x4c2: {  	v38 =	vld [tilespmem:$0x14420];
	_ =	sdelay $0x4  }
0x4c3: {  	v0 =	vadd.f32 v38, v0;
	_ =	sdelay $0x1  }
0x4c4: {  	[tilespmem:s5+$0xFFFFFFA0] =	vst v0  }
0x4c5: {  	v0 =	vld [tilespmem:s6+$0xFFFFFF40]  }
0x4c6: {  	v39 =	vld [tilespmem:$0x14430];
	_ =	sdelay $0x4  }
0x4c7: {  	v0 =	vadd.f32 v39, v0;
	_ =	sdelay $0x1  }
0x4c8: {  	[tilespmem:s5+$0xFFFFFFB0] =	vst v0  }
0x4c9: {  	v0 =	vld [tilespmem:s6+$0xFFFFFF50]  }
0x4ca: {  	v40 =	vld [tilespmem:$0x14440];
	_ =	sdelay $0x4  }
0x4cb: {  	v0 =	vadd.f32 v40, v0;
	_ =	sdelay $0x1  }
0x4cc: {  	[tilespmem:s5+$0xFFFFFFC0] =	vst v0  }
0x4cd: {  	v0 =	vld [tilespmem:s6+$0xFFFFFF60]  }
0x4ce: {  	v41 =	vld [tilespmem:$0x14450];
	_ =	sdelay $0x4  }
0x4cf: {  	v0 =	vadd.f32 v41, v0;
	_ =	sdelay $0x1  }
0x4d0: {  	[tilespmem:s5+$0xFFFFFFD0] =	vst v0  }
0x4d1: {  	v0 =	vld [tilespmem:s6+$0xFFFFFF70]  }
0x4d2: {  	v42 =	vld [tilespmem:$0x14460];
	_ =	sdelay $0x4  }
0x4d3: {  	v0 =	vadd.f32 v42, v0;
	_ =	sdelay $0x1  }
0x4d4: {  	[tilespmem:s5+$0xFFFFFFE0] =	vst v0  }
0x4d5: {  	v0 =	vld [tilespmem:s6+$0xFFFFFF80]  }
0x4d6: {  	v43 =	vld [tilespmem:$0x14470];
	_ =	sdelay $0x4  }
0x4d7: {  	v0 =	vadd.f32 v43, v0;
	_ =	sdelay $0x1  }
0x4d8: {  	[tilespmem:s5+$0xFFFFFFF0] =	vst v0  }
0x4d9: {  	v0 =	vld [tilespmem:s6+$0xFFFFFF90]  }
0x4da: {  	v44 =	vld [tilespmem:$0x14480];
	_ =	sdelay $0x4  }
0x4db: {  	v0 =	vadd.f32 v44, v0;
	_ =	sdelay $0x1  }
0x4dc: {  	[tilespmem:s5+$0x0] =	vst v0  }
0x4dd: {  	v0 =	vld [tilespmem:s6+$0xFFFFFFA0]  }
0x4de: {  	v45 =	vld [tilespmem:$0x14490];
	_ =	sdelay $0x4  }
0x4df: {  	v0 =	vadd.f32 v45, v0;
	_ =	sdelay $0x1  }
0x4e0: {  	[tilespmem:s5+$0x10] =	vst v0  }
0x4e1: {  	v0 =	vld [tilespmem:s6+$0xFFFFFFB0]  }
0x4e2: {  	v46 =	vld [tilespmem:$0x144A0];
	_ =	sdelay $0x4  }
0x4e3: {  	v0 =	vadd.f32 v46, v0;
	_ =	sdelay $0x1  }
0x4e4: {  	[tilespmem:s5+$0x20] =	vst v0  }
0x4e5: {  	v0 =	vld [tilespmem:s6+$0xFFFFFFC0]  }
0x4e6: {  	v47 =	vld [tilespmem:$0x144B0];
	_ =	sdelay $0x4  }
0x4e7: {  	v0 =	vadd.f32 v47, v0;
	_ =	sdelay $0x1  }
0x4e8: {  	[tilespmem:s5+$0x30] =	vst v0  }
0x4e9: {  	v0 =	vld [tilespmem:s6+$0xFFFFFFD0]  }
0x4ea: {  	v48 =	vld [tilespmem:$0x144C0];
	_ =	sdelay $0x4  }
0x4eb: {  	v0 =	vadd.f32 v48, v0;
	_ =	sdelay $0x1  }
0x4ec: {  	[tilespmem:s5+$0x40] =	vst v0  }
0x4ed: {  	v0 =	vld [tilespmem:s6+$0xFFFFFFE0]  }
0x4ee: {  	v49 =	vld [tilespmem:$0x144D0];
	_ =	sdelay $0x4  }
0x4ef: {  	v0 =	vadd.f32 v49, v0;
	_ =	sdelay $0x1  }
0x4f0: {  	[tilespmem:s5+$0x50] =	vst v0  }
0x4f1: {  	v0 =	vld [tilespmem:s6+$0xFFFFFFF0]  }
0x4f2: {  	v50 =	vld [tilespmem:$0x144E0];
	_ =	sdelay $0x4  }
0x4f3: {  	v0 =	vadd.f32 v50, v0;
	_ =	sdelay $0x1  }
0x4f4: {  	[tilespmem:s5+$0x60] =	vst v0  }
0x4f5: {  	v0 =	vld [tilespmem:s6+$0x0]  }
0x4f6: {  	v51 =	vld [tilespmem:$0x144F0];
	_ =	sdelay $0x4  }
0x4f7: {  	v0 =	vadd.f32 v51, v0;
	_ =	sdelay $0x1  }
0x4f8: {  	[tilespmem:s5+$0x70] =	vst v0  }
0x4f9: {  	v0 =	vld [tilespmem:s6+$0x10]  }
0x4fa: {  	v52 =	vld [tilespmem:$0x14500];
	_ =	sdelay $0x4  }
0x4fb: {  	v0 =	vadd.f32 v52, v0;
	_ =	sdelay $0x1  }
0x4fc: {  	[tilespmem:s5+$0x80] =	vst v0  }
0x4fd: {  	v0 =	vld [tilespmem:s6+$0x20]  }
0x4fe: {  	v53 =	vld [tilespmem:$0x14510];
	_ =	sdelay $0x4  }
0x4ff: {  	v0 =	vadd.f32 v53, v0;
	_ =	sdelay $0x1  }
0x500: {  	[tilespmem:s5+$0x90] =	vst v0  }
0x501: {  	v0 =	vld [tilespmem:s6+$0x30]  }
0x502: {  	v54 =	vld [tilespmem:$0x14520];
	_ =	sdelay $0x4  }
0x503: {  	v0 =	vadd.f32 v54, v0;
	_ =	sdelay $0x1  }
0x504: {  	[tilespmem:s5+$0xA0] =	vst v0  }
0x505: {  	v0 =	vld [tilespmem:s6+$0x40]  }
0x506: {  	v55 =	vld [tilespmem:$0x14530];
	_ =	sdelay $0x4  }
0x507: {  	v0 =	vadd.f32 v55, v0;
	_ =	sdelay $0x1  }
0x508: {  	[tilespmem:s5+$0xB0] =	vst v0  }
0x509: {  	v0 =	vld [tilespmem:s6+$0x50]  }
0x50a: {  	v56 =	vld [tilespmem:$0x14540];
	_ =	sdelay $0x4  }
0x50b: {  	v0 =	vadd.f32 v56, v0;
	_ =	sdelay $0x1  }
0x50c: {  	[tilespmem:s5+$0xC0] =	vst v0  }
0x50d: {  	v0 =	vld [tilespmem:s6+$0x60]  }
0x50e: {  	v57 =	vld [tilespmem:$0x14550];
	_ =	sdelay $0x4  }
0x50f: {  	v0 =	vadd.f32 v57, v0;
	_ =	sdelay $0x1  }
0x510: {  	[tilespmem:s5+$0xD0] =	vst v0  }
0x511: {  	v0 =	vld [tilespmem:s6+$0x70]  }
0x512: {  	v58 =	vld [tilespmem:$0x14560];
	_ =	sdelay $0x4  }
0x513: {  	v0 =	vadd.f32 v58, v0;
	_ =	sdelay $0x1  }
0x514: {  	[tilespmem:s5+$0xE0] =	vst v0  }
0x515: {  	v0 =	vld [tilespmem:s6+$0x80]  }
0x516: {  	v59 =	vld [tilespmem:$0x14570];
	_ =	sdelay $0x4  }
0x517: {  	v0 =	vadd.f32 v59, v0;
	_ =	sdelay $0x1  }
0x518: {  	[tilespmem:s5+$0xF0] =	vst v0  }
0x519: {  	v0 =	vld [tilespmem:s6+$0x90]  }
0x51a: {  	v60 =	vld [tilespmem:$0x14580];
	_ =	sdelay $0x4  }
0x51b: {  	v0 =	vadd.f32 v60, v0;
	_ =	sdelay $0x1  }
0x51c: {  	[tilespmem:s5+$0x100] =	vst v0  }
0x51d: {  	v0 =	vld [tilespmem:s6+$0xA0]  }
0x51e: {  	v61 =	vld [tilespmem:$0x14590];
	_ =	sdelay $0x4  }
0x51f: {  	v0 =	vadd.f32 v61, v0;
	_ =	sdelay $0x1  }
0x520: {  	[tilespmem:s5+$0x110] =	vst v0  }
0x521: {  	v0 =	vld [tilespmem:s6+$0xB0]  }
0x522: {  	v62 =	vld [tilespmem:$0x145A0];
	_ =	sdelay $0x4  }
0x523: {  	v0 =	vadd.f32 v62, v0;
	_ =	sdelay $0x1  }
0x524: {  	[tilespmem:s5+$0x120] =	vst v0  }
0x525: {  	v0 =	vld [tilespmem:s6+$0xC0]  }
0x526: {  	v63 =	vld [tilespmem:$0x145B0];
	_ =	sdelay $0x1  }
0x527: {  	p0 =	sne.s32 s7, $0xFC0  }
.Ltmp1:
0x528: {  	_ = 	snop;
	(pc) =	sbr.rel @p0 .LBB2_5-.Ltmp1, $3  }
0x529: {  	_ = 	snop  }
0x52a: {  	v0 =	vadd.f32 v63, v0;
	_ =	sdelay $0x1  }
0x52b: {  	s7 =	sadd.s32 $0x40, s7;
	s6 =	sadd.s32 $0x1A0, s6;
	[tilespmem:s5+$0x130] =	vst v0;
	s5 =	sadd.s32 $0x270, s5  }
0x52c: {  	s5 =	sadd.s32 s11, s17  }
0x52d: {  	s17 =	sadd.s32 $0x1, s17;
	s5 =	smul.u32 $0x1380, s5  }
0x52e: {  	p0 =	sne.s32 s17, $0x8  }
.Ltmp2:
0x52f: {  	s5 =	sadd.s32 s2, s5;
	(pc) =	sbr.rel @p0 .LBB2_4-.Ltmp2, $4  }
0x530: {  	[hbm4b:s5+s3] =	stream.linear.scatter [tilespmem:s15], [sflag:$0x2], $0x9C00, $0x38;
	[tilespmem:$0x14830] =	vst v63  }
0x531: {  	_ =	swait.ge [sflag:s14], $0x9C00  }
0x532: {  	[sflag:s14] =	ssyncset.done $0x0  }
0x533: {  	[sflag:s14] =	ssyncadd.s32 $0xFFFF6400  }
0x534: {  	s16 =	sadd.s32 $0x1, s16  }
0x535: {  	p0 =	sne.s32 s16, s12  }
.Ltmp3:
0x536: {  	_ = 	snop;
	(pc) =	sbr.rel @p0 .LBB2_1-.Ltmp3, $1  }
0x537: {  	_ =	sdelay $0x3  }
0x538: {  	_ =	sfence.sel $0x180000  }
0x539: {  	[bflag:$0x0] =	sbarrier.arrive $0xFFFF  }
0x53a: {  	_ =	strace $0x90000047  }
0x53b: {  	s0 =	stileid.u32;
	[bflag:$0x2] =	sbarrier.arrive $0xFFFF  }
0x53c: {  	p0 =	sne.s32 s0, $0x0;
	s0 =	rddreg [dreg:$0x2]  }
0x53d: {  	s0 =	sadd.s32 @!p0 $0x100000, s0  }
0x53e: {  	[sflag:s0] =	ssyncadd.tile.s32 @!p0 $0x1;
	_ =	shalt  }
.Lfunc_end2:
_tile_overlayer_lowered:
.L_overlay_start_2:
0x53f: {  	(tag) =	ssettag $0x2  }
0x540: {  	s0 =	rddreg [dreg:$0x0];
	s2 =	stileid.u32  }
0x541: {  	s1 =	rddreg [dreg:$0x1];
	p0 =	sne.s32 s2, $0x0  }
0x542: {  	s3 =	rddreg [dreg:$0x2];
	[bflag:$0x3] =	sbarrier.arrive $0xFFFF;
	s2 =	simm.s32 @!p0 $0x1C02  }
0x543: {  	[timem:s3], [sflag:s2] =	dma.local @!p0 [hbm:s0], s1  }
0x544: {  	s0 =	simm.s32 @!p0 $0x2  }
0x545: {  	_ =	swait.ge @!p0 [sflag:s0], s1  }
0x546: {  	s1 =	ssub.s32 @!p0 $0x0, s1;
	[sflag:s0] =	ssyncset.done @!p0 $0x0  }
0x547: {  	[sflag:s0] =	ssyncadd.s32 @!p0 s1  }
0x548: {  	[bflag:$0x3] =	sbarrier.arrive $0xFFFF  }
0x549: {  	_ =	shalt  }

// kernel: sparse-core-data-format-call.cloned.1.call-start
scs
called_computation_lowered:
.L_overlay_start_0:
0x0: {  	s2 =	sld [smem:$0x3FD9]  }
0x1: {  	s3 =	sld [smem:$0x3FFE];
	_ =	sdelay $0x1  }
0x2: {  	s1 =	srdreg.scid  }
0x3: {  	s0 =	sand.u32 $0x1, s1  }
0x4: {  	s18 =	sshll.u32 s0, $0xA;
	s2 =	sadd.s32 s3, s2  }
0x5: {  	s2 =	sadd.s32 s2, s18  }
0x6: {  	[smem:$0x3FC3] =	sst s2  }
0x7: {  	_ = 	snop  }
0x8: {  	s2 =	sld [smem:$0x3FD0];
	(tm) =	ssettm $0x1  }
0x9: {  	s19 =	sld [smem:$0x3FFB];
	_ =	sdelay $0x3  }
0xa: {  	_ =	strace s19  }
0xb: {  	s3 =	sld [smem:$0x3FFC];
	_ =	sdelay $0x3  }
0xc: {  	_ =	strace s3  }
0xd: {  	s3 =	sld [smem:$0x3FFD];
	_ =	sdelay $0x3  }
0xe: {  	_ =	strace s3  }
0xf: {  	_ =	strace $0x8FFFFFFF  }
0x10: {  	s20 =	sld [smem:$0x3FDB];
	_ =	sdelay $0x1  }
0x11: {  	s4 =	simm.s32 $_scs_section_size  }
0x12: {  	s5 =	simm.s32 $_size__tile_overlayer_lowered;
	s6 =	simm.s32 $_tile_overlayer_lowered  }
0x13: {  	s23 =	simm.s32 $0x1BFF;
	s22 =	sshll.u32 s6, $0x1;
	s3 =	sadd.s32 s4, s20  }
0x14: {  	s7 =	simm.s32 $0x0;
	s21 =	sshll.u32 s5, $0x1;
	s5 =	sadd.s32 s22, s3  }
0x15: {  	[timem:s7], [sflag:s23] =	dma.local [hbm:s5], s21  }
0x16: {  	_ =	swait.ge [sflag:s23], s21  }
0x17: {  	s4 =	ssub.s32 $0x0, s21;
	[sflag:s23] =	ssyncset.done $0x0  }
0x18: {  	[sflag:s23] =	ssyncadd.s32 s4;
	_ =	sdelay $0x1  }
0x19: {  	s24 =	simm.s32 $0x1B8B  }
0x1a: {  	_ =	swait.ge [sflag:s24], $0x1  }
0x1b: {  	[sflag:s24] =	ssyncset.done $0x0  }
0x1c: {  	s26 =	simm.s32 $0x1B8E;
	s25 =	sld [smem:$0x3FFE];
	[sflag:s24] =	ssyncadd.s32 $0xFFFFFFFF  }
0x1d: {  	s27 =	simm.s32 $execute0_lowered;
	[smem:$0x3FD2] =	sst s26  }
0x1e: {  	s5 =	sshll.u32 s27, $0x1;
	_ =	strace $0x80000049;
	[dreg:$0x1] =	wrdreg $0xFFFFFFFF  }
0x1f: {  	s28 =	simm.s32 $_size_execute0_lowered;
	s3 =	sadd.s32 s3, s5;
	[dreg:$0x0] =	wrdreg $0x0  }
0x20: {  	s5 =	sshll.u32 s28, $0x1;
	[dreg:$0x2] =	wrdreg s3  }
0x21: {  	[dreg:$0x3] =	wrdreg s5  }
0x22: {  	[dreg:$0x4] =	wrdreg $0xC0  }
0x23: {  	_ =	task [dreg:s7], $0x5FFFF  }
0x24: {  	[dreg:$0x1] =	wrdreg $0xFFFFFFFF  }
0x25: {  	[dreg:$0x0] =	wrdreg $0x60  }
0x26: {  	[dreg:$0x2] =	wrdreg s25  }
0x27: {  	[dreg:$0x3] =	wrdreg s2  }
0x28: {  	[dreg:$0x4] =	wrdreg $0x9  }
0x29: {  	_ =	task.clear_ibuf [dreg:s7], $0x5FFFF;
	_ =	strace $0x90000049  }
0x2a: {  	s29 =	simm.s32 $0x9;
	_ =	strace $0x8000004B  }
0x2b: {  	_ =	swait.ge [sflag:s29], $0x1  }
0x2c: {  	[sflag:s29] =	ssyncadd.s32 $0xFFFFFFFF  }
0x2d: {  	_ =	strace $0x9000004B  }
0x2e: {  	_ =	sfence  }
0x2f: {  	s30 =	sld [smem:$0x0];
	_ =	sdelay $0x2  }
0x30: {  	s31 =	sshll.u32 s1, $0xD;
	s1 =	sshrl.u32 s1, $0x2  }
0x31: {  	s3 =	sand.u32 $0x4000, s31;
	s1 =	sadd.s32 s1, s30  }
0x32: {  	s0 =	sor.u32 s3, s0;
	s1 =	sshll.u32 s1, $0x11  }
0x33: {  	s0 =	sor.u32 s1, s0  }
0x34: {  	s0 =	sadd.s32 $0x8F2B, s0  }
0x35: {  	[sflag:s0] =	ssyncadd.remote.s32 $0x1  }
0x36: {  	_ =	sfence.sel $0xFFFF  }
0x37: {  	[dreg:$0x0] =	wrdreg $0xFFFFFFFF;
	(pc) =	sbr.abs _section_cstart, $3  }
0x38: {  	[dreg:$0x1] =	wrdreg $0xFFFFFFFF  }
0x39: {  	_ =	task.clear_ibuf [dreg:s7], $0x2FFFF;
	_ =	strace $0x9FFFFFFF  }
0x3a: {  	(tm) =	ssettm $0x7FFFFFFF  }
0x3b: {  	_ =	shalt  }
tec
execute0_lowered:
.L_overlay_start_1:
0x0: {  	(tag) =	ssettag $0x1  }
0x1: {  	s0 =	srdreg.scid  }
0x2: {  	s1 =	sshll.u32 s0, $0x4  }
0x3: {  	s0 =	stileid.u32;
	s1 =	sand.u32 $0x10, s1  }
0x4: {  	s1 =	sor.u32 s0, s1  }
0x5: {  	s6 =	rddreg [dreg:$0x0];
	s4 =	simm.s32 $0x1;
	s2 =	sshll.u32 s1, $0x7  }
0x6: {  	s7 =	simm.s32 $0x2;
	s12 =	simm.s32 $0x0;
	s1 =	ssub.s32 $0x4000, s2  }
0x7: {  	s8 =	simm.s32 $0x20000;
	s13 =	simm.s32 $0x0;
	s3 =	sand.u32 $0xF80, s1  }
0x8: {  	s9 =	simm.s32 $0x0;
	s5 =	sshrl.u32 s1, $0xC;
	p0 =	sne.s32 s3, $0x0  }
.Ltmp0:
0x9: {  	s1 =	rddreg [dreg:$0x2];
	s4 =	simm.s32 @!p0 $0x0;
	(pc) =	sbr.rel .LBB1_1-.Ltmp0, $4  }
0xa: {  	s11 =	simm.s32 $0x0;
	s3 =	rddreg [dreg:$0x1];
	s5 =	sadd.s32 s4, s5  }
0xb: {  	_ =	strace $0x8000004A;
	s4 =	simm.s32 $0x1;
	s5 =	smul.u32 $0x27, s5  }
0xc: {  	s6 =	sadd.s32 $0x1400, s6;
	s10 =	smov.u32 s2;
	[sflag:s4] =	ssyncpa.u1 $0x0  }
0xd: {  	p0 =	por $0x0, $0x0;
	[sflag:s7] =	ssyncpa.u1 $0x0;
	s7 =	sadd.s32 $0x1, s5  }
.LBB1_4:
0xe: {  	s16 =	sshll.u32 s13, $0x3;
	s17 =	sand.u32 $0x78, s13  }
0xf: {  	s30 =	sand.u32 $0x7800, s13;
	s12 =	sshll.u32 s12, $0xF;
	s16 =	sand.u32 $0x3C00, s16  }
0x10: {  	s31 =	sand.u32 $0x7, s13;
	s16 =	sor.u32 s17, s16;
	s17 =	sadd.s32 s3, s30  }
0x11: {  	s13 =	sshll.u32 s31, $0x12;
	s16 =	sshrl.u32 s16, $0x3;
	s12 =	sadd.s32 s12, s17  }
0x12: {  	[tilespmem:s15+$0x0 ss:$0x81] =	vst.msk $0xffff, v1;
	s13 =	sor.u32 $0x400, s13;
	s12 =	sadd.s32 s16, s12  }
0x13: {  	[hbm4b:s12+s13] =	stream.strided.scatter [tilespmem:s14], [sflag:$0x2], $0x800, s8, s13, $0x20;
	[tilespmem:$0x2020] =	vst v63  }
.LBB1_5:
0x14: {  	s14 =	sadd.s32 $0x1, s9  }
0x15: {  	s12 =	sadd.s32 $0x1000, s10;
	s16 =	smov.u32 s10;
	p2 =	sgt.s32 s14, $0x26  }
0x16: {  	s16 =	smov.u32 @p2 s12  }
0x17: {  	s14 =	simm.s32 @p2 $0x0;
	p2 =	sgt.s32 s16, $0x3FFF  }
0x18: {  	s16 =	smov.u32 @p2 s2;
	p2 =	sne.s32 s11, s7  }
.Ltmp1:
0x19: {  	p1 =	slt.u32 s11, $0x2;
	(pc) =	sbr.rel @!p2 .LBB1_6-.Ltmp1, $4  }
0x1a: {  	s15 =	simm.s32 @!p1 $0x2  }
0x1b: {  	s13 =	smov.u32 s10;
	p0 =	por !p0, !p0;
	_ =	swait.ge @!p1 [sflag:s15], $0x800  }
0x1c: {  	s12 =	smov.u32 s9;
	[sflag:s15] =	ssyncset.done @!p1 $0x0;
	s9 =	smov.u32 s14  }
0x1d: {  	s11 =	sadd.s32 $0x1, s11;
	[sflag:s15] =	ssyncadd.s32 @!p1 $0xFFFFF800;
	s10 =	smov.u32 s16  }
.LBB1_1:
0x1e: {  	p1 =	sge.u32 s11, s5  }
0x1f: {  	s14 =	sand.u32 @!p1 $0x1FFFFFF, s9  }
0x20: {  	s15 =	smulhi.u32 @!p1 $0x6666667, s14;
	_ =	sdelay $0x1  }
0x21: {  	s15 =	smul.u32 @!p1 $0x28, s15  }
0x22: {  	s16 =	sxor.u32 @!p1 $0xFFFFFFFF, s11;
	s17 =	smul.u32 @!p1 $0x280, s10  }
0x23: {  	s31 =	sadd.s32 $0xFFFFFFFF, s11;
	s16 =	sshll.u32 @!p1 s16, $0xB;
	s14 =	ssub.s32 @!p1 s14, s15  }
0x24: {  	s15 =	sand.u32 @!p1 $0x800, s16;
	s16 =	sadd.s32 @!p1 s6, s17;
	s14 =	sshll.u32 @!p1 s14, $0x4  }
0x25: {  	s17 =	simm.s32 @!p1 $0x1400;
	s14 =	sadd.s32 @!p1 s14, s16;
	s16 =	simm.s32 @!p1 $0x10  }
0x26: {  	[tilespmem:s15], [sflag:$0x1] =	stream.strided.gather @!p1 [hbm4b:s14+s16], $0x800, s17, s16, $0x38;
	[tilespmem:$0x2020] =	vst v63  }
0x27: {  	p1 =	sge.u32 s31, s5  }
.Ltmp2:
0x28: {  	_ = 	snop;
	(pc) =	sbr.rel @p1 .LBB1_5-.Ltmp2, $1  }
0x29: {  	_ =	sdelay $0x3  }
0x2a: {  	s14 =	simm.s32 $0x1  }
0x2b: {  	s14 =	simm.s32 @!p0 $0x0  }
0x2c: {  	s15 =	sshll.u32 s14, $0xB  }
0x2d: {  	v0 =	vmov s15;
	_ =	sdelay $0x1  }
0x2e: {  	_ =	swait.ge [sflag:s4], $0x800  }
0x2f: {  	s31 =	sand.u32 $0x1, s11;
	[sflag:s4] =	ssyncset.done $0x0  }
0x30: {  	s17 =	simm.s32 $0x0;
	s14 =	smul.u32 $0x2040, s14;
	[sflag:s4] =	ssyncadd.s32 $0xFFFFF800  }
0x31: {  	s15 =	smul.u32 $0x2040, s31;
	v1 =	vld.idx.msk [tilespmem:v0+s17+$0x0 ss:$0x1], $0xffff;
	_ =	sdelay $0x1  }
0x32: {  	s14 =	sshrl.u32 s14, $0x2;
	s16 =	sshrl.u32 s15, $0x2  }
0x33: {  	s15 =	sor.u32 $0x1000, s14;
	s14 =	sor.u32 $0x1000, s16;
	s16 =	simm.s32 $0x40  }
.LBB1_3:
0x34: {  	s17 =	sshra.s32 s16, $0x2;
	p1 =	sne.s32 s16, $0x1FC0;
	s16 =	sadd.s32 $0x40, s16  }
.Ltmp3:
0x35: {  	[tilespmem:s15+$0x0 ss:$0x81] =	vst.msk $0xffff, v1;
	v1 =	vld.idx.msk [tilespmem:v0+s17+$0x0 ss:$0x1], $0xffff;
	(pc) =	sbr.rel @p1 .LBB1_3-.Ltmp3, $2  }
0x36: {  	_ =	sdelay $0x2  }
0x37: {  	s15 =	sadd.s32 $0x1, s15  }
.Ltmp4:
0x38: {  	_ = 	snop;
	(pc) =	sbr.rel .LBB1_4-.Ltmp4, $1  }
0x39: {  	_ =	sdelay $0x3  }
.LBB1_6:
0x3a: {  	_ =	sfence.sel $0x180000  }
0x3b: {  	s2 =	simm.s32 $0x1;
	[bflag:$0x0] =	sbarrier.arrive $0xFFFF  }
0x3c: {  	s31 =	simm.s32 $0x2;
	[sflag:s2] =	ssyncpa.u1 $0x1  }
0x3d: {  	[sflag:s31] =	ssyncpa.u1 $0x1  }
0x3e: {  	p0 =	sne.s32 s0, $0x0;
	_ =	strace $0x9000004A  }
0x3f: {  	s0 =	sadd.s32 @!p0 $0x100000, s1;
	[bflag:$0x2] =	sbarrier.arrive $0xFFFF  }
0x40: {  	[sflag:s0] =	ssyncadd.tile.s32 @!p0 $0x1;
	_ =	shalt  }
.Lfunc_end1:
_tile_overlayer_lowered:
.L_overlay_start_2:
0x41: {  	(tag) =	ssettag $0x2  }
0x42: {  	s0 =	rddreg [dreg:$0x0];
	s2 =	stileid.u32  }
0x43: {  	s1 =	rddreg [dreg:$0x1];
	p0 =	sne.s32 s2, $0x0  }
0x44: {  	s3 =	rddreg [dreg:$0x2];
	[bflag:$0x3] =	sbarrier.arrive $0xFFFF;
	s2 =	simm.s32 @!p0 $0x1C01  }
0x45: {  	[timem:s3], [sflag:s2] =	dma.local @!p0 [hbm:s0], s1  }
0x46: {  	s0 =	simm.s32 @!p0 $0x1  }
0x47: {  	_ =	swait.ge @!p0 [sflag:s0], s1  }
0x48: {  	s1 =	ssub.s32 @!p0 $0x0, s1;
	[sflag:s0] =	ssyncset.done @!p0 $0x0  }
0x49: {  	[sflag:s0] =	ssyncadd.s32 @!p0 s1  }
0x4a: {  	[bflag:$0x3] =	sbarrier.arrive $0xFFFF  }
0x4b: {  	_ =	shalt  }

</sc_bundles>
